<compile_context>
chip_gen: v7x
topology: tpu7x:2x2x1
jax: 0.10.2.dev20260603
libtpu: 0.0.44.dev20260713+nightly
codegen_flags: <defaults>
</compile_context>

<pallas_src>
import functools

import numpy as np
import jax
import jax.numpy as jnp
from jax import lax
from jax.experimental import pallas as pl
from jax.experimental.pallas import tpu as pltpu
from jax.experimental.pallas import tpu_sc as plsc

_N_FFT = 1024
_HOP = 256
_SR = 44100
_SIG_LEN = 2097252
_NB_F = 513
_N_FRAMES = 8193
_KF = 520
_B = 256
_F_PAD = 8448
_ROWS_PAD = 8320
_CHUNK = 130
_NCHUNKS = 64
_BAND = _CHUNK * _KF
_PIECES = 10
_NC, _NS = 2, 16
_NW = _NC * _NS
_WIN_D = float(_N_FFT) / _SR
_DUR = _SIG_LEN / _SR
_T_HI = _N_FRAMES * _HOP / _SR
_WT = _T_HI / _N_FRAMES
_WF = 0.5 / _NB_F
_EPS = float(np.finfo(np.float32).eps)


def _k1_body(srr, sir, trr, tir, wc, gidx_out, w_out):
    sr = srr[...]
    si = sir[...]
    tr = trr[...]
    tim = tir[...]

    w = jnp.sqrt(sr * sr + si * si) / np.float32(_NB_F)

    two_pi = np.float32(2.0 * np.pi)
    pr = sr * tr + si * tim
    pi_ = si * tr - sr * tim
    f = (jnp.arctan2(pi_, pr) / two_pi) % np.float32(1.0)

    zcol = jnp.zeros((sr.shape[0], 1), jnp.float32)
    fr = jnp.concatenate([zcol, sr[:, : _KF - 1]], axis=1)
    fi2 = jnp.concatenate([zcol, si[:, : _KF - 1]], axis=1)
    qr = sr * fr + si * fi2
    qi = si * fr - sr * fi2
    td = np.float32(0.5) - ((jnp.arctan2(qi, qr) / two_pi) % np.float32(1.0))

    t = wc[...] + td * np.float32(_WIN_D)

    inb = ((f >= np.float32(0.0)) & (f <= np.float32(0.5))
           & (t >= np.float32(0.0)) & (t <= np.float32(_T_HI)))
    w_eff = jnp.where(inb, w, np.float32(0.0))
    row = (pl.program_id(0) * _B
           + lax.broadcasted_iota(jnp.int32, (_B, _KF), 0))
    w_eff = jnp.where(row < _N_FRAMES, w_eff, np.float32(0.0))

    fi_b = jnp.clip(jnp.floor(f / np.float32(_WF)).astype(jnp.int32),
                    0, _NB_F - 1)
    ti_b = jnp.clip(jnp.floor(t / np.float32(_WT)).astype(jnp.int32),
                    0, _N_FRAMES - 1)
    gidx = ti_b * np.int32(_KF) + fi_b
    gidx_out[...] = jnp.where(row < _N_FRAMES, gidx, np.int32(-1))
    w_out[...] = w_eff


def _k1(srr, sir, trr, tir, wc):
    bspec = pl.BlockSpec((_B, _KF), lambda g: (g, 0))
    return pl.pallas_call(
        _k1_body,
        grid=(_F_PAD // _B,),
        in_specs=[bspec] * 4 + [pl.BlockSpec((_B, 1), lambda g: (g, 0))],
        out_specs=[bspec, bspec],
        out_shape=[jax.ShapeDtypeStruct((_F_PAD, _KF), jnp.int32),
                   jax.ShapeDtypeStruct((_F_PAD, _KF), jnp.float32)],
    )(srr, sir, trr, tir, wc)


_STRIPE_F = 128
_NSTRIPES = _F_PAD // _STRIPE_F
_STRIPE_W = _STRIPE_F * _KF
_PIECE_W = 16 * _KF


def _sc_hist(gidx_flat, w_flat):
    mesh = plsc.VectorSubcoreMesh(core_axis_name="c", subcore_axis_name="s")

    @functools.partial(
        pl.kernel, mesh=mesh,
        compiler_params=pltpu.CompilerParams(needs_layout_passes=False),
        out_type=jax.ShapeDtypeStruct((_ROWS_PAD * _KF,), jnp.float32),
        scratch_types=[
            pltpu.VMEM((_BAND,), jnp.float32),
            pltpu.VMEM((_PIECE_W,), jnp.int32),
            pltpu.VMEM((_PIECE_W,), jnp.float32),
        ],
    )
    def k(gidx_hbm, w_hbm, out_hbm, band, gbuf, wbuf):
        wid = lax.axis_index("s") * _NC + lax.axis_index("c")
        for kk in range(2):
            cid = wid + _NW * kk
            c0w = cid * _BAND

            def zbody(i, carry):
                band[pl.ds(i * 16, 16)] = jnp.zeros((16,), jnp.float32)
                return carry

            lax.fori_loop(0, _BAND // 16, zbody, 0)

            s_lo = jnp.maximum(cid * _CHUNK - 8, 0) // _STRIPE_F
            for st in range(3):
                for p in range(8):
                    start = (s_lo + st) * _STRIPE_W + p * _PIECE_W
                    pltpu.sync_copy(gidx_hbm.at[pl.ds(start, _PIECE_W)],
                                    gbuf)
                    pltpu.sync_copy(w_hbm.at[pl.ds(start, _PIECE_W)], wbuf)

                    def sbody(i, carry):
                        base = i * 16
                        kvec = gbuf[pl.ds(base, 16)] - c0w
                        wvec = wbuf[pl.ds(base, 16)]
                        maskv = (kvec >= 0) & (kvec < _BAND)
                        kc = jnp.clip(kvec, 0, _BAND - 1)
                        plsc.addupdate_scatter(band, [kc], wvec, mask=maskv)
                        return carry

                    lax.fori_loop(0, _PIECE_W // 16, sbody, 0)

            pltpu.sync_copy(band, out_hbm.at[pl.ds(c0w, _BAND)])

    return k(gidx_flat, w_flat)


def _k3_body(h_ref, o_ref):
    x = h_ref[...]
    o_ref[...] = np.float32(20.0) * jnp.log10(
        jnp.maximum(np.float32(1e-06), x))


def _k3(hist2d):
    return pl.pallas_call(
        _k3_body,
        grid=(_ROWS_PAD // 128,),
        in_specs=[pl.BlockSpec((128, _KF), lambda g: (g, 0))],
        out_specs=pl.BlockSpec((128, _KF), lambda g: (g, 0)),
        out_shape=jax.ShapeDtypeStruct((_ROWS_PAD, _KF), jnp.float32),
    )(hist2d)


def _stft_fr(x, window):
    pad = _N_FFT // 2
    xp = jnp.pad(x, (pad, pad), mode="reflect")
    n_frames = 1 + (xp.shape[0] - _N_FFT) // _HOP
    idx = (jnp.arange(n_frames)[:, None] * _HOP
           + jnp.arange(_N_FFT)[None, :])
    frames = xp[idx] * window[None, :]
    return jnp.fft.rfft(frames, axis=1)


def _pad2(x):
    return jnp.pad(x, ((0, _F_PAD - _N_FRAMES), (0, _KF - _NB_F)))


def kernel(signal, window):
    spec = _stft_fr(signal, window)
    ts = jnp.roll(signal, 1).at[0].set(0.0)
    spec_ts = _stft_fr(ts, window)

    sr = _pad2(jnp.real(spec))
    si = _pad2(jnp.imag(spec))
    tr = _pad2(jnp.real(spec_ts))
    tim = _pad2(jnp.imag(spec_ts))

    wst = jnp.arange(0.0, _DUR, _HOP / _SR)
    wc = wst + _WIN_D / 2 + _EPS
    wc = jnp.pad(wc, (0, _F_PAD - _N_FRAMES)).reshape(_F_PAD, 1)

    gidx, w = _k1(sr, si, tr, tim, wc)

    def stripe_perm(x):
        y = x.reshape(_NSTRIPES, 16, 8, _KF).transpose(0, 2, 1, 3)
        return y.reshape(_NSTRIPES, _STRIPE_F, _KF).transpose(0, 2, 1)

    gidx_p = stripe_perm(gidx).reshape(-1)
    w_p = stripe_perm(w).reshape(-1)
    hist_flat = _sc_hist(gidx_p, w_p)
    out_p = _k3(hist_flat.reshape(_ROWS_PAD, _KF))
    return out_p[:_N_FRAMES, :_NB_F].T

# --- scband reference (transcript-rebuilt; emitter-appended) ---
"""Pipeline reference for scband-reassigned-spectrogram-8040178778301 (READ-ONLY COPY).

The authoritative reference and input builder live on the scoring server;
editing this copy changes nothing except your own understanding.
"""

import jax, jax.numpy as jnp
import numpy as np

N_FFT = 1024
WIN_LENGTH = 1024
HOP = 256
SR = 44100
POWER = 1
SIG_LEN = 2097252


def hann_window():
    n = jnp.arange(N_FFT, dtype=jnp.float32)
    return (0.5 - 0.5 * jnp.cos(2.0 * jnp.pi * n / N_FFT)).astype(jnp.float32)


def stft(x, window):
    # torchaudio.transforms.Spectrogram defaults: center=True, pad_mode='reflect',
    # onesided=True, normalized=False, power=None (complex output)
    pad = N_FFT // 2
    xp = jnp.pad(x, (pad, pad), mode='reflect')
    n_frames = 1 + (xp.shape[0] - N_FFT) // HOP
    idx = jnp.arange(n_frames)[:, None] * HOP + jnp.arange(N_FFT)[None, :]
    frames = xp[idx] * window[None, :]
    return jnp.fft.rfft(frames, axis=1).T  # [freq_bins, n_frames]


def arg(values):
    return (jnp.angle(values) / (2.0 * np.pi)) % 1.0


def setup_inputs(seed: int = 0) -> dict:
    key = jax.random.key(seed)
    signal = jax.random.normal(key, (SIG_LEN,), dtype=jnp.float32)
    return {"signal": signal, "window": hann_window()}


def reference(signal, window):
    spec = stft(signal, window)
    spec_mag = jnp.abs(spec) / spec.shape[0]

    # instantaneous frequencies
    ts = jnp.roll(signal, 1).at[0].set(0.0)
    spec_ts = stft(ts, window)
    inst_freqs = arg(spec * jnp.conj(spec_ts))

    # instantaneous time delays
    fs = jnp.roll(spec, 1, axis=0).at[0, :].set(0.0)
    time_delays = 0.5 - arg(spec * jnp.conj(fs))

    win_duration = WIN_LENGTH / SR
    input_bin_count = inst_freqs.shape[0]
    duration = signal.shape[0] / SR
    win_start_times = jnp.arange(0.0, duration, HOP / SR)
    eps = float(np.finfo(np.float32).eps)
    win_center_times = jnp.tile(win_start_times + win_duration / 2 + eps, (input_bin_count, 1))
    reassigned_times = win_center_times + time_delays * win_duration
    reassigned_freqs = inst_freqs

    output_frame_count = int(np.ceil(duration * SR / HOP))
    t_hi = output_frame_count * HOP / SR
    nb_f, nb_t = spec_mag.shape
    lo_f, hi_f = 0.0, 0.5  # onesided

    f = reassigned_freqs.ravel()
    t = reassigned_times.ravel()
    w = spec_mag.ravel()

    wf = (hi_f - lo_f) / nb_f
    wt = (t_hi - 0.0) / nb_t
    inb = (f >= lo_f) & (f <= hi_f) & (t >= 0.0) & (t <= t_hi)
    fi = jnp.clip(jnp.floor((f - lo_f) / wf).astype(jnp.int32), 0, nb_f - 1)
    ti = jnp.clip(jnp.floor(t / wt).astype(jnp.int32), 0, nb_t - 1)
    flat = fi * nb_t + ti
    hist = jnp.zeros(nb_f * nb_t, dtype=spec_mag.dtype).at[flat].add(
        jnp.where(inb, w, jnp.zeros_like(w))).reshape(nb_f, nb_t)

    reassigned_spectrogram = hist ** POWER
    return 20.0 * jnp.log10(jnp.maximum(jnp.float32(1e-06), reassigned_spectrogram))

if __name__ == "__main__":
    import jax
    _d = setup_inputs()
    print(jax.jit(kernel)(*tuple(_d.values())))

</pallas_src>

<mosaic_0001>
#map = affine_map<(d0, d1) -> (0)>
module attributes {stable_mosaic.version = 14 : i64} {
  func.func @k(%arg0: i32, %arg1: i32, %arg2: memref<4392960xi32, #tpu.memory_space<hbm>>, %arg3: memref<4392960xf32, #tpu.memory_space<hbm>>, %arg4: memref<4326400xf32, #tpu.memory_space<hbm>>, %arg5: memref<67600xf32, #tpu.memory_space<vmem>>, %arg6: memref<8320xi32, #tpu.memory_space<vmem>>, %arg7: memref<8320xf32, #tpu.memory_space<vmem>>) attributes {dimension_semantics = [#tpu.dimension_semantics<core_parallel>, #tpu.dimension_semantics<subcore_parallel>], iteration_bounds = array<i64: 2, 16>, scalar_prefetch = 0 : i64, scratch_operands = 3 : i64, tpu.core_type = #tpu.core_type<sc_vector_subcore>, window_params = [{transform_indices = #map}, {transform_indices = #map}, {transform_indices = #map}]} {
    %mul3A = arith.constant 2 : i32
    %mul3A_0 = arith.muli %arg1, %mul3A : i32
    %add3A = arith.addi %mul3A_0, %arg0 : i32
    %add3A_1 = arith.constant 0 : i32
    %add3A_2 = arith.addi %add3A, %add3A_1 : i32
    %mul3A_3 = arith.constant 67600 : i32
    %mul3A_4 = arith.muli %add3A_2, %mul3A_3 : i32
    %scan3A = arith.constant 0 : i32
    %scan3A_5 = arith.constant 0 : i32
    %scan3A_6 = arith.constant 4225 : i32
    %scan3A_7 = arith.addi %scan3A_5, %scan3A_6 : i32
    %scan3A_8 = arith.constant 1 : i32
    scf.for %scan3A_647 = %scan3A_5 to %scan3A_7 step %scan3A_8  : i32 {
      %broadcast_in_dim3A = arith.constant 0.000000e+00 : f32
      %broadcast_in_dim3A_648 = vector.broadcast %broadcast_in_dim3A : f32 to vector<16xf32>
      %mul3A_649 = arith.constant 16 : i32
      %mul3A_650 = arith.muli %scan3A_647, %mul3A_649 : i32
      %swap3A = arith.index_cast %mul3A_650 : i32 to index
      %swap3A_651 = tpu.vector_load %arg5[%swap3A] {strides = array<i32>} : memref<67600xf32, #tpu.memory_space<vmem>>, vector<16xf32>,
      tpu.vector_store %arg5[%swap3A], %broadcast_in_dim3A_648 {strides = array<i32>} : memref<67600xf32, #tpu.memory_space<vmem>>, vector<16xf32>,
    }
    %scan3A_9 = arith.constant 4225 : i32
    %mul3A_10 = arith.constant 130 : i32
    %mul3A_11 = arith.muli %add3A_2, %mul3A_10 : i32
    %sub3A = arith.constant 8 : i32
    %sub3A_12 = arith.subi %mul3A_11, %sub3A : i32
    %max3A = arith.constant 0 : i32
    %max3A_13 = arith.maxsi %sub3A_12, %max3A : i32
    %jit3A = arith.constant 128 : i32
    %div3A = arith.divsi %max3A_13, %jit3A : i32
    %sign3A = arith.constant 0 : i32
    %sign3A_14 = arith.cmpi sgt, %max3A_13, %sign3A : i32
    %sign3A_15 = arith.extui %sign3A_14 : i1 to i32
    %sign3A_16 = arith.constant 0 : i32
    %sign3A_17 = arith.cmpi slt, %max3A_13, %sign3A_16 : i32
    %sign3A_18 = arith.extui %sign3A_17 : i1 to i32
    %sign3A_19 = arith.subi %sign3A_15, %sign3A_18 : i32
    %sign3A_20 = arith.constant 0 : i32
    %sign3A_21 = arith.cmpi sgt, %jit3A, %sign3A_20 : i32
    %sign3A_22 = arith.extui %sign3A_21 : i1 to i32
    %sign3A_23 = arith.constant 0 : i32
    %sign3A_24 = arith.cmpi slt, %jit3A, %sign3A_23 : i32
    %sign3A_25 = arith.extui %sign3A_24 : i1 to i32
    %sign3A_26 = arith.subi %sign3A_22, %sign3A_25 : i32
    %ne3A = arith.cmpi ne, %sign3A_19, %sign3A_26 : i32
    %rem3A = arith.remsi %max3A_13, %jit3A : i32
    %ne3A_27 = arith.constant 0 : i32
    %ne3A_28 = arith.cmpi ne, %rem3A, %ne3A_27 : i32
    %and3A = arith.andi %ne3A, %ne3A_28 : i1
    %sub3A_29 = arith.constant 1 : i32
    %sub3A_30 = arith.subi %div3A, %sub3A_29 : i32
    %select_n3A = arith.select %and3A, %sub3A_30, %div3A : i32
    %add3A_31 = arith.constant 0 : i32
    %add3A_32 = arith.addi %select_n3A, %add3A_31 : i32
    %mul3A_33 = arith.constant 66560 : i32
    %mul3A_34 = arith.muli %add3A_32, %mul3A_33 : i32
    %add3A_35 = arith.constant 0 : i32
    %add3A_36 = arith.addi %mul3A_34, %add3A_35 : i32
    "tpu.region"() ({
      %run_scoped3A = tpu.sem_alloc : memref<!tpu.dma_semaphore, #tpu.memory_space<semaphore_mem>>
      %dma_start3A = tpu.memref_slice %arg2[%add3A_36] : memref<4392960xi32, #tpu.memory_space<hbm>> -> memref<8320xi32, #tpu.memory_space<hbm>>
      %dma_start3A_647 = tpu.memref_slice %arg2[%add3A_36] : memref<4392960xi32, #tpu.memory_space<hbm>> -> memref<8320xi32, #tpu.memory_space<hbm>>
      tpu.enqueue_dma source(%dma_start3A_647 : memref<8320xi32, #tpu.memory_space<hbm>>) target(%arg6 : memref<8320xi32, #tpu.memory_space<vmem>>) target_semaphore(%run_scoped3A : memref<!tpu.dma_semaphore, #tpu.memory_space<semaphore_mem>>)
      %dma_wait3A = tpu.memref_slice %arg2[%add3A_36] : memref<4392960xi32, #tpu.memory_space<hbm>> -> memref<8320xi32, #tpu.memory_space<hbm>>
      %dma_wait3A_648 = tpu.memref_slice %arg2[%add3A_36] : memref<4392960xi32, #tpu.memory_space<hbm>> -> memref<8320xi32, #tpu.memory_space<hbm>>
      tpu.wait_dma2 semaphore(%run_scoped3A : memref<!tpu.dma_semaphore, #tpu.memory_space<semaphore_mem>>) src(%dma_wait3A_648 : memref<8320xi32, #tpu.memory_space<hbm>>) dst(%arg6 : memref<8320xi32, #tpu.memory_space<vmem>>)
      tpu.yield
    }) : () -> ()
    "tpu.region"() ({
      %run_scoped3A = tpu.sem_alloc : memref<!tpu.dma_semaphore, #tpu.memory_space<semaphore_mem>>
      %dma_start3A = tpu.memref_slice %arg3[%add3A_36] : memref<4392960xf32, #tpu.memory_space<hbm>> -> memref<8320xf32, #tpu.memory_space<hbm>>
      %dma_start3A_647 = tpu.memref_slice %arg3[%add3A_36] : memref<4392960xf32, #tpu.memory_space<hbm>> -> memref<8320xf32, #tpu.memory_space<hbm>>
      tpu.enqueue_dma source(%dma_start3A_647 : memref<8320xf32, #tpu.memory_space<hbm>>) target(%arg7 : memref<8320xf32, #tpu.memory_space<vmem>>) target_semaphore(%run_scoped3A : memref<!tpu.dma_semaphore, #tpu.memory_space<semaphore_mem>>)
      %dma_wait3A = tpu.memref_slice %arg3[%add3A_36] : memref<4392960xf32, #tpu.memory_space<hbm>> -> memref<8320xf32, #tpu.memory_space<hbm>>
      %dma_wait3A_648 = tpu.memref_slice %arg3[%add3A_36] : memref<4392960xf32, #tpu.memory_space<hbm>> -> memref<8320xf32, #tpu.memory_space<hbm>>
      tpu.wait_dma2 semaphore(%run_scoped3A : memref<!tpu.dma_semaphore, #tpu.memory_space<semaphore_mem>>) src(%dma_wait3A_648 : memref<8320xf32, #tpu.memory_space<hbm>>) dst(%arg7 : memref<8320xf32, #tpu.memory_space<vmem>>)
      tpu.yield
    }) : () -> ()
    %scan3A_37 = arith.constant 0 : i32
    %scan3A_38 = arith.constant 0 : i32
    %scan3A_39 = arith.constant 520 : i32
    %scan3A_40 = arith.addi %scan3A_38, %scan3A_39 : i32
    %scan3A_41 = arith.constant 1 : i32
    scf.for %scan3A_647 = %scan3A_38 to %scan3A_40 step %scan3A_41  : i32 {
      %mul3A_648 = arith.constant 16 : i32
      %mul3A_649 = arith.muli %scan3A_647, %mul3A_648 : i32
      %get3A = arith.index_cast %mul3A_649 : i32 to index
      %get3A_650 = tpu.vector_load %arg6[%get3A] {strides = array<i32>} : memref<8320xi32, #tpu.memory_space<vmem>>, vector<16xi32>,
      %sub3A_651 = vector.broadcast %mul3A_4 : i32 to vector<16xi32>
      %sub3A_652 = arith.subi %get3A_650, %sub3A_651 : vector<16xi32>
      %get3A_653 = arith.index_cast %mul3A_649 : i32 to index
      %get3A_654 = tpu.vector_load %arg7[%get3A_653] {strides = array<i32>} : memref<8320xf32, #tpu.memory_space<vmem>>, vector<16xf32>,
      %ge3A = arith.constant 0 : i32
      %ge3A_655 = vector.broadcast %ge3A : i32 to vector<16xi32>
      %ge3A_656 = arith.cmpi sge, %sub3A_652, %ge3A_655 : vector<16xi32>
      %lt3A = arith.constant 67600 : i32
      %lt3A_657 = vector.broadcast %lt3A : i32 to vector<16xi32>
      %lt3A_658 = arith.cmpi slt, %sub3A_652, %lt3A_657 : vector<16xi32>
      %and3A_659 = arith.andi %ge3A_656, %lt3A_658 : vector<16xi1>
      %jit3A_660 = arith.constant 0 : i32
      %jit3A_661 = arith.constant 67599 : i32
      %max3A_662 = vector.broadcast %jit3A_660 : i32 to vector<16xi32>
      %max3A_663 = arith.maxsi %max3A_662, %sub3A_652 : vector<16xi32>
      %min3A = vector.broadcast %jit3A_661 : i32 to vector<16xi32>
      %min3A_664 = arith.minsi %min3A, %max3A_663 : vector<16xi32>
      tpu.vector_store_idx %arg5[%min3A_664], %get3A_654 masked %and3A_659 {add = true} : memref<67600xf32, #tpu.memory_space<vmem>>[vector<16xi32>], vector<16xf32>, vector<16xi1>
    }
    %scan3A_42 = arith.constant 520 : i32
    %add3A_43 = arith.constant 0 : i32
    %add3A_44 = arith.addi %select_n3A, %add3A_43 : i32
    %mul3A_45 = arith.constant 66560 : i32
    %mul3A_46 = arith.muli %add3A_44, %mul3A_45 : i32
    %add3A_47 = arith.constant 8320 : i32
    %add3A_48 = arith.addi %mul3A_46, %add3A_47 : i32
    "tpu.region"() ({
      %run_scoped3A = tpu.sem_alloc : memref<!tpu.dma_semaphore, #tpu.memory_space<semaphore_mem>>
      %dma_start3A = tpu.memref_slice %arg2[%add3A_48] : memref<4392960xi32, #tpu.memory_space<hbm>> -> memref<8320xi32, #tpu.memory_space<hbm>>
      %dma_start3A_647 = tpu.memref_slice %arg2[%add3A_48] : memref<4392960xi32, #tpu.memory_space<hbm>> -> memref<8320xi32, #tpu.memory_space<hbm>>
      tpu.enqueue_dma source(%dma_start3A_647 : memref<8320xi32, #tpu.memory_space<hbm>>) target(%arg6 : memref<8320xi32, #tpu.memory_space<vmem>>) target_semaphore(%run_scoped3A : memref<!tpu.dma_semaphore, #tpu.memory_space<semaphore_mem>>)
      %dma_wait3A = tpu.memref_slice %arg2[%add3A_48] : memref<4392960xi32, #tpu.memory_space<hbm>> -> memref<8320xi32, #tpu.memory_space<hbm>>
      %dma_wait3A_648 = tpu.memref_slice %arg2[%add3A_48] : memref<4392960xi32, #tpu.memory_space<hbm>> -> memref<8320xi32, #tpu.memory_space<hbm>>
      tpu.wait_dma2 semaphore(%run_scoped3A : memref<!tpu.dma_semaphore, #tpu.memory_space<semaphore_mem>>) src(%dma_wait3A_648 : memref<8320xi32, #tpu.memory_space<hbm>>) dst(%arg6 : memref<8320xi32, #tpu.memory_space<vmem>>)
      tpu.yield
    }) : () -> ()
    "tpu.region"() ({
      %run_scoped3A = tpu.sem_alloc : memref<!tpu.dma_semaphore, #tpu.memory_space<semaphore_mem>>
      %dma_start3A = tpu.memref_slice %arg3[%add3A_48] : memref<4392960xf32, #tpu.memory_space<hbm>> -> memref<8320xf32, #tpu.memory_space<hbm>>
      %dma_start3A_647 = tpu.memref_slice %arg3[%add3A_48] : memref<4392960xf32, #tpu.memory_space<hbm>> -> memref<8320xf32, #tpu.memory_space<hbm>>
      tpu.enqueue_dma source(%dma_start3A_647 : memref<8320xf32, #tpu.memory_space<hbm>>) target(%arg7 : memref<8320xf32, #tpu.memory_space<vmem>>) target_semaphore(%run_scoped3A : memref<!tpu.dma_semaphore, #tpu.memory_space<semaphore_mem>>)
      %dma_wait3A = tpu.memref_slice %arg3[%add3A_48] : memref<4392960xf32, #tpu.memory_space<hbm>> -> memref<8320xf32, #tpu.memory_space<hbm>>
      %dma_wait3A_648 = tpu.memref_slice %arg3[%add3A_48] : memref<4392960xf32, #tpu.memory_space<hbm>> -> memref<8320xf32, #tpu.memory_space<hbm>>
      tpu.wait_dma2 semaphore(%run_scoped3A : memref<!tpu.dma_semaphore, #tpu.memory_space<semaphore_mem>>) src(%dma_wait3A_648 : memref<8320xf32, #tpu.memory_space<hbm>>) dst(%arg7 : memref<8320xf32, #tpu.memory_space<vmem>>)
      tpu.yield
    }) : () -> ()
    %scan3A_49 = arith.constant 0 : i32
    %scan3A_50 = arith.constant 0 : i32
    %scan3A_51 = arith.constant 520 : i32
    %scan3A_52 = arith.addi %scan3A_50, %scan3A_51 : i32
    %scan3A_53 = arith.constant 1 : i32
    scf.for %scan3A_647 = %scan3A_50 to %scan3A_52 step %scan3A_53  : i32 {
      %mul3A_648 = arith.constant 16 : i32
      %mul3A_649 = arith.muli %scan3A_647, %mul3A_648 : i32
      %get3A = arith.index_cast %mul3A_649 : i32 to index
      %get3A_650 = tpu.vector_load %arg6[%get3A] {strides = array<i32>} : memref<8320xi32, #tpu.memory_space<vmem>>, vector<16xi32>,
      %sub3A_651 = vector.broadcast %mul3A_4 : i32 to vector<16xi32>
      %sub3A_652 = arith.subi %get3A_650, %sub3A_651 : vector<16xi32>
      %get3A_653 = arith.index_cast %mul3A_649 : i32 to index
      %get3A_654 = tpu.vector_load %arg7[%get3A_653] {strides = array<i32>} : memref<8320xf32, #tpu.memory_space<vmem>>, vector<16xf32>,
      %ge3A = arith.constant 0 : i32
      %ge3A_655 = vector.broadcast %ge3A : i32 to vector<16xi32>
      %ge3A_656 = arith.cmpi sge, %sub3A_652, %ge3A_655 : vector<16xi32>
      %lt3A = arith.constant 67600 : i32
      %lt3A_657 = vector.broadcast %lt3A : i32 to vector<16xi32>
      %lt3A_658 = arith.cmpi slt, %sub3A_652, %lt3A_657 : vector<16xi32>
      %and3A_659 = arith.andi %ge3A_656, %lt3A_658 : vector<16xi1>
      %jit3A_660 = arith.constant 0 : i32
      %jit3A_661 = arith.constant 67599 : i32
      %max3A_662 = vector.broadcast %jit3A_660 : i32 to vector<16xi32>
      %max3A_663 = arith.maxsi %max3A_662, %sub3A_652 : vector<16xi32>
      %min3A = vector.broadcast %jit3A_661 : i32 to vector<16xi32>
      %min3A_664 = arith.minsi %min3A, %max3A_663 : vector<16xi32>
      tpu.vector_store_idx %arg5[%min3A_664], %get3A_654 masked %and3A_659 {add = true} : memref<67600xf32, #tpu.memory_space<vmem>>[vector<16xi32>], vector<16xf32>, vector<16xi1>
    }
    %scan3A_54 = arith.constant 520 : i32
    %add3A_55 = arith.constant 0 : i32
    %add3A_56 = arith.addi %select_n3A, %add3A_55 : i32
    %mul3A_57 = arith.constant 66560 : i32
    %mul3A_58 = arith.muli %add3A_56, %mul3A_57 : i32
    %add3A_59 = arith.constant 16640 : i32
    %add3A_60 = arith.addi %mul3A_58, %add3A_59 : i32
    "tpu.region"() ({
      %run_scoped3A = tpu.sem_alloc : memref<!tpu.dma_semaphore, #tpu.memory_space<semaphore_mem>>
      %dma_start3A = tpu.memref_slice %arg2[%add3A_60] : memref<4392960xi32, #tpu.memory_space<hbm>> -> memref<8320xi32, #tpu.memory_space<hbm>>
      %dma_start3A_647 = tpu.memref_slice %arg2[%add3A_60] : memref<4392960xi32, #tpu.memory_space<hbm>> -> memref<8320xi32, #tpu.memory_space<hbm>>
      tpu.enqueue_dma source(%dma_start3A_647 : memref<8320xi32, #tpu.memory_space<hbm>>) target(%arg6 : memref<8320xi32, #tpu.memory_space<vmem>>) target_semaphore(%run_scoped3A : memref<!tpu.dma_semaphore, #tpu.memory_space<semaphore_mem>>)
      %dma_wait3A = tpu.memref_slice %arg2[%add3A_60] : memref<4392960xi32, #tpu.memory_space<hbm>> -> memref<8320xi32, #tpu.memory_space<hbm>>
      %dma_wait3A_648 = tpu.memref_slice %arg2[%add3A_60] : memref<4392960xi32, #tpu.memory_space<hbm>> -> memref<8320xi32, #tpu.memory_space<hbm>>
      tpu.wait_dma2 semaphore(%run_scoped3A : memref<!tpu.dma_semaphore, #tpu.memory_space<semaphore_mem>>) src(%dma_wait3A_648 : memref<8320xi32, #tpu.memory_space<hbm>>) dst(%arg6 : memref<8320xi32, #tpu.memory_space<vmem>>)
      tpu.yield
    }) : () -> ()
    "tpu.region"() ({
      %run_scoped3A = tpu.sem_alloc : memref<!tpu.dma_semaphore, #tpu.memory_space<semaphore_mem>>
      %dma_start3A = tpu.memref_slice %arg3[%add3A_60] : memref<4392960xf32, #tpu.memory_space<hbm>> -> memref<8320xf32, #tpu.memory_space<hbm>>
      %dma_start3A_647 = tpu.memref_slice %arg3[%add3A_60] : memref<4392960xf32, #tpu.memory_space<hbm>> -> memref<8320xf32, #tpu.memory_space<hbm>>
      tpu.enqueue_dma source(%dma_start3A_647 : memref<8320xf32, #tpu.memory_space<hbm>>) target(%arg7 : memref<8320xf32, #tpu.memory_space<vmem>>) target_semaphore(%run_scoped3A : memref<!tpu.dma_semaphore, #tpu.memory_space<semaphore_mem>>)
      %dma_wait3A = tpu.memref_slice %arg3[%add3A_60] : memref<4392960xf32, #tpu.memory_space<hbm>> -> memref<8320xf32, #tpu.memory_space<hbm>>
      %dma_wait3A_648 = tpu.memref_slice %arg3[%add3A_60] : memref<4392960xf32, #tpu.memory_space<hbm>> -> memref<8320xf32, #tpu.memory_space<hbm>>
      tpu.wait_dma2 semaphore(%run_scoped3A : memref<!tpu.dma_semaphore, #tpu.memory_space<semaphore_mem>>) src(%dma_wait3A_648 : memref<8320xf32, #tpu.memory_space<hbm>>) dst(%arg7 : memref<8320xf32, #tpu.memory_space<vmem>>)
      tpu.yield
    }) : () -> ()
    %scan3A_61 = arith.constant 0 : i32
    %scan3A_62 = arith.constant 0 : i32
    %scan3A_63 = arith.constant 520 : i32
    %scan3A_64 = arith.addi %scan3A_62, %scan3A_63 : i32
    %scan3A_65 = arith.constant 1 : i32
    scf.for %scan3A_647 = %scan3A_62 to %scan3A_64 step %scan3A_65  : i32 {
      %mul3A_648 = arith.constant 16 : i32
      %mul3A_649 = arith.muli %scan3A_647, %mul3A_648 : i32
      %get3A = arith.index_cast %mul3A_649 : i32 to index
      %get3A_650 = tpu.vector_load %arg6[%get3A] {strides = array<i32>} : memref<8320xi32, #tpu.memory_space<vmem>>, vector<16xi32>,
      %sub3A_651 = vector.broadcast %mul3A_4 : i32 to vector<16xi32>
      %sub3A_652 = arith.subi %get3A_650, %sub3A_651 : vector<16xi32>
      %get3A_653 = arith.index_cast %mul3A_649 : i32 to index
      %get3A_654 = tpu.vector_load %arg7[%get3A_653] {strides = array<i32>} : memref<8320xf32, #tpu.memory_space<vmem>>, vector<16xf32>,
      %ge3A = arith.constant 0 : i32
      %ge3A_655 = vector.broadcast %ge3A : i32 to vector<16xi32>
      %ge3A_656 = arith.cmpi sge, %sub3A_652, %ge3A_655 : vector<16xi32>
      %lt3A = arith.constant 67600 : i32
      %lt3A_657 = vector.broadcast %lt3A : i32 to vector<16xi32>
      %lt3A_658 = arith.cmpi slt, %sub3A_652, %lt3A_657 : vector<16xi32>
      %and3A_659 = arith.andi %ge3A_656, %lt3A_658 : vector<16xi1>
      %jit3A_660 = arith.constant 0 : i32
      %jit3A_661 = arith.constant 67599 : i32
      %max3A_662 = vector.broadcast %jit3A_660 : i32 to vector<16xi32>
      %max3A_663 = arith.maxsi %max3A_662, %sub3A_652 : vector<16xi32>
      %min3A = vector.broadcast %jit3A_661 : i32 to vector<16xi32>
      %min3A_664 = arith.minsi %min3A, %max3A_663 : vector<16xi32>
      tpu.vector_store_idx %arg5[%min3A_664], %get3A_654 masked %and3A_659 {add = true} : memref<67600xf32, #tpu.memory_space<vmem>>[vector<16xi32>], vector<16xf32>, vector<16xi1>
    }
    %scan3A_66 = arith.constant 520 : i32
    %add3A_67 = arith.constant 0 : i32
    %add3A_68 = arith.addi %select_n3A, %add3A_67 : i32
    %mul3A_69 = arith.constant 66560 : i32
    %mul3A_70 = arith.muli %add3A_68, %mul3A_69 : i32
    %add3A_71 = arith.constant 24960 : i32
    %add3A_72 = arith.addi %mul3A_70, %add3A_71 : i32
    "tpu.region"() ({
      %run_scoped3A = tpu.sem_alloc : memref<!tpu.dma_semaphore, #tpu.memory_space<semaphore_mem>>
      %dma_start3A = tpu.memref_slice %arg2[%add3A_72] : memref<4392960xi32, #tpu.memory_space<hbm>> -> memref<8320xi32, #tpu.memory_space<hbm>>
      %dma_start3A_647 = tpu.memref_slice %arg2[%add3A_72] : memref<4392960xi32, #tpu.memory_space<hbm>> -> memref<8320xi32, #tpu.memory_space<hbm>>
      tpu.enqueue_dma source(%dma_start3A_647 : memref<8320xi32, #tpu.memory_space<hbm>>) target(%arg6 : memref<8320xi32, #tpu.memory_space<vmem>>) target_semaphore(%run_scoped3A : memref<!tpu.dma_semaphore, #tpu.memory_space<semaphore_mem>>)
      %dma_wait3A = tpu.memref_slice %arg2[%add3A_72] : memref<4392960xi32, #tpu.memory_space<hbm>> -> memref<8320xi32, #tpu.memory_space<hbm>>
      %dma_wait3A_648 = tpu.memref_slice %arg2[%add3A_72] : memref<4392960xi32, #tpu.memory_space<hbm>> -> memref<8320xi32, #tpu.memory_space<hbm>>
      tpu.wait_dma2 semaphore(%run_scoped3A : memref<!tpu.dma_semaphore, #tpu.memory_space<semaphore_mem>>) src(%dma_wait3A_648 : memref<8320xi32, #tpu.memory_space<hbm>>) dst(%arg6 : memref<8320xi32, #tpu.memory_space<vmem>>)
      tpu.yield
    }) : () -> ()
    "tpu.region"() ({
      %run_scoped3A = tpu.sem_alloc : memref<!tpu.dma_semaphore, #tpu.memory_space<semaphore_mem>>
      %dma_start3A = tpu.memref_slice %arg3[%add3A_72] : memref<4392960xf32, #tpu.memory_space<hbm>> -> memref<8320xf32, #tpu.memory_space<hbm>>
      %dma_start3A_647 = tpu.memref_slice %arg3[%add3A_72] : memref<4392960xf32, #tpu.memory_space<hbm>> -> memref<8320xf32, #tpu.memory_space<hbm>>
      tpu.enqueue_dma source(%dma_start3A_647 : memref<8320xf32, #tpu.memory_space<hbm>>) target(%arg7 : memref<8320xf32, #tpu.memory_space<vmem>>) target_semaphore(%run_scoped3A : memref<!tpu.dma_semaphore, #tpu.memory_space<semaphore_mem>>)
      %dma_wait3A = tpu.memref_slice %arg3[%add3A_72] : memref<4392960xf32, #tpu.memory_space<hbm>> -> memref<8320xf32, #tpu.memory_space<hbm>>
      %dma_wait3A_648 = tpu.memref_slice %arg3[%add3A_72] : memref<4392960xf32, #tpu.memory_space<hbm>> -> memref<8320xf32, #tpu.memory_space<hbm>>
      tpu.wait_dma2 semaphore(%run_scoped3A : memref<!tpu.dma_semaphore, #tpu.memory_space<semaphore_mem>>) src(%dma_wait3A_648 : memref<8320xf32, #tpu.memory_space<hbm>>) dst(%arg7 : memref<8320xf32, #tpu.memory_space<vmem>>)
      tpu.yield
    }) : () -> ()
    %scan3A_73 = arith.constant 0 : i32
    %scan3A_74 = arith.constant 0 : i32
    %scan3A_75 = arith.constant 520 : i32
    %scan3A_76 = arith.addi %scan3A_74, %scan3A_75 : i32
    %scan3A_77 = arith.constant 1 : i32
    scf.for %scan3A_647 = %scan3A_74 to %scan3A_76 step %scan3A_77  : i32 {
      %mul3A_648 = arith.constant 16 : i32
      %mul3A_649 = arith.muli %scan3A_647, %mul3A_648 : i32
      %get3A = arith.index_cast %mul3A_649 : i32 to index
      %get3A_650 = tpu.vector_load %arg6[%get3A] {strides = array<i32>} : memref<8320xi32, #tpu.memory_space<vmem>>, vector<16xi32>,
      %sub3A_651 = vector.broadcast %mul3A_4 : i32 to vector<16xi32>
      %sub3A_652 = arith.subi %get3A_650, %sub3A_651 : vector<16xi32>
      %get3A_653 = arith.index_cast %mul3A_649 : i32 to index
      %get3A_654 = tpu.vector_load %arg7[%get3A_653] {strides = array<i32>} : memref<8320xf32, #tpu.memory_space<vmem>>, vector<16xf32>,
      %ge3A = arith.constant 0 : i32
      %ge3A_655 = vector.broadcast %ge3A : i32 to vector<16xi32>
      %ge3A_656 = arith.cmpi sge, %sub3A_652, %ge3A_655 : vector<16xi32>
      %lt3A = arith.constant 67600 : i32
      %lt3A_657 = vector.broadcast %lt3A : i32 to vector<16xi32>
      %lt3A_658 = arith.cmpi slt, %sub3A_652, %lt3A_657 : vector<16xi32>
      %and3A_659 = arith.andi %ge3A_656, %lt3A_658 : vector<16xi1>
      %jit3A_660 = arith.constant 0 : i32
      %jit3A_661 = arith.constant 67599 : i32
      %max3A_662 = vector.broadcast %jit3A_660 : i32 to vector<16xi32>
      %max3A_663 = arith.maxsi %max3A_662, %sub3A_652 : vector<16xi32>
      %min3A = vector.broadcast %jit3A_661 : i32 to vector<16xi32>
      %min3A_664 = arith.minsi %min3A, %max3A_663 : vector<16xi32>
      tpu.vector_store_idx %arg5[%min3A_664], %get3A_654 masked %and3A_659 {add = true} : memref<67600xf32, #tpu.memory_space<vmem>>[vector<16xi32>], vector<16xf32>, vector<16xi1>
    }
    %scan3A_78 = arith.constant 520 : i32
    %add3A_79 = arith.constant 0 : i32
    %add3A_80 = arith.addi %select_n3A, %add3A_79 : i32
    %mul3A_81 = arith.constant 66560 : i32
    %mul3A_82 = arith.muli %add3A_80, %mul3A_81 : i32
    %add3A_83 = arith.constant 33280 : i32
    %add3A_84 = arith.addi %mul3A_82, %add3A_83 : i32
    "tpu.region"() ({
      %run_scoped3A = tpu.sem_alloc : memref<!tpu.dma_semaphore, #tpu.memory_space<semaphore_mem>>
      %dma_start3A = tpu.memref_slice %arg2[%add3A_84] : memref<4392960xi32, #tpu.memory_space<hbm>> -> memref<8320xi32, #tpu.memory_space<hbm>>
      %dma_start3A_647 = tpu.memref_slice %arg2[%add3A_84] : memref<4392960xi32, #tpu.memory_space<hbm>> -> memref<8320xi32, #tpu.memory_space<hbm>>
      tpu.enqueue_dma source(%dma_start3A_647 : memref<8320xi32, #tpu.memory_space<hbm>>) target(%arg6 : memref<8320xi32, #tpu.memory_space<vmem>>) target_semaphore(%run_scoped3A : memref<!tpu.dma_semaphore, #tpu.memory_space<semaphore_mem>>)
      %dma_wait3A = tpu.memref_slice %arg2[%add3A_84] : memref<4392960xi32, #tpu.memory_space<hbm>> -> memref<8320xi32, #tpu.memory_space<hbm>>
      %dma_wait3A_648 = tpu.memref_slice %arg2[%add3A_84] : memref<4392960xi32, #tpu.memory_space<hbm>> -> memref<8320xi32, #tpu.memory_space<hbm>>
      tpu.wait_dma2 semaphore(%run_scoped3A : memref<!tpu.dma_semaphore, #tpu.memory_space<semaphore_mem>>) src(%dma_wait3A_648 : memref<8320xi32, #tpu.memory_space<hbm>>) dst(%arg6 : memref<8320xi32, #tpu.memory_space<vmem>>)
      tpu.yield
    }) : () -> ()
    "tpu.region"() ({
      %run_scoped3A = tpu.sem_alloc : memref<!tpu.dma_semaphore, #tpu.memory_space<semaphore_mem>>
      %dma_start3A = tpu.memref_slice %arg3[%add3A_84] : memref<4392960xf32, #tpu.memory_space<hbm>> -> memref<8320xf32, #tpu.memory_space<hbm>>
      %dma_start3A_647 = tpu.memref_slice %arg3[%add3A_84] : memref<4392960xf32, #tpu.memory_space<hbm>> -> memref<8320xf32, #tpu.memory_space<hbm>>
      tpu.enqueue_dma source(%dma_start3A_647 : memref<8320xf32, #tpu.memory_space<hbm>>) target(%arg7 : memref<8320xf32, #tpu.memory_space<vmem>>) target_semaphore(%run_scoped3A : memref<!tpu.dma_semaphore, #tpu.memory_space<semaphore_mem>>)
      %dma_wait3A = tpu.memref_slice %arg3[%add3A_84] : memref<4392960xf32, #tpu.memory_space<hbm>> -> memref<8320xf32, #tpu.memory_space<hbm>>
      %dma_wait3A_648 = tpu.memref_slice %arg3[%add3A_84] : memref<4392960xf32, #tpu.memory_space<hbm>> -> memref<8320xf32, #tpu.memory_space<hbm>>
      tpu.wait_dma2 semaphore(%run_scoped3A : memref<!tpu.dma_semaphore, #tpu.memory_space<semaphore_mem>>) src(%dma_wait3A_648 : memref<8320xf32, #tpu.memory_space<hbm>>) dst(%arg7 : memref<8320xf32, #tpu.memory_space<vmem>>)
      tpu.yield
    }) : () -> ()
    %scan3A_85 = arith.constant 0 : i32
    %scan3A_86 = arith.constant 0 : i32
    %scan3A_87 = arith.constant 520 : i32
    %scan3A_88 = arith.addi %scan3A_86, %scan3A_87 : i32
    %scan3A_89 = arith.constant 1 : i32
    scf.for %scan3A_647 = %scan3A_86 to %scan3A_88 step %scan3A_89  : i32 {
      %mul3A_648 = arith.constant 16 : i32
      %mul3A_649 = arith.muli %scan3A_647, %mul3A_648 : i32
      %get3A = arith.index_cast %mul3A_649 : i32 to index
      %get3A_650 = tpu.vector_load %arg6[%get3A] {strides = array<i32>} : memref<8320xi32, #tpu.memory_space<vmem>>, vector<16xi32>,
      %sub3A_651 = vector.broadcast %mul3A_4 : i32 to vector<16xi32>
      %sub3A_652 = arith.subi %get3A_650, %sub3A_651 : vector<16xi32>
      %get3A_653 = arith.index_cast %mul3A_649 : i32 to index
      %get3A_654 = tpu.vector_load %arg7[%get3A_653] {strides = array<i32>} : memref<8320xf32, #tpu.memory_space<vmem>>, vector<16xf32>,
      %ge3A = arith.constant 0 : i32
      %ge3A_655 = vector.broadcast %ge3A : i32 to vector<16xi32>
      %ge3A_656 = arith.cmpi sge, %sub3A_652, %ge3A_655 : vector<16xi32>
      %lt3A = arith.constant 67600 : i32
      %lt3A_657 = vector.broadcast %lt3A : i32 to vector<16xi32>
      %lt3A_658 = arith.cmpi slt, %sub3A_652, %lt3A_657 : vector<16xi32>
      %and3A_659 = arith.andi %ge3A_656, %lt3A_658 : vector<16xi1>
      %jit3A_660 = arith.constant 0 : i32
      %jit3A_661 = arith.constant 67599 : i32
      %max3A_662 = vector.broadcast %jit3A_660 : i32 to vector<16xi32>
      %max3A_663 = arith.maxsi %max3A_662, %sub3A_652 : vector<16xi32>
      %min3A = vector.broadcast %jit3A_661 : i32 to vector<16xi32>
      %min3A_664 = arith.minsi %min3A, %max3A_663 : vector<16xi32>
      tpu.vector_store_idx %arg5[%min3A_664], %get3A_654 masked %and3A_659 {add = true} : memref<67600xf32, #tpu.memory_space<vmem>>[vector<16xi32>], vector<16xf32>, vector<16xi1>
    }
    %scan3A_90 = arith.constant 520 : i32
    %add3A_91 = arith.constant 0 : i32
    %add3A_92 = arith.addi %select_n3A, %add3A_91 : i32
    %mul3A_93 = arith.constant 66560 : i32
    %mul3A_94 = arith.muli %add3A_92, %mul3A_93 : i32
    %add3A_95 = arith.constant 41600 : i32
    %add3A_96 = arith.addi %mul3A_94, %add3A_95 : i32
    "tpu.region"() ({
      %run_scoped3A = tpu.sem_alloc : memref<!tpu.dma_semaphore, #tpu.memory_space<semaphore_mem>>
      %dma_start3A = tpu.memref_slice %arg2[%add3A_96] : memref<4392960xi32, #tpu.memory_space<hbm>> -> memref<8320xi32, #tpu.memory_space<hbm>>
      %dma_start3A_647 = tpu.memref_slice %arg2[%add3A_96] : memref<4392960xi32, #tpu.memory_space<hbm>> -> memref<8320xi32, #tpu.memory_space<hbm>>
      tpu.enqueue_dma source(%dma_start3A_647 : memref<8320xi32, #tpu.memory_space<hbm>>) target(%arg6 : memref<8320xi32, #tpu.memory_space<vmem>>) target_semaphore(%run_scoped3A : memref<!tpu.dma_semaphore, #tpu.memory_space<semaphore_mem>>)
      %dma_wait3A = tpu.memref_slice %arg2[%add3A_96] : memref<4392960xi32, #tpu.memory_space<hbm>> -> memref<8320xi32, #tpu.memory_space<hbm>>
      %dma_wait3A_648 = tpu.memref_slice %arg2[%add3A_96] : memref<4392960xi32, #tpu.memory_space<hbm>> -> memref<8320xi32, #tpu.memory_space<hbm>>
      tpu.wait_dma2 semaphore(%run_scoped3A : memref<!tpu.dma_semaphore, #tpu.memory_space<semaphore_mem>>) src(%dma_wait3A_648 : memref<8320xi32, #tpu.memory_space<hbm>>) dst(%arg6 : memref<8320xi32, #tpu.memory_space<vmem>>)
      tpu.yield
    }) : () -> ()
    "tpu.region"() ({
      %run_scoped3A = tpu.sem_alloc : memref<!tpu.dma_semaphore, #tpu.memory_space<semaphore_mem>>
      %dma_start3A = tpu.memref_slice %arg3[%add3A_96] : memref<4392960xf32, #tpu.memory_space<hbm>> -> memref<8320xf32, #tpu.memory_space<hbm>>
      %dma_start3A_647 = tpu.memref_slice %arg3[%add3A_96] : memref<4392960xf32, #tpu.memory_space<hbm>> -> memref<8320xf32, #tpu.memory_space<hbm>>
      tpu.enqueue_dma source(%dma_start3A_647 : memref<8320xf32, #tpu.memory_space<hbm>>) target(%arg7 : memref<8320xf32, #tpu.memory_space<vmem>>) target_semaphore(%run_scoped3A : memref<!tpu.dma_semaphore, #tpu.memory_space<semaphore_mem>>)
      %dma_wait3A = tpu.memref_slice %arg3[%add3A_96] : memref<4392960xf32, #tpu.memory_space<hbm>> -> memref<8320xf32, #tpu.memory_space<hbm>>
      %dma_wait3A_648 = tpu.memref_slice %arg3[%add3A_96] : memref<4392960xf32, #tpu.memory_space<hbm>> -> memref<8320xf32, #tpu.memory_space<hbm>>
      tpu.wait_dma2 semaphore(%run_scoped3A : memref<!tpu.dma_semaphore, #tpu.memory_space<semaphore_mem>>) src(%dma_wait3A_648 : memref<8320xf32, #tpu.memory_space<hbm>>) dst(%arg7 : memref<8320xf32, #tpu.memory_space<vmem>>)
      tpu.yield
    }) : () -> ()
    %scan3A_97 = arith.constant 0 : i32
    %scan3A_98 = arith.constant 0 : i32
    %scan3A_99 = arith.constant 520 : i32
    %scan3A_100 = arith.addi %scan3A_98, %scan3A_99 : i32
    %scan3A_101 = arith.constant 1 : i32
    scf.for %scan3A_647 = %scan3A_98 to %scan3A_100 step %scan3A_101  : i32 {
      %mul3A_648 = arith.constant 16 : i32
      %mul3A_649 = arith.muli %scan3A_647, %mul3A_648 : i32
      %get3A = arith.index_cast %mul3A_649 : i32 to index
      %get3A_650 = tpu.vector_load %arg6[%get3A] {strides = array<i32>} : memref<8320xi32, #tpu.memory_space<vmem>>, vector<16xi32>,
      %sub3A_651 = vector.broadcast %mul3A_4 : i32 to vector<16xi32>
      %sub3A_652 = arith.subi %get3A_650, %sub3A_651 : vector<16xi32>
      %get3A_653 = arith.index_cast %mul3A_649 : i32 to index
      %get3A_654 = tpu.vector_load %arg7[%get3A_653] {strides = array<i32>} : memref<8320xf32, #tpu.memory_space<vmem>>, vector<16xf32>,
      %ge3A = arith.constant 0 : i32
      %ge3A_655 = vector.broadcast %ge3A : i32 to vector<16xi32>
      %ge3A_656 = arith.cmpi sge, %sub3A_652, %ge3A_655 : vector<16xi32>
      %lt3A = arith.constant 67600 : i32
      %lt3A_657 = vector.broadcast %lt3A : i32 to vector<16xi32>
      %lt3A_658 = arith.cmpi slt, %sub3A_652, %lt3A_657 : vector<16xi32>
      %and3A_659 = arith.andi %ge3A_656, %lt3A_658 : vector<16xi1>
      %jit3A_660 = arith.constant 0 : i32
      %jit3A_661 = arith.constant 67599 : i32
      %max3A_662 = vector.broadcast %jit3A_660 : i32 to vector<16xi32>
      %max3A_663 = arith.maxsi %max3A_662, %sub3A_652 : vector<16xi32>
      %min3A = vector.broadcast %jit3A_661 : i32 to vector<16xi32>
      %min3A_664 = arith.minsi %min3A, %max3A_663 : vector<16xi32>
      tpu.vector_store_idx %arg5[%min3A_664], %get3A_654 masked %and3A_659 {add = true} : memref<67600xf32, #tpu.memory_space<vmem>>[vector<16xi32>], vector<16xf32>, vector<16xi1>
    }
    %scan3A_102 = arith.constant 520 : i32
    %add3A_103 = arith.constant 0 : i32
    %add3A_104 = arith.addi %select_n3A, %add3A_103 : i32
    %mul3A_105 = arith.constant 66560 : i32
    %mul3A_106 = arith.muli %add3A_104, %mul3A_105 : i32
    %add3A_107 = arith.constant 49920 : i32
    %add3A_108 = arith.addi %mul3A_106, %add3A_107 : i32
    "tpu.region"() ({
      %run_scoped3A = tpu.sem_alloc : memref<!tpu.dma_semaphore, #tpu.memory_space<semaphore_mem>>
      %dma_start3A = tpu.memref_slice %arg2[%add3A_108] : memref<4392960xi32, #tpu.memory_space<hbm>> -> memref<8320xi32, #tpu.memory_space<hbm>>
      %dma_start3A_647 = tpu.memref_slice %arg2[%add3A_108] : memref<4392960xi32, #tpu.memory_space<hbm>> -> memref<8320xi32, #tpu.memory_space<hbm>>
      tpu.enqueue_dma source(%dma_start3A_647 : memref<8320xi32, #tpu.memory_space<hbm>>) target(%arg6 : memref<8320xi32, #tpu.memory_space<vmem>>) target_semaphore(%run_scoped3A : memref<!tpu.dma_semaphore, #tpu.memory_space<semaphore_mem>>)
      %dma_wait3A = tpu.memref_slice %arg2[%add3A_108] : memref<4392960xi32, #tpu.memory_space<hbm>> -> memref<8320xi32, #tpu.memory_space<hbm>>
      %dma_wait3A_648 = tpu.memref_slice %arg2[%add3A_108] : memref<4392960xi32, #tpu.memory_space<hbm>> -> memref<8320xi32, #tpu.memory_space<hbm>>
      tpu.wait_dma2 semaphore(%run_scoped3A : memref<!tpu.dma_semaphore, #tpu.memory_space<semaphore_mem>>) src(%dma_wait3A_648 : memref<8320xi32, #tpu.memory_space<hbm>>) dst(%arg6 : memref<8320xi32, #tpu.memory_space<vmem>>)
      tpu.yield
    }) : () -> ()
    "tpu.region"() ({
      %run_scoped3A = tpu.sem_alloc : memref<!tpu.dma_semaphore, #tpu.memory_space<semaphore_mem>>
      %dma_start3A = tpu.memref_slice %arg3[%add3A_108] : memref<4392960xf32, #tpu.memory_space<hbm>> -> memref<8320xf32, #tpu.memory_space<hbm>>
      %dma_start3A_647 = tpu.memref_slice %arg3[%add3A_108] : memref<4392960xf32, #tpu.memory_space<hbm>> -> memref<8320xf32, #tpu.memory_space<hbm>>
      tpu.enqueue_dma source(%dma_start3A_647 : memref<8320xf32, #tpu.memory_space<hbm>>) target(%arg7 : memref<8320xf32, #tpu.memory_space<vmem>>) target_semaphore(%run_scoped3A : memref<!tpu.dma_semaphore, #tpu.memory_space<semaphore_mem>>)
      %dma_wait3A = tpu.memref_slice %arg3[%add3A_108] : memref<4392960xf32, #tpu.memory_space<hbm>> -> memref<8320xf32, #tpu.memory_space<hbm>>
      %dma_wait3A_648 = tpu.memref_slice %arg3[%add3A_108] : memref<4392960xf32, #tpu.memory_space<hbm>> -> memref<8320xf32, #tpu.memory_space<hbm>>
      tpu.wait_dma2 semaphore(%run_scoped3A : memref<!tpu.dma_semaphore, #tpu.memory_space<semaphore_mem>>) src(%dma_wait3A_648 : memref<8320xf32, #tpu.memory_space<hbm>>) dst(%arg7 : memref<8320xf32, #tpu.memory_space<vmem>>)
      tpu.yield
    }) : () -> ()
    %scan3A_109 = arith.constant 0 : i32
    %scan3A_110 = arith.constant 0 : i32
    %scan3A_111 = arith.constant 520 : i32
    %scan3A_112 = arith.addi %scan3A_110, %scan3A_111 : i32
    %scan3A_113 = arith.constant 1 : i32
    scf.for %scan3A_647 = %scan3A_110 to %scan3A_112 step %scan3A_113  : i32 {
      %mul3A_648 = arith.constant 16 : i32
      %mul3A_649 = arith.muli %scan3A_647, %mul3A_648 : i32
      %get3A = arith.index_cast %mul3A_649 : i32 to index
      %get3A_650 = tpu.vector_load %arg6[%get3A] {strides = array<i32>} : memref<8320xi32, #tpu.memory_space<vmem>>, vector<16xi32>,
      %sub3A_651 = vector.broadcast %mul3A_4 : i32 to vector<16xi32>
      %sub3A_652 = arith.subi %get3A_650, %sub3A_651 : vector<16xi32>
      %get3A_653 = arith.index_cast %mul3A_649 : i32 to index
      %get3A_654 = tpu.vector_load %arg7[%get3A_653] {strides = array<i32>} : memref<8320xf32, #tpu.memory_space<vmem>>, vector<16xf32>,
      %ge3A = arith.constant 0 : i32
      %ge3A_655 = vector.broadcast %ge3A : i32 to vector<16xi32>
      %ge3A_656 = arith.cmpi sge, %sub3A_652, %ge3A_655 : vector<16xi32>
      %lt3A = arith.constant 67600 : i32
      %lt3A_657 = vector.broadcast %lt3A : i32 to vector<16xi32>
      %lt3A_658 = arith.cmpi slt, %sub3A_652, %lt3A_657 : vector<16xi32>
      %and3A_659 = arith.andi %ge3A_656, %lt3A_658 : vector<16xi1>
      %jit3A_660 = arith.constant 0 : i32
      %jit3A_661 = arith.constant 67599 : i32
      %max3A_662 = vector.broadcast %jit3A_660 : i32 to vector<16xi32>
      %max3A_663 = arith.maxsi %max3A_662, %sub3A_652 : vector<16xi32>
      %min3A = vector.broadcast %jit3A_661 : i32 to vector<16xi32>
      %min3A_664 = arith.minsi %min3A, %max3A_663 : vector<16xi32>
      tpu.vector_store_idx %arg5[%min3A_664], %get3A_654 masked %and3A_659 {add = true} : memref<67600xf32, #tpu.memory_space<vmem>>[vector<16xi32>], vector<16xf32>, vector<16xi1>
    }
    %scan3A_114 = arith.constant 520 : i32
    %add3A_115 = arith.constant 0 : i32
    %add3A_116 = arith.addi %select_n3A, %add3A_115 : i32
    %mul3A_117 = arith.constant 66560 : i32
    %mul3A_118 = arith.muli %add3A_116, %mul3A_117 : i32
    %add3A_119 = arith.constant 58240 : i32
    %add3A_120 = arith.addi %mul3A_118, %add3A_119 : i32
    "tpu.region"() ({
      %run_scoped3A = tpu.sem_alloc : memref<!tpu.dma_semaphore, #tpu.memory_space<semaphore_mem>>
      %dma_start3A = tpu.memref_slice %arg2[%add3A_120] : memref<4392960xi32, #tpu.memory_space<hbm>> -> memref<8320xi32, #tpu.memory_space<hbm>>
      %dma_start3A_647 = tpu.memref_slice %arg2[%add3A_120] : memref<4392960xi32, #tpu.memory_space<hbm>> -> memref<8320xi32, #tpu.memory_space<hbm>>
      tpu.enqueue_dma source(%dma_start3A_647 : memref<8320xi32, #tpu.memory_space<hbm>>) target(%arg6 : memref<8320xi32, #tpu.memory_space<vmem>>) target_semaphore(%run_scoped3A : memref<!tpu.dma_semaphore, #tpu.memory_space<semaphore_mem>>)
      %dma_wait3A = tpu.memref_slice %arg2[%add3A_120] : memref<4392960xi32, #tpu.memory_space<hbm>> -> memref<8320xi32, #tpu.memory_space<hbm>>
      %dma_wait3A_648 = tpu.memref_slice %arg2[%add3A_120] : memref<4392960xi32, #tpu.memory_space<hbm>> -> memref<8320xi32, #tpu.memory_space<hbm>>
      tpu.wait_dma2 semaphore(%run_scoped3A : memref<!tpu.dma_semaphore, #tpu.memory_space<semaphore_mem>>) src(%dma_wait3A_648 : memref<8320xi32, #tpu.memory_space<hbm>>) dst(%arg6 : memref<8320xi32, #tpu.memory_space<vmem>>)
      tpu.yield
    }) : () -> ()
    "tpu.region"() ({
      %run_scoped3A = tpu.sem_alloc : memref<!tpu.dma_semaphore, #tpu.memory_space<semaphore_mem>>
      %dma_start3A = tpu.memref_slice %arg3[%add3A_120] : memref<4392960xf32, #tpu.memory_space<hbm>> -> memref<8320xf32, #tpu.memory_space<hbm>>
      %dma_start3A_647 = tpu.memref_slice %arg3[%add3A_120] : memref<4392960xf32, #tpu.memory_space<hbm>> -> memref<8320xf32, #tpu.memory_space<hbm>>
      tpu.enqueue_dma source(%dma_start3A_647 : memref<8320xf32, #tpu.memory_space<hbm>>) target(%arg7 : memref<8320xf32, #tpu.memory_space<vmem>>) target_semaphore(%run_scoped3A : memref<!tpu.dma_semaphore, #tpu.memory_space<semaphore_mem>>)
      %dma_wait3A = tpu.memref_slice %arg3[%add3A_120] : memref<4392960xf32, #tpu.memory_space<hbm>> -> memref<8320xf32, #tpu.memory_space<hbm>>
      %dma_wait3A_648 = tpu.memref_slice %arg3[%add3A_120] : memref<4392960xf32, #tpu.memory_space<hbm>> -> memref<8320xf32, #tpu.memory_space<hbm>>
      tpu.wait_dma2 semaphore(%run_scoped3A : memref<!tpu.dma_semaphore, #tpu.memory_space<semaphore_mem>>) src(%dma_wait3A_648 : memref<8320xf32, #tpu.memory_space<hbm>>) dst(%arg7 : memref<8320xf32, #tpu.memory_space<vmem>>)
      tpu.yield
    }) : () -> ()
    %scan3A_121 = arith.constant 0 : i32
    %scan3A_122 = arith.constant 0 : i32
    %scan3A_123 = arith.constant 520 : i32
    %scan3A_124 = arith.addi %scan3A_122, %scan3A_123 : i32
    %scan3A_125 = arith.constant 1 : i32
    scf.for %scan3A_647 = %scan3A_122 to %scan3A_124 step %scan3A_125  : i32 {
      %mul3A_648 = arith.constant 16 : i32
      %mul3A_649 = arith.muli %scan3A_647, %mul3A_648 : i32
      %get3A = arith.index_cast %mul3A_649 : i32 to index
      %get3A_650 = tpu.vector_load %arg6[%get3A] {strides = array<i32>} : memref<8320xi32, #tpu.memory_space<vmem>>, vector<16xi32>,
      %sub3A_651 = vector.broadcast %mul3A_4 : i32 to vector<16xi32>
      %sub3A_652 = arith.subi %get3A_650, %sub3A_651 : vector<16xi32>
      %get3A_653 = arith.index_cast %mul3A_649 : i32 to index
      %get3A_654 = tpu.vector_load %arg7[%get3A_653] {strides = array<i32>} : memref<8320xf32, #tpu.memory_space<vmem>>, vector<16xf32>,
      %ge3A = arith.constant 0 : i32
      %ge3A_655 = vector.broadcast %ge3A : i32 to vector<16xi32>
      %ge3A_656 = arith.cmpi sge, %sub3A_652, %ge3A_655 : vector<16xi32>
      %lt3A = arith.constant 67600 : i32
      %lt3A_657 = vector.broadcast %lt3A : i32 to vector<16xi32>
      %lt3A_658 = arith.cmpi slt, %sub3A_652, %lt3A_657 : vector<16xi32>
      %and3A_659 = arith.andi %ge3A_656, %lt3A_658 : vector<16xi1>
      %jit3A_660 = arith.constant 0 : i32
      %jit3A_661 = arith.constant 67599 : i32
      %max3A_662 = vector.broadcast %jit3A_660 : i32 to vector<16xi32>
      %max3A_663 = arith.maxsi %max3A_662, %sub3A_652 : vector<16xi32>
      %min3A = vector.broadcast %jit3A_661 : i32 to vector<16xi32>
      %min3A_664 = arith.minsi %min3A, %max3A_663 : vector<16xi32>
      tpu.vector_store_idx %arg5[%min3A_664], %get3A_654 masked %and3A_659 {add = true} : memref<67600xf32, #tpu.memory_space<vmem>>[vector<16xi32>], vector<16xf32>, vector<16xi1>
    }
    %scan3A_126 = arith.constant 520 : i32
    %add3A_127 = arith.constant 1 : i32
    %add3A_128 = arith.addi %select_n3A, %add3A_127 : i32
    %mul3A_129 = arith.constant 66560 : i32
    %mul3A_130 = arith.muli %add3A_128, %mul3A_129 : i32
    %add3A_131 = arith.constant 0 : i32
    %add3A_132 = arith.addi %mul3A_130, %add3A_131 : i32
    "tpu.region"() ({
      %run_scoped3A = tpu.sem_alloc : memref<!tpu.dma_semaphore, #tpu.memory_space<semaphore_mem>>
      %dma_start3A = tpu.memref_slice %arg2[%add3A_132] : memref<4392960xi32, #tpu.memory_space<hbm>> -> memref<8320xi32, #tpu.memory_space<hbm>>
      %dma_start3A_647 = tpu.memref_slice %arg2[%add3A_132] : memref<4392960xi32, #tpu.memory_space<hbm>> -> memref<8320xi32, #tpu.memory_space<hbm>>
      tpu.enqueue_dma source(%dma_start3A_647 : memref<8320xi32, #tpu.memory_space<hbm>>) target(%arg6 : memref<8320xi32, #tpu.memory_space<vmem>>) target_semaphore(%run_scoped3A : memref<!tpu.dma_semaphore, #tpu.memory_space<semaphore_mem>>)
      %dma_wait3A = tpu.memref_slice %arg2[%add3A_132] : memref<4392960xi32, #tpu.memory_space<hbm>> -> memref<8320xi32, #tpu.memory_space<hbm>>
      %dma_wait3A_648 = tpu.memref_slice %arg2[%add3A_132] : memref<4392960xi32, #tpu.memory_space<hbm>> -> memref<8320xi32, #tpu.memory_space<hbm>>
      tpu.wait_dma2 semaphore(%run_scoped3A : memref<!tpu.dma_semaphore, #tpu.memory_space<semaphore_mem>>) src(%dma_wait3A_648 : memref<8320xi32, #tpu.memory_space<hbm>>) dst(%arg6 : memref<8320xi32, #tpu.memory_space<vmem>>)
      tpu.yield
    }) : () -> ()
    "tpu.region"() ({
      %run_scoped3A = tpu.sem_alloc : memref<!tpu.dma_semaphore, #tpu.memory_space<semaphore_mem>>
      %dma_start3A = tpu.memref_slice %arg3[%add3A_132] : memref<4392960xf32, #tpu.memory_space<hbm>> -> memref<8320xf32, #tpu.memory_space<hbm>>
      %dma_start3A_647 = tpu.memref_slice %arg3[%add3A_132] : memref<4392960xf32, #tpu.memory_space<hbm>> -> memref<8320xf32, #tpu.memory_space<hbm>>
      tpu.enqueue_dma source(%dma_start3A_647 : memref<8320xf32, #tpu.memory_space<hbm>>) target(%arg7 : memref<8320xf32, #tpu.memory_space<vmem>>) target_semaphore(%run_scoped3A : memref<!tpu.dma_semaphore, #tpu.memory_space<semaphore_mem>>)
      %dma_wait3A = tpu.memref_slice %arg3[%add3A_132] : memref<4392960xf32, #tpu.memory_space<hbm>> -> memref<8320xf32, #tpu.memory_space<hbm>>
      %dma_wait3A_648 = tpu.memref_slice %arg3[%add3A_132] : memref<4392960xf32, #tpu.memory_space<hbm>> -> memref<8320xf32, #tpu.memory_space<hbm>>
      tpu.wait_dma2 semaphore(%run_scoped3A : memref<!tpu.dma_semaphore, #tpu.memory_space<semaphore_mem>>) src(%dma_wait3A_648 : memref<8320xf32, #tpu.memory_space<hbm>>) dst(%arg7 : memref<8320xf32, #tpu.memory_space<vmem>>)
      tpu.yield
    }) : () -> ()
    %scan3A_133 = arith.constant 0 : i32
    %scan3A_134 = arith.constant 0 : i32
    %scan3A_135 = arith.constant 520 : i32
    %scan3A_136 = arith.addi %scan3A_134, %scan3A_135 : i32
    %scan3A_137 = arith.constant 1 : i32
    scf.for %scan3A_647 = %scan3A_134 to %scan3A_136 step %scan3A_137  : i32 {
      %mul3A_648 = arith.constant 16 : i32
      %mul3A_649 = arith.muli %scan3A_647, %mul3A_648 : i32
      %get3A = arith.index_cast %mul3A_649 : i32 to index
      %get3A_650 = tpu.vector_load %arg6[%get3A] {strides = array<i32>} : memref<8320xi32, #tpu.memory_space<vmem>>, vector<16xi32>,
      %sub3A_651 = vector.broadcast %mul3A_4 : i32 to vector<16xi32>
      %sub3A_652 = arith.subi %get3A_650, %sub3A_651 : vector<16xi32>
      %get3A_653 = arith.index_cast %mul3A_649 : i32 to index
      %get3A_654 = tpu.vector_load %arg7[%get3A_653] {strides = array<i32>} : memref<8320xf32, #tpu.memory_space<vmem>>, vector<16xf32>,
      %ge3A = arith.constant 0 : i32
      %ge3A_655 = vector.broadcast %ge3A : i32 to vector<16xi32>
      %ge3A_656 = arith.cmpi sge, %sub3A_652, %ge3A_655 : vector<16xi32>
      %lt3A = arith.constant 67600 : i32
      %lt3A_657 = vector.broadcast %lt3A : i32 to vector<16xi32>
      %lt3A_658 = arith.cmpi slt, %sub3A_652, %lt3A_657 : vector<16xi32>
      %and3A_659 = arith.andi %ge3A_656, %lt3A_658 : vector<16xi1>
      %jit3A_660 = arith.constant 0 : i32
      %jit3A_661 = arith.constant 67599 : i32
      %max3A_662 = vector.broadcast %jit3A_660 : i32 to vector<16xi32>
      %max3A_663 = arith.maxsi %max3A_662, %sub3A_652 : vector<16xi32>
      %min3A = vector.broadcast %jit3A_661 : i32 to vector<16xi32>
      %min3A_664 = arith.minsi %min3A, %max3A_663 : vector<16xi32>
      tpu.vector_store_idx %arg5[%min3A_664], %get3A_654 masked %and3A_659 {add = true} : memref<67600xf32, #tpu.memory_space<vmem>>[vector<16xi32>], vector<16xf32>, vector<16xi1>
    }
    %scan3A_138 = arith.constant 520 : i32
    %add3A_139 = arith.constant 1 : i32
    %add3A_140 = arith.addi %select_n3A, %add3A_139 : i32
    %mul3A_141 = arith.constant 66560 : i32
    %mul3A_142 = arith.muli %add3A_140, %mul3A_141 : i32
    %add3A_143 = arith.constant 8320 : i32
    %add3A_144 = arith.addi %mul3A_142, %add3A_143 : i32
    "tpu.region"() ({
      %run_scoped3A = tpu.sem_alloc : memref<!tpu.dma_semaphore, #tpu.memory_space<semaphore_mem>>
      %dma_start3A = tpu.memref_slice %arg2[%add3A_144] : memref<4392960xi32, #tpu.memory_space<hbm>> -> memref<8320xi32, #tpu.memory_space<hbm>>
      %dma_start3A_647 = tpu.memref_slice %arg2[%add3A_144] : memref<4392960xi32, #tpu.memory_space<hbm>> -> memref<8320xi32, #tpu.memory_space<hbm>>
      tpu.enqueue_dma source(%dma_start3A_647 : memref<8320xi32, #tpu.memory_space<hbm>>) target(%arg6 : memref<8320xi32, #tpu.memory_space<vmem>>) target_semaphore(%run_scoped3A : memref<!tpu.dma_semaphore, #tpu.memory_space<semaphore_mem>>)
      %dma_wait3A = tpu.memref_slice %arg2[%add3A_144] : memref<4392960xi32, #tpu.memory_space<hbm>> -> memref<8320xi32, #tpu.memory_space<hbm>>
      %dma_wait3A_648 = tpu.memref_slice %arg2[%add3A_144] : memref<4392960xi32, #tpu.memory_space<hbm>> -> memref<8320xi32, #tpu.memory_space<hbm>>
      tpu.wait_dma2 semaphore(%run_scoped3A : memref<!tpu.dma_semaphore, #tpu.memory_space<semaphore_mem>>) src(%dma_wait3A_648 : memref<8320xi32, #tpu.memory_space<hbm>>) dst(%arg6 : memref<8320xi32, #tpu.memory_space<vmem>>)
      tpu.yield
    }) : () -> ()
    "tpu.region"() ({
      %run_scoped3A = tpu.sem_alloc : memref<!tpu.dma_semaphore, #tpu.memory_space<semaphore_mem>>
      %dma_start3A = tpu.memref_slice %arg3[%add3A_144] : memref<4392960xf32, #tpu.memory_space<hbm>> -> memref<8320xf32, #tpu.memory_space<hbm>>
      %dma_start3A_647 = tpu.memref_slice %arg3[%add3A_144] : memref<4392960xf32, #tpu.memory_space<hbm>> -> memref<8320xf32, #tpu.memory_space<hbm>>
      tpu.enqueue_dma source(%dma_start3A_647 : memref<8320xf32, #tpu.memory_space<hbm>>) target(%arg7 : memref<8320xf32, #tpu.memory_space<vmem>>) target_semaphore(%run_scoped3A : memref<!tpu.dma_semaphore, #tpu.memory_space<semaphore_mem>>)
      %dma_wait3A = tpu.memref_slice %arg3[%add3A_144] : memref<4392960xf32, #tpu.memory_space<hbm>> -> memref<8320xf32, #tpu.memory_space<hbm>>
      %dma_wait3A_648 = tpu.memref_slice %arg3[%add3A_144] : memref<4392960xf32, #tpu.memory_space<hbm>> -> memref<8320xf32, #tpu.memory_space<hbm>>
      tpu.wait_dma2 semaphore(%run_scoped3A : memref<!tpu.dma_semaphore, #tpu.memory_space<semaphore_mem>>) src(%dma_wait3A_648 : memref<8320xf32, #tpu.memory_space<hbm>>) dst(%arg7 : memref<8320xf32, #tpu.memory_space<vmem>>)
      tpu.yield
    }) : () -> ()
    %scan3A_145 = arith.constant 0 : i32
    %scan3A_146 = arith.constant 0 : i32
    %scan3A_147 = arith.constant 520 : i32
    %scan3A_148 = arith.addi %scan3A_146, %scan3A_147 : i32
    %scan3A_149 = arith.constant 1 : i32
    scf.for %scan3A_647 = %scan3A_146 to %scan3A_148 step %scan3A_149  : i32 {
      %mul3A_648 = arith.constant 16 : i32
      %mul3A_649 = arith.muli %scan3A_647, %mul3A_648 : i32
      %get3A = arith.index_cast %mul3A_649 : i32 to index
      %get3A_650 = tpu.vector_load %arg6[%get3A] {strides = array<i32>} : memref<8320xi32, #tpu.memory_space<vmem>>, vector<16xi32>,
      %sub3A_651 = vector.broadcast %mul3A_4 : i32 to vector<16xi32>
      %sub3A_652 = arith.subi %get3A_650, %sub3A_651 : vector<16xi32>
      %get3A_653 = arith.index_cast %mul3A_649 : i32 to index
      %get3A_654 = tpu.vector_load %arg7[%get3A_653] {strides = array<i32>} : memref<8320xf32, #tpu.memory_space<vmem>>, vector<16xf32>,
      %ge3A = arith.constant 0 : i32
      %ge3A_655 = vector.broadcast %ge3A : i32 to vector<16xi32>
      %ge3A_656 = arith.cmpi sge, %sub3A_652, %ge3A_655 : vector<16xi32>
      %lt3A = arith.constant 67600 : i32
      %lt3A_657 = vector.broadcast %lt3A : i32 to vector<16xi32>
      %lt3A_658 = arith.cmpi slt, %sub3A_652, %lt3A_657 : vector<16xi32>
      %and3A_659 = arith.andi %ge3A_656, %lt3A_658 : vector<16xi1>
      %jit3A_660 = arith.constant 0 : i32
      %jit3A_661 = arith.constant 67599 : i32
      %max3A_662 = vector.broadcast %jit3A_660 : i32 to vector<16xi32>
      %max3A_663 = arith.maxsi %max3A_662, %sub3A_652 : vector<16xi32>
      %min3A = vector.broadcast %jit3A_661 : i32 to vector<16xi32>
      %min3A_664 = arith.minsi %min3A, %max3A_663 : vector<16xi32>
      tpu.vector_store_idx %arg5[%min3A_664], %get3A_654 masked %and3A_659 {add = true} : memref<67600xf32, #tpu.memory_space<vmem>>[vector<16xi32>], vector<16xf32>, vector<16xi1>
    }
    %scan3A_150 = arith.constant 520 : i32
    %add3A_151 = arith.constant 1 : i32
    %add3A_152 = arith.addi %select_n3A, %add3A_151 : i32
    %mul3A_153 = arith.constant 66560 : i32
    %mul3A_154 = arith.muli %add3A_152, %mul3A_153 : i32
    %add3A_155 = arith.constant 16640 : i32
    %add3A_156 = arith.addi %mul3A_154, %add3A_155 : i32
    "tpu.region"() ({
      %run_scoped3A = tpu.sem_alloc : memref<!tpu.dma_semaphore, #tpu.memory_space<semaphore_mem>>
      %dma_start3A = tpu.memref_slice %arg2[%add3A_156] : memref<4392960xi32, #tpu.memory_space<hbm>> -> memref<8320xi32, #tpu.memory_space<hbm>>
      %dma_start3A_647 = tpu.memref_slice %arg2[%add3A_156] : memref<4392960xi32, #tpu.memory_space<hbm>> -> memref<8320xi32, #tpu.memory_space<hbm>>
      tpu.enqueue_dma source(%dma_start3A_647 : memref<8320xi32, #tpu.memory_space<hbm>>) target(%arg6 : memref<8320xi32, #tpu.memory_space<vmem>>) target_semaphore(%run_scoped3A : memref<!tpu.dma_semaphore, #tpu.memory_space<semaphore_mem>>)
      %dma_wait3A = tpu.memref_slice %arg2[%add3A_156] : memref<4392960xi32, #tpu.memory_space<hbm>> -> memref<8320xi32, #tpu.memory_space<hbm>>
      %dma_wait3A_648 = tpu.memref_slice %arg2[%add3A_156] : memref<4392960xi32, #tpu.memory_space<hbm>> -> memref<8320xi32, #tpu.memory_space<hbm>>
      tpu.wait_dma2 semaphore(%run_scoped3A : memref<!tpu.dma_semaphore, #tpu.memory_space<semaphore_mem>>) src(%dma_wait3A_648 : memref<8320xi32, #tpu.memory_space<hbm>>) dst(%arg6 : memref<8320xi32, #tpu.memory_space<vmem>>)
      tpu.yield
    }) : () -> ()
    "tpu.region"() ({
      %run_scoped3A = tpu.sem_alloc : memref<!tpu.dma_semaphore, #tpu.memory_space<semaphore_mem>>
      %dma_start3A = tpu.memref_slice %arg3[%add3A_156] : memref<4392960xf32, #tpu.memory_space<hbm>> -> memref<8320xf32, #tpu.memory_space<hbm>>
      %dma_start3A_647 = tpu.memref_slice %arg3[%add3A_156] : memref<4392960xf32, #tpu.memory_space<hbm>> -> memref<8320xf32, #tpu.memory_space<hbm>>
      tpu.enqueue_dma source(%dma_start3A_647 : memref<8320xf32, #tpu.memory_space<hbm>>) target(%arg7 : memref<8320xf32, #tpu.memory_space<vmem>>) target_semaphore(%run_scoped3A : memref<!tpu.dma_semaphore, #tpu.memory_space<semaphore_mem>>)
      %dma_wait3A = tpu.memref_slice %arg3[%add3A_156] : memref<4392960xf32, #tpu.memory_space<hbm>> -> memref<8320xf32, #tpu.memory_space<hbm>>
      %dma_wait3A_648 = tpu.memref_slice %arg3[%add3A_156] : memref<4392960xf32, #tpu.memory_space<hbm>> -> memref<8320xf32, #tpu.memory_space<hbm>>
      tpu.wait_dma2 semaphore(%run_scoped3A : memref<!tpu.dma_semaphore, #tpu.memory_space<semaphore_mem>>) src(%dma_wait3A_648 : memref<8320xf32, #tpu.memory_space<hbm>>) dst(%arg7 : memref<8320xf32, #tpu.memory_space<vmem>>)
      tpu.yield
    }) : () -> ()
    %scan3A_157 = arith.constant 0 : i32
    %scan3A_158 = arith.constant 0 : i32
    %scan3A_159 = arith.constant 520 : i32
    %scan3A_160 = arith.addi %scan3A_158, %scan3A_159 : i32
    %scan3A_161 = arith.constant 1 : i32
    scf.for %scan3A_647 = %scan3A_158 to %scan3A_160 step %scan3A_161  : i32 {
      %mul3A_648 = arith.constant 16 : i32
      %mul3A_649 = arith.muli %scan3A_647, %mul3A_648 : i32
      %get3A = arith.index_cast %mul3A_649 : i32 to index
      %get3A_650 = tpu.vector_load %arg6[%get3A] {strides = array<i32>} : memref<8320xi32, #tpu.memory_space<vmem>>, vector<16xi32>,
      %sub3A_651 = vector.broadcast %mul3A_4 : i32 to vector<16xi32>
      %sub3A_652 = arith.subi %get3A_650, %sub3A_651 : vector<16xi32>
      %get3A_653 = arith.index_cast %mul3A_649 : i32 to index
      %get3A_654 = tpu.vector_load %arg7[%get3A_653] {strides = array<i32>} : memref<8320xf32, #tpu.memory_space<vmem>>, vector<16xf32>,
      %ge3A = arith.constant 0 : i32
      %ge3A_655 = vector.broadcast %ge3A : i32 to vector<16xi32>
      %ge3A_656 = arith.cmpi sge, %sub3A_652, %ge3A_655 : vector<16xi32>
      %lt3A = arith.constant 67600 : i32
      %lt3A_657 = vector.broadcast %lt3A : i32 to vector<16xi32>
      %lt3A_658 = arith.cmpi slt, %sub3A_652, %lt3A_657 : vector<16xi32>
      %and3A_659 = arith.andi %ge3A_656, %lt3A_658 : vector<16xi1>
      %jit3A_660 = arith.constant 0 : i32
      %jit3A_661 = arith.constant 67599 : i32
      %max3A_662 = vector.broadcast %jit3A_660 : i32 to vector<16xi32>
      %max3A_663 = arith.maxsi %max3A_662, %sub3A_652 : vector<16xi32>
      %min3A = vector.broadcast %jit3A_661 : i32 to vector<16xi32>
      %min3A_664 = arith.minsi %min3A, %max3A_663 : vector<16xi32>
      tpu.vector_store_idx %arg5[%min3A_664], %get3A_654 masked %and3A_659 {add = true} : memref<67600xf32, #tpu.memory_space<vmem>>[vector<16xi32>], vector<16xf32>, vector<16xi1>
    }
    %scan3A_162 = arith.constant 520 : i32
    %add3A_163 = arith.constant 1 : i32
    %add3A_164 = arith.addi %select_n3A, %add3A_163 : i32
    %mul3A_165 = arith.constant 66560 : i32
    %mul3A_166 = arith.muli %add3A_164, %mul3A_165 : i32
    %add3A_167 = arith.constant 24960 : i32
    %add3A_168 = arith.addi %mul3A_166, %add3A_167 : i32
    "tpu.region"() ({
      %run_scoped3A = tpu.sem_alloc : memref<!tpu.dma_semaphore, #tpu.memory_space<semaphore_mem>>
      %dma_start3A = tpu.memref_slice %arg2[%add3A_168] : memref<4392960xi32, #tpu.memory_space<hbm>> -> memref<8320xi32, #tpu.memory_space<hbm>>
      %dma_start3A_647 = tpu.memref_slice %arg2[%add3A_168] : memref<4392960xi32, #tpu.memory_space<hbm>> -> memref<8320xi32, #tpu.memory_space<hbm>>
      tpu.enqueue_dma source(%dma_start3A_647 : memref<8320xi32, #tpu.memory_space<hbm>>) target(%arg6 : memref<8320xi32, #tpu.memory_space<vmem>>) target_semaphore(%run_scoped3A : memref<!tpu.dma_semaphore, #tpu.memory_space<semaphore_mem>>)
      %dma_wait3A = tpu.memref_slice %arg2[%add3A_168] : memref<4392960xi32, #tpu.memory_space<hbm>> -> memref<8320xi32, #tpu.memory_space<hbm>>
      %dma_wait3A_648 = tpu.memref_slice %arg2[%add3A_168] : memref<4392960xi32, #tpu.memory_space<hbm>> -> memref<8320xi32, #tpu.memory_space<hbm>>
      tpu.wait_dma2 semaphore(%run_scoped3A : memref<!tpu.dma_semaphore, #tpu.memory_space<semaphore_mem>>) src(%dma_wait3A_648 : memref<8320xi32, #tpu.memory_space<hbm>>) dst(%arg6 : memref<8320xi32, #tpu.memory_space<vmem>>)
      tpu.yield
    }) : () -> ()
    "tpu.region"() ({
      %run_scoped3A = tpu.sem_alloc : memref<!tpu.dma_semaphore, #tpu.memory_space<semaphore_mem>>
      %dma_start3A = tpu.memref_slice %arg3[%add3A_168] : memref<4392960xf32, #tpu.memory_space<hbm>> -> memref<8320xf32, #tpu.memory_space<hbm>>
      %dma_start3A_647 = tpu.memref_slice %arg3[%add3A_168] : memref<4392960xf32, #tpu.memory_space<hbm>> -> memref<8320xf32, #tpu.memory_space<hbm>>
      tpu.enqueue_dma source(%dma_start3A_647 : memref<8320xf32, #tpu.memory_space<hbm>>) target(%arg7 : memref<8320xf32, #tpu.memory_space<vmem>>) target_semaphore(%run_scoped3A : memref<!tpu.dma_semaphore, #tpu.memory_space<semaphore_mem>>)
      %dma_wait3A = tpu.memref_slice %arg3[%add3A_168] : memref<4392960xf32, #tpu.memory_space<hbm>> -> memref<8320xf32, #tpu.memory_space<hbm>>
      %dma_wait3A_648 = tpu.memref_slice %arg3[%add3A_168] : memref<4392960xf32, #tpu.memory_space<hbm>> -> memref<8320xf32, #tpu.memory_space<hbm>>
      tpu.wait_dma2 semaphore(%run_scoped3A : memref<!tpu.dma_semaphore, #tpu.memory_space<semaphore_mem>>) src(%dma_wait3A_648 : memref<8320xf32, #tpu.memory_space<hbm>>) dst(%arg7 : memref<8320xf32, #tpu.memory_space<vmem>>)
      tpu.yield
    }) : () -> ()
    %scan3A_169 = arith.constant 0 : i32
    %scan3A_170 = arith.constant 0 : i32
    %scan3A_171 = arith.constant 520 : i32
    %scan3A_172 = arith.addi %scan3A_170, %scan3A_171 : i32
    %scan3A_173 = arith.constant 1 : i32
    scf.for %scan3A_647 = %scan3A_170 to %scan3A_172 step %scan3A_173  : i32 {
      %mul3A_648 = arith.constant 16 : i32
      %mul3A_649 = arith.muli %scan3A_647, %mul3A_648 : i32
      %get3A = arith.index_cast %mul3A_649 : i32 to index
      %get3A_650 = tpu.vector_load %arg6[%get3A] {strides = array<i32>} : memref<8320xi32, #tpu.memory_space<vmem>>, vector<16xi32>,
      %sub3A_651 = vector.broadcast %mul3A_4 : i32 to vector<16xi32>
      %sub3A_652 = arith.subi %get3A_650, %sub3A_651 : vector<16xi32>
      %get3A_653 = arith.index_cast %mul3A_649 : i32 to index
      %get3A_654 = tpu.vector_load %arg7[%get3A_653] {strides = array<i32>} : memref<8320xf32, #tpu.memory_space<vmem>>, vector<16xf32>,
      %ge3A = arith.constant 0 : i32
      %ge3A_655 = vector.broadcast %ge3A : i32 to vector<16xi32>
      %ge3A_656 = arith.cmpi sge, %sub3A_652, %ge3A_655 : vector<16xi32>
      %lt3A = arith.constant 67600 : i32
      %lt3A_657 = vector.broadcast %lt3A : i32 to vector<16xi32>
      %lt3A_658 = arith.cmpi slt, %sub3A_652, %lt3A_657 : vector<16xi32>
      %and3A_659 = arith.andi %ge3A_656, %lt3A_658 : vector<16xi1>
      %jit3A_660 = arith.constant 0 : i32
      %jit3A_661 = arith.constant 67599 : i32
      %max3A_662 = vector.broadcast %jit3A_660 : i32 to vector<16xi32>
      %max3A_663 = arith.maxsi %max3A_662, %sub3A_652 : vector<16xi32>
      %min3A = vector.broadcast %jit3A_661 : i32 to vector<16xi32>
      %min3A_664 = arith.minsi %min3A, %max3A_663 : vector<16xi32>
      tpu.vector_store_idx %arg5[%min3A_664], %get3A_654 masked %and3A_659 {add = true} : memref<67600xf32, #tpu.memory_space<vmem>>[vector<16xi32>], vector<16xf32>, vector<16xi1>
    }
    %scan3A_174 = arith.constant 520 : i32
    %add3A_175 = arith.constant 1 : i32
    %add3A_176 = arith.addi %select_n3A, %add3A_175 : i32
    %mul3A_177 = arith.constant 66560 : i32
    %mul3A_178 = arith.muli %add3A_176, %mul3A_177 : i32
    %add3A_179 = arith.constant 33280 : i32
    %add3A_180 = arith.addi %mul3A_178, %add3A_179 : i32
    "tpu.region"() ({
      %run_scoped3A = tpu.sem_alloc : memref<!tpu.dma_semaphore, #tpu.memory_space<semaphore_mem>>
      %dma_start3A = tpu.memref_slice %arg2[%add3A_180] : memref<4392960xi32, #tpu.memory_space<hbm>> -> memref<8320xi32, #tpu.memory_space<hbm>>
      %dma_start3A_647 = tpu.memref_slice %arg2[%add3A_180] : memref<4392960xi32, #tpu.memory_space<hbm>> -> memref<8320xi32, #tpu.memory_space<hbm>>
      tpu.enqueue_dma source(%dma_start3A_647 : memref<8320xi32, #tpu.memory_space<hbm>>) target(%arg6 : memref<8320xi32, #tpu.memory_space<vmem>>) target_semaphore(%run_scoped3A : memref<!tpu.dma_semaphore, #tpu.memory_space<semaphore_mem>>)
      %dma_wait3A = tpu.memref_slice %arg2[%add3A_180] : memref<4392960xi32, #tpu.memory_space<hbm>> -> memref<8320xi32, #tpu.memory_space<hbm>>
      %dma_wait3A_648 = tpu.memref_slice %arg2[%add3A_180] : memref<4392960xi32, #tpu.memory_space<hbm>> -> memref<8320xi32, #tpu.memory_space<hbm>>
      tpu.wait_dma2 semaphore(%run_scoped3A : memref<!tpu.dma_semaphore, #tpu.memory_space<semaphore_mem>>) src(%dma_wait3A_648 : memref<8320xi32, #tpu.memory_space<hbm>>) dst(%arg6 : memref<8320xi32, #tpu.memory_space<vmem>>)
      tpu.yield
    }) : () -> ()
    "tpu.region"() ({
      %run_scoped3A = tpu.sem_alloc : memref<!tpu.dma_semaphore, #tpu.memory_space<semaphore_mem>>
      %dma_start3A = tpu.memref_slice %arg3[%add3A_180] : memref<4392960xf32, #tpu.memory_space<hbm>> -> memref<8320xf32, #tpu.memory_space<hbm>>
      %dma_start3A_647 = tpu.memref_slice %arg3[%add3A_180] : memref<4392960xf32, #tpu.memory_space<hbm>> -> memref<8320xf32, #tpu.memory_space<hbm>>
      tpu.enqueue_dma source(%dma_start3A_647 : memref<8320xf32, #tpu.memory_space<hbm>>) target(%arg7 : memref<8320xf32, #tpu.memory_space<vmem>>) target_semaphore(%run_scoped3A : memref<!tpu.dma_semaphore, #tpu.memory_space<semaphore_mem>>)
      %dma_wait3A = tpu.memref_slice %arg3[%add3A_180] : memref<4392960xf32, #tpu.memory_space<hbm>> -> memref<8320xf32, #tpu.memory_space<hbm>>
      %dma_wait3A_648 = tpu.memref_slice %arg3[%add3A_180] : memref<4392960xf32, #tpu.memory_space<hbm>> -> memref<8320xf32, #tpu.memory_space<hbm>>
      tpu.wait_dma2 semaphore(%run_scoped3A : memref<!tpu.dma_semaphore, #tpu.memory_space<semaphore_mem>>) src(%dma_wait3A_648 : memref<8320xf32, #tpu.memory_space<hbm>>) dst(%arg7 : memref<8320xf32, #tpu.memory_space<vmem>>)
      tpu.yield
    }) : () -> ()
    %scan3A_181 = arith.constant 0 : i32
    %scan3A_182 = arith.constant 0 : i32
    %scan3A_183 = arith.constant 520 : i32
    %scan3A_184 = arith.addi %scan3A_182, %scan3A_183 : i32
    %scan3A_185 = arith.constant 1 : i32
    scf.for %scan3A_647 = %scan3A_182 to %scan3A_184 step %scan3A_185  : i32 {
      %mul3A_648 = arith.constant 16 : i32
      %mul3A_649 = arith.muli %scan3A_647, %mul3A_648 : i32
      %get3A = arith.index_cast %mul3A_649 : i32 to index
      %get3A_650 = tpu.vector_load %arg6[%get3A] {strides = array<i32>} : memref<8320xi32, #tpu.memory_space<vmem>>, vector<16xi32>,
      %sub3A_651 = vector.broadcast %mul3A_4 : i32 to vector<16xi32>
      %sub3A_652 = arith.subi %get3A_650, %sub3A_651 : vector<16xi32>
      %get3A_653 = arith.index_cast %mul3A_649 : i32 to index
      %get3A_654 = tpu.vector_load %arg7[%get3A_653] {strides = array<i32>} : memref<8320xf32, #tpu.memory_space<vmem>>, vector<16xf32>,
      %ge3A = arith.constant 0 : i32
      %ge3A_655 = vector.broadcast %ge3A : i32 to vector<16xi32>
      %ge3A_656 = arith.cmpi sge, %sub3A_652, %ge3A_655 : vector<16xi32>
      %lt3A = arith.constant 67600 : i32
      %lt3A_657 = vector.broadcast %lt3A : i32 to vector<16xi32>
      %lt3A_658 = arith.cmpi slt, %sub3A_652, %lt3A_657 : vector<16xi32>
      %and3A_659 = arith.andi %ge3A_656, %lt3A_658 : vector<16xi1>
      %jit3A_660 = arith.constant 0 : i32
      %jit3A_661 = arith.constant 67599 : i32
      %max3A_662 = vector.broadcast %jit3A_660 : i32 to vector<16xi32>
      %max3A_663 = arith.maxsi %max3A_662, %sub3A_652 : vector<16xi32>
      %min3A = vector.broadcast %jit3A_661 : i32 to vector<16xi32>
      %min3A_664 = arith.minsi %min3A, %max3A_663 : vector<16xi32>
      tpu.vector_store_idx %arg5[%min3A_664], %get3A_654 masked %and3A_659 {add = true} : memref<67600xf32, #tpu.memory_space<vmem>>[vector<16xi32>], vector<16xf32>, vector<16xi1>
    }
    %scan3A_186 = arith.constant 520 : i32
    %add3A_187 = arith.constant 1 : i32
    %add3A_188 = arith.addi %select_n3A, %add3A_187 : i32
    %mul3A_189 = arith.constant 66560 : i32
    %mul3A_190 = arith.muli %add3A_188, %mul3A_189 : i32
    %add3A_191 = arith.constant 41600 : i32
    %add3A_192 = arith.addi %mul3A_190, %add3A_191 : i32
    "tpu.region"() ({
      %run_scoped3A = tpu.sem_alloc : memref<!tpu.dma_semaphore, #tpu.memory_space<semaphore_mem>>
      %dma_start3A = tpu.memref_slice %arg2[%add3A_192] : memref<4392960xi32, #tpu.memory_space<hbm>> -> memref<8320xi32, #tpu.memory_space<hbm>>
      %dma_start3A_647 = tpu.memref_slice %arg2[%add3A_192] : memref<4392960xi32, #tpu.memory_space<hbm>> -> memref<8320xi32, #tpu.memory_space<hbm>>
      tpu.enqueue_dma source(%dma_start3A_647 : memref<8320xi32, #tpu.memory_space<hbm>>) target(%arg6 : memref<8320xi32, #tpu.memory_space<vmem>>) target_semaphore(%run_scoped3A : memref<!tpu.dma_semaphore, #tpu.memory_space<semaphore_mem>>)
      %dma_wait3A = tpu.memref_slice %arg2[%add3A_192] : memref<4392960xi32, #tpu.memory_space<hbm>> -> memref<8320xi32, #tpu.memory_space<hbm>>
      %dma_wait3A_648 = tpu.memref_slice %arg2[%add3A_192] : memref<4392960xi32, #tpu.memory_space<hbm>> -> memref<8320xi32, #tpu.memory_space<hbm>>
      tpu.wait_dma2 semaphore(%run_scoped3A : memref<!tpu.dma_semaphore, #tpu.memory_space<semaphore_mem>>) src(%dma_wait3A_648 : memref<8320xi32, #tpu.memory_space<hbm>>) dst(%arg6 : memref<8320xi32, #tpu.memory_space<vmem>>)
      tpu.yield
    }) : () -> ()
    "tpu.region"() ({
      %run_scoped3A = tpu.sem_alloc : memref<!tpu.dma_semaphore, #tpu.memory_space<semaphore_mem>>
      %dma_start3A = tpu.memref_slice %arg3[%add3A_192] : memref<4392960xf32, #tpu.memory_space<hbm>> -> memref<8320xf32, #tpu.memory_space<hbm>>
      %dma_start3A_647 = tpu.memref_slice %arg3[%add3A_192] : memref<4392960xf32, #tpu.memory_space<hbm>> -> memref<8320xf32, #tpu.memory_space<hbm>>
      tpu.enqueue_dma source(%dma_start3A_647 : memref<8320xf32, #tpu.memory_space<hbm>>) target(%arg7 : memref<8320xf32, #tpu.memory_space<vmem>>) target_semaphore(%run_scoped3A : memref<!tpu.dma_semaphore, #tpu.memory_space<semaphore_mem>>)
      %dma_wait3A = tpu.memref_slice %arg3[%add3A_192] : memref<4392960xf32, #tpu.memory_space<hbm>> -> memref<8320xf32, #tpu.memory_space<hbm>>
      %dma_wait3A_648 = tpu.memref_slice %arg3[%add3A_192] : memref<4392960xf32, #tpu.memory_space<hbm>> -> memref<8320xf32, #tpu.memory_space<hbm>>
      tpu.wait_dma2 semaphore(%run_scoped3A : memref<!tpu.dma_semaphore, #tpu.memory_space<semaphore_mem>>) src(%dma_wait3A_648 : memref<8320xf32, #tpu.memory_space<hbm>>) dst(%arg7 : memref<8320xf32, #tpu.memory_space<vmem>>)
      tpu.yield
    }) : () -> ()
    %scan3A_193 = arith.constant 0 : i32
    %scan3A_194 = arith.constant 0 : i32
    %scan3A_195 = arith.constant 520 : i32
    %scan3A_196 = arith.addi %scan3A_194, %scan3A_195 : i32
    %scan3A_197 = arith.constant 1 : i32
    scf.for %scan3A_647 = %scan3A_194 to %scan3A_196 step %scan3A_197  : i32 {
      %mul3A_648 = arith.constant 16 : i32
      %mul3A_649 = arith.muli %scan3A_647, %mul3A_648 : i32
      %get3A = arith.index_cast %mul3A_649 : i32 to index
      %get3A_650 = tpu.vector_load %arg6[%get3A] {strides = array<i32>} : memref<8320xi32, #tpu.memory_space<vmem>>, vector<16xi32>,
      %sub3A_651 = vector.broadcast %mul3A_4 : i32 to vector<16xi32>
      %sub3A_652 = arith.subi %get3A_650, %sub3A_651 : vector<16xi32>
      %get3A_653 = arith.index_cast %mul3A_649 : i32 to index
      %get3A_654 = tpu.vector_load %arg7[%get3A_653] {strides = array<i32>} : memref<8320xf32, #tpu.memory_space<vmem>>, vector<16xf32>,
      %ge3A = arith.constant 0 : i32
      %ge3A_655 = vector.broadcast %ge3A : i32 to vector<16xi32>
      %ge3A_656 = arith.cmpi sge, %sub3A_652, %ge3A_655 : vector<16xi32>
      %lt3A = arith.constant 67600 : i32
      %lt3A_657 = vector.broadcast %lt3A : i32 to vector<16xi32>
      %lt3A_658 = arith.cmpi slt, %sub3A_652, %lt3A_657 : vector<16xi32>
      %and3A_659 = arith.andi %ge3A_656, %lt3A_658 : vector<16xi1>
      %jit3A_660 = arith.constant 0 : i32
      %jit3A_661 = arith.constant 67599 : i32
      %max3A_662 = vector.broadcast %jit3A_660 : i32 to vector<16xi32>
      %max3A_663 = arith.maxsi %max3A_662, %sub3A_652 : vector<16xi32>
      %min3A = vector.broadcast %jit3A_661 : i32 to vector<16xi32>
      %min3A_664 = arith.minsi %min3A, %max3A_663 : vector<16xi32>
      tpu.vector_store_idx %arg5[%min3A_664], %get3A_654 masked %and3A_659 {add = true} : memref<67600xf32, #tpu.memory_space<vmem>>[vector<16xi32>], vector<16xf32>, vector<16xi1>
    }
    %scan3A_198 = arith.constant 520 : i32
    %add3A_199 = arith.constant 1 : i32
    %add3A_200 = arith.addi %select_n3A, %add3A_199 : i32
    %mul3A_201 = arith.constant 66560 : i32
    %mul3A_202 = arith.muli %add3A_200, %mul3A_201 : i32
    %add3A_203 = arith.constant 49920 : i32
    %add3A_204 = arith.addi %mul3A_202, %add3A_203 : i32
    "tpu.region"() ({
      %run_scoped3A = tpu.sem_alloc : memref<!tpu.dma_semaphore, #tpu.memory_space<semaphore_mem>>
      %dma_start3A = tpu.memref_slice %arg2[%add3A_204] : memref<4392960xi32, #tpu.memory_space<hbm>> -> memref<8320xi32, #tpu.memory_space<hbm>>
      %dma_start3A_647 = tpu.memref_slice %arg2[%add3A_204] : memref<4392960xi32, #tpu.memory_space<hbm>> -> memref<8320xi32, #tpu.memory_space<hbm>>
      tpu.enqueue_dma source(%dma_start3A_647 : memref<8320xi32, #tpu.memory_space<hbm>>) target(%arg6 : memref<8320xi32, #tpu.memory_space<vmem>>) target_semaphore(%run_scoped3A : memref<!tpu.dma_semaphore, #tpu.memory_space<semaphore_mem>>)
      %dma_wait3A = tpu.memref_slice %arg2[%add3A_204] : memref<4392960xi32, #tpu.memory_space<hbm>> -> memref<8320xi32, #tpu.memory_space<hbm>>
      %dma_wait3A_648 = tpu.memref_slice %arg2[%add3A_204] : memref<4392960xi32, #tpu.memory_space<hbm>> -> memref<8320xi32, #tpu.memory_space<hbm>>
      tpu.wait_dma2 semaphore(%run_scoped3A : memref<!tpu.dma_semaphore, #tpu.memory_space<semaphore_mem>>) src(%dma_wait3A_648 : memref<8320xi32, #tpu.memory_space<hbm>>) dst(%arg6 : memref<8320xi32, #tpu.memory_space<vmem>>)
      tpu.yield
    }) : () -> ()
    "tpu.region"() ({
      %run_scoped3A = tpu.sem_alloc : memref<!tpu.dma_semaphore, #tpu.memory_space<semaphore_mem>>
      %dma_start3A = tpu.memref_slice %arg3[%add3A_204] : memref<4392960xf32, #tpu.memory_space<hbm>> -> memref<8320xf32, #tpu.memory_space<hbm>>
      %dma_start3A_647 = tpu.memref_slice %arg3[%add3A_204] : memref<4392960xf32, #tpu.memory_space<hbm>> -> memref<8320xf32, #tpu.memory_space<hbm>>
      tpu.enqueue_dma source(%dma_start3A_647 : memref<8320xf32, #tpu.memory_space<hbm>>) target(%arg7 : memref<8320xf32, #tpu.memory_space<vmem>>) target_semaphore(%run_scoped3A : memref<!tpu.dma_semaphore, #tpu.memory_space<semaphore_mem>>)
      %dma_wait3A = tpu.memref_slice %arg3[%add3A_204] : memref<4392960xf32, #tpu.memory_space<hbm>> -> memref<8320xf32, #tpu.memory_space<hbm>>
      %dma_wait3A_648 = tpu.memref_slice %arg3[%add3A_204] : memref<4392960xf32, #tpu.memory_space<hbm>> -> memref<8320xf32, #tpu.memory_space<hbm>>
      tpu.wait_dma2 semaphore(%run_scoped3A : memref<!tpu.dma_semaphore, #tpu.memory_space<semaphore_mem>>) src(%dma_wait3A_648 : memref<8320xf32, #tpu.memory_space<hbm>>) dst(%arg7 : memref<8320xf32, #tpu.memory_space<vmem>>)
      tpu.yield
    }) : () -> ()
    %scan3A_205 = arith.constant 0 : i32
    %scan3A_206 = arith.constant 0 : i32
    %scan3A_207 = arith.constant 520 : i32
    %scan3A_208 = arith.addi %scan3A_206, %scan3A_207 : i32
    %scan3A_209 = arith.constant 1 : i32
    scf.for %scan3A_647 = %scan3A_206 to %scan3A_208 step %scan3A_209  : i32 {
      %mul3A_648 = arith.constant 16 : i32
      %mul3A_649 = arith.muli %scan3A_647, %mul3A_648 : i32
      %get3A = arith.index_cast %mul3A_649 : i32 to index
      %get3A_650 = tpu.vector_load %arg6[%get3A] {strides = array<i32>} : memref<8320xi32, #tpu.memory_space<vmem>>, vector<16xi32>,
      %sub3A_651 = vector.broadcast %mul3A_4 : i32 to vector<16xi32>
      %sub3A_652 = arith.subi %get3A_650, %sub3A_651 : vector<16xi32>
      %get3A_653 = arith.index_cast %mul3A_649 : i32 to index
      %get3A_654 = tpu.vector_load %arg7[%get3A_653] {strides = array<i32>} : memref<8320xf32, #tpu.memory_space<vmem>>, vector<16xf32>,
      %ge3A = arith.constant 0 : i32
      %ge3A_655 = vector.broadcast %ge3A : i32 to vector<16xi32>
      %ge3A_656 = arith.cmpi sge, %sub3A_652, %ge3A_655 : vector<16xi32>
      %lt3A = arith.constant 67600 : i32
      %lt3A_657 = vector.broadcast %lt3A : i32 to vector<16xi32>
      %lt3A_658 = arith.cmpi slt, %sub3A_652, %lt3A_657 : vector<16xi32>
      %and3A_659 = arith.andi %ge3A_656, %lt3A_658 : vector<16xi1>
      %jit3A_660 = arith.constant 0 : i32
      %jit3A_661 = arith.constant 67599 : i32
      %max3A_662 = vector.broadcast %jit3A_660 : i32 to vector<16xi32>
      %max3A_663 = arith.maxsi %max3A_662, %sub3A_652 : vector<16xi32>
      %min3A = vector.broadcast %jit3A_661 : i32 to vector<16xi32>
      %min3A_664 = arith.minsi %min3A, %max3A_663 : vector<16xi32>
      tpu.vector_store_idx %arg5[%min3A_664], %get3A_654 masked %and3A_659 {add = true} : memref<67600xf32, #tpu.memory_space<vmem>>[vector<16xi32>], vector<16xf32>, vector<16xi1>
    }
    %scan3A_210 = arith.constant 520 : i32
    %add3A_211 = arith.constant 1 : i32
    %add3A_212 = arith.addi %select_n3A, %add3A_211 : i32
    %mul3A_213 = arith.constant 66560 : i32
    %mul3A_214 = arith.muli %add3A_212, %mul3A_213 : i32
    %add3A_215 = arith.constant 58240 : i32
    %add3A_216 = arith.addi %mul3A_214, %add3A_215 : i32
    "tpu.region"() ({
      %run_scoped3A = tpu.sem_alloc : memref<!tpu.dma_semaphore, #tpu.memory_space<semaphore_mem>>
      %dma_start3A = tpu.memref_slice %arg2[%add3A_216] : memref<4392960xi32, #tpu.memory_space<hbm>> -> memref<8320xi32, #tpu.memory_space<hbm>>
      %dma_start3A_647 = tpu.memref_slice %arg2[%add3A_216] : memref<4392960xi32, #tpu.memory_space<hbm>> -> memref<8320xi32, #tpu.memory_space<hbm>>
      tpu.enqueue_dma source(%dma_start3A_647 : memref<8320xi32, #tpu.memory_space<hbm>>) target(%arg6 : memref<8320xi32, #tpu.memory_space<vmem>>) target_semaphore(%run_scoped3A : memref<!tpu.dma_semaphore, #tpu.memory_space<semaphore_mem>>)
      %dma_wait3A = tpu.memref_slice %arg2[%add3A_216] : memref<4392960xi32, #tpu.memory_space<hbm>> -> memref<8320xi32, #tpu.memory_space<hbm>>
      %dma_wait3A_648 = tpu.memref_slice %arg2[%add3A_216] : memref<4392960xi32, #tpu.memory_space<hbm>> -> memref<8320xi32, #tpu.memory_space<hbm>>
      tpu.wait_dma2 semaphore(%run_scoped3A : memref<!tpu.dma_semaphore, #tpu.memory_space<semaphore_mem>>) src(%dma_wait3A_648 : memref<8320xi32, #tpu.memory_space<hbm>>) dst(%arg6 : memref<8320xi32, #tpu.memory_space<vmem>>)
      tpu.yield
    }) : () -> ()
    "tpu.region"() ({
      %run_scoped3A = tpu.sem_alloc : memref<!tpu.dma_semaphore, #tpu.memory_space<semaphore_mem>>
      %dma_start3A = tpu.memref_slice %arg3[%add3A_216] : memref<4392960xf32, #tpu.memory_space<hbm>> -> memref<8320xf32, #tpu.memory_space<hbm>>
      %dma_start3A_647 = tpu.memref_slice %arg3[%add3A_216] : memref<4392960xf32, #tpu.memory_space<hbm>> -> memref<8320xf32, #tpu.memory_space<hbm>>
      tpu.enqueue_dma source(%dma_start3A_647 : memref<8320xf32, #tpu.memory_space<hbm>>) target(%arg7 : memref<8320xf32, #tpu.memory_space<vmem>>) target_semaphore(%run_scoped3A : memref<!tpu.dma_semaphore, #tpu.memory_space<semaphore_mem>>)
      %dma_wait3A = tpu.memref_slice %arg3[%add3A_216] : memref<4392960xf32, #tpu.memory_space<hbm>> -> memref<8320xf32, #tpu.memory_space<hbm>>
      %dma_wait3A_648 = tpu.memref_slice %arg3[%add3A_216] : memref<4392960xf32, #tpu.memory_space<hbm>> -> memref<8320xf32, #tpu.memory_space<hbm>>
      tpu.wait_dma2 semaphore(%run_scoped3A : memref<!tpu.dma_semaphore, #tpu.memory_space<semaphore_mem>>) src(%dma_wait3A_648 : memref<8320xf32, #tpu.memory_space<hbm>>) dst(%arg7 : memref<8320xf32, #tpu.memory_space<vmem>>)
      tpu.yield
    }) : () -> ()
    %scan3A_217 = arith.constant 0 : i32
    %scan3A_218 = arith.constant 0 : i32
    %scan3A_219 = arith.constant 520 : i32
    %scan3A_220 = arith.addi %scan3A_218, %scan3A_219 : i32
    %scan3A_221 = arith.constant 1 : i32
    scf.for %scan3A_647 = %scan3A_218 to %scan3A_220 step %scan3A_221  : i32 {
      %mul3A_648 = arith.constant 16 : i32
      %mul3A_649 = arith.muli %scan3A_647, %mul3A_648 : i32
      %get3A = arith.index_cast %mul3A_649 : i32 to index
      %get3A_650 = tpu.vector_load %arg6[%get3A] {strides = array<i32>} : memref<8320xi32, #tpu.memory_space<vmem>>, vector<16xi32>,
      %sub3A_651 = vector.broadcast %mul3A_4 : i32 to vector<16xi32>
      %sub3A_652 = arith.subi %get3A_650, %sub3A_651 : vector<16xi32>
      %get3A_653 = arith.index_cast %mul3A_649 : i32 to index
      %get3A_654 = tpu.vector_load %arg7[%get3A_653] {strides = array<i32>} : memref<8320xf32, #tpu.memory_space<vmem>>, vector<16xf32>,
      %ge3A = arith.constant 0 : i32
      %ge3A_655 = vector.broadcast %ge3A : i32 to vector<16xi32>
      %ge3A_656 = arith.cmpi sge, %sub3A_652, %ge3A_655 : vector<16xi32>
      %lt3A = arith.constant 67600 : i32
      %lt3A_657 = vector.broadcast %lt3A : i32 to vector<16xi32>
      %lt3A_658 = arith.cmpi slt, %sub3A_652, %lt3A_657 : vector<16xi32>
      %and3A_659 = arith.andi %ge3A_656, %lt3A_658 : vector<16xi1>
      %jit3A_660 = arith.constant 0 : i32
      %jit3A_661 = arith.constant 67599 : i32
      %max3A_662 = vector.broadcast %jit3A_660 : i32 to vector<16xi32>
      %max3A_663 = arith.maxsi %max3A_662, %sub3A_652 : vector<16xi32>
      %min3A = vector.broadcast %jit3A_661 : i32 to vector<16xi32>
      %min3A_664 = arith.minsi %min3A, %max3A_663 : vector<16xi32>
      tpu.vector_store_idx %arg5[%min3A_664], %get3A_654 masked %and3A_659 {add = true} : memref<67600xf32, #tpu.memory_space<vmem>>[vector<16xi32>], vector<16xf32>, vector<16xi1>
    }
    %scan3A_222 = arith.constant 520 : i32
    %add3A_223 = arith.constant 2 : i32
    %add3A_224 = arith.addi %select_n3A, %add3A_223 : i32
    %mul3A_225 = arith.constant 66560 : i32
    %mul3A_226 = arith.muli %add3A_224, %mul3A_225 : i32
    %add3A_227 = arith.constant 0 : i32
    %add3A_228 = arith.addi %mul3A_226, %add3A_227 : i32
    "tpu.region"() ({
      %run_scoped3A = tpu.sem_alloc : memref<!tpu.dma_semaphore, #tpu.memory_space<semaphore_mem>>
      %dma_start3A = tpu.memref_slice %arg2[%add3A_228] : memref<4392960xi32, #tpu.memory_space<hbm>> -> memref<8320xi32, #tpu.memory_space<hbm>>
      %dma_start3A_647 = tpu.memref_slice %arg2[%add3A_228] : memref<4392960xi32, #tpu.memory_space<hbm>> -> memref<8320xi32, #tpu.memory_space<hbm>>
      tpu.enqueue_dma source(%dma_start3A_647 : memref<8320xi32, #tpu.memory_space<hbm>>) target(%arg6 : memref<8320xi32, #tpu.memory_space<vmem>>) target_semaphore(%run_scoped3A : memref<!tpu.dma_semaphore, #tpu.memory_space<semaphore_mem>>)
      %dma_wait3A = tpu.memref_slice %arg2[%add3A_228] : memref<4392960xi32, #tpu.memory_space<hbm>> -> memref<8320xi32, #tpu.memory_space<hbm>>
      %dma_wait3A_648 = tpu.memref_slice %arg2[%add3A_228] : memref<4392960xi32, #tpu.memory_space<hbm>> -> memref<8320xi32, #tpu.memory_space<hbm>>
      tpu.wait_dma2 semaphore(%run_scoped3A : memref<!tpu.dma_semaphore, #tpu.memory_space<semaphore_mem>>) src(%dma_wait3A_648 : memref<8320xi32, #tpu.memory_space<hbm>>) dst(%arg6 : memref<8320xi32, #tpu.memory_space<vmem>>)
      tpu.yield
    }) : () -> ()
    "tpu.region"() ({
      %run_scoped3A = tpu.sem_alloc : memref<!tpu.dma_semaphore, #tpu.memory_space<semaphore_mem>>
      %dma_start3A = tpu.memref_slice %arg3[%add3A_228] : memref<4392960xf32, #tpu.memory_space<hbm>> -> memref<8320xf32, #tpu.memory_space<hbm>>
      %dma_start3A_647 = tpu.memref_slice %arg3[%add3A_228] : memref<4392960xf32, #tpu.memory_space<hbm>> -> memref<8320xf32, #tpu.memory_space<hbm>>
      tpu.enqueue_dma source(%dma_start3A_647 : memref<8320xf32, #tpu.memory_space<hbm>>) target(%arg7 : memref<8320xf32, #tpu.memory_space<vmem>>) target_semaphore(%run_scoped3A : memref<!tpu.dma_semaphore, #tpu.memory_space<semaphore_mem>>)
      %dma_wait3A = tpu.memref_slice %arg3[%add3A_228] : memref<4392960xf32, #tpu.memory_space<hbm>> -> memref<8320xf32, #tpu.memory_space<hbm>>
      %dma_wait3A_648 = tpu.memref_slice %arg3[%add3A_228] : memref<4392960xf32, #tpu.memory_space<hbm>> -> memref<8320xf32, #tpu.memory_space<hbm>>
      tpu.wait_dma2 semaphore(%run_scoped3A : memref<!tpu.dma_semaphore, #tpu.memory_space<semaphore_mem>>) src(%dma_wait3A_648 : memref<8320xf32, #tpu.memory_space<hbm>>) dst(%arg7 : memref<8320xf32, #tpu.memory_space<vmem>>)
      tpu.yield
    }) : () -> ()
    %scan3A_229 = arith.constant 0 : i32
    %scan3A_230 = arith.constant 0 : i32
    %scan3A_231 = arith.constant 520 : i32
    %scan3A_232 = arith.addi %scan3A_230, %scan3A_231 : i32
    %scan3A_233 = arith.constant 1 : i32
    scf.for %scan3A_647 = %scan3A_230 to %scan3A_232 step %scan3A_233  : i32 {
      %mul3A_648 = arith.constant 16 : i32
      %mul3A_649 = arith.muli %scan3A_647, %mul3A_648 : i32
      %get3A = arith.index_cast %mul3A_649 : i32 to index
      %get3A_650 = tpu.vector_load %arg6[%get3A] {strides = array<i32>} : memref<8320xi32, #tpu.memory_space<vmem>>, vector<16xi32>,
      %sub3A_651 = vector.broadcast %mul3A_4 : i32 to vector<16xi32>
      %sub3A_652 = arith.subi %get3A_650, %sub3A_651 : vector<16xi32>
      %get3A_653 = arith.index_cast %mul3A_649 : i32 to index
      %get3A_654 = tpu.vector_load %arg7[%get3A_653] {strides = array<i32>} : memref<8320xf32, #tpu.memory_space<vmem>>, vector<16xf32>,
      %ge3A = arith.constant 0 : i32
      %ge3A_655 = vector.broadcast %ge3A : i32 to vector<16xi32>
      %ge3A_656 = arith.cmpi sge, %sub3A_652, %ge3A_655 : vector<16xi32>
      %lt3A = arith.constant 67600 : i32
      %lt3A_657 = vector.broadcast %lt3A : i32 to vector<16xi32>
      %lt3A_658 = arith.cmpi slt, %sub3A_652, %lt3A_657 : vector<16xi32>
      %and3A_659 = arith.andi %ge3A_656, %lt3A_658 : vector<16xi1>
      %jit3A_660 = arith.constant 0 : i32
      %jit3A_661 = arith.constant 67599 : i32
      %max3A_662 = vector.broadcast %jit3A_660 : i32 to vector<16xi32>
      %max3A_663 = arith.maxsi %max3A_662, %sub3A_652 : vector<16xi32>
      %min3A = vector.broadcast %jit3A_661 : i32 to vector<16xi32>
      %min3A_664 = arith.minsi %min3A, %max3A_663 : vector<16xi32>
      tpu.vector_store_idx %arg5[%min3A_664], %get3A_654 masked %and3A_659 {add = true} : memref<67600xf32, #tpu.memory_space<vmem>>[vector<16xi32>], vector<16xf32>, vector<16xi1>
    }
    %scan3A_234 = arith.constant 520 : i32
    %add3A_235 = arith.constant 2 : i32
    %add3A_236 = arith.addi %select_n3A, %add3A_235 : i32
    %mul3A_237 = arith.constant 66560 : i32
    %mul3A_238 = arith.muli %add3A_236, %mul3A_237 : i32
    %add3A_239 = arith.constant 8320 : i32
    %add3A_240 = arith.addi %mul3A_238, %add3A_239 : i32
    "tpu.region"() ({
      %run_scoped3A = tpu.sem_alloc : memref<!tpu.dma_semaphore, #tpu.memory_space<semaphore_mem>>
      %dma_start3A = tpu.memref_slice %arg2[%add3A_240] : memref<4392960xi32, #tpu.memory_space<hbm>> -> memref<8320xi32, #tpu.memory_space<hbm>>
      %dma_start3A_647 = tpu.memref_slice %arg2[%add3A_240] : memref<4392960xi32, #tpu.memory_space<hbm>> -> memref<8320xi32, #tpu.memory_space<hbm>>
      tpu.enqueue_dma source(%dma_start3A_647 : memref<8320xi32, #tpu.memory_space<hbm>>) target(%arg6 : memref<8320xi32, #tpu.memory_space<vmem>>) target_semaphore(%run_scoped3A : memref<!tpu.dma_semaphore, #tpu.memory_space<semaphore_mem>>)
      %dma_wait3A = tpu.memref_slice %arg2[%add3A_240] : memref<4392960xi32, #tpu.memory_space<hbm>> -> memref<8320xi32, #tpu.memory_space<hbm>>
      %dma_wait3A_648 = tpu.memref_slice %arg2[%add3A_240] : memref<4392960xi32, #tpu.memory_space<hbm>> -> memref<8320xi32, #tpu.memory_space<hbm>>
      tpu.wait_dma2 semaphore(%run_scoped3A : memref<!tpu.dma_semaphore, #tpu.memory_space<semaphore_mem>>) src(%dma_wait3A_648 : memref<8320xi32, #tpu.memory_space<hbm>>) dst(%arg6 : memref<8320xi32, #tpu.memory_space<vmem>>)
      tpu.yield
    }) : () -> ()
    "tpu.region"() ({
      %run_scoped3A = tpu.sem_alloc : memref<!tpu.dma_semaphore, #tpu.memory_space<semaphore_mem>>
      %dma_start3A = tpu.memref_slice %arg3[%add3A_240] : memref<4392960xf32, #tpu.memory_space<hbm>> -> memref<8320xf32, #tpu.memory_space<hbm>>
      %dma_start3A_647 = tpu.memref_slice %arg3[%add3A_240] : memref<4392960xf32, #tpu.memory_space<hbm>> -> memref<8320xf32, #tpu.memory_space<hbm>>
      tpu.enqueue_dma source(%dma_start3A_647 : memref<8320xf32, #tpu.memory_space<hbm>>) target(%arg7 : memref<8320xf32, #tpu.memory_space<vmem>>) target_semaphore(%run_scoped3A : memref<!tpu.dma_semaphore, #tpu.memory_space<semaphore_mem>>)
      %dma_wait3A = tpu.memref_slice %arg3[%add3A_240] : memref<4392960xf32, #tpu.memory_space<hbm>> -> memref<8320xf32, #tpu.memory_space<hbm>>
      %dma_wait3A_648 = tpu.memref_slice %arg3[%add3A_240] : memref<4392960xf32, #tpu.memory_space<hbm>> -> memref<8320xf32, #tpu.memory_space<hbm>>
      tpu.wait_dma2 semaphore(%run_scoped3A : memref<!tpu.dma_semaphore, #tpu.memory_space<semaphore_mem>>) src(%dma_wait3A_648 : memref<8320xf32, #tpu.memory_space<hbm>>) dst(%arg7 : memref<8320xf32, #tpu.memory_space<vmem>>)
      tpu.yield
    }) : () -> ()
    %scan3A_241 = arith.constant 0 : i32
    %scan3A_242 = arith.constant 0 : i32
    %scan3A_243 = arith.constant 520 : i32
    %scan3A_244 = arith.addi %scan3A_242, %scan3A_243 : i32
    %scan3A_245 = arith.constant 1 : i32
    scf.for %scan3A_647 = %scan3A_242 to %scan3A_244 step %scan3A_245  : i32 {
      %mul3A_648 = arith.constant 16 : i32
      %mul3A_649 = arith.muli %scan3A_647, %mul3A_648 : i32
      %get3A = arith.index_cast %mul3A_649 : i32 to index
      %get3A_650 = tpu.vector_load %arg6[%get3A] {strides = array<i32>} : memref<8320xi32, #tpu.memory_space<vmem>>, vector<16xi32>,
      %sub3A_651 = vector.broadcast %mul3A_4 : i32 to vector<16xi32>
      %sub3A_652 = arith.subi %get3A_650, %sub3A_651 : vector<16xi32>
      %get3A_653 = arith.index_cast %mul3A_649 : i32 to index
      %get3A_654 = tpu.vector_load %arg7[%get3A_653] {strides = array<i32>} : memref<8320xf32, #tpu.memory_space<vmem>>, vector<16xf32>,
      %ge3A = arith.constant 0 : i32
      %ge3A_655 = vector.broadcast %ge3A : i32 to vector<16xi32>
      %ge3A_656 = arith.cmpi sge, %sub3A_652, %ge3A_655 : vector<16xi32>
      %lt3A = arith.constant 67600 : i32
      %lt3A_657 = vector.broadcast %lt3A : i32 to vector<16xi32>
      %lt3A_658 = arith.cmpi slt, %sub3A_652, %lt3A_657 : vector<16xi32>
      %and3A_659 = arith.andi %ge3A_656, %lt3A_658 : vector<16xi1>
      %jit3A_660 = arith.constant 0 : i32
      %jit3A_661 = arith.constant 67599 : i32
      %max3A_662 = vector.broadcast %jit3A_660 : i32 to vector<16xi32>
      %max3A_663 = arith.maxsi %max3A_662, %sub3A_652 : vector<16xi32>
      %min3A = vector.broadcast %jit3A_661 : i32 to vector<16xi32>
      %min3A_664 = arith.minsi %min3A, %max3A_663 : vector<16xi32>
      tpu.vector_store_idx %arg5[%min3A_664], %get3A_654 masked %and3A_659 {add = true} : memref<67600xf32, #tpu.memory_space<vmem>>[vector<16xi32>], vector<16xf32>, vector<16xi1>
    }
    %scan3A_246 = arith.constant 520 : i32
    %add3A_247 = arith.constant 2 : i32
    %add3A_248 = arith.addi %select_n3A, %add3A_247 : i32
    %mul3A_249 = arith.constant 66560 : i32
    %mul3A_250 = arith.muli %add3A_248, %mul3A_249 : i32
    %add3A_251 = arith.constant 16640 : i32
    %add3A_252 = arith.addi %mul3A_250, %add3A_251 : i32
    "tpu.region"() ({
      %run_scoped3A = tpu.sem_alloc : memref<!tpu.dma_semaphore, #tpu.memory_space<semaphore_mem>>
      %dma_start3A = tpu.memref_slice %arg2[%add3A_252] : memref<4392960xi32, #tpu.memory_space<hbm>> -> memref<8320xi32, #tpu.memory_space<hbm>>
      %dma_start3A_647 = tpu.memref_slice %arg2[%add3A_252] : memref<4392960xi32, #tpu.memory_space<hbm>> -> memref<8320xi32, #tpu.memory_space<hbm>>
      tpu.enqueue_dma source(%dma_start3A_647 : memref<8320xi32, #tpu.memory_space<hbm>>) target(%arg6 : memref<8320xi32, #tpu.memory_space<vmem>>) target_semaphore(%run_scoped3A : memref<!tpu.dma_semaphore, #tpu.memory_space<semaphore_mem>>)
      %dma_wait3A = tpu.memref_slice %arg2[%add3A_252] : memref<4392960xi32, #tpu.memory_space<hbm>> -> memref<8320xi32, #tpu.memory_space<hbm>>
      %dma_wait3A_648 = tpu.memref_slice %arg2[%add3A_252] : memref<4392960xi32, #tpu.memory_space<hbm>> -> memref<8320xi32, #tpu.memory_space<hbm>>
      tpu.wait_dma2 semaphore(%run_scoped3A : memref<!tpu.dma_semaphore, #tpu.memory_space<semaphore_mem>>) src(%dma_wait3A_648 : memref<8320xi32, #tpu.memory_space<hbm>>) dst(%arg6 : memref<8320xi32, #tpu.memory_space<vmem>>)
      tpu.yield
    }) : () -> ()
    "tpu.region"() ({
      %run_scoped3A = tpu.sem_alloc : memref<!tpu.dma_semaphore, #tpu.memory_space<semaphore_mem>>
      %dma_start3A = tpu.memref_slice %arg3[%add3A_252] : memref<4392960xf32, #tpu.memory_space<hbm>> -> memref<8320xf32, #tpu.memory_space<hbm>>
      %dma_start3A_647 = tpu.memref_slice %arg3[%add3A_252] : memref<4392960xf32, #tpu.memory_space<hbm>> -> memref<8320xf32, #tpu.memory_space<hbm>>
      tpu.enqueue_dma source(%dma_start3A_647 : memref<8320xf32, #tpu.memory_space<hbm>>) target(%arg7 : memref<8320xf32, #tpu.memory_space<vmem>>) target_semaphore(%run_scoped3A : memref<!tpu.dma_semaphore, #tpu.memory_space<semaphore_mem>>)
      %dma_wait3A = tpu.memref_slice %arg3[%add3A_252] : memref<4392960xf32, #tpu.memory_space<hbm>> -> memref<8320xf32, #tpu.memory_space<hbm>>
      %dma_wait3A_648 = tpu.memref_slice %arg3[%add3A_252] : memref<4392960xf32, #tpu.memory_space<hbm>> -> memref<8320xf32, #tpu.memory_space<hbm>>
      tpu.wait_dma2 semaphore(%run_scoped3A : memref<!tpu.dma_semaphore, #tpu.memory_space<semaphore_mem>>) src(%dma_wait3A_648 : memref<8320xf32, #tpu.memory_space<hbm>>) dst(%arg7 : memref<8320xf32, #tpu.memory_space<vmem>>)
      tpu.yield
    }) : () -> ()
    %scan3A_253 = arith.constant 0 : i32
    %scan3A_254 = arith.constant 0 : i32
    %scan3A_255 = arith.constant 520 : i32
    %scan3A_256 = arith.addi %scan3A_254, %scan3A_255 : i32
    %scan3A_257 = arith.constant 1 : i32
    scf.for %scan3A_647 = %scan3A_254 to %scan3A_256 step %scan3A_257  : i32 {
      %mul3A_648 = arith.constant 16 : i32
      %mul3A_649 = arith.muli %scan3A_647, %mul3A_648 : i32
      %get3A = arith.index_cast %mul3A_649 : i32 to index
      %get3A_650 = tpu.vector_load %arg6[%get3A] {strides = array<i32>} : memref<8320xi32, #tpu.memory_space<vmem>>, vector<16xi32>,
      %sub3A_651 = vector.broadcast %mul3A_4 : i32 to vector<16xi32>
      %sub3A_652 = arith.subi %get3A_650, %sub3A_651 : vector<16xi32>
      %get3A_653 = arith.index_cast %mul3A_649 : i32 to index
      %get3A_654 = tpu.vector_load %arg7[%get3A_653] {strides = array<i32>} : memref<8320xf32, #tpu.memory_space<vmem>>, vector<16xf32>,
      %ge3A = arith.constant 0 : i32
      %ge3A_655 = vector.broadcast %ge3A : i32 to vector<16xi32>
      %ge3A_656 = arith.cmpi sge, %sub3A_652, %ge3A_655 : vector<16xi32>
      %lt3A = arith.constant 67600 : i32
      %lt3A_657 = vector.broadcast %lt3A : i32 to vector<16xi32>
      %lt3A_658 = arith.cmpi slt, %sub3A_652, %lt3A_657 : vector<16xi32>
      %and3A_659 = arith.andi %ge3A_656, %lt3A_658 : vector<16xi1>
      %jit3A_660 = arith.constant 0 : i32
      %jit3A_661 = arith.constant 67599 : i32
      %max3A_662 = vector.broadcast %jit3A_660 : i32 to vector<16xi32>
      %max3A_663 = arith.maxsi %max3A_662, %sub3A_652 : vector<16xi32>
      %min3A = vector.broadcast %jit3A_661 : i32 to vector<16xi32>
      %min3A_664 = arith.minsi %min3A, %max3A_663 : vector<16xi32>
      tpu.vector_store_idx %arg5[%min3A_664], %get3A_654 masked %and3A_659 {add = true} : memref<67600xf32, #tpu.memory_space<vmem>>[vector<16xi32>], vector<16xf32>, vector<16xi1>
    }
    %scan3A_258 = arith.constant 520 : i32
    %add3A_259 = arith.constant 2 : i32
    %add3A_260 = arith.addi %select_n3A, %add3A_259 : i32
    %mul3A_261 = arith.constant 66560 : i32
    %mul3A_262 = arith.muli %add3A_260, %mul3A_261 : i32
    %add3A_263 = arith.constant 24960 : i32
    %add3A_264 = arith.addi %mul3A_262, %add3A_263 : i32
    "tpu.region"() ({
      %run_scoped3A = tpu.sem_alloc : memref<!tpu.dma_semaphore, #tpu.memory_space<semaphore_mem>>
      %dma_start3A = tpu.memref_slice %arg2[%add3A_264] : memref<4392960xi32, #tpu.memory_space<hbm>> -> memref<8320xi32, #tpu.memory_space<hbm>>
      %dma_start3A_647 = tpu.memref_slice %arg2[%add3A_264] : memref<4392960xi32, #tpu.memory_space<hbm>> -> memref<8320xi32, #tpu.memory_space<hbm>>
      tpu.enqueue_dma source(%dma_start3A_647 : memref<8320xi32, #tpu.memory_space<hbm>>) target(%arg6 : memref<8320xi32, #tpu.memory_space<vmem>>) target_semaphore(%run_scoped3A : memref<!tpu.dma_semaphore, #tpu.memory_space<semaphore_mem>>)
      %dma_wait3A = tpu.memref_slice %arg2[%add3A_264] : memref<4392960xi32, #tpu.memory_space<hbm>> -> memref<8320xi32, #tpu.memory_space<hbm>>
      %dma_wait3A_648 = tpu.memref_slice %arg2[%add3A_264] : memref<4392960xi32, #tpu.memory_space<hbm>> -> memref<8320xi32, #tpu.memory_space<hbm>>
      tpu.wait_dma2 semaphore(%run_scoped3A : memref<!tpu.dma_semaphore, #tpu.memory_space<semaphore_mem>>) src(%dma_wait3A_648 : memref<8320xi32, #tpu.memory_space<hbm>>) dst(%arg6 : memref<8320xi32, #tpu.memory_space<vmem>>)
      tpu.yield
    }) : () -> ()
    "tpu.region"() ({
      %run_scoped3A = tpu.sem_alloc : memref<!tpu.dma_semaphore, #tpu.memory_space<semaphore_mem>>
      %dma_start3A = tpu.memref_slice %arg3[%add3A_264] : memref<4392960xf32, #tpu.memory_space<hbm>> -> memref<8320xf32, #tpu.memory_space<hbm>>
      %dma_start3A_647 = tpu.memref_slice %arg3[%add3A_264] : memref<4392960xf32, #tpu.memory_space<hbm>> -> memref<8320xf32, #tpu.memory_space<hbm>>
      tpu.enqueue_dma source(%dma_start3A_647 : memref<8320xf32, #tpu.memory_space<hbm>>) target(%arg7 : memref<8320xf32, #tpu.memory_space<vmem>>) target_semaphore(%run_scoped3A : memref<!tpu.dma_semaphore, #tpu.memory_space<semaphore_mem>>)
      %dma_wait3A = tpu.memref_slice %arg3[%add3A_264] : memref<4392960xf32, #tpu.memory_space<hbm>> -> memref<8320xf32, #tpu.memory_space<hbm>>
      %dma_wait3A_648 = tpu.memref_slice %arg3[%add3A_264] : memref<4392960xf32, #tpu.memory_space<hbm>> -> memref<8320xf32, #tpu.memory_space<hbm>>
      tpu.wait_dma2 semaphore(%run_scoped3A : memref<!tpu.dma_semaphore, #tpu.memory_space<semaphore_mem>>) src(%dma_wait3A_648 : memref<8320xf32, #tpu.memory_space<hbm>>) dst(%arg7 : memref<8320xf32, #tpu.memory_space<vmem>>)
      tpu.yield
    }) : () -> ()
    %scan3A_265 = arith.constant 0 : i32
    %scan3A_266 = arith.constant 0 : i32
    %scan3A_267 = arith.constant 520 : i32
    %scan3A_268 = arith.addi %scan3A_266, %scan3A_267 : i32
    %scan3A_269 = arith.constant 1 : i32
    scf.for %scan3A_647 = %scan3A_266 to %scan3A_268 step %scan3A_269  : i32 {
      %mul3A_648 = arith.constant 16 : i32
      %mul3A_649 = arith.muli %scan3A_647, %mul3A_648 : i32
      %get3A = arith.index_cast %mul3A_649 : i32 to index
      %get3A_650 = tpu.vector_load %arg6[%get3A] {strides = array<i32>} : memref<8320xi32, #tpu.memory_space<vmem>>, vector<16xi32>,
      %sub3A_651 = vector.broadcast %mul3A_4 : i32 to vector<16xi32>
      %sub3A_652 = arith.subi %get3A_650, %sub3A_651 : vector<16xi32>
      %get3A_653 = arith.index_cast %mul3A_649 : i32 to index
      %get3A_654 = tpu.vector_load %arg7[%get3A_653] {strides = array<i32>} : memref<8320xf32, #tpu.memory_space<vmem>>, vector<16xf32>,
      %ge3A = arith.constant 0 : i32
      %ge3A_655 = vector.broadcast %ge3A : i32 to vector<16xi32>
      %ge3A_656 = arith.cmpi sge, %sub3A_652, %ge3A_655 : vector<16xi32>
      %lt3A = arith.constant 67600 : i32
      %lt3A_657 = vector.broadcast %lt3A : i32 to vector<16xi32>
      %lt3A_658 = arith.cmpi slt, %sub3A_652, %lt3A_657 : vector<16xi32>
      %and3A_659 = arith.andi %ge3A_656, %lt3A_658 : vector<16xi1>
      %jit3A_660 = arith.constant 0 : i32
      %jit3A_661 = arith.constant 67599 : i32
      %max3A_662 = vector.broadcast %jit3A_660 : i32 to vector<16xi32>
      %max3A_663 = arith.maxsi %max3A_662, %sub3A_652 : vector<16xi32>
      %min3A = vector.broadcast %jit3A_661 : i32 to vector<16xi32>
      %min3A_664 = arith.minsi %min3A, %max3A_663 : vector<16xi32>
      tpu.vector_store_idx %arg5[%min3A_664], %get3A_654 masked %and3A_659 {add = true} : memref<67600xf32, #tpu.memory_space<vmem>>[vector<16xi32>], vector<16xf32>, vector<16xi1>
    }
    %scan3A_270 = arith.constant 520 : i32
    %add3A_271 = arith.constant 2 : i32
    %add3A_272 = arith.addi %select_n3A, %add3A_271 : i32
    %mul3A_273 = arith.constant 66560 : i32
    %mul3A_274 = arith.muli %add3A_272, %mul3A_273 : i32
    %add3A_275 = arith.constant 33280 : i32
    %add3A_276 = arith.addi %mul3A_274, %add3A_275 : i32
    "tpu.region"() ({
      %run_scoped3A = tpu.sem_alloc : memref<!tpu.dma_semaphore, #tpu.memory_space<semaphore_mem>>
      %dma_start3A = tpu.memref_slice %arg2[%add3A_276] : memref<4392960xi32, #tpu.memory_space<hbm>> -> memref<8320xi32, #tpu.memory_space<hbm>>
      %dma_start3A_647 = tpu.memref_slice %arg2[%add3A_276] : memref<4392960xi32, #tpu.memory_space<hbm>> -> memref<8320xi32, #tpu.memory_space<hbm>>
      tpu.enqueue_dma source(%dma_start3A_647 : memref<8320xi32, #tpu.memory_space<hbm>>) target(%arg6 : memref<8320xi32, #tpu.memory_space<vmem>>) target_semaphore(%run_scoped3A : memref<!tpu.dma_semaphore, #tpu.memory_space<semaphore_mem>>)
      %dma_wait3A = tpu.memref_slice %arg2[%add3A_276] : memref<4392960xi32, #tpu.memory_space<hbm>> -> memref<8320xi32, #tpu.memory_space<hbm>>
      %dma_wait3A_648 = tpu.memref_slice %arg2[%add3A_276] : memref<4392960xi32, #tpu.memory_space<hbm>> -> memref<8320xi32, #tpu.memory_space<hbm>>
      tpu.wait_dma2 semaphore(%run_scoped3A : memref<!tpu.dma_semaphore, #tpu.memory_space<semaphore_mem>>) src(%dma_wait3A_648 : memref<8320xi32, #tpu.memory_space<hbm>>) dst(%arg6 : memref<8320xi32, #tpu.memory_space<vmem>>)
      tpu.yield
    }) : () -> ()
    "tpu.region"() ({
      %run_scoped3A = tpu.sem_alloc : memref<!tpu.dma_semaphore, #tpu.memory_space<semaphore_mem>>
      %dma_start3A = tpu.memref_slice %arg3[%add3A_276] : memref<4392960xf32, #tpu.memory_space<hbm>> -> memref<8320xf32, #tpu.memory_space<hbm>>
      %dma_start3A_647 = tpu.memref_slice %arg3[%add3A_276] : memref<4392960xf32, #tpu.memory_space<hbm>> -> memref<8320xf32, #tpu.memory_space<hbm>>
      tpu.enqueue_dma source(%dma_start3A_647 : memref<8320xf32, #tpu.memory_space<hbm>>) target(%arg7 : memref<8320xf32, #tpu.memory_space<vmem>>) target_semaphore(%run_scoped3A : memref<!tpu.dma_semaphore, #tpu.memory_space<semaphore_mem>>)
      %dma_wait3A = tpu.memref_slice %arg3[%add3A_276] : memref<4392960xf32, #tpu.memory_space<hbm>> -> memref<8320xf32, #tpu.memory_space<hbm>>
      %dma_wait3A_648 = tpu.memref_slice %arg3[%add3A_276] : memref<4392960xf32, #tpu.memory_space<hbm>> -> memref<8320xf32, #tpu.memory_space<hbm>>
      tpu.wait_dma2 semaphore(%run_scoped3A : memref<!tpu.dma_semaphore, #tpu.memory_space<semaphore_mem>>) src(%dma_wait3A_648 : memref<8320xf32, #tpu.memory_space<hbm>>) dst(%arg7 : memref<8320xf32, #tpu.memory_space<vmem>>)
      tpu.yield
    }) : () -> ()
    %scan3A_277 = arith.constant 0 : i32
    %scan3A_278 = arith.constant 0 : i32
    %scan3A_279 = arith.constant 520 : i32
    %scan3A_280 = arith.addi %scan3A_278, %scan3A_279 : i32
    %scan3A_281 = arith.constant 1 : i32
    scf.for %scan3A_647 = %scan3A_278 to %scan3A_280 step %scan3A_281  : i32 {
      %mul3A_648 = arith.constant 16 : i32
      %mul3A_649 = arith.muli %scan3A_647, %mul3A_648 : i32
      %get3A = arith.index_cast %mul3A_649 : i32 to index
      %get3A_650 = tpu.vector_load %arg6[%get3A] {strides = array<i32>} : memref<8320xi32, #tpu.memory_space<vmem>>, vector<16xi32>,
      %sub3A_651 = vector.broadcast %mul3A_4 : i32 to vector<16xi32>
      %sub3A_652 = arith.subi %get3A_650, %sub3A_651 : vector<16xi32>
      %get3A_653 = arith.index_cast %mul3A_649 : i32 to index
      %get3A_654 = tpu.vector_load %arg7[%get3A_653] {strides = array<i32>} : memref<8320xf32, #tpu.memory_space<vmem>>, vector<16xf32>,
      %ge3A = arith.constant 0 : i32
      %ge3A_655 = vector.broadcast %ge3A : i32 to vector<16xi32>
      %ge3A_656 = arith.cmpi sge, %sub3A_652, %ge3A_655 : vector<16xi32>
      %lt3A = arith.constant 67600 : i32
      %lt3A_657 = vector.broadcast %lt3A : i32 to vector<16xi32>
      %lt3A_658 = arith.cmpi slt, %sub3A_652, %lt3A_657 : vector<16xi32>
      %and3A_659 = arith.andi %ge3A_656, %lt3A_658 : vector<16xi1>
      %jit3A_660 = arith.constant 0 : i32
      %jit3A_661 = arith.constant 67599 : i32
      %max3A_662 = vector.broadcast %jit3A_660 : i32 to vector<16xi32>
      %max3A_663 = arith.maxsi %max3A_662, %sub3A_652 : vector<16xi32>
      %min3A = vector.broadcast %jit3A_661 : i32 to vector<16xi32>
      %min3A_664 = arith.minsi %min3A, %max3A_663 : vector<16xi32>
      tpu.vector_store_idx %arg5[%min3A_664], %get3A_654 masked %and3A_659 {add = true} : memref<67600xf32, #tpu.memory_space<vmem>>[vector<16xi32>], vector<16xf32>, vector<16xi1>
    }
    %scan3A_282 = arith.constant 520 : i32
    %add3A_283 = arith.constant 2 : i32
    %add3A_284 = arith.addi %select_n3A, %add3A_283 : i32
    %mul3A_285 = arith.constant 66560 : i32
    %mul3A_286 = arith.muli %add3A_284, %mul3A_285 : i32
    %add3A_287 = arith.constant 41600 : i32
    %add3A_288 = arith.addi %mul3A_286, %add3A_287 : i32
    "tpu.region"() ({
      %run_scoped3A = tpu.sem_alloc : memref<!tpu.dma_semaphore, #tpu.memory_space<semaphore_mem>>
      %dma_start3A = tpu.memref_slice %arg2[%add3A_288] : memref<4392960xi32, #tpu.memory_space<hbm>> -> memref<8320xi32, #tpu.memory_space<hbm>>
      %dma_start3A_647 = tpu.memref_slice %arg2[%add3A_288] : memref<4392960xi32, #tpu.memory_space<hbm>> -> memref<8320xi32, #tpu.memory_space<hbm>>
      tpu.enqueue_dma source(%dma_start3A_647 : memref<8320xi32, #tpu.memory_space<hbm>>) target(%arg6 : memref<8320xi32, #tpu.memory_space<vmem>>) target_semaphore(%run_scoped3A : memref<!tpu.dma_semaphore, #tpu.memory_space<semaphore_mem>>)
      %dma_wait3A = tpu.memref_slice %arg2[%add3A_288] : memref<4392960xi32, #tpu.memory_space<hbm>> -> memref<8320xi32, #tpu.memory_space<hbm>>
      %dma_wait3A_648 = tpu.memref_slice %arg2[%add3A_288] : memref<4392960xi32, #tpu.memory_space<hbm>> -> memref<8320xi32, #tpu.memory_space<hbm>>
      tpu.wait_dma2 semaphore(%run_scoped3A : memref<!tpu.dma_semaphore, #tpu.memory_space<semaphore_mem>>) src(%dma_wait3A_648 : memref<8320xi32, #tpu.memory_space<hbm>>) dst(%arg6 : memref<8320xi32, #tpu.memory_space<vmem>>)
      tpu.yield
    }) : () -> ()
    "tpu.region"() ({
      %run_scoped3A = tpu.sem_alloc : memref<!tpu.dma_semaphore, #tpu.memory_space<semaphore_mem>>
      %dma_start3A = tpu.memref_slice %arg3[%add3A_288] : memref<4392960xf32, #tpu.memory_space<hbm>> -> memref<8320xf32, #tpu.memory_space<hbm>>
      %dma_start3A_647 = tpu.memref_slice %arg3[%add3A_288] : memref<4392960xf32, #tpu.memory_space<hbm>> -> memref<8320xf32, #tpu.memory_space<hbm>>
      tpu.enqueue_dma source(%dma_start3A_647 : memref<8320xf32, #tpu.memory_space<hbm>>) target(%arg7 : memref<8320xf32, #tpu.memory_space<vmem>>) target_semaphore(%run_scoped3A : memref<!tpu.dma_semaphore, #tpu.memory_space<semaphore_mem>>)
      %dma_wait3A = tpu.memref_slice %arg3[%add3A_288] : memref<4392960xf32, #tpu.memory_space<hbm>> -> memref<8320xf32, #tpu.memory_space<hbm>>
      %dma_wait3A_648 = tpu.memref_slice %arg3[%add3A_288] : memref<4392960xf32, #tpu.memory_space<hbm>> -> memref<8320xf32, #tpu.memory_space<hbm>>
      tpu.wait_dma2 semaphore(%run_scoped3A : memref<!tpu.dma_semaphore, #tpu.memory_space<semaphore_mem>>) src(%dma_wait3A_648 : memref<8320xf32, #tpu.memory_space<hbm>>) dst(%arg7 : memref<8320xf32, #tpu.memory_space<vmem>>)
      tpu.yield
    }) : () -> ()
    %scan3A_289 = arith.constant 0 : i32
    %scan3A_290 = arith.constant 0 : i32
    %scan3A_291 = arith.constant 520 : i32
    %scan3A_292 = arith.addi %scan3A_290, %scan3A_291 : i32
    %scan3A_293 = arith.constant 1 : i32
    scf.for %scan3A_647 = %scan3A_290 to %scan3A_292 step %scan3A_293  : i32 {
      %mul3A_648 = arith.constant 16 : i32
      %mul3A_649 = arith.muli %scan3A_647, %mul3A_648 : i32
      %get3A = arith.index_cast %mul3A_649 : i32 to index
      %get3A_650 = tpu.vector_load %arg6[%get3A] {strides = array<i32>} : memref<8320xi32, #tpu.memory_space<vmem>>, vector<16xi32>,
      %sub3A_651 = vector.broadcast %mul3A_4 : i32 to vector<16xi32>
      %sub3A_652 = arith.subi %get3A_650, %sub3A_651 : vector<16xi32>
      %get3A_653 = arith.index_cast %mul3A_649 : i32 to index
      %get3A_654 = tpu.vector_load %arg7[%get3A_653] {strides = array<i32>} : memref<8320xf32, #tpu.memory_space<vmem>>, vector<16xf32>,
      %ge3A = arith.constant 0 : i32
      %ge3A_655 = vector.broadcast %ge3A : i32 to vector<16xi32>
      %ge3A_656 = arith.cmpi sge, %sub3A_652, %ge3A_655 : vector<16xi32>
      %lt3A = arith.constant 67600 : i32
      %lt3A_657 = vector.broadcast %lt3A : i32 to vector<16xi32>
      %lt3A_658 = arith.cmpi slt, %sub3A_652, %lt3A_657 : vector<16xi32>
      %and3A_659 = arith.andi %ge3A_656, %lt3A_658 : vector<16xi1>
      %jit3A_660 = arith.constant 0 : i32
      %jit3A_661 = arith.constant 67599 : i32
      %max3A_662 = vector.broadcast %jit3A_660 : i32 to vector<16xi32>
      %max3A_663 = arith.maxsi %max3A_662, %sub3A_652 : vector<16xi32>
      %min3A = vector.broadcast %jit3A_661 : i32 to vector<16xi32>
      %min3A_664 = arith.minsi %min3A, %max3A_663 : vector<16xi32>
      tpu.vector_store_idx %arg5[%min3A_664], %get3A_654 masked %and3A_659 {add = true} : memref<67600xf32, #tpu.memory_space<vmem>>[vector<16xi32>], vector<16xf32>, vector<16xi1>
    }
    %scan3A_294 = arith.constant 520 : i32
    %add3A_295 = arith.constant 2 : i32
    %add3A_296 = arith.addi %select_n3A, %add3A_295 : i32
    %mul3A_297 = arith.constant 66560 : i32
    %mul3A_298 = arith.muli %add3A_296, %mul3A_297 : i32
    %add3A_299 = arith.constant 49920 : i32
    %add3A_300 = arith.addi %mul3A_298, %add3A_299 : i32
    "tpu.region"() ({
      %run_scoped3A = tpu.sem_alloc : memref<!tpu.dma_semaphore, #tpu.memory_space<semaphore_mem>>
      %dma_start3A = tpu.memref_slice %arg2[%add3A_300] : memref<4392960xi32, #tpu.memory_space<hbm>> -> memref<8320xi32, #tpu.memory_space<hbm>>
      %dma_start3A_647 = tpu.memref_slice %arg2[%add3A_300] : memref<4392960xi32, #tpu.memory_space<hbm>> -> memref<8320xi32, #tpu.memory_space<hbm>>
      tpu.enqueue_dma source(%dma_start3A_647 : memref<8320xi32, #tpu.memory_space<hbm>>) target(%arg6 : memref<8320xi32, #tpu.memory_space<vmem>>) target_semaphore(%run_scoped3A : memref<!tpu.dma_semaphore, #tpu.memory_space<semaphore_mem>>)
      %dma_wait3A = tpu.memref_slice %arg2[%add3A_300] : memref<4392960xi32, #tpu.memory_space<hbm>> -> memref<8320xi32, #tpu.memory_space<hbm>>
      %dma_wait3A_648 = tpu.memref_slice %arg2[%add3A_300] : memref<4392960xi32, #tpu.memory_space<hbm>> -> memref<8320xi32, #tpu.memory_space<hbm>>
      tpu.wait_dma2 semaphore(%run_scoped3A : memref<!tpu.dma_semaphore, #tpu.memory_space<semaphore_mem>>) src(%dma_wait3A_648 : memref<8320xi32, #tpu.memory_space<hbm>>) dst(%arg6 : memref<8320xi32, #tpu.memory_space<vmem>>)
      tpu.yield
    }) : () -> ()
    "tpu.region"() ({
      %run_scoped3A = tpu.sem_alloc : memref<!tpu.dma_semaphore, #tpu.memory_space<semaphore_mem>>
      %dma_start3A = tpu.memref_slice %arg3[%add3A_300] : memref<4392960xf32, #tpu.memory_space<hbm>> -> memref<8320xf32, #tpu.memory_space<hbm>>
      %dma_start3A_647 = tpu.memref_slice %arg3[%add3A_300] : memref<4392960xf32, #tpu.memory_space<hbm>> -> memref<8320xf32, #tpu.memory_space<hbm>>
      tpu.enqueue_dma source(%dma_start3A_647 : memref<8320xf32, #tpu.memory_space<hbm>>) target(%arg7 : memref<8320xf32, #tpu.memory_space<vmem>>) target_semaphore(%run_scoped3A : memref<!tpu.dma_semaphore, #tpu.memory_space<semaphore_mem>>)
      %dma_wait3A = tpu.memref_slice %arg3[%add3A_300] : memref<4392960xf32, #tpu.memory_space<hbm>> -> memref<8320xf32, #tpu.memory_space<hbm>>
      %dma_wait3A_648 = tpu.memref_slice %arg3[%add3A_300] : memref<4392960xf32, #tpu.memory_space<hbm>> -> memref<8320xf32, #tpu.memory_space<hbm>>
      tpu.wait_dma2 semaphore(%run_scoped3A : memref<!tpu.dma_semaphore, #tpu.memory_space<semaphore_mem>>) src(%dma_wait3A_648 : memref<8320xf32, #tpu.memory_space<hbm>>) dst(%arg7 : memref<8320xf32, #tpu.memory_space<vmem>>)
      tpu.yield
    }) : () -> ()
    %scan3A_301 = arith.constant 0 : i32
    %scan3A_302 = arith.constant 0 : i32
    %scan3A_303 = arith.constant 520 : i32
    %scan3A_304 = arith.addi %scan3A_302, %scan3A_303 : i32
    %scan3A_305 = arith.constant 1 : i32
    scf.for %scan3A_647 = %scan3A_302 to %scan3A_304 step %scan3A_305  : i32 {
      %mul3A_648 = arith.constant 16 : i32
      %mul3A_649 = arith.muli %scan3A_647, %mul3A_648 : i32
      %get3A = arith.index_cast %mul3A_649 : i32 to index
      %get3A_650 = tpu.vector_load %arg6[%get3A] {strides = array<i32>} : memref<8320xi32, #tpu.memory_space<vmem>>, vector<16xi32>,
      %sub3A_651 = vector.broadcast %mul3A_4 : i32 to vector<16xi32>
      %sub3A_652 = arith.subi %get3A_650, %sub3A_651 : vector<16xi32>
      %get3A_653 = arith.index_cast %mul3A_649 : i32 to index
      %get3A_654 = tpu.vector_load %arg7[%get3A_653] {strides = array<i32>} : memref<8320xf32, #tpu.memory_space<vmem>>, vector<16xf32>,
      %ge3A = arith.constant 0 : i32
      %ge3A_655 = vector.broadcast %ge3A : i32 to vector<16xi32>
      %ge3A_656 = arith.cmpi sge, %sub3A_652, %ge3A_655 : vector<16xi32>
      %lt3A = arith.constant 67600 : i32
      %lt3A_657 = vector.broadcast %lt3A : i32 to vector<16xi32>
      %lt3A_658 = arith.cmpi slt, %sub3A_652, %lt3A_657 : vector<16xi32>
      %and3A_659 = arith.andi %ge3A_656, %lt3A_658 : vector<16xi1>
      %jit3A_660 = arith.constant 0 : i32
      %jit3A_661 = arith.constant 67599 : i32
      %max3A_662 = vector.broadcast %jit3A_660 : i32 to vector<16xi32>
      %max3A_663 = arith.maxsi %max3A_662, %sub3A_652 : vector<16xi32>
      %min3A = vector.broadcast %jit3A_661 : i32 to vector<16xi32>
      %min3A_664 = arith.minsi %min3A, %max3A_663 : vector<16xi32>
      tpu.vector_store_idx %arg5[%min3A_664], %get3A_654 masked %and3A_659 {add = true} : memref<67600xf32, #tpu.memory_space<vmem>>[vector<16xi32>], vector<16xf32>, vector<16xi1>
    }
    %scan3A_306 = arith.constant 520 : i32
    %add3A_307 = arith.constant 2 : i32
    %add3A_308 = arith.addi %select_n3A, %add3A_307 : i32
    %mul3A_309 = arith.constant 66560 : i32
    %mul3A_310 = arith.muli %add3A_308, %mul3A_309 : i32
    %add3A_311 = arith.constant 58240 : i32
    %add3A_312 = arith.addi %mul3A_310, %add3A_311 : i32
    "tpu.region"() ({
      %run_scoped3A = tpu.sem_alloc : memref<!tpu.dma_semaphore, #tpu.memory_space<semaphore_mem>>
      %dma_start3A = tpu.memref_slice %arg2[%add3A_312] : memref<4392960xi32, #tpu.memory_space<hbm>> -> memref<8320xi32, #tpu.memory_space<hbm>>
      %dma_start3A_647 = tpu.memref_slice %arg2[%add3A_312] : memref<4392960xi32, #tpu.memory_space<hbm>> -> memref<8320xi32, #tpu.memory_space<hbm>>
      tpu.enqueue_dma source(%dma_start3A_647 : memref<8320xi32, #tpu.memory_space<hbm>>) target(%arg6 : memref<8320xi32, #tpu.memory_space<vmem>>) target_semaphore(%run_scoped3A : memref<!tpu.dma_semaphore, #tpu.memory_space<semaphore_mem>>)
      %dma_wait3A = tpu.memref_slice %arg2[%add3A_312] : memref<4392960xi32, #tpu.memory_space<hbm>> -> memref<8320xi32, #tpu.memory_space<hbm>>
      %dma_wait3A_648 = tpu.memref_slice %arg2[%add3A_312] : memref<4392960xi32, #tpu.memory_space<hbm>> -> memref<8320xi32, #tpu.memory_space<hbm>>
      tpu.wait_dma2 semaphore(%run_scoped3A : memref<!tpu.dma_semaphore, #tpu.memory_space<semaphore_mem>>) src(%dma_wait3A_648 : memref<8320xi32, #tpu.memory_space<hbm>>) dst(%arg6 : memref<8320xi32, #tpu.memory_space<vmem>>)
      tpu.yield
    }) : () -> ()
    "tpu.region"() ({
      %run_scoped3A = tpu.sem_alloc : memref<!tpu.dma_semaphore, #tpu.memory_space<semaphore_mem>>
      %dma_start3A = tpu.memref_slice %arg3[%add3A_312] : memref<4392960xf32, #tpu.memory_space<hbm>> -> memref<8320xf32, #tpu.memory_space<hbm>>
      %dma_start3A_647 = tpu.memref_slice %arg3[%add3A_312] : memref<4392960xf32, #tpu.memory_space<hbm>> -> memref<8320xf32, #tpu.memory_space<hbm>>
      tpu.enqueue_dma source(%dma_start3A_647 : memref<8320xf32, #tpu.memory_space<hbm>>) target(%arg7 : memref<8320xf32, #tpu.memory_space<vmem>>) target_semaphore(%run_scoped3A : memref<!tpu.dma_semaphore, #tpu.memory_space<semaphore_mem>>)
      %dma_wait3A = tpu.memref_slice %arg3[%add3A_312] : memref<4392960xf32, #tpu.memory_space<hbm>> -> memref<8320xf32, #tpu.memory_space<hbm>>
      %dma_wait3A_648 = tpu.memref_slice %arg3[%add3A_312] : memref<4392960xf32, #tpu.memory_space<hbm>> -> memref<8320xf32, #tpu.memory_space<hbm>>
      tpu.wait_dma2 semaphore(%run_scoped3A : memref<!tpu.dma_semaphore, #tpu.memory_space<semaphore_mem>>) src(%dma_wait3A_648 : memref<8320xf32, #tpu.memory_space<hbm>>) dst(%arg7 : memref<8320xf32, #tpu.memory_space<vmem>>)
      tpu.yield
    }) : () -> ()
    %scan3A_313 = arith.constant 0 : i32
    %scan3A_314 = arith.constant 0 : i32
    %scan3A_315 = arith.constant 520 : i32
    %scan3A_316 = arith.addi %scan3A_314, %scan3A_315 : i32
    %scan3A_317 = arith.constant 1 : i32
    scf.for %scan3A_647 = %scan3A_314 to %scan3A_316 step %scan3A_317  : i32 {
      %mul3A_648 = arith.constant 16 : i32
      %mul3A_649 = arith.muli %scan3A_647, %mul3A_648 : i32
      %get3A = arith.index_cast %mul3A_649 : i32 to index
      %get3A_650 = tpu.vector_load %arg6[%get3A] {strides = array<i32>} : memref<8320xi32, #tpu.memory_space<vmem>>, vector<16xi32>,
      %sub3A_651 = vector.broadcast %mul3A_4 : i32 to vector<16xi32>
      %sub3A_652 = arith.subi %get3A_650, %sub3A_651 : vector<16xi32>
      %get3A_653 = arith.index_cast %mul3A_649 : i32 to index
      %get3A_654 = tpu.vector_load %arg7[%get3A_653] {strides = array<i32>} : memref<8320xf32, #tpu.memory_space<vmem>>, vector<16xf32>,
      %ge3A = arith.constant 0 : i32
      %ge3A_655 = vector.broadcast %ge3A : i32 to vector<16xi32>
      %ge3A_656 = arith.cmpi sge, %sub3A_652, %ge3A_655 : vector<16xi32>
      %lt3A = arith.constant 67600 : i32
      %lt3A_657 = vector.broadcast %lt3A : i32 to vector<16xi32>
      %lt3A_658 = arith.cmpi slt, %sub3A_652, %lt3A_657 : vector<16xi32>
      %and3A_659 = arith.andi %ge3A_656, %lt3A_658 : vector<16xi1>
      %jit3A_660 = arith.constant 0 : i32
      %jit3A_661 = arith.constant 67599 : i32
      %max3A_662 = vector.broadcast %jit3A_660 : i32 to vector<16xi32>
      %max3A_663 = arith.maxsi %max3A_662, %sub3A_652 : vector<16xi32>
      %min3A = vector.broadcast %jit3A_661 : i32 to vector<16xi32>
      %min3A_664 = arith.minsi %min3A, %max3A_663 : vector<16xi32>
      tpu.vector_store_idx %arg5[%min3A_664], %get3A_654 masked %and3A_659 {add = true} : memref<67600xf32, #tpu.memory_space<vmem>>[vector<16xi32>], vector<16xf32>, vector<16xi1>
    }
    %scan3A_318 = arith.constant 520 : i32
    "tpu.region"() ({
      %run_scoped3A = tpu.sem_alloc : memref<!tpu.dma_semaphore, #tpu.memory_space<semaphore_mem>>
      %dma_start3A = tpu.memref_slice %arg4[%mul3A_4] : memref<4326400xf32, #tpu.memory_space<hbm>> -> memref<67600xf32, #tpu.memory_space<hbm>>
      %dma_start3A_647 = tpu.memref_slice %arg4[%mul3A_4] : memref<4326400xf32, #tpu.memory_space<hbm>> -> memref<67600xf32, #tpu.memory_space<hbm>>
      tpu.enqueue_dma source(%arg5 : memref<67600xf32, #tpu.memory_space<vmem>>) target(%dma_start3A_647 : memref<67600xf32, #tpu.memory_space<hbm>>) target_semaphore(%run_scoped3A : memref<!tpu.dma_semaphore, #tpu.memory_space<semaphore_mem>>)
      %dma_wait3A = tpu.memref_slice %arg4[%mul3A_4] : memref<4326400xf32, #tpu.memory_space<hbm>> -> memref<67600xf32, #tpu.memory_space<hbm>>
      %dma_wait3A_648 = tpu.memref_slice %arg4[%mul3A_4] : memref<4326400xf32, #tpu.memory_space<hbm>> -> memref<67600xf32, #tpu.memory_space<hbm>>
      tpu.wait_dma2 semaphore(%run_scoped3A : memref<!tpu.dma_semaphore, #tpu.memory_space<semaphore_mem>>) src(%arg5 : memref<67600xf32, #tpu.memory_space<vmem>>) dst(%dma_wait3A_648 : memref<67600xf32, #tpu.memory_space<hbm>>)
      tpu.yield
    }) : () -> ()
    %add3A_319 = arith.constant 32 : i32
    %add3A_320 = arith.addi %add3A, %add3A_319 : i32
    %mul3A_321 = arith.constant 67600 : i32
    %mul3A_322 = arith.muli %add3A_320, %mul3A_321 : i32
    %scan3A_323 = arith.constant 0 : i32
    %scan3A_324 = arith.constant 0 : i32
    %scan3A_325 = arith.constant 4225 : i32
    %scan3A_326 = arith.addi %scan3A_324, %scan3A_325 : i32
    %scan3A_327 = arith.constant 1 : i32
    scf.for %scan3A_647 = %scan3A_324 to %scan3A_326 step %scan3A_327  : i32 {
      %broadcast_in_dim3A = arith.constant 0.000000e+00 : f32
      %broadcast_in_dim3A_648 = vector.broadcast %broadcast_in_dim3A : f32 to vector<16xf32>
      %mul3A_649 = arith.constant 16 : i32
      %mul3A_650 = arith.muli %scan3A_647, %mul3A_649 : i32
      %swap3A = arith.index_cast %mul3A_650 : i32 to index
      %swap3A_651 = tpu.vector_load %arg5[%swap3A] {strides = array<i32>} : memref<67600xf32, #tpu.memory_space<vmem>>, vector<16xf32>,
      tpu.vector_store %arg5[%swap3A], %broadcast_in_dim3A_648 {strides = array<i32>} : memref<67600xf32, #tpu.memory_space<vmem>>, vector<16xf32>,
    }
    %scan3A_328 = arith.constant 4225 : i32
    %mul3A_329 = arith.constant 130 : i32
    %mul3A_330 = arith.muli %add3A_320, %mul3A_329 : i32
    %sub3A_331 = arith.constant 8 : i32
    %sub3A_332 = arith.subi %mul3A_330, %sub3A_331 : i32
    %max3A_333 = arith.constant 0 : i32
    %max3A_334 = arith.maxsi %sub3A_332, %max3A_333 : i32
    %jit3A_335 = arith.constant 128 : i32
    %div3A_336 = arith.divsi %max3A_334, %jit3A_335 : i32
    %sign3A_337 = arith.constant 0 : i32
    %sign3A_338 = arith.cmpi sgt, %max3A_334, %sign3A_337 : i32
    %sign3A_339 = arith.extui %sign3A_338 : i1 to i32
    %sign3A_340 = arith.constant 0 : i32
    %sign3A_341 = arith.cmpi slt, %max3A_334, %sign3A_340 : i32
    %sign3A_342 = arith.extui %sign3A_341 : i1 to i32
    %sign3A_343 = arith.subi %sign3A_339, %sign3A_342 : i32
    %sign3A_344 = arith.constant 0 : i32
    %sign3A_345 = arith.cmpi sgt, %jit3A_335, %sign3A_344 : i32
    %sign3A_346 = arith.extui %sign3A_345 : i1 to i32
    %sign3A_347 = arith.constant 0 : i32
    %sign3A_348 = arith.cmpi slt, %jit3A_335, %sign3A_347 : i32
    %sign3A_349 = arith.extui %sign3A_348 : i1 to i32
    %sign3A_350 = arith.subi %sign3A_346, %sign3A_349 : i32
    %ne3A_351 = arith.cmpi ne, %sign3A_343, %sign3A_350 : i32
    %rem3A_352 = arith.remsi %max3A_334, %jit3A_335 : i32
    %ne3A_353 = arith.constant 0 : i32
    %ne3A_354 = arith.cmpi ne, %rem3A_352, %ne3A_353 : i32
    %and3A_355 = arith.andi %ne3A_351, %ne3A_354 : i1
    %sub3A_356 = arith.constant 1 : i32
    %sub3A_357 = arith.subi %div3A_336, %sub3A_356 : i32
    %select_n3A_358 = arith.select %and3A_355, %sub3A_357, %div3A_336 : i32
    %add3A_359 = arith.constant 0 : i32
    %add3A_360 = arith.addi %select_n3A_358, %add3A_359 : i32
    %mul3A_361 = arith.constant 66560 : i32
    %mul3A_362 = arith.muli %add3A_360, %mul3A_361 : i32
    %add3A_363 = arith.constant 0 : i32
    %add3A_364 = arith.addi %mul3A_362, %add3A_363 : i32
    "tpu.region"() ({
      %run_scoped3A = tpu.sem_alloc : memref<!tpu.dma_semaphore, #tpu.memory_space<semaphore_mem>>
      %dma_start3A = tpu.memref_slice %arg2[%add3A_364] : memref<4392960xi32, #tpu.memory_space<hbm>> -> memref<8320xi32, #tpu.memory_space<hbm>>
      %dma_start3A_647 = tpu.memref_slice %arg2[%add3A_364] : memref<4392960xi32, #tpu.memory_space<hbm>> -> memref<8320xi32, #tpu.memory_space<hbm>>
      tpu.enqueue_dma source(%dma_start3A_647 : memref<8320xi32, #tpu.memory_space<hbm>>) target(%arg6 : memref<8320xi32, #tpu.memory_space<vmem>>) target_semaphore(%run_scoped3A : memref<!tpu.dma_semaphore, #tpu.memory_space<semaphore_mem>>)
      %dma_wait3A = tpu.memref_slice %arg2[%add3A_364] : memref<4392960xi32, #tpu.memory_space<hbm>> -> memref<8320xi32, #tpu.memory_space<hbm>>
      %dma_wait3A_648 = tpu.memref_slice %arg2[%add3A_364] : memref<4392960xi32, #tpu.memory_space<hbm>> -> memref<8320xi32, #tpu.memory_space<hbm>>
      tpu.wait_dma2 semaphore(%run_scoped3A : memref<!tpu.dma_semaphore, #tpu.memory_space<semaphore_mem>>) src(%dma_wait3A_648 : memref<8320xi32, #tpu.memory_space<hbm>>) dst(%arg6 : memref<8320xi32, #tpu.memory_space<vmem>>)
      tpu.yield
    }) : () -> ()
    "tpu.region"() ({
      %run_scoped3A = tpu.sem_alloc : memref<!tpu.dma_semaphore, #tpu.memory_space<semaphore_mem>>
      %dma_start3A = tpu.memref_slice %arg3[%add3A_364] : memref<4392960xf32, #tpu.memory_space<hbm>> -> memref<8320xf32, #tpu.memory_space<hbm>>
      %dma_start3A_647 = tpu.memref_slice %arg3[%add3A_364] : memref<4392960xf32, #tpu.memory_space<hbm>> -> memref<8320xf32, #tpu.memory_space<hbm>>
      tpu.enqueue_dma source(%dma_start3A_647 : memref<8320xf32, #tpu.memory_space<hbm>>) target(%arg7 : memref<8320xf32, #tpu.memory_space<vmem>>) target_semaphore(%run_scoped3A : memref<!tpu.dma_semaphore, #tpu.memory_space<semaphore_mem>>)
      %dma_wait3A = tpu.memref_slice %arg3[%add3A_364] : memref<4392960xf32, #tpu.memory_space<hbm>> -> memref<8320xf32, #tpu.memory_space<hbm>>
      %dma_wait3A_648 = tpu.memref_slice %arg3[%add3A_364] : memref<4392960xf32, #tpu.memory_space<hbm>> -> memref<8320xf32, #tpu.memory_space<hbm>>
      tpu.wait_dma2 semaphore(%run_scoped3A : memref<!tpu.dma_semaphore, #tpu.memory_space<semaphore_mem>>) src(%dma_wait3A_648 : memref<8320xf32, #tpu.memory_space<hbm>>) dst(%arg7 : memref<8320xf32, #tpu.memory_space<vmem>>)
      tpu.yield
    }) : () -> ()
    %scan3A_365 = arith.constant 0 : i32
    %scan3A_366 = arith.constant 0 : i32
    %scan3A_367 = arith.constant 520 : i32
    %scan3A_368 = arith.addi %scan3A_366, %scan3A_367 : i32
    %scan3A_369 = arith.constant 1 : i32
    scf.for %scan3A_647 = %scan3A_366 to %scan3A_368 step %scan3A_369  : i32 {
      %mul3A_648 = arith.constant 16 : i32
      %mul3A_649 = arith.muli %scan3A_647, %mul3A_648 : i32
      %get3A = arith.index_cast %mul3A_649 : i32 to index
      %get3A_650 = tpu.vector_load %arg6[%get3A] {strides = array<i32>} : memref<8320xi32, #tpu.memory_space<vmem>>, vector<16xi32>,
      %sub3A_651 = vector.broadcast %mul3A_322 : i32 to vector<16xi32>
      %sub3A_652 = arith.subi %get3A_650, %sub3A_651 : vector<16xi32>
      %get3A_653 = arith.index_cast %mul3A_649 : i32 to index
      %get3A_654 = tpu.vector_load %arg7[%get3A_653] {strides = array<i32>} : memref<8320xf32, #tpu.memory_space<vmem>>, vector<16xf32>,
      %ge3A = arith.constant 0 : i32
      %ge3A_655 = vector.broadcast %ge3A : i32 to vector<16xi32>
      %ge3A_656 = arith.cmpi sge, %sub3A_652, %ge3A_655 : vector<16xi32>
      %lt3A = arith.constant 67600 : i32
      %lt3A_657 = vector.broadcast %lt3A : i32 to vector<16xi32>
      %lt3A_658 = arith.cmpi slt, %sub3A_652, %lt3A_657 : vector<16xi32>
      %and3A_659 = arith.andi %ge3A_656, %lt3A_658 : vector<16xi1>
      %jit3A_660 = arith.constant 0 : i32
      %jit3A_661 = arith.constant 67599 : i32
      %max3A_662 = vector.broadcast %jit3A_660 : i32 to vector<16xi32>
      %max3A_663 = arith.maxsi %max3A_662, %sub3A_652 : vector<16xi32>
      %min3A = vector.broadcast %jit3A_661 : i32 to vector<16xi32>
      %min3A_664 = arith.minsi %min3A, %max3A_663 : vector<16xi32>
      tpu.vector_store_idx %arg5[%min3A_664], %get3A_654 masked %and3A_659 {add = true} : memref<67600xf32, #tpu.memory_space<vmem>>[vector<16xi32>], vector<16xf32>, vector<16xi1>
    }
    %scan3A_370 = arith.constant 520 : i32
    %add3A_371 = arith.constant 0 : i32
    %add3A_372 = arith.addi %select_n3A_358, %add3A_371 : i32
    %mul3A_373 = arith.constant 66560 : i32
    %mul3A_374 = arith.muli %add3A_372, %mul3A_373 : i32
    %add3A_375 = arith.constant 8320 : i32
    %add3A_376 = arith.addi %mul3A_374, %add3A_375 : i32
    "tpu.region"() ({
      %run_scoped3A = tpu.sem_alloc : memref<!tpu.dma_semaphore, #tpu.memory_space<semaphore_mem>>
      %dma_start3A = tpu.memref_slice %arg2[%add3A_376] : memref<4392960xi32, #tpu.memory_space<hbm>> -> memref<8320xi32, #tpu.memory_space<hbm>>
      %dma_start3A_647 = tpu.memref_slice %arg2[%add3A_376] : memref<4392960xi32, #tpu.memory_space<hbm>> -> memref<8320xi32, #tpu.memory_space<hbm>>
      tpu.enqueue_dma source(%dma_start3A_647 : memref<8320xi32, #tpu.memory_space<hbm>>) target(%arg6 : memref<8320xi32, #tpu.memory_space<vmem>>) target_semaphore(%run_scoped3A : memref<!tpu.dma_semaphore, #tpu.memory_space<semaphore_mem>>)
      %dma_wait3A = tpu.memref_slice %arg2[%add3A_376] : memref<4392960xi32, #tpu.memory_space<hbm>> -> memref<8320xi32, #tpu.memory_space<hbm>>
      %dma_wait3A_648 = tpu.memref_slice %arg2[%add3A_376] : memref<4392960xi32, #tpu.memory_space<hbm>> -> memref<8320xi32, #tpu.memory_space<hbm>>
      tpu.wait_dma2 semaphore(%run_scoped3A : memref<!tpu.dma_semaphore, #tpu.memory_space<semaphore_mem>>) src(%dma_wait3A_648 : memref<8320xi32, #tpu.memory_space<hbm>>) dst(%arg6 : memref<8320xi32, #tpu.memory_space<vmem>>)
      tpu.yield
    }) : () -> ()
    "tpu.region"() ({
      %run_scoped3A = tpu.sem_alloc : memref<!tpu.dma_semaphore, #tpu.memory_space<semaphore_mem>>
      %dma_start3A = tpu.memref_slice %arg3[%add3A_376] : memref<4392960xf32, #tpu.memory_space<hbm>> -> memref<8320xf32, #tpu.memory_space<hbm>>
      %dma_start3A_647 = tpu.memref_slice %arg3[%add3A_376] : memref<4392960xf32, #tpu.memory_space<hbm>> -> memref<8320xf32, #tpu.memory_space<hbm>>
      tpu.enqueue_dma source(%dma_start3A_647 : memref<8320xf32, #tpu.memory_space<hbm>>) target(%arg7 : memref<8320xf32, #tpu.memory_space<vmem>>) target_semaphore(%run_scoped3A : memref<!tpu.dma_semaphore, #tpu.memory_space<semaphore_mem>>)
      %dma_wait3A = tpu.memref_slice %arg3[%add3A_376] : memref<4392960xf32, #tpu.memory_space<hbm>> -> memref<8320xf32, #tpu.memory_space<hbm>>
      %dma_wait3A_648 = tpu.memref_slice %arg3[%add3A_376] : memref<4392960xf32, #tpu.memory_space<hbm>> -> memref<8320xf32, #tpu.memory_space<hbm>>
      tpu.wait_dma2 semaphore(%run_scoped3A : memref<!tpu.dma_semaphore, #tpu.memory_space<semaphore_mem>>) src(%dma_wait3A_648 : memref<8320xf32, #tpu.memory_space<hbm>>) dst(%arg7 : memref<8320xf32, #tpu.memory_space<vmem>>)
      tpu.yield
    }) : () -> ()
    %scan3A_377 = arith.constant 0 : i32
    %scan3A_378 = arith.constant 0 : i32
    %scan3A_379 = arith.constant 520 : i32
    %scan3A_380 = arith.addi %scan3A_378, %scan3A_379 : i32
    %scan3A_381 = arith.constant 1 : i32
    scf.for %scan3A_647 = %scan3A_378 to %scan3A_380 step %scan3A_381  : i32 {
      %mul3A_648 = arith.constant 16 : i32
      %mul3A_649 = arith.muli %scan3A_647, %mul3A_648 : i32
      %get3A = arith.index_cast %mul3A_649 : i32 to index
      %get3A_650 = tpu.vector_load %arg6[%get3A] {strides = array<i32>} : memref<8320xi32, #tpu.memory_space<vmem>>, vector<16xi32>,
      %sub3A_651 = vector.broadcast %mul3A_322 : i32 to vector<16xi32>
      %sub3A_652 = arith.subi %get3A_650, %sub3A_651 : vector<16xi32>
      %get3A_653 = arith.index_cast %mul3A_649 : i32 to index
      %get3A_654 = tpu.vector_load %arg7[%get3A_653] {strides = array<i32>} : memref<8320xf32, #tpu.memory_space<vmem>>, vector<16xf32>,
      %ge3A = arith.constant 0 : i32
      %ge3A_655 = vector.broadcast %ge3A : i32 to vector<16xi32>
      %ge3A_656 = arith.cmpi sge, %sub3A_652, %ge3A_655 : vector<16xi32>
      %lt3A = arith.constant 67600 : i32
      %lt3A_657 = vector.broadcast %lt3A : i32 to vector<16xi32>
      %lt3A_658 = arith.cmpi slt, %sub3A_652, %lt3A_657 : vector<16xi32>
      %and3A_659 = arith.andi %ge3A_656, %lt3A_658 : vector<16xi1>
      %jit3A_660 = arith.constant 0 : i32
      %jit3A_661 = arith.constant 67599 : i32
      %max3A_662 = vector.broadcast %jit3A_660 : i32 to vector<16xi32>
      %max3A_663 = arith.maxsi %max3A_662, %sub3A_652 : vector<16xi32>
      %min3A = vector.broadcast %jit3A_661 : i32 to vector<16xi32>
      %min3A_664 = arith.minsi %min3A, %max3A_663 : vector<16xi32>
      tpu.vector_store_idx %arg5[%min3A_664], %get3A_654 masked %and3A_659 {add = true} : memref<67600xf32, #tpu.memory_space<vmem>>[vector<16xi32>], vector<16xf32>, vector<16xi1>
    }
    %scan3A_382 = arith.constant 520 : i32
    %add3A_383 = arith.constant 0 : i32
    %add3A_384 = arith.addi %select_n3A_358, %add3A_383 : i32
    %mul3A_385 = arith.constant 66560 : i32
    %mul3A_386 = arith.muli %add3A_384, %mul3A_385 : i32
    %add3A_387 = arith.constant 16640 : i32
    %add3A_388 = arith.addi %mul3A_386, %add3A_387 : i32
    "tpu.region"() ({
      %run_scoped3A = tpu.sem_alloc : memref<!tpu.dma_semaphore, #tpu.memory_space<semaphore_mem>>
      %dma_start3A = tpu.memref_slice %arg2[%add3A_388] : memref<4392960xi32, #tpu.memory_space<hbm>> -> memref<8320xi32, #tpu.memory_space<hbm>>
      %dma_start3A_647 = tpu.memref_slice %arg2[%add3A_388] : memref<4392960xi32, #tpu.memory_space<hbm>> -> memref<8320xi32, #tpu.memory_space<hbm>>
      tpu.enqueue_dma source(%dma_start3A_647 : memref<8320xi32, #tpu.memory_space<hbm>>) target(%arg6 : memref<8320xi32, #tpu.memory_space<vmem>>) target_semaphore(%run_scoped3A : memref<!tpu.dma_semaphore, #tpu.memory_space<semaphore_mem>>)
      %dma_wait3A = tpu.memref_slice %arg2[%add3A_388] : memref<4392960xi32, #tpu.memory_space<hbm>> -> memref<8320xi32, #tpu.memory_space<hbm>>
      %dma_wait3A_648 = tpu.memref_slice %arg2[%add3A_388] : memref<4392960xi32, #tpu.memory_space<hbm>> -> memref<8320xi32, #tpu.memory_space<hbm>>
      tpu.wait_dma2 semaphore(%run_scoped3A : memref<!tpu.dma_semaphore, #tpu.memory_space<semaphore_mem>>) src(%dma_wait3A_648 : memref<8320xi32, #tpu.memory_space<hbm>>) dst(%arg6 : memref<8320xi32, #tpu.memory_space<vmem>>)
      tpu.yield
    }) : () -> ()
    "tpu.region"() ({
      %run_scoped3A = tpu.sem_alloc : memref<!tpu.dma_semaphore, #tpu.memory_space<semaphore_mem>>
      %dma_start3A = tpu.memref_slice %arg3[%add3A_388] : memref<4392960xf32, #tpu.memory_space<hbm>> -> memref<8320xf32, #tpu.memory_space<hbm>>
      %dma_start3A_647 = tpu.memref_slice %arg3[%add3A_388] : memref<4392960xf32, #tpu.memory_space<hbm>> -> memref<8320xf32, #tpu.memory_space<hbm>>
      tpu.enqueue_dma source(%dma_start3A_647 : memref<8320xf32, #tpu.memory_space<hbm>>) target(%arg7 : memref<8320xf32, #tpu.memory_space<vmem>>) target_semaphore(%run_scoped3A : memref<!tpu.dma_semaphore, #tpu.memory_space<semaphore_mem>>)
      %dma_wait3A = tpu.memref_slice %arg3[%add3A_388] : memref<4392960xf32, #tpu.memory_space<hbm>> -> memref<8320xf32, #tpu.memory_space<hbm>>
      %dma_wait3A_648 = tpu.memref_slice %arg3[%add3A_388] : memref<4392960xf32, #tpu.memory_space<hbm>> -> memref<8320xf32, #tpu.memory_space<hbm>>
      tpu.wait_dma2 semaphore(%run_scoped3A : memref<!tpu.dma_semaphore, #tpu.memory_space<semaphore_mem>>) src(%dma_wait3A_648 : memref<8320xf32, #tpu.memory_space<hbm>>) dst(%arg7 : memref<8320xf32, #tpu.memory_space<vmem>>)
      tpu.yield
    }) : () -> ()
    %scan3A_389 = arith.constant 0 : i32
    %scan3A_390 = arith.constant 0 : i32
    %scan3A_391 = arith.constant 520 : i32
    %scan3A_392 = arith.addi %scan3A_390, %scan3A_391 : i32
    %scan3A_393 = arith.constant 1 : i32
    scf.for %scan3A_647 = %scan3A_390 to %scan3A_392 step %scan3A_393  : i32 {
      %mul3A_648 = arith.constant 16 : i32
      %mul3A_649 = arith.muli %scan3A_647, %mul3A_648 : i32
      %get3A = arith.index_cast %mul3A_649 : i32 to index
      %get3A_650 = tpu.vector_load %arg6[%get3A] {strides = array<i32>} : memref<8320xi32, #tpu.memory_space<vmem>>, vector<16xi32>,
      %sub3A_651 = vector.broadcast %mul3A_322 : i32 to vector<16xi32>
      %sub3A_652 = arith.subi %get3A_650, %sub3A_651 : vector<16xi32>
      %get3A_653 = arith.index_cast %mul3A_649 : i32 to index
      %get3A_654 = tpu.vector_load %arg7[%get3A_653] {strides = array<i32>} : memref<8320xf32, #tpu.memory_space<vmem>>, vector<16xf32>,
      %ge3A = arith.constant 0 : i32
      %ge3A_655 = vector.broadcast %ge3A : i32 to vector<16xi32>
      %ge3A_656 = arith.cmpi sge, %sub3A_652, %ge3A_655 : vector<16xi32>
      %lt3A = arith.constant 67600 : i32
      %lt3A_657 = vector.broadcast %lt3A : i32 to vector<16xi32>
      %lt3A_658 = arith.cmpi slt, %sub3A_652, %lt3A_657 : vector<16xi32>
      %and3A_659 = arith.andi %ge3A_656, %lt3A_658 : vector<16xi1>
      %jit3A_660 = arith.constant 0 : i32
      %jit3A_661 = arith.constant 67599 : i32
      %max3A_662 = vector.broadcast %jit3A_660 : i32 to vector<16xi32>
      %max3A_663 = arith.maxsi %max3A_662, %sub3A_652 : vector<16xi32>
      %min3A = vector.broadcast %jit3A_661 : i32 to vector<16xi32>
      %min3A_664 = arith.minsi %min3A, %max3A_663 : vector<16xi32>
      tpu.vector_store_idx %arg5[%min3A_664], %get3A_654 masked %and3A_659 {add = true} : memref<67600xf32, #tpu.memory_space<vmem>>[vector<16xi32>], vector<16xf32>, vector<16xi1>
    }
    %scan3A_394 = arith.constant 520 : i32
    %add3A_395 = arith.constant 0 : i32
    %add3A_396 = arith.addi %select_n3A_358, %add3A_395 : i32
    %mul3A_397 = arith.constant 66560 : i32
    %mul3A_398 = arith.muli %add3A_396, %mul3A_397 : i32
    %add3A_399 = arith.constant 24960 : i32
    %add3A_400 = arith.addi %mul3A_398, %add3A_399 : i32
    "tpu.region"() ({
      %run_scoped3A = tpu.sem_alloc : memref<!tpu.dma_semaphore, #tpu.memory_space<semaphore_mem>>
      %dma_start3A = tpu.memref_slice %arg2[%add3A_400] : memref<4392960xi32, #tpu.memory_space<hbm>> -> memref<8320xi32, #tpu.memory_space<hbm>>
      %dma_start3A_647 = tpu.memref_slice %arg2[%add3A_400] : memref<4392960xi32, #tpu.memory_space<hbm>> -> memref<8320xi32, #tpu.memory_space<hbm>>
      tpu.enqueue_dma source(%dma_start3A_647 : memref<8320xi32, #tpu.memory_space<hbm>>) target(%arg6 : memref<8320xi32, #tpu.memory_space<vmem>>) target_semaphore(%run_scoped3A : memref<!tpu.dma_semaphore, #tpu.memory_space<semaphore_mem>>)
      %dma_wait3A = tpu.memref_slice %arg2[%add3A_400] : memref<4392960xi32, #tpu.memory_space<hbm>> -> memref<8320xi32, #tpu.memory_space<hbm>>
      %dma_wait3A_648 = tpu.memref_slice %arg2[%add3A_400] : memref<4392960xi32, #tpu.memory_space<hbm>> -> memref<8320xi32, #tpu.memory_space<hbm>>
      tpu.wait_dma2 semaphore(%run_scoped3A : memref<!tpu.dma_semaphore, #tpu.memory_space<semaphore_mem>>) src(%dma_wait3A_648 : memref<8320xi32, #tpu.memory_space<hbm>>) dst(%arg6 : memref<8320xi32, #tpu.memory_space<vmem>>)
      tpu.yield
    }) : () -> ()
    "tpu.region"() ({
      %run_scoped3A = tpu.sem_alloc : memref<!tpu.dma_semaphore, #tpu.memory_space<semaphore_mem>>
      %dma_start3A = tpu.memref_slice %arg3[%add3A_400] : memref<4392960xf32, #tpu.memory_space<hbm>> -> memref<8320xf32, #tpu.memory_space<hbm>>
      %dma_start3A_647 = tpu.memref_slice %arg3[%add3A_400] : memref<4392960xf32, #tpu.memory_space<hbm>> -> memref<8320xf32, #tpu.memory_space<hbm>>
      tpu.enqueue_dma source(%dma_start3A_647 : memref<8320xf32, #tpu.memory_space<hbm>>) target(%arg7 : memref<8320xf32, #tpu.memory_space<vmem>>) target_semaphore(%run_scoped3A : memref<!tpu.dma_semaphore, #tpu.memory_space<semaphore_mem>>)
      %dma_wait3A = tpu.memref_slice %arg3[%add3A_400] : memref<4392960xf32, #tpu.memory_space<hbm>> -> memref<8320xf32, #tpu.memory_space<hbm>>
      %dma_wait3A_648 = tpu.memref_slice %arg3[%add3A_400] : memref<4392960xf32, #tpu.memory_space<hbm>> -> memref<8320xf32, #tpu.memory_space<hbm>>
      tpu.wait_dma2 semaphore(%run_scoped3A : memref<!tpu.dma_semaphore, #tpu.memory_space<semaphore_mem>>) src(%dma_wait3A_648 : memref<8320xf32, #tpu.memory_space<hbm>>) dst(%arg7 : memref<8320xf32, #tpu.memory_space<vmem>>)
      tpu.yield
    }) : () -> ()
    %scan3A_401 = arith.constant 0 : i32
    %scan3A_402 = arith.constant 0 : i32
    %scan3A_403 = arith.constant 520 : i32
    %scan3A_404 = arith.addi %scan3A_402, %scan3A_403 : i32
    %scan3A_405 = arith.constant 1 : i32
    scf.for %scan3A_647 = %scan3A_402 to %scan3A_404 step %scan3A_405  : i32 {
      %mul3A_648 = arith.constant 16 : i32
      %mul3A_649 = arith.muli %scan3A_647, %mul3A_648 : i32
      %get3A = arith.index_cast %mul3A_649 : i32 to index
      %get3A_650 = tpu.vector_load %arg6[%get3A] {strides = array<i32>} : memref<8320xi32, #tpu.memory_space<vmem>>, vector<16xi32>,
      %sub3A_651 = vector.broadcast %mul3A_322 : i32 to vector<16xi32>
      %sub3A_652 = arith.subi %get3A_650, %sub3A_651 : vector<16xi32>
      %get3A_653 = arith.index_cast %mul3A_649 : i32 to index
      %get3A_654 = tpu.vector_load %arg7[%get3A_653] {strides = array<i32>} : memref<8320xf32, #tpu.memory_space<vmem>>, vector<16xf32>,
      %ge3A = arith.constant 0 : i32
      %ge3A_655 = vector.broadcast %ge3A : i32 to vector<16xi32>
      %ge3A_656 = arith.cmpi sge, %sub3A_652, %ge3A_655 : vector<16xi32>
      %lt3A = arith.constant 67600 : i32
      %lt3A_657 = vector.broadcast %lt3A : i32 to vector<16xi32>
      %lt3A_658 = arith.cmpi slt, %sub3A_652, %lt3A_657 : vector<16xi32>
      %and3A_659 = arith.andi %ge3A_656, %lt3A_658 : vector<16xi1>
      %jit3A_660 = arith.constant 0 : i32
      %jit3A_661 = arith.constant 67599 : i32
      %max3A_662 = vector.broadcast %jit3A_660 : i32 to vector<16xi32>
      %max3A_663 = arith.maxsi %max3A_662, %sub3A_652 : vector<16xi32>
      %min3A = vector.broadcast %jit3A_661 : i32 to vector<16xi32>
      %min3A_664 = arith.minsi %min3A, %max3A_663 : vector<16xi32>
      tpu.vector_store_idx %arg5[%min3A_664], %get3A_654 masked %and3A_659 {add = true} : memref<67600xf32, #tpu.memory_space<vmem>>[vector<16xi32>], vector<16xf32>, vector<16xi1>
    }
    %scan3A_406 = arith.constant 520 : i32
    %add3A_407 = arith.constant 0 : i32
    %add3A_408 = arith.addi %select_n3A_358, %add3A_407 : i32
    %mul3A_409 = arith.constant 66560 : i32
    %mul3A_410 = arith.muli %add3A_408, %mul3A_409 : i32
    %add3A_411 = arith.constant 33280 : i32
    %add3A_412 = arith.addi %mul3A_410, %add3A_411 : i32
    "tpu.region"() ({
      %run_scoped3A = tpu.sem_alloc : memref<!tpu.dma_semaphore, #tpu.memory_space<semaphore_mem>>
      %dma_start3A = tpu.memref_slice %arg2[%add3A_412] : memref<4392960xi32, #tpu.memory_space<hbm>> -> memref<8320xi32, #tpu.memory_space<hbm>>
      %dma_start3A_647 = tpu.memref_slice %arg2[%add3A_412] : memref<4392960xi32, #tpu.memory_space<hbm>> -> memref<8320xi32, #tpu.memory_space<hbm>>
      tpu.enqueue_dma source(%dma_start3A_647 : memref<8320xi32, #tpu.memory_space<hbm>>) target(%arg6 : memref<8320xi32, #tpu.memory_space<vmem>>) target_semaphore(%run_scoped3A : memref<!tpu.dma_semaphore, #tpu.memory_space<semaphore_mem>>)
      %dma_wait3A = tpu.memref_slice %arg2[%add3A_412] : memref<4392960xi32, #tpu.memory_space<hbm>> -> memref<8320xi32, #tpu.memory_space<hbm>>
      %dma_wait3A_648 = tpu.memref_slice %arg2[%add3A_412] : memref<4392960xi32, #tpu.memory_space<hbm>> -> memref<8320xi32, #tpu.memory_space<hbm>>
      tpu.wait_dma2 semaphore(%run_scoped3A : memref<!tpu.dma_semaphore, #tpu.memory_space<semaphore_mem>>) src(%dma_wait3A_648 : memref<8320xi32, #tpu.memory_space<hbm>>) dst(%arg6 : memref<8320xi32, #tpu.memory_space<vmem>>)
      tpu.yield
    }) : () -> ()
    "tpu.region"() ({
      %run_scoped3A = tpu.sem_alloc : memref<!tpu.dma_semaphore, #tpu.memory_space<semaphore_mem>>
      %dma_start3A = tpu.memref_slice %arg3[%add3A_412] : memref<4392960xf32, #tpu.memory_space<hbm>> -> memref<8320xf32, #tpu.memory_space<hbm>>
      %dma_start3A_647 = tpu.memref_slice %arg3[%add3A_412] : memref<4392960xf32, #tpu.memory_space<hbm>> -> memref<8320xf32, #tpu.memory_space<hbm>>
      tpu.enqueue_dma source(%dma_start3A_647 : memref<8320xf32, #tpu.memory_space<hbm>>) target(%arg7 : memref<8320xf32, #tpu.memory_space<vmem>>) target_semaphore(%run_scoped3A : memref<!tpu.dma_semaphore, #tpu.memory_space<semaphore_mem>>)
      %dma_wait3A = tpu.memref_slice %arg3[%add3A_412] : memref<4392960xf32, #tpu.memory_space<hbm>> -> memref<8320xf32, #tpu.memory_space<hbm>>
      %dma_wait3A_648 = tpu.memref_slice %arg3[%add3A_412] : memref<4392960xf32, #tpu.memory_space<hbm>> -> memref<8320xf32, #tpu.memory_space<hbm>>
      tpu.wait_dma2 semaphore(%run_scoped3A : memref<!tpu.dma_semaphore, #tpu.memory_space<semaphore_mem>>) src(%dma_wait3A_648 : memref<8320xf32, #tpu.memory_space<hbm>>) dst(%arg7 : memref<8320xf32, #tpu.memory_space<vmem>>)
      tpu.yield
    }) : () -> ()
    %scan3A_413 = arith.constant 0 : i32
    %scan3A_414 = arith.constant 0 : i32
    %scan3A_415 = arith.constant 520 : i32
    %scan3A_416 = arith.addi %scan3A_414, %scan3A_415 : i32
    %scan3A_417 = arith.constant 1 : i32
    scf.for %scan3A_647 = %scan3A_414 to %scan3A_416 step %scan3A_417  : i32 {
      %mul3A_648 = arith.constant 16 : i32
      %mul3A_649 = arith.muli %scan3A_647, %mul3A_648 : i32
      %get3A = arith.index_cast %mul3A_649 : i32 to index
      %get3A_650 = tpu.vector_load %arg6[%get3A] {strides = array<i32>} : memref<8320xi32, #tpu.memory_space<vmem>>, vector<16xi32>,
      %sub3A_651 = vector.broadcast %mul3A_322 : i32 to vector<16xi32>
      %sub3A_652 = arith.subi %get3A_650, %sub3A_651 : vector<16xi32>
      %get3A_653 = arith.index_cast %mul3A_649 : i32 to index
      %get3A_654 = tpu.vector_load %arg7[%get3A_653] {strides = array<i32>} : memref<8320xf32, #tpu.memory_space<vmem>>, vector<16xf32>,
      %ge3A = arith.constant 0 : i32
      %ge3A_655 = vector.broadcast %ge3A : i32 to vector<16xi32>
      %ge3A_656 = arith.cmpi sge, %sub3A_652, %ge3A_655 : vector<16xi32>
      %lt3A = arith.constant 67600 : i32
      %lt3A_657 = vector.broadcast %lt3A : i32 to vector<16xi32>
      %lt3A_658 = arith.cmpi slt, %sub3A_652, %lt3A_657 : vector<16xi32>
      %and3A_659 = arith.andi %ge3A_656, %lt3A_658 : vector<16xi1>
      %jit3A_660 = arith.constant 0 : i32
      %jit3A_661 = arith.constant 67599 : i32
      %max3A_662 = vector.broadcast %jit3A_660 : i32 to vector<16xi32>
      %max3A_663 = arith.maxsi %max3A_662, %sub3A_652 : vector<16xi32>
      %min3A = vector.broadcast %jit3A_661 : i32 to vector<16xi32>
      %min3A_664 = arith.minsi %min3A, %max3A_663 : vector<16xi32>
      tpu.vector_store_idx %arg5[%min3A_664], %get3A_654 masked %and3A_659 {add = true} : memref<67600xf32, #tpu.memory_space<vmem>>[vector<16xi32>], vector<16xf32>, vector<16xi1>
    }
    %scan3A_418 = arith.constant 520 : i32
    %add3A_419 = arith.constant 0 : i32
    %add3A_420 = arith.addi %select_n3A_358, %add3A_419 : i32
    %mul3A_421 = arith.constant 66560 : i32
    %mul3A_422 = arith.muli %add3A_420, %mul3A_421 : i32
    %add3A_423 = arith.constant 41600 : i32
    %add3A_424 = arith.addi %mul3A_422, %add3A_423 : i32
    "tpu.region"() ({
      %run_scoped3A = tpu.sem_alloc : memref<!tpu.dma_semaphore, #tpu.memory_space<semaphore_mem>>
      %dma_start3A = tpu.memref_slice %arg2[%add3A_424] : memref<4392960xi32, #tpu.memory_space<hbm>> -> memref<8320xi32, #tpu.memory_space<hbm>>
      %dma_start3A_647 = tpu.memref_slice %arg2[%add3A_424] : memref<4392960xi32, #tpu.memory_space<hbm>> -> memref<8320xi32, #tpu.memory_space<hbm>>
      tpu.enqueue_dma source(%dma_start3A_647 : memref<8320xi32, #tpu.memory_space<hbm>>) target(%arg6 : memref<8320xi32, #tpu.memory_space<vmem>>) target_semaphore(%run_scoped3A : memref<!tpu.dma_semaphore, #tpu.memory_space<semaphore_mem>>)
      %dma_wait3A = tpu.memref_slice %arg2[%add3A_424] : memref<4392960xi32, #tpu.memory_space<hbm>> -> memref<8320xi32, #tpu.memory_space<hbm>>
      %dma_wait3A_648 = tpu.memref_slice %arg2[%add3A_424] : memref<4392960xi32, #tpu.memory_space<hbm>> -> memref<8320xi32, #tpu.memory_space<hbm>>
      tpu.wait_dma2 semaphore(%run_scoped3A : memref<!tpu.dma_semaphore, #tpu.memory_space<semaphore_mem>>) src(%dma_wait3A_648 : memref<8320xi32, #tpu.memory_space<hbm>>) dst(%arg6 : memref<8320xi32, #tpu.memory_space<vmem>>)
      tpu.yield
    }) : () -> ()
    "tpu.region"() ({
      %run_scoped3A = tpu.sem_alloc : memref<!tpu.dma_semaphore, #tpu.memory_space<semaphore_mem>>
      %dma_start3A = tpu.memref_slice %arg3[%add3A_424] : memref<4392960xf32, #tpu.memory_space<hbm>> -> memref<8320xf32, #tpu.memory_space<hbm>>
      %dma_start3A_647 = tpu.memref_slice %arg3[%add3A_424] : memref<4392960xf32, #tpu.memory_space<hbm>> -> memref<8320xf32, #tpu.memory_space<hbm>>
      tpu.enqueue_dma source(%dma_start3A_647 : memref<8320xf32, #tpu.memory_space<hbm>>) target(%arg7 : memref<8320xf32, #tpu.memory_space<vmem>>) target_semaphore(%run_scoped3A : memref<!tpu.dma_semaphore, #tpu.memory_space<semaphore_mem>>)
      %dma_wait3A = tpu.memref_slice %arg3[%add3A_424] : memref<4392960xf32, #tpu.memory_space<hbm>> -> memref<8320xf32, #tpu.memory_space<hbm>>
      %dma_wait3A_648 = tpu.memref_slice %arg3[%add3A_424] : memref<4392960xf32, #tpu.memory_space<hbm>> -> memref<8320xf32, #tpu.memory_space<hbm>>
      tpu.wait_dma2 semaphore(%run_scoped3A : memref<!tpu.dma_semaphore, #tpu.memory_space<semaphore_mem>>) src(%dma_wait3A_648 : memref<8320xf32, #tpu.memory_space<hbm>>) dst(%arg7 : memref<8320xf32, #tpu.memory_space<vmem>>)
      tpu.yield
    }) : () -> ()
    %scan3A_425 = arith.constant 0 : i32
    %scan3A_426 = arith.constant 0 : i32
    %scan3A_427 = arith.constant 520 : i32
    %scan3A_428 = arith.addi %scan3A_426, %scan3A_427 : i32
    %scan3A_429 = arith.constant 1 : i32
    scf.for %scan3A_647 = %scan3A_426 to %scan3A_428 step %scan3A_429  : i32 {
      %mul3A_648 = arith.constant 16 : i32
      %mul3A_649 = arith.muli %scan3A_647, %mul3A_648 : i32
      %get3A = arith.index_cast %mul3A_649 : i32 to index
      %get3A_650 = tpu.vector_load %arg6[%get3A] {strides = array<i32>} : memref<8320xi32, #tpu.memory_space<vmem>>, vector<16xi32>,
      %sub3A_651 = vector.broadcast %mul3A_322 : i32 to vector<16xi32>
      %sub3A_652 = arith.subi %get3A_650, %sub3A_651 : vector<16xi32>
      %get3A_653 = arith.index_cast %mul3A_649 : i32 to index
      %get3A_654 = tpu.vector_load %arg7[%get3A_653] {strides = array<i32>} : memref<8320xf32, #tpu.memory_space<vmem>>, vector<16xf32>,
      %ge3A = arith.constant 0 : i32
      %ge3A_655 = vector.broadcast %ge3A : i32 to vector<16xi32>
      %ge3A_656 = arith.cmpi sge, %sub3A_652, %ge3A_655 : vector<16xi32>
      %lt3A = arith.constant 67600 : i32
      %lt3A_657 = vector.broadcast %lt3A : i32 to vector<16xi32>
      %lt3A_658 = arith.cmpi slt, %sub3A_652, %lt3A_657 : vector<16xi32>
      %and3A_659 = arith.andi %ge3A_656, %lt3A_658 : vector<16xi1>
      %jit3A_660 = arith.constant 0 : i32
      %jit3A_661 = arith.constant 67599 : i32
      %max3A_662 = vector.broadcast %jit3A_660 : i32 to vector<16xi32>
      %max3A_663 = arith.maxsi %max3A_662, %sub3A_652 : vector<16xi32>
      %min3A = vector.broadcast %jit3A_661 : i32 to vector<16xi32>
      %min3A_664 = arith.minsi %min3A, %max3A_663 : vector<16xi32>
      tpu.vector_store_idx %arg5[%min3A_664], %get3A_654 masked %and3A_659 {add = true} : memref<67600xf32, #tpu.memory_space<vmem>>[vector<16xi32>], vector<16xf32>, vector<16xi1>
    }
    %scan3A_430 = arith.constant 520 : i32
    %add3A_431 = arith.constant 0 : i32
    %add3A_432 = arith.addi %select_n3A_358, %add3A_431 : i32
    %mul3A_433 = arith.constant 66560 : i32
    %mul3A_434 = arith.muli %add3A_432, %mul3A_433 : i32
    %add3A_435 = arith.constant 49920 : i32
    %add3A_436 = arith.addi %mul3A_434, %add3A_435 : i32
    "tpu.region"() ({
      %run_scoped3A = tpu.sem_alloc : memref<!tpu.dma_semaphore, #tpu.memory_space<semaphore_mem>>
      %dma_start3A = tpu.memref_slice %arg2[%add3A_436] : memref<4392960xi32, #tpu.memory_space<hbm>> -> memref<8320xi32, #tpu.memory_space<hbm>>
      %dma_start3A_647 = tpu.memref_slice %arg2[%add3A_436] : memref<4392960xi32, #tpu.memory_space<hbm>> -> memref<8320xi32, #tpu.memory_space<hbm>>
      tpu.enqueue_dma source(%dma_start3A_647 : memref<8320xi32, #tpu.memory_space<hbm>>) target(%arg6 : memref<8320xi32, #tpu.memory_space<vmem>>) target_semaphore(%run_scoped3A : memref<!tpu.dma_semaphore, #tpu.memory_space<semaphore_mem>>)
      %dma_wait3A = tpu.memref_slice %arg2[%add3A_436] : memref<4392960xi32, #tpu.memory_space<hbm>> -> memref<8320xi32, #tpu.memory_space<hbm>>
      %dma_wait3A_648 = tpu.memref_slice %arg2[%add3A_436] : memref<4392960xi32, #tpu.memory_space<hbm>> -> memref<8320xi32, #tpu.memory_space<hbm>>
      tpu.wait_dma2 semaphore(%run_scoped3A : memref<!tpu.dma_semaphore, #tpu.memory_space<semaphore_mem>>) src(%dma_wait3A_648 : memref<8320xi32, #tpu.memory_space<hbm>>) dst(%arg6 : memref<8320xi32, #tpu.memory_space<vmem>>)
      tpu.yield
    }) : () -> ()
    "tpu.region"() ({
      %run_scoped3A = tpu.sem_alloc : memref<!tpu.dma_semaphore, #tpu.memory_space<semaphore_mem>>
      %dma_start3A = tpu.memref_slice %arg3[%add3A_436] : memref<4392960xf32, #tpu.memory_space<hbm>> -> memref<8320xf32, #tpu.memory_space<hbm>>
      %dma_start3A_647 = tpu.memref_slice %arg3[%add3A_436] : memref<4392960xf32, #tpu.memory_space<hbm>> -> memref<8320xf32, #tpu.memory_space<hbm>>
      tpu.enqueue_dma source(%dma_start3A_647 : memref<8320xf32, #tpu.memory_space<hbm>>) target(%arg7 : memref<8320xf32, #tpu.memory_space<vmem>>) target_semaphore(%run_scoped3A : memref<!tpu.dma_semaphore, #tpu.memory_space<semaphore_mem>>)
      %dma_wait3A = tpu.memref_slice %arg3[%add3A_436] : memref<4392960xf32, #tpu.memory_space<hbm>> -> memref<8320xf32, #tpu.memory_space<hbm>>
      %dma_wait3A_648 = tpu.memref_slice %arg3[%add3A_436] : memref<4392960xf32, #tpu.memory_space<hbm>> -> memref<8320xf32, #tpu.memory_space<hbm>>
      tpu.wait_dma2 semaphore(%run_scoped3A : memref<!tpu.dma_semaphore, #tpu.memory_space<semaphore_mem>>) src(%dma_wait3A_648 : memref<8320xf32, #tpu.memory_space<hbm>>) dst(%arg7 : memref<8320xf32, #tpu.memory_space<vmem>>)
      tpu.yield
    }) : () -> ()
    %scan3A_437 = arith.constant 0 : i32
    %scan3A_438 = arith.constant 0 : i32
    %scan3A_439 = arith.constant 520 : i32
    %scan3A_440 = arith.addi %scan3A_438, %scan3A_439 : i32
    %scan3A_441 = arith.constant 1 : i32
    scf.for %scan3A_647 = %scan3A_438 to %scan3A_440 step %scan3A_441  : i32 {
      %mul3A_648 = arith.constant 16 : i32
      %mul3A_649 = arith.muli %scan3A_647, %mul3A_648 : i32
      %get3A = arith.index_cast %mul3A_649 : i32 to index
      %get3A_650 = tpu.vector_load %arg6[%get3A] {strides = array<i32>} : memref<8320xi32, #tpu.memory_space<vmem>>, vector<16xi32>,
      %sub3A_651 = vector.broadcast %mul3A_322 : i32 to vector<16xi32>
      %sub3A_652 = arith.subi %get3A_650, %sub3A_651 : vector<16xi32>
      %get3A_653 = arith.index_cast %mul3A_649 : i32 to index
      %get3A_654 = tpu.vector_load %arg7[%get3A_653] {strides = array<i32>} : memref<8320xf32, #tpu.memory_space<vmem>>, vector<16xf32>,
      %ge3A = arith.constant 0 : i32
      %ge3A_655 = vector.broadcast %ge3A : i32 to vector<16xi32>
      %ge3A_656 = arith.cmpi sge, %sub3A_652, %ge3A_655 : vector<16xi32>
      %lt3A = arith.constant 67600 : i32
      %lt3A_657 = vector.broadcast %lt3A : i32 to vector<16xi32>
      %lt3A_658 = arith.cmpi slt, %sub3A_652, %lt3A_657 : vector<16xi32>
      %and3A_659 = arith.andi %ge3A_656, %lt3A_658 : vector<16xi1>
      %jit3A_660 = arith.constant 0 : i32
      %jit3A_661 = arith.constant 67599 : i32
      %max3A_662 = vector.broadcast %jit3A_660 : i32 to vector<16xi32>
      %max3A_663 = arith.maxsi %max3A_662, %sub3A_652 : vector<16xi32>
      %min3A = vector.broadcast %jit3A_661 : i32 to vector<16xi32>
      %min3A_664 = arith.minsi %min3A, %max3A_663 : vector<16xi32>
      tpu.vector_store_idx %arg5[%min3A_664], %get3A_654 masked %and3A_659 {add = true} : memref<67600xf32, #tpu.memory_space<vmem>>[vector<16xi32>], vector<16xf32>, vector<16xi1>
    }
    %scan3A_442 = arith.constant 520 : i32
    %add3A_443 = arith.constant 0 : i32
    %add3A_444 = arith.addi %select_n3A_358, %add3A_443 : i32
    %mul3A_445 = arith.constant 66560 : i32
    %mul3A_446 = arith.muli %add3A_444, %mul3A_445 : i32
    %add3A_447 = arith.constant 58240 : i32
    %add3A_448 = arith.addi %mul3A_446, %add3A_447 : i32
    "tpu.region"() ({
      %run_scoped3A = tpu.sem_alloc : memref<!tpu.dma_semaphore, #tpu.memory_space<semaphore_mem>>
      %dma_start3A = tpu.memref_slice %arg2[%add3A_448] : memref<4392960xi32, #tpu.memory_space<hbm>> -> memref<8320xi32, #tpu.memory_space<hbm>>
      %dma_start3A_647 = tpu.memref_slice %arg2[%add3A_448] : memref<4392960xi32, #tpu.memory_space<hbm>> -> memref<8320xi32, #tpu.memory_space<hbm>>
      tpu.enqueue_dma source(%dma_start3A_647 : memref<8320xi32, #tpu.memory_space<hbm>>) target(%arg6 : memref<8320xi32, #tpu.memory_space<vmem>>) target_semaphore(%run_scoped3A : memref<!tpu.dma_semaphore, #tpu.memory_space<semaphore_mem>>)
      %dma_wait3A = tpu.memref_slice %arg2[%add3A_448] : memref<4392960xi32, #tpu.memory_space<hbm>> -> memref<8320xi32, #tpu.memory_space<hbm>>
      %dma_wait3A_648 = tpu.memref_slice %arg2[%add3A_448] : memref<4392960xi32, #tpu.memory_space<hbm>> -> memref<8320xi32, #tpu.memory_space<hbm>>
      tpu.wait_dma2 semaphore(%run_scoped3A : memref<!tpu.dma_semaphore, #tpu.memory_space<semaphore_mem>>) src(%dma_wait3A_648 : memref<8320xi32, #tpu.memory_space<hbm>>) dst(%arg6 : memref<8320xi32, #tpu.memory_space<vmem>>)
      tpu.yield
    }) : () -> ()
    "tpu.region"() ({
      %run_scoped3A = tpu.sem_alloc : memref<!tpu.dma_semaphore, #tpu.memory_space<semaphore_mem>>
      %dma_start3A = tpu.memref_slice %arg3[%add3A_448] : memref<4392960xf32, #tpu.memory_space<hbm>> -> memref<8320xf32, #tpu.memory_space<hbm>>
      %dma_start3A_647 = tpu.memref_slice %arg3[%add3A_448] : memref<4392960xf32, #tpu.memory_space<hbm>> -> memref<8320xf32, #tpu.memory_space<hbm>>
      tpu.enqueue_dma source(%dma_start3A_647 : memref<8320xf32, #tpu.memory_space<hbm>>) target(%arg7 : memref<8320xf32, #tpu.memory_space<vmem>>) target_semaphore(%run_scoped3A : memref<!tpu.dma_semaphore, #tpu.memory_space<semaphore_mem>>)
      %dma_wait3A = tpu.memref_slice %arg3[%add3A_448] : memref<4392960xf32, #tpu.memory_space<hbm>> -> memref<8320xf32, #tpu.memory_space<hbm>>
      %dma_wait3A_648 = tpu.memref_slice %arg3[%add3A_448] : memref<4392960xf32, #tpu.memory_space<hbm>> -> memref<8320xf32, #tpu.memory_space<hbm>>
      tpu.wait_dma2 semaphore(%run_scoped3A : memref<!tpu.dma_semaphore, #tpu.memory_space<semaphore_mem>>) src(%dma_wait3A_648 : memref<8320xf32, #tpu.memory_space<hbm>>) dst(%arg7 : memref<8320xf32, #tpu.memory_space<vmem>>)
      tpu.yield
    }) : () -> ()
    %scan3A_449 = arith.constant 0 : i32
    %scan3A_450 = arith.constant 0 : i32
    %scan3A_451 = arith.constant 520 : i32
    %scan3A_452 = arith.addi %scan3A_450, %scan3A_451 : i32
    %scan3A_453 = arith.constant 1 : i32
    scf.for %scan3A_647 = %scan3A_450 to %scan3A_452 step %scan3A_453  : i32 {
      %mul3A_648 = arith.constant 16 : i32
      %mul3A_649 = arith.muli %scan3A_647, %mul3A_648 : i32
      %get3A = arith.index_cast %mul3A_649 : i32 to index
      %get3A_650 = tpu.vector_load %arg6[%get3A] {strides = array<i32>} : memref<8320xi32, #tpu.memory_space<vmem>>, vector<16xi32>,
      %sub3A_651 = vector.broadcast %mul3A_322 : i32 to vector<16xi32>
      %sub3A_652 = arith.subi %get3A_650, %sub3A_651 : vector<16xi32>
      %get3A_653 = arith.index_cast %mul3A_649 : i32 to index
      %get3A_654 = tpu.vector_load %arg7[%get3A_653] {strides = array<i32>} : memref<8320xf32, #tpu.memory_space<vmem>>, vector<16xf32>,
      %ge3A = arith.constant 0 : i32
      %ge3A_655 = vector.broadcast %ge3A : i32 to vector<16xi32>
      %ge3A_656 = arith.cmpi sge, %sub3A_652, %ge3A_655 : vector<16xi32>
      %lt3A = arith.constant 67600 : i32
      %lt3A_657 = vector.broadcast %lt3A : i32 to vector<16xi32>
      %lt3A_658 = arith.cmpi slt, %sub3A_652, %lt3A_657 : vector<16xi32>
      %and3A_659 = arith.andi %ge3A_656, %lt3A_658 : vector<16xi1>
      %jit3A_660 = arith.constant 0 : i32
      %jit3A_661 = arith.constant 67599 : i32
      %max3A_662 = vector.broadcast %jit3A_660 : i32 to vector<16xi32>
      %max3A_663 = arith.maxsi %max3A_662, %sub3A_652 : vector<16xi32>
      %min3A = vector.broadcast %jit3A_661 : i32 to vector<16xi32>
      %min3A_664 = arith.minsi %min3A, %max3A_663 : vector<16xi32>
      tpu.vector_store_idx %arg5[%min3A_664], %get3A_654 masked %and3A_659 {add = true} : memref<67600xf32, #tpu.memory_space<vmem>>[vector<16xi32>], vector<16xf32>, vector<16xi1>
    }
    %scan3A_454 = arith.constant 520 : i32
    %add3A_455 = arith.constant 1 : i32
    %add3A_456 = arith.addi %select_n3A_358, %add3A_455 : i32
    %mul3A_457 = arith.constant 66560 : i32
    %mul3A_458 = arith.muli %add3A_456, %mul3A_457 : i32
    %add3A_459 = arith.constant 0 : i32
    %add3A_460 = arith.addi %mul3A_458, %add3A_459 : i32
    "tpu.region"() ({
      %run_scoped3A = tpu.sem_alloc : memref<!tpu.dma_semaphore, #tpu.memory_space<semaphore_mem>>
      %dma_start3A = tpu.memref_slice %arg2[%add3A_460] : memref<4392960xi32, #tpu.memory_space<hbm>> -> memref<8320xi32, #tpu.memory_space<hbm>>
      %dma_start3A_647 = tpu.memref_slice %arg2[%add3A_460] : memref<4392960xi32, #tpu.memory_space<hbm>> -> memref<8320xi32, #tpu.memory_space<hbm>>
      tpu.enqueue_dma source(%dma_start3A_647 : memref<8320xi32, #tpu.memory_space<hbm>>) target(%arg6 : memref<8320xi32, #tpu.memory_space<vmem>>) target_semaphore(%run_scoped3A : memref<!tpu.dma_semaphore, #tpu.memory_space<semaphore_mem>>)
      %dma_wait3A = tpu.memref_slice %arg2[%add3A_460] : memref<4392960xi32, #tpu.memory_space<hbm>> -> memref<8320xi32, #tpu.memory_space<hbm>>
      %dma_wait3A_648 = tpu.memref_slice %arg2[%add3A_460] : memref<4392960xi32, #tpu.memory_space<hbm>> -> memref<8320xi32, #tpu.memory_space<hbm>>
      tpu.wait_dma2 semaphore(%run_scoped3A : memref<!tpu.dma_semaphore, #tpu.memory_space<semaphore_mem>>) src(%dma_wait3A_648 : memref<8320xi32, #tpu.memory_space<hbm>>) dst(%arg6 : memref<8320xi32, #tpu.memory_space<vmem>>)
      tpu.yield
    }) : () -> ()
    "tpu.region"() ({
      %run_scoped3A = tpu.sem_alloc : memref<!tpu.dma_semaphore, #tpu.memory_space<semaphore_mem>>
      %dma_start3A = tpu.memref_slice %arg3[%add3A_460] : memref<4392960xf32, #tpu.memory_space<hbm>> -> memref<8320xf32, #tpu.memory_space<hbm>>
      %dma_start3A_647 = tpu.memref_slice %arg3[%add3A_460] : memref<4392960xf32, #tpu.memory_space<hbm>> -> memref<8320xf32, #tpu.memory_space<hbm>>
      tpu.enqueue_dma source(%dma_start3A_647 : memref<8320xf32, #tpu.memory_space<hbm>>) target(%arg7 : memref<8320xf32, #tpu.memory_space<vmem>>) target_semaphore(%run_scoped3A : memref<!tpu.dma_semaphore, #tpu.memory_space<semaphore_mem>>)
      %dma_wait3A = tpu.memref_slice %arg3[%add3A_460] : memref<4392960xf32, #tpu.memory_space<hbm>> -> memref<8320xf32, #tpu.memory_space<hbm>>
      %dma_wait3A_648 = tpu.memref_slice %arg3[%add3A_460] : memref<4392960xf32, #tpu.memory_space<hbm>> -> memref<8320xf32, #tpu.memory_space<hbm>>
      tpu.wait_dma2 semaphore(%run_scoped3A : memref<!tpu.dma_semaphore, #tpu.memory_space<semaphore_mem>>) src(%dma_wait3A_648 : memref<8320xf32, #tpu.memory_space<hbm>>) dst(%arg7 : memref<8320xf32, #tpu.memory_space<vmem>>)
      tpu.yield
    }) : () -> ()
    %scan3A_461 = arith.constant 0 : i32
    %scan3A_462 = arith.constant 0 : i32
    %scan3A_463 = arith.constant 520 : i32
    %scan3A_464 = arith.addi %scan3A_462, %scan3A_463 : i32
    %scan3A_465 = arith.constant 1 : i32
    scf.for %scan3A_647 = %scan3A_462 to %scan3A_464 step %scan3A_465  : i32 {
      %mul3A_648 = arith.constant 16 : i32
      %mul3A_649 = arith.muli %scan3A_647, %mul3A_648 : i32
      %get3A = arith.index_cast %mul3A_649 : i32 to index
      %get3A_650 = tpu.vector_load %arg6[%get3A] {strides = array<i32>} : memref<8320xi32, #tpu.memory_space<vmem>>, vector<16xi32>,
      %sub3A_651 = vector.broadcast %mul3A_322 : i32 to vector<16xi32>
      %sub3A_652 = arith.subi %get3A_650, %sub3A_651 : vector<16xi32>
      %get3A_653 = arith.index_cast %mul3A_649 : i32 to index
      %get3A_654 = tpu.vector_load %arg7[%get3A_653] {strides = array<i32>} : memref<8320xf32, #tpu.memory_space<vmem>>, vector<16xf32>,
      %ge3A = arith.constant 0 : i32
      %ge3A_655 = vector.broadcast %ge3A : i32 to vector<16xi32>
      %ge3A_656 = arith.cmpi sge, %sub3A_652, %ge3A_655 : vector<16xi32>
      %lt3A = arith.constant 67600 : i32
      %lt3A_657 = vector.broadcast %lt3A : i32 to vector<16xi32>
      %lt3A_658 = arith.cmpi slt, %sub3A_652, %lt3A_657 : vector<16xi32>
      %and3A_659 = arith.andi %ge3A_656, %lt3A_658 : vector<16xi1>
      %jit3A_660 = arith.constant 0 : i32
      %jit3A_661 = arith.constant 67599 : i32
      %max3A_662 = vector.broadcast %jit3A_660 : i32 to vector<16xi32>
      %max3A_663 = arith.maxsi %max3A_662, %sub3A_652 : vector<16xi32>
      %min3A = vector.broadcast %jit3A_661 : i32 to vector<16xi32>
      %min3A_664 = arith.minsi %min3A, %max3A_663 : vector<16xi32>
      tpu.vector_store_idx %arg5[%min3A_664], %get3A_654 masked %and3A_659 {add = true} : memref<67600xf32, #tpu.memory_space<vmem>>[vector<16xi32>], vector<16xf32>, vector<16xi1>
    }
    %scan3A_466 = arith.constant 520 : i32
    %add3A_467 = arith.constant 1 : i32
    %add3A_468 = arith.addi %select_n3A_358, %add3A_467 : i32
    %mul3A_469 = arith.constant 66560 : i32
    %mul3A_470 = arith.muli %add3A_468, %mul3A_469 : i32
    %add3A_471 = arith.constant 8320 : i32
    %add3A_472 = arith.addi %mul3A_470, %add3A_471 : i32
    "tpu.region"() ({
      %run_scoped3A = tpu.sem_alloc : memref<!tpu.dma_semaphore, #tpu.memory_space<semaphore_mem>>
      %dma_start3A = tpu.memref_slice %arg2[%add3A_472] : memref<4392960xi32, #tpu.memory_space<hbm>> -> memref<8320xi32, #tpu.memory_space<hbm>>
      %dma_start3A_647 = tpu.memref_slice %arg2[%add3A_472] : memref<4392960xi32, #tpu.memory_space<hbm>> -> memref<8320xi32, #tpu.memory_space<hbm>>
      tpu.enqueue_dma source(%dma_start3A_647 : memref<8320xi32, #tpu.memory_space<hbm>>) target(%arg6 : memref<8320xi32, #tpu.memory_space<vmem>>) target_semaphore(%run_scoped3A : memref<!tpu.dma_semaphore, #tpu.memory_space<semaphore_mem>>)
      %dma_wait3A = tpu.memref_slice %arg2[%add3A_472] : memref<4392960xi32, #tpu.memory_space<hbm>> -> memref<8320xi32, #tpu.memory_space<hbm>>
      %dma_wait3A_648 = tpu.memref_slice %arg2[%add3A_472] : memref<4392960xi32, #tpu.memory_space<hbm>> -> memref<8320xi32, #tpu.memory_space<hbm>>
      tpu.wait_dma2 semaphore(%run_scoped3A : memref<!tpu.dma_semaphore, #tpu.memory_space<semaphore_mem>>) src(%dma_wait3A_648 : memref<8320xi32, #tpu.memory_space<hbm>>) dst(%arg6 : memref<8320xi32, #tpu.memory_space<vmem>>)
      tpu.yield
    }) : () -> ()
    "tpu.region"() ({
      %run_scoped3A = tpu.sem_alloc : memref<!tpu.dma_semaphore, #tpu.memory_space<semaphore_mem>>
      %dma_start3A = tpu.memref_slice %arg3[%add3A_472] : memref<4392960xf32, #tpu.memory_space<hbm>> -> memref<8320xf32, #tpu.memory_space<hbm>>
      %dma_start3A_647 = tpu.memref_slice %arg3[%add3A_472] : memref<4392960xf32, #tpu.memory_space<hbm>> -> memref<8320xf32, #tpu.memory_space<hbm>>
      tpu.enqueue_dma source(%dma_start3A_647 : memref<8320xf32, #tpu.memory_space<hbm>>) target(%arg7 : memref<8320xf32, #tpu.memory_space<vmem>>) target_semaphore(%run_scoped3A : memref<!tpu.dma_semaphore, #tpu.memory_space<semaphore_mem>>)
      %dma_wait3A = tpu.memref_slice %arg3[%add3A_472] : memref<4392960xf32, #tpu.memory_space<hbm>> -> memref<8320xf32, #tpu.memory_space<hbm>>
      %dma_wait3A_648 = tpu.memref_slice %arg3[%add3A_472] : memref<4392960xf32, #tpu.memory_space<hbm>> -> memref<8320xf32, #tpu.memory_space<hbm>>
      tpu.wait_dma2 semaphore(%run_scoped3A : memref<!tpu.dma_semaphore, #tpu.memory_space<semaphore_mem>>) src(%dma_wait3A_648 : memref<8320xf32, #tpu.memory_space<hbm>>) dst(%arg7 : memref<8320xf32, #tpu.memory_space<vmem>>)
      tpu.yield
    }) : () -> ()
    %scan3A_473 = arith.constant 0 : i32
    %scan3A_474 = arith.constant 0 : i32
    %scan3A_475 = arith.constant 520 : i32
    %scan3A_476 = arith.addi %scan3A_474, %scan3A_475 : i32
    %scan3A_477 = arith.constant 1 : i32
    scf.for %scan3A_647 = %scan3A_474 to %scan3A_476 step %scan3A_477  : i32 {
      %mul3A_648 = arith.constant 16 : i32
      %mul3A_649 = arith.muli %scan3A_647, %mul3A_648 : i32
      %get3A = arith.index_cast %mul3A_649 : i32 to index
      %get3A_650 = tpu.vector_load %arg6[%get3A] {strides = array<i32>} : memref<8320xi32, #tpu.memory_space<vmem>>, vector<16xi32>,
      %sub3A_651 = vector.broadcast %mul3A_322 : i32 to vector<16xi32>
      %sub3A_652 = arith.subi %get3A_650, %sub3A_651 : vector<16xi32>
      %get3A_653 = arith.index_cast %mul3A_649 : i32 to index
      %get3A_654 = tpu.vector_load %arg7[%get3A_653] {strides = array<i32>} : memref<8320xf32, #tpu.memory_space<vmem>>, vector<16xf32>,
      %ge3A = arith.constant 0 : i32
      %ge3A_655 = vector.broadcast %ge3A : i32 to vector<16xi32>
      %ge3A_656 = arith.cmpi sge, %sub3A_652, %ge3A_655 : vector<16xi32>
      %lt3A = arith.constant 67600 : i32
      %lt3A_657 = vector.broadcast %lt3A : i32 to vector<16xi32>
      %lt3A_658 = arith.cmpi slt, %sub3A_652, %lt3A_657 : vector<16xi32>
      %and3A_659 = arith.andi %ge3A_656, %lt3A_658 : vector<16xi1>
      %jit3A_660 = arith.constant 0 : i32
      %jit3A_661 = arith.constant 67599 : i32
      %max3A_662 = vector.broadcast %jit3A_660 : i32 to vector<16xi32>
      %max3A_663 = arith.maxsi %max3A_662, %sub3A_652 : vector<16xi32>
      %min3A = vector.broadcast %jit3A_661 : i32 to vector<16xi32>
      %min3A_664 = arith.minsi %min3A, %max3A_663 : vector<16xi32>
      tpu.vector_store_idx %arg5[%min3A_664], %get3A_654 masked %and3A_659 {add = true} : memref<67600xf32, #tpu.memory_space<vmem>>[vector<16xi32>], vector<16xf32>, vector<16xi1>
    }
    %scan3A_478 = arith.constant 520 : i32
    %add3A_479 = arith.constant 1 : i32
    %add3A_480 = arith.addi %select_n3A_358, %add3A_479 : i32
    %mul3A_481 = arith.constant 66560 : i32
    %mul3A_482 = arith.muli %add3A_480, %mul3A_481 : i32
    %add3A_483 = arith.constant 16640 : i32
    %add3A_484 = arith.addi %mul3A_482, %add3A_483 : i32
    "tpu.region"() ({
      %run_scoped3A = tpu.sem_alloc : memref<!tpu.dma_semaphore, #tpu.memory_space<semaphore_mem>>
      %dma_start3A = tpu.memref_slice %arg2[%add3A_484] : memref<4392960xi32, #tpu.memory_space<hbm>> -> memref<8320xi32, #tpu.memory_space<hbm>>
      %dma_start3A_647 = tpu.memref_slice %arg2[%add3A_484] : memref<4392960xi32, #tpu.memory_space<hbm>> -> memref<8320xi32, #tpu.memory_space<hbm>>
      tpu.enqueue_dma source(%dma_start3A_647 : memref<8320xi32, #tpu.memory_space<hbm>>) target(%arg6 : memref<8320xi32, #tpu.memory_space<vmem>>) target_semaphore(%run_scoped3A : memref<!tpu.dma_semaphore, #tpu.memory_space<semaphore_mem>>)
      %dma_wait3A = tpu.memref_slice %arg2[%add3A_484] : memref<4392960xi32, #tpu.memory_space<hbm>> -> memref<8320xi32, #tpu.memory_space<hbm>>
      %dma_wait3A_648 = tpu.memref_slice %arg2[%add3A_484] : memref<4392960xi32, #tpu.memory_space<hbm>> -> memref<8320xi32, #tpu.memory_space<hbm>>
      tpu.wait_dma2 semaphore(%run_scoped3A : memref<!tpu.dma_semaphore, #tpu.memory_space<semaphore_mem>>) src(%dma_wait3A_648 : memref<8320xi32, #tpu.memory_space<hbm>>) dst(%arg6 : memref<8320xi32, #tpu.memory_space<vmem>>)
      tpu.yield
    }) : () -> ()
    "tpu.region"() ({
      %run_scoped3A = tpu.sem_alloc : memref<!tpu.dma_semaphore, #tpu.memory_space<semaphore_mem>>
      %dma_start3A = tpu.memref_slice %arg3[%add3A_484] : memref<4392960xf32, #tpu.memory_space<hbm>> -> memref<8320xf32, #tpu.memory_space<hbm>>
      %dma_start3A_647 = tpu.memref_slice %arg3[%add3A_484] : memref<4392960xf32, #tpu.memory_space<hbm>> -> memref<8320xf32, #tpu.memory_space<hbm>>
      tpu.enqueue_dma source(%dma_start3A_647 : memref<8320xf32, #tpu.memory_space<hbm>>) target(%arg7 : memref<8320xf32, #tpu.memory_space<vmem>>) target_semaphore(%run_scoped3A : memref<!tpu.dma_semaphore, #tpu.memory_space<semaphore_mem>>)
      %dma_wait3A = tpu.memref_slice %arg3[%add3A_484] : memref<4392960xf32, #tpu.memory_space<hbm>> -> memref<8320xf32, #tpu.memory_space<hbm>>
      %dma_wait3A_648 = tpu.memref_slice %arg3[%add3A_484] : memref<4392960xf32, #tpu.memory_space<hbm>> -> memref<8320xf32, #tpu.memory_space<hbm>>
      tpu.wait_dma2 semaphore(%run_scoped3A : memref<!tpu.dma_semaphore, #tpu.memory_space<semaphore_mem>>) src(%dma_wait3A_648 : memref<8320xf32, #tpu.memory_space<hbm>>) dst(%arg7 : memref<8320xf32, #tpu.memory_space<vmem>>)
      tpu.yield
    }) : () -> ()
    %scan3A_485 = arith.constant 0 : i32
    %scan3A_486 = arith.constant 0 : i32
    %scan3A_487 = arith.constant 520 : i32
    %scan3A_488 = arith.addi %scan3A_486, %scan3A_487 : i32
    %scan3A_489 = arith.constant 1 : i32
    scf.for %scan3A_647 = %scan3A_486 to %scan3A_488 step %scan3A_489  : i32 {
      %mul3A_648 = arith.constant 16 : i32
      %mul3A_649 = arith.muli %scan3A_647, %mul3A_648 : i32
      %get3A = arith.index_cast %mul3A_649 : i32 to index
      %get3A_650 = tpu.vector_load %arg6[%get3A] {strides = array<i32>} : memref<8320xi32, #tpu.memory_space<vmem>>, vector<16xi32>,
      %sub3A_651 = vector.broadcast %mul3A_322 : i32 to vector<16xi32>
      %sub3A_652 = arith.subi %get3A_650, %sub3A_651 : vector<16xi32>
      %get3A_653 = arith.index_cast %mul3A_649 : i32 to index
      %get3A_654 = tpu.vector_load %arg7[%get3A_653] {strides = array<i32>} : memref<8320xf32, #tpu.memory_space<vmem>>, vector<16xf32>,
      %ge3A = arith.constant 0 : i32
      %ge3A_655 = vector.broadcast %ge3A : i32 to vector<16xi32>
      %ge3A_656 = arith.cmpi sge, %sub3A_652, %ge3A_655 : vector<16xi32>
      %lt3A = arith.constant 67600 : i32
      %lt3A_657 = vector.broadcast %lt3A : i32 to vector<16xi32>
      %lt3A_658 = arith.cmpi slt, %sub3A_652, %lt3A_657 : vector<16xi32>
      %and3A_659 = arith.andi %ge3A_656, %lt3A_658 : vector<16xi1>
      %jit3A_660 = arith.constant 0 : i32
      %jit3A_661 = arith.constant 67599 : i32
      %max3A_662 = vector.broadcast %jit3A_660 : i32 to vector<16xi32>
      %max3A_663 = arith.maxsi %max3A_662, %sub3A_652 : vector<16xi32>
      %min3A = vector.broadcast %jit3A_661 : i32 to vector<16xi32>
      %min3A_664 = arith.minsi %min3A, %max3A_663 : vector<16xi32>
      tpu.vector_store_idx %arg5[%min3A_664], %get3A_654 masked %and3A_659 {add = true} : memref<67600xf32, #tpu.memory_space<vmem>>[vector<16xi32>], vector<16xf32>, vector<16xi1>
    }
    %scan3A_490 = arith.constant 520 : i32
    %add3A_491 = arith.constant 1 : i32
    %add3A_492 = arith.addi %select_n3A_358, %add3A_491 : i32
    %mul3A_493 = arith.constant 66560 : i32
    %mul3A_494 = arith.muli %add3A_492, %mul3A_493 : i32
    %add3A_495 = arith.constant 24960 : i32
    %add3A_496 = arith.addi %mul3A_494, %add3A_495 : i32
    "tpu.region"() ({
      %run_scoped3A = tpu.sem_alloc : memref<!tpu.dma_semaphore, #tpu.memory_space<semaphore_mem>>
      %dma_start3A = tpu.memref_slice %arg2[%add3A_496] : memref<4392960xi32, #tpu.memory_space<hbm>> -> memref<8320xi32, #tpu.memory_space<hbm>>
      %dma_start3A_647 = tpu.memref_slice %arg2[%add3A_496] : memref<4392960xi32, #tpu.memory_space<hbm>> -> memref<8320xi32, #tpu.memory_space<hbm>>
      tpu.enqueue_dma source(%dma_start3A_647 : memref<8320xi32, #tpu.memory_space<hbm>>) target(%arg6 : memref<8320xi32, #tpu.memory_space<vmem>>) target_semaphore(%run_scoped3A : memref<!tpu.dma_semaphore, #tpu.memory_space<semaphore_mem>>)
      %dma_wait3A = tpu.memref_slice %arg2[%add3A_496] : memref<4392960xi32, #tpu.memory_space<hbm>> -> memref<8320xi32, #tpu.memory_space<hbm>>
      %dma_wait3A_648 = tpu.memref_slice %arg2[%add3A_496] : memref<4392960xi32, #tpu.memory_space<hbm>> -> memref<8320xi32, #tpu.memory_space<hbm>>
      tpu.wait_dma2 semaphore(%run_scoped3A : memref<!tpu.dma_semaphore, #tpu.memory_space<semaphore_mem>>) src(%dma_wait3A_648 : memref<8320xi32, #tpu.memory_space<hbm>>) dst(%arg6 : memref<8320xi32, #tpu.memory_space<vmem>>)
      tpu.yield
    }) : () -> ()
    "tpu.region"() ({
      %run_scoped3A = tpu.sem_alloc : memref<!tpu.dma_semaphore, #tpu.memory_space<semaphore_mem>>
      %dma_start3A = tpu.memref_slice %arg3[%add3A_496] : memref<4392960xf32, #tpu.memory_space<hbm>> -> memref<8320xf32, #tpu.memory_space<hbm>>
      %dma_start3A_647 = tpu.memref_slice %arg3[%add3A_496] : memref<4392960xf32, #tpu.memory_space<hbm>> -> memref<8320xf32, #tpu.memory_space<hbm>>
      tpu.enqueue_dma source(%dma_start3A_647 : memref<8320xf32, #tpu.memory_space<hbm>>) target(%arg7 : memref<8320xf32, #tpu.memory_space<vmem>>) target_semaphore(%run_scoped3A : memref<!tpu.dma_semaphore, #tpu.memory_space<semaphore_mem>>)
      %dma_wait3A = tpu.memref_slice %arg3[%add3A_496] : memref<4392960xf32, #tpu.memory_space<hbm>> -> memref<8320xf32, #tpu.memory_space<hbm>>
      %dma_wait3A_648 = tpu.memref_slice %arg3[%add3A_496] : memref<4392960xf32, #tpu.memory_space<hbm>> -> memref<8320xf32, #tpu.memory_space<hbm>>
      tpu.wait_dma2 semaphore(%run_scoped3A : memref<!tpu.dma_semaphore, #tpu.memory_space<semaphore_mem>>) src(%dma_wait3A_648 : memref<8320xf32, #tpu.memory_space<hbm>>) dst(%arg7 : memref<8320xf32, #tpu.memory_space<vmem>>)
      tpu.yield
    }) : () -> ()
    %scan3A_497 = arith.constant 0 : i32
    %scan3A_498 = arith.constant 0 : i32
    %scan3A_499 = arith.constant 520 : i32
    %scan3A_500 = arith.addi %scan3A_498, %scan3A_499 : i32
    %scan3A_501 = arith.constant 1 : i32
    scf.for %scan3A_647 = %scan3A_498 to %scan3A_500 step %scan3A_501  : i32 {
      %mul3A_648 = arith.constant 16 : i32
      %mul3A_649 = arith.muli %scan3A_647, %mul3A_648 : i32
      %get3A = arith.index_cast %mul3A_649 : i32 to index
      %get3A_650 = tpu.vector_load %arg6[%get3A] {strides = array<i32>} : memref<8320xi32, #tpu.memory_space<vmem>>, vector<16xi32>,
      %sub3A_651 = vector.broadcast %mul3A_322 : i32 to vector<16xi32>
      %sub3A_652 = arith.subi %get3A_650, %sub3A_651 : vector<16xi32>
      %get3A_653 = arith.index_cast %mul3A_649 : i32 to index
      %get3A_654 = tpu.vector_load %arg7[%get3A_653] {strides = array<i32>} : memref<8320xf32, #tpu.memory_space<vmem>>, vector<16xf32>,
      %ge3A = arith.constant 0 : i32
      %ge3A_655 = vector.broadcast %ge3A : i32 to vector<16xi32>
      %ge3A_656 = arith.cmpi sge, %sub3A_652, %ge3A_655 : vector<16xi32>
      %lt3A = arith.constant 67600 : i32
      %lt3A_657 = vector.broadcast %lt3A : i32 to vector<16xi32>
      %lt3A_658 = arith.cmpi slt, %sub3A_652, %lt3A_657 : vector<16xi32>
      %and3A_659 = arith.andi %ge3A_656, %lt3A_658 : vector<16xi1>
      %jit3A_660 = arith.constant 0 : i32
      %jit3A_661 = arith.constant 67599 : i32
      %max3A_662 = vector.broadcast %jit3A_660 : i32 to vector<16xi32>
      %max3A_663 = arith.maxsi %max3A_662, %sub3A_652 : vector<16xi32>
      %min3A = vector.broadcast %jit3A_661 : i32 to vector<16xi32>
      %min3A_664 = arith.minsi %min3A, %max3A_663 : vector<16xi32>
      tpu.vector_store_idx %arg5[%min3A_664], %get3A_654 masked %and3A_659 {add = true} : memref<67600xf32, #tpu.memory_space<vmem>>[vector<16xi32>], vector<16xf32>, vector<16xi1>
    }
    %scan3A_502 = arith.constant 520 : i32
    %add3A_503 = arith.constant 1 : i32
    %add3A_504 = arith.addi %select_n3A_358, %add3A_503 : i32
    %mul3A_505 = arith.constant 66560 : i32
    %mul3A_506 = arith.muli %add3A_504, %mul3A_505 : i32
    %add3A_507 = arith.constant 33280 : i32
    %add3A_508 = arith.addi %mul3A_506, %add3A_507 : i32
    "tpu.region"() ({
      %run_scoped3A = tpu.sem_alloc : memref<!tpu.dma_semaphore, #tpu.memory_space<semaphore_mem>>
      %dma_start3A = tpu.memref_slice %arg2[%add3A_508] : memref<4392960xi32, #tpu.memory_space<hbm>> -> memref<8320xi32, #tpu.memory_space<hbm>>
      %dma_start3A_647 = tpu.memref_slice %arg2[%add3A_508] : memref<4392960xi32, #tpu.memory_space<hbm>> -> memref<8320xi32, #tpu.memory_space<hbm>>
      tpu.enqueue_dma source(%dma_start3A_647 : memref<8320xi32, #tpu.memory_space<hbm>>) target(%arg6 : memref<8320xi32, #tpu.memory_space<vmem>>) target_semaphore(%run_scoped3A : memref<!tpu.dma_semaphore, #tpu.memory_space<semaphore_mem>>)
      %dma_wait3A = tpu.memref_slice %arg2[%add3A_508] : memref<4392960xi32, #tpu.memory_space<hbm>> -> memref<8320xi32, #tpu.memory_space<hbm>>
      %dma_wait3A_648 = tpu.memref_slice %arg2[%add3A_508] : memref<4392960xi32, #tpu.memory_space<hbm>> -> memref<8320xi32, #tpu.memory_space<hbm>>
      tpu.wait_dma2 semaphore(%run_scoped3A : memref<!tpu.dma_semaphore, #tpu.memory_space<semaphore_mem>>) src(%dma_wait3A_648 : memref<8320xi32, #tpu.memory_space<hbm>>) dst(%arg6 : memref<8320xi32, #tpu.memory_space<vmem>>)
      tpu.yield
    }) : () -> ()
    "tpu.region"() ({
      %run_scoped3A = tpu.sem_alloc : memref<!tpu.dma_semaphore, #tpu.memory_space<semaphore_mem>>
      %dma_start3A = tpu.memref_slice %arg3[%add3A_508] : memref<4392960xf32, #tpu.memory_space<hbm>> -> memref<8320xf32, #tpu.memory_space<hbm>>
      %dma_start3A_647 = tpu.memref_slice %arg3[%add3A_508] : memref<4392960xf32, #tpu.memory_space<hbm>> -> memref<8320xf32, #tpu.memory_space<hbm>>
      tpu.enqueue_dma source(%dma_start3A_647 : memref<8320xf32, #tpu.memory_space<hbm>>) target(%arg7 : memref<8320xf32, #tpu.memory_space<vmem>>) target_semaphore(%run_scoped3A : memref<!tpu.dma_semaphore, #tpu.memory_space<semaphore_mem>>)
      %dma_wait3A = tpu.memref_slice %arg3[%add3A_508] : memref<4392960xf32, #tpu.memory_space<hbm>> -> memref<8320xf32, #tpu.memory_space<hbm>>
      %dma_wait3A_648 = tpu.memref_slice %arg3[%add3A_508] : memref<4392960xf32, #tpu.memory_space<hbm>> -> memref<8320xf32, #tpu.memory_space<hbm>>
      tpu.wait_dma2 semaphore(%run_scoped3A : memref<!tpu.dma_semaphore, #tpu.memory_space<semaphore_mem>>) src(%dma_wait3A_648 : memref<8320xf32, #tpu.memory_space<hbm>>) dst(%arg7 : memref<8320xf32, #tpu.memory_space<vmem>>)
      tpu.yield
    }) : () -> ()
    %scan3A_509 = arith.constant 0 : i32
    %scan3A_510 = arith.constant 0 : i32
    %scan3A_511 = arith.constant 520 : i32
    %scan3A_512 = arith.addi %scan3A_510, %scan3A_511 : i32
    %scan3A_513 = arith.constant 1 : i32
    scf.for %scan3A_647 = %scan3A_510 to %scan3A_512 step %scan3A_513  : i32 {
      %mul3A_648 = arith.constant 16 : i32
      %mul3A_649 = arith.muli %scan3A_647, %mul3A_648 : i32
      %get3A = arith.index_cast %mul3A_649 : i32 to index
      %get3A_650 = tpu.vector_load %arg6[%get3A] {strides = array<i32>} : memref<8320xi32, #tpu.memory_space<vmem>>, vector<16xi32>,
      %sub3A_651 = vector.broadcast %mul3A_322 : i32 to vector<16xi32>
      %sub3A_652 = arith.subi %get3A_650, %sub3A_651 : vector<16xi32>
      %get3A_653 = arith.index_cast %mul3A_649 : i32 to index
      %get3A_654 = tpu.vector_load %arg7[%get3A_653] {strides = array<i32>} : memref<8320xf32, #tpu.memory_space<vmem>>, vector<16xf32>,
      %ge3A = arith.constant 0 : i32
      %ge3A_655 = vector.broadcast %ge3A : i32 to vector<16xi32>
      %ge3A_656 = arith.cmpi sge, %sub3A_652, %ge3A_655 : vector<16xi32>
      %lt3A = arith.constant 67600 : i32
      %lt3A_657 = vector.broadcast %lt3A : i32 to vector<16xi32>
      %lt3A_658 = arith.cmpi slt, %sub3A_652, %lt3A_657 : vector<16xi32>
      %and3A_659 = arith.andi %ge3A_656, %lt3A_658 : vector<16xi1>
      %jit3A_660 = arith.constant 0 : i32
      %jit3A_661 = arith.constant 67599 : i32
      %max3A_662 = vector.broadcast %jit3A_660 : i32 to vector<16xi32>
      %max3A_663 = arith.maxsi %max3A_662, %sub3A_652 : vector<16xi32>
      %min3A = vector.broadcast %jit3A_661 : i32 to vector<16xi32>
      %min3A_664 = arith.minsi %min3A, %max3A_663 : vector<16xi32>
      tpu.vector_store_idx %arg5[%min3A_664], %get3A_654 masked %and3A_659 {add = true} : memref<67600xf32, #tpu.memory_space<vmem>>[vector<16xi32>], vector<16xf32>, vector<16xi1>
    }
    %scan3A_514 = arith.constant 520 : i32
    %add3A_515 = arith.constant 1 : i32
    %add3A_516 = arith.addi %select_n3A_358, %add3A_515 : i32
    %mul3A_517 = arith.constant 66560 : i32
    %mul3A_518 = arith.muli %add3A_516, %mul3A_517 : i32
    %add3A_519 = arith.constant 41600 : i32
    %add3A_520 = arith.addi %mul3A_518, %add3A_519 : i32
    "tpu.region"() ({
      %run_scoped3A = tpu.sem_alloc : memref<!tpu.dma_semaphore, #tpu.memory_space<semaphore_mem>>
      %dma_start3A = tpu.memref_slice %arg2[%add3A_520] : memref<4392960xi32, #tpu.memory_space<hbm>> -> memref<8320xi32, #tpu.memory_space<hbm>>
      %dma_start3A_647 = tpu.memref_slice %arg2[%add3A_520] : memref<4392960xi32, #tpu.memory_space<hbm>> -> memref<8320xi32, #tpu.memory_space<hbm>>
      tpu.enqueue_dma source(%dma_start3A_647 : memref<8320xi32, #tpu.memory_space<hbm>>) target(%arg6 : memref<8320xi32, #tpu.memory_space<vmem>>) target_semaphore(%run_scoped3A : memref<!tpu.dma_semaphore, #tpu.memory_space<semaphore_mem>>)
      %dma_wait3A = tpu.memref_slice %arg2[%add3A_520] : memref<4392960xi32, #tpu.memory_space<hbm>> -> memref<8320xi32, #tpu.memory_space<hbm>>
      %dma_wait3A_648 = tpu.memref_slice %arg2[%add3A_520] : memref<4392960xi32, #tpu.memory_space<hbm>> -> memref<8320xi32, #tpu.memory_space<hbm>>
      tpu.wait_dma2 semaphore(%run_scoped3A : memref<!tpu.dma_semaphore, #tpu.memory_space<semaphore_mem>>) src(%dma_wait3A_648 : memref<8320xi32, #tpu.memory_space<hbm>>) dst(%arg6 : memref<8320xi32, #tpu.memory_space<vmem>>)
      tpu.yield
    }) : () -> ()
    "tpu.region"() ({
      %run_scoped3A = tpu.sem_alloc : memref<!tpu.dma_semaphore, #tpu.memory_space<semaphore_mem>>
      %dma_start3A = tpu.memref_slice %arg3[%add3A_520] : memref<4392960xf32, #tpu.memory_space<hbm>> -> memref<8320xf32, #tpu.memory_space<hbm>>
      %dma_start3A_647 = tpu.memref_slice %arg3[%add3A_520] : memref<4392960xf32, #tpu.memory_space<hbm>> -> memref<8320xf32, #tpu.memory_space<hbm>>
      tpu.enqueue_dma source(%dma_start3A_647 : memref<8320xf32, #tpu.memory_space<hbm>>) target(%arg7 : memref<8320xf32, #tpu.memory_space<vmem>>) target_semaphore(%run_scoped3A : memref<!tpu.dma_semaphore, #tpu.memory_space<semaphore_mem>>)
      %dma_wait3A = tpu.memref_slice %arg3[%add3A_520] : memref<4392960xf32, #tpu.memory_space<hbm>> -> memref<8320xf32, #tpu.memory_space<hbm>>
      %dma_wait3A_648 = tpu.memref_slice %arg3[%add3A_520] : memref<4392960xf32, #tpu.memory_space<hbm>> -> memref<8320xf32, #tpu.memory_space<hbm>>
      tpu.wait_dma2 semaphore(%run_scoped3A : memref<!tpu.dma_semaphore, #tpu.memory_space<semaphore_mem>>) src(%dma_wait3A_648 : memref<8320xf32, #tpu.memory_space<hbm>>) dst(%arg7 : memref<8320xf32, #tpu.memory_space<vmem>>)
      tpu.yield
    }) : () -> ()
    %scan3A_521 = arith.constant 0 : i32
    %scan3A_522 = arith.constant 0 : i32
    %scan3A_523 = arith.constant 520 : i32
    %scan3A_524 = arith.addi %scan3A_522, %scan3A_523 : i32
    %scan3A_525 = arith.constant 1 : i32
    scf.for %scan3A_647 = %scan3A_522 to %scan3A_524 step %scan3A_525  : i32 {
      %mul3A_648 = arith.constant 16 : i32
      %mul3A_649 = arith.muli %scan3A_647, %mul3A_648 : i32
      %get3A = arith.index_cast %mul3A_649 : i32 to index
      %get3A_650 = tpu.vector_load %arg6[%get3A] {strides = array<i32>} : memref<8320xi32, #tpu.memory_space<vmem>>, vector<16xi32>,
      %sub3A_651 = vector.broadcast %mul3A_322 : i32 to vector<16xi32>
      %sub3A_652 = arith.subi %get3A_650, %sub3A_651 : vector<16xi32>
      %get3A_653 = arith.index_cast %mul3A_649 : i32 to index
      %get3A_654 = tpu.vector_load %arg7[%get3A_653] {strides = array<i32>} : memref<8320xf32, #tpu.memory_space<vmem>>, vector<16xf32>,
      %ge3A = arith.constant 0 : i32
      %ge3A_655 = vector.broadcast %ge3A : i32 to vector<16xi32>
      %ge3A_656 = arith.cmpi sge, %sub3A_652, %ge3A_655 : vector<16xi32>
      %lt3A = arith.constant 67600 : i32
      %lt3A_657 = vector.broadcast %lt3A : i32 to vector<16xi32>
      %lt3A_658 = arith.cmpi slt, %sub3A_652, %lt3A_657 : vector<16xi32>
      %and3A_659 = arith.andi %ge3A_656, %lt3A_658 : vector<16xi1>
      %jit3A_660 = arith.constant 0 : i32
      %jit3A_661 = arith.constant 67599 : i32
      %max3A_662 = vector.broadcast %jit3A_660 : i32 to vector<16xi32>
      %max3A_663 = arith.maxsi %max3A_662, %sub3A_652 : vector<16xi32>
      %min3A = vector.broadcast %jit3A_661 : i32 to vector<16xi32>
      %min3A_664 = arith.minsi %min3A, %max3A_663 : vector<16xi32>
      tpu.vector_store_idx %arg5[%min3A_664], %get3A_654 masked %and3A_659 {add = true} : memref<67600xf32, #tpu.memory_space<vmem>>[vector<16xi32>], vector<16xf32>, vector<16xi1>
    }
    %scan3A_526 = arith.constant 520 : i32
    %add3A_527 = arith.constant 1 : i32
    %add3A_528 = arith.addi %select_n3A_358, %add3A_527 : i32
    %mul3A_529 = arith.constant 66560 : i32
    %mul3A_530 = arith.muli %add3A_528, %mul3A_529 : i32
    %add3A_531 = arith.constant 49920 : i32
    %add3A_532 = arith.addi %mul3A_530, %add3A_531 : i32
    "tpu.region"() ({
      %run_scoped3A = tpu.sem_alloc : memref<!tpu.dma_semaphore, #tpu.memory_space<semaphore_mem>>
      %dma_start3A = tpu.memref_slice %arg2[%add3A_532] : memref<4392960xi32, #tpu.memory_space<hbm>> -> memref<8320xi32, #tpu.memory_space<hbm>>
      %dma_start3A_647 = tpu.memref_slice %arg2[%add3A_532] : memref<4392960xi32, #tpu.memory_space<hbm>> -> memref<8320xi32, #tpu.memory_space<hbm>>
      tpu.enqueue_dma source(%dma_start3A_647 : memref<8320xi32, #tpu.memory_space<hbm>>) target(%arg6 : memref<8320xi32, #tpu.memory_space<vmem>>) target_semaphore(%run_scoped3A : memref<!tpu.dma_semaphore, #tpu.memory_space<semaphore_mem>>)
      %dma_wait3A = tpu.memref_slice %arg2[%add3A_532] : memref<4392960xi32, #tpu.memory_space<hbm>> -> memref<8320xi32, #tpu.memory_space<hbm>>
      %dma_wait3A_648 = tpu.memref_slice %arg2[%add3A_532] : memref<4392960xi32, #tpu.memory_space<hbm>> -> memref<8320xi32, #tpu.memory_space<hbm>>
      tpu.wait_dma2 semaphore(%run_scoped3A : memref<!tpu.dma_semaphore, #tpu.memory_space<semaphore_mem>>) src(%dma_wait3A_648 : memref<8320xi32, #tpu.memory_space<hbm>>) dst(%arg6 : memref<8320xi32, #tpu.memory_space<vmem>>)
      tpu.yield
    }) : () -> ()
    "tpu.region"() ({
      %run_scoped3A = tpu.sem_alloc : memref<!tpu.dma_semaphore, #tpu.memory_space<semaphore_mem>>
      %dma_start3A = tpu.memref_slice %arg3[%add3A_532] : memref<4392960xf32, #tpu.memory_space<hbm>> -> memref<8320xf32, #tpu.memory_space<hbm>>
      %dma_start3A_647 = tpu.memref_slice %arg3[%add3A_532] : memref<4392960xf32, #tpu.memory_space<hbm>> -> memref<8320xf32, #tpu.memory_space<hbm>>
      tpu.enqueue_dma source(%dma_start3A_647 : memref<8320xf32, #tpu.memory_space<hbm>>) target(%arg7 : memref<8320xf32, #tpu.memory_space<vmem>>) target_semaphore(%run_scoped3A : memref<!tpu.dma_semaphore, #tpu.memory_space<semaphore_mem>>)
      %dma_wait3A = tpu.memref_slice %arg3[%add3A_532] : memref<4392960xf32, #tpu.memory_space<hbm>> -> memref<8320xf32, #tpu.memory_space<hbm>>
      %dma_wait3A_648 = tpu.memref_slice %arg3[%add3A_532] : memref<4392960xf32, #tpu.memory_space<hbm>> -> memref<8320xf32, #tpu.memory_space<hbm>>
      tpu.wait_dma2 semaphore(%run_scoped3A : memref<!tpu.dma_semaphore, #tpu.memory_space<semaphore_mem>>) src(%dma_wait3A_648 : memref<8320xf32, #tpu.memory_space<hbm>>) dst(%arg7 : memref<8320xf32, #tpu.memory_space<vmem>>)
      tpu.yield
    }) : () -> ()
    %scan3A_533 = arith.constant 0 : i32
    %scan3A_534 = arith.constant 0 : i32
    %scan3A_535 = arith.constant 520 : i32
    %scan3A_536 = arith.addi %scan3A_534, %scan3A_535 : i32
    %scan3A_537 = arith.constant 1 : i32
    scf.for %scan3A_647 = %scan3A_534 to %scan3A_536 step %scan3A_537  : i32 {
      %mul3A_648 = arith.constant 16 : i32
      %mul3A_649 = arith.muli %scan3A_647, %mul3A_648 : i32
      %get3A = arith.index_cast %mul3A_649 : i32 to index
      %get3A_650 = tpu.vector_load %arg6[%get3A] {strides = array<i32>} : memref<8320xi32, #tpu.memory_space<vmem>>, vector<16xi32>,
      %sub3A_651 = vector.broadcast %mul3A_322 : i32 to vector<16xi32>
      %sub3A_652 = arith.subi %get3A_650, %sub3A_651 : vector<16xi32>
      %get3A_653 = arith.index_cast %mul3A_649 : i32 to index
      %get3A_654 = tpu.vector_load %arg7[%get3A_653] {strides = array<i32>} : memref<8320xf32, #tpu.memory_space<vmem>>, vector<16xf32>,
      %ge3A = arith.constant 0 : i32
      %ge3A_655 = vector.broadcast %ge3A : i32 to vector<16xi32>
      %ge3A_656 = arith.cmpi sge, %sub3A_652, %ge3A_655 : vector<16xi32>
      %lt3A = arith.constant 67600 : i32
      %lt3A_657 = vector.broadcast %lt3A : i32 to vector<16xi32>
      %lt3A_658 = arith.cmpi slt, %sub3A_652, %lt3A_657 : vector<16xi32>
      %and3A_659 = arith.andi %ge3A_656, %lt3A_658 : vector<16xi1>
      %jit3A_660 = arith.constant 0 : i32
      %jit3A_661 = arith.constant 67599 : i32
      %max3A_662 = vector.broadcast %jit3A_660 : i32 to vector<16xi32>
      %max3A_663 = arith.maxsi %max3A_662, %sub3A_652 : vector<16xi32>
      %min3A = vector.broadcast %jit3A_661 : i32 to vector<16xi32>
      %min3A_664 = arith.minsi %min3A, %max3A_663 : vector<16xi32>
      tpu.vector_store_idx %arg5[%min3A_664], %get3A_654 masked %and3A_659 {add = true} : memref<67600xf32, #tpu.memory_space<vmem>>[vector<16xi32>], vector<16xf32>, vector<16xi1>
    }
    %scan3A_538 = arith.constant 520 : i32
    %add3A_539 = arith.constant 1 : i32
    %add3A_540 = arith.addi %select_n3A_358, %add3A_539 : i32
    %mul3A_541 = arith.constant 66560 : i32
    %mul3A_542 = arith.muli %add3A_540, %mul3A_541 : i32
    %add3A_543 = arith.constant 58240 : i32
    %add3A_544 = arith.addi %mul3A_542, %add3A_543 : i32
    "tpu.region"() ({
      %run_scoped3A = tpu.sem_alloc : memref<!tpu.dma_semaphore, #tpu.memory_space<semaphore_mem>>
      %dma_start3A = tpu.memref_slice %arg2[%add3A_544] : memref<4392960xi32, #tpu.memory_space<hbm>> -> memref<8320xi32, #tpu.memory_space<hbm>>
      %dma_start3A_647 = tpu.memref_slice %arg2[%add3A_544] : memref<4392960xi32, #tpu.memory_space<hbm>> -> memref<8320xi32, #tpu.memory_space<hbm>>
      tpu.enqueue_dma source(%dma_start3A_647 : memref<8320xi32, #tpu.memory_space<hbm>>) target(%arg6 : memref<8320xi32, #tpu.memory_space<vmem>>) target_semaphore(%run_scoped3A : memref<!tpu.dma_semaphore, #tpu.memory_space<semaphore_mem>>)
      %dma_wait3A = tpu.memref_slice %arg2[%add3A_544] : memref<4392960xi32, #tpu.memory_space<hbm>> -> memref<8320xi32, #tpu.memory_space<hbm>>
      %dma_wait3A_648 = tpu.memref_slice %arg2[%add3A_544] : memref<4392960xi32, #tpu.memory_space<hbm>> -> memref<8320xi32, #tpu.memory_space<hbm>>
      tpu.wait_dma2 semaphore(%run_scoped3A : memref<!tpu.dma_semaphore, #tpu.memory_space<semaphore_mem>>) src(%dma_wait3A_648 : memref<8320xi32, #tpu.memory_space<hbm>>) dst(%arg6 : memref<8320xi32, #tpu.memory_space<vmem>>)
      tpu.yield
    }) : () -> ()
    "tpu.region"() ({
      %run_scoped3A = tpu.sem_alloc : memref<!tpu.dma_semaphore, #tpu.memory_space<semaphore_mem>>
      %dma_start3A = tpu.memref_slice %arg3[%add3A_544] : memref<4392960xf32, #tpu.memory_space<hbm>> -> memref<8320xf32, #tpu.memory_space<hbm>>
      %dma_start3A_647 = tpu.memref_slice %arg3[%add3A_544] : memref<4392960xf32, #tpu.memory_space<hbm>> -> memref<8320xf32, #tpu.memory_space<hbm>>
      tpu.enqueue_dma source(%dma_start3A_647 : memref<8320xf32, #tpu.memory_space<hbm>>) target(%arg7 : memref<8320xf32, #tpu.memory_space<vmem>>) target_semaphore(%run_scoped3A : memref<!tpu.dma_semaphore, #tpu.memory_space<semaphore_mem>>)
      %dma_wait3A = tpu.memref_slice %arg3[%add3A_544] : memref<4392960xf32, #tpu.memory_space<hbm>> -> memref<8320xf32, #tpu.memory_space<hbm>>
      %dma_wait3A_648 = tpu.memref_slice %arg3[%add3A_544] : memref<4392960xf32, #tpu.memory_space<hbm>> -> memref<8320xf32, #tpu.memory_space<hbm>>
      tpu.wait_dma2 semaphore(%run_scoped3A : memref<!tpu.dma_semaphore, #tpu.memory_space<semaphore_mem>>) src(%dma_wait3A_648 : memref<8320xf32, #tpu.memory_space<hbm>>) dst(%arg7 : memref<8320xf32, #tpu.memory_space<vmem>>)
      tpu.yield
    }) : () -> ()
    %scan3A_545 = arith.constant 0 : i32
    %scan3A_546 = arith.constant 0 : i32
    %scan3A_547 = arith.constant 520 : i32
    %scan3A_548 = arith.addi %scan3A_546, %scan3A_547 : i32
    %scan3A_549 = arith.constant 1 : i32
    scf.for %scan3A_647 = %scan3A_546 to %scan3A_548 step %scan3A_549  : i32 {
      %mul3A_648 = arith.constant 16 : i32
      %mul3A_649 = arith.muli %scan3A_647, %mul3A_648 : i32
      %get3A = arith.index_cast %mul3A_649 : i32 to index
      %get3A_650 = tpu.vector_load %arg6[%get3A] {strides = array<i32>} : memref<8320xi32, #tpu.memory_space<vmem>>, vector<16xi32>,
      %sub3A_651 = vector.broadcast %mul3A_322 : i32 to vector<16xi32>
      %sub3A_652 = arith.subi %get3A_650, %sub3A_651 : vector<16xi32>
      %get3A_653 = arith.index_cast %mul3A_649 : i32 to index
      %get3A_654 = tpu.vector_load %arg7[%get3A_653] {strides = array<i32>} : memref<8320xf32, #tpu.memory_space<vmem>>, vector<16xf32>,
      %ge3A = arith.constant 0 : i32
      %ge3A_655 = vector.broadcast %ge3A : i32 to vector<16xi32>
      %ge3A_656 = arith.cmpi sge, %sub3A_652, %ge3A_655 : vector<16xi32>
      %lt3A = arith.constant 67600 : i32
      %lt3A_657 = vector.broadcast %lt3A : i32 to vector<16xi32>
      %lt3A_658 = arith.cmpi slt, %sub3A_652, %lt3A_657 : vector<16xi32>
      %and3A_659 = arith.andi %ge3A_656, %lt3A_658 : vector<16xi1>
      %jit3A_660 = arith.constant 0 : i32
      %jit3A_661 = arith.constant 67599 : i32
      %max3A_662 = vector.broadcast %jit3A_660 : i32 to vector<16xi32>
      %max3A_663 = arith.maxsi %max3A_662, %sub3A_652 : vector<16xi32>
      %min3A = vector.broadcast %jit3A_661 : i32 to vector<16xi32>
      %min3A_664 = arith.minsi %min3A, %max3A_663 : vector<16xi32>
      tpu.vector_store_idx %arg5[%min3A_664], %get3A_654 masked %and3A_659 {add = true} : memref<67600xf32, #tpu.memory_space<vmem>>[vector<16xi32>], vector<16xf32>, vector<16xi1>
    }
    %scan3A_550 = arith.constant 520 : i32
    %add3A_551 = arith.constant 2 : i32
    %add3A_552 = arith.addi %select_n3A_358, %add3A_551 : i32
    %mul3A_553 = arith.constant 66560 : i32
    %mul3A_554 = arith.muli %add3A_552, %mul3A_553 : i32
    %add3A_555 = arith.constant 0 : i32
    %add3A_556 = arith.addi %mul3A_554, %add3A_555 : i32
    "tpu.region"() ({
      %run_scoped3A = tpu.sem_alloc : memref<!tpu.dma_semaphore, #tpu.memory_space<semaphore_mem>>
      %dma_start3A = tpu.memref_slice %arg2[%add3A_556] : memref<4392960xi32, #tpu.memory_space<hbm>> -> memref<8320xi32, #tpu.memory_space<hbm>>
      %dma_start3A_647 = tpu.memref_slice %arg2[%add3A_556] : memref<4392960xi32, #tpu.memory_space<hbm>> -> memref<8320xi32, #tpu.memory_space<hbm>>
      tpu.enqueue_dma source(%dma_start3A_647 : memref<8320xi32, #tpu.memory_space<hbm>>) target(%arg6 : memref<8320xi32, #tpu.memory_space<vmem>>) target_semaphore(%run_scoped3A : memref<!tpu.dma_semaphore, #tpu.memory_space<semaphore_mem>>)
      %dma_wait3A = tpu.memref_slice %arg2[%add3A_556] : memref<4392960xi32, #tpu.memory_space<hbm>> -> memref<8320xi32, #tpu.memory_space<hbm>>
      %dma_wait3A_648 = tpu.memref_slice %arg2[%add3A_556] : memref<4392960xi32, #tpu.memory_space<hbm>> -> memref<8320xi32, #tpu.memory_space<hbm>>
      tpu.wait_dma2 semaphore(%run_scoped3A : memref<!tpu.dma_semaphore, #tpu.memory_space<semaphore_mem>>) src(%dma_wait3A_648 : memref<8320xi32, #tpu.memory_space<hbm>>) dst(%arg6 : memref<8320xi32, #tpu.memory_space<vmem>>)
      tpu.yield
    }) : () -> ()
    "tpu.region"() ({
      %run_scoped3A = tpu.sem_alloc : memref<!tpu.dma_semaphore, #tpu.memory_space<semaphore_mem>>
      %dma_start3A = tpu.memref_slice %arg3[%add3A_556] : memref<4392960xf32, #tpu.memory_space<hbm>> -> memref<8320xf32, #tpu.memory_space<hbm>>
      %dma_start3A_647 = tpu.memref_slice %arg3[%add3A_556] : memref<4392960xf32, #tpu.memory_space<hbm>> -> memref<8320xf32, #tpu.memory_space<hbm>>
      tpu.enqueue_dma source(%dma_start3A_647 : memref<8320xf32, #tpu.memory_space<hbm>>) target(%arg7 : memref<8320xf32, #tpu.memory_space<vmem>>) target_semaphore(%run_scoped3A : memref<!tpu.dma_semaphore, #tpu.memory_space<semaphore_mem>>)
      %dma_wait3A = tpu.memref_slice %arg3[%add3A_556] : memref<4392960xf32, #tpu.memory_space<hbm>> -> memref<8320xf32, #tpu.memory_space<hbm>>
      %dma_wait3A_648 = tpu.memref_slice %arg3[%add3A_556] : memref<4392960xf32, #tpu.memory_space<hbm>> -> memref<8320xf32, #tpu.memory_space<hbm>>
      tpu.wait_dma2 semaphore(%run_scoped3A : memref<!tpu.dma_semaphore, #tpu.memory_space<semaphore_mem>>) src(%dma_wait3A_648 : memref<8320xf32, #tpu.memory_space<hbm>>) dst(%arg7 : memref<8320xf32, #tpu.memory_space<vmem>>)
      tpu.yield
    }) : () -> ()
    %scan3A_557 = arith.constant 0 : i32
    %scan3A_558 = arith.constant 0 : i32
    %scan3A_559 = arith.constant 520 : i32
    %scan3A_560 = arith.addi %scan3A_558, %scan3A_559 : i32
    %scan3A_561 = arith.constant 1 : i32
    scf.for %scan3A_647 = %scan3A_558 to %scan3A_560 step %scan3A_561  : i32 {
      %mul3A_648 = arith.constant 16 : i32
      %mul3A_649 = arith.muli %scan3A_647, %mul3A_648 : i32
      %get3A = arith.index_cast %mul3A_649 : i32 to index
      %get3A_650 = tpu.vector_load %arg6[%get3A] {strides = array<i32>} : memref<8320xi32, #tpu.memory_space<vmem>>, vector<16xi32>,
      %sub3A_651 = vector.broadcast %mul3A_322 : i32 to vector<16xi32>
      %sub3A_652 = arith.subi %get3A_650, %sub3A_651 : vector<16xi32>
      %get3A_653 = arith.index_cast %mul3A_649 : i32 to index
      %get3A_654 = tpu.vector_load %arg7[%get3A_653] {strides = array<i32>} : memref<8320xf32, #tpu.memory_space<vmem>>, vector<16xf32>,
      %ge3A = arith.constant 0 : i32
      %ge3A_655 = vector.broadcast %ge3A : i32 to vector<16xi32>
      %ge3A_656 = arith.cmpi sge, %sub3A_652, %ge3A_655 : vector<16xi32>
      %lt3A = arith.constant 67600 : i32
      %lt3A_657 = vector.broadcast %lt3A : i32 to vector<16xi32>
      %lt3A_658 = arith.cmpi slt, %sub3A_652, %lt3A_657 : vector<16xi32>
      %and3A_659 = arith.andi %ge3A_656, %lt3A_658 : vector<16xi1>
      %jit3A_660 = arith.constant 0 : i32
      %jit3A_661 = arith.constant 67599 : i32
      %max3A_662 = vector.broadcast %jit3A_660 : i32 to vector<16xi32>
      %max3A_663 = arith.maxsi %max3A_662, %sub3A_652 : vector<16xi32>
      %min3A = vector.broadcast %jit3A_661 : i32 to vector<16xi32>
      %min3A_664 = arith.minsi %min3A, %max3A_663 : vector<16xi32>
      tpu.vector_store_idx %arg5[%min3A_664], %get3A_654 masked %and3A_659 {add = true} : memref<67600xf32, #tpu.memory_space<vmem>>[vector<16xi32>], vector<16xf32>, vector<16xi1>
    }
    %scan3A_562 = arith.constant 520 : i32
    %add3A_563 = arith.constant 2 : i32
    %add3A_564 = arith.addi %select_n3A_358, %add3A_563 : i32
    %mul3A_565 = arith.constant 66560 : i32
    %mul3A_566 = arith.muli %add3A_564, %mul3A_565 : i32
    %add3A_567 = arith.constant 8320 : i32
    %add3A_568 = arith.addi %mul3A_566, %add3A_567 : i32
    "tpu.region"() ({
      %run_scoped3A = tpu.sem_alloc : memref<!tpu.dma_semaphore, #tpu.memory_space<semaphore_mem>>
      %dma_start3A = tpu.memref_slice %arg2[%add3A_568] : memref<4392960xi32, #tpu.memory_space<hbm>> -> memref<8320xi32, #tpu.memory_space<hbm>>
      %dma_start3A_647 = tpu.memref_slice %arg2[%add3A_568] : memref<4392960xi32, #tpu.memory_space<hbm>> -> memref<8320xi32, #tpu.memory_space<hbm>>
      tpu.enqueue_dma source(%dma_start3A_647 : memref<8320xi32, #tpu.memory_space<hbm>>) target(%arg6 : memref<8320xi32, #tpu.memory_space<vmem>>) target_semaphore(%run_scoped3A : memref<!tpu.dma_semaphore, #tpu.memory_space<semaphore_mem>>)
      %dma_wait3A = tpu.memref_slice %arg2[%add3A_568] : memref<4392960xi32, #tpu.memory_space<hbm>> -> memref<8320xi32, #tpu.memory_space<hbm>>
      %dma_wait3A_648 = tpu.memref_slice %arg2[%add3A_568] : memref<4392960xi32, #tpu.memory_space<hbm>> -> memref<8320xi32, #tpu.memory_space<hbm>>
      tpu.wait_dma2 semaphore(%run_scoped3A : memref<!tpu.dma_semaphore, #tpu.memory_space<semaphore_mem>>) src(%dma_wait3A_648 : memref<8320xi32, #tpu.memory_space<hbm>>) dst(%arg6 : memref<8320xi32, #tpu.memory_space<vmem>>)
      tpu.yield
    }) : () -> ()
    "tpu.region"() ({
      %run_scoped3A = tpu.sem_alloc : memref<!tpu.dma_semaphore, #tpu.memory_space<semaphore_mem>>
      %dma_start3A = tpu.memref_slice %arg3[%add3A_568] : memref<4392960xf32, #tpu.memory_space<hbm>> -> memref<8320xf32, #tpu.memory_space<hbm>>
      %dma_start3A_647 = tpu.memref_slice %arg3[%add3A_568] : memref<4392960xf32, #tpu.memory_space<hbm>> -> memref<8320xf32, #tpu.memory_space<hbm>>
      tpu.enqueue_dma source(%dma_start3A_647 : memref<8320xf32, #tpu.memory_space<hbm>>) target(%arg7 : memref<8320xf32, #tpu.memory_space<vmem>>) target_semaphore(%run_scoped3A : memref<!tpu.dma_semaphore, #tpu.memory_space<semaphore_mem>>)
      %dma_wait3A = tpu.memref_slice %arg3[%add3A_568] : memref<4392960xf32, #tpu.memory_space<hbm>> -> memref<8320xf32, #tpu.memory_space<hbm>>
      %dma_wait3A_648 = tpu.memref_slice %arg3[%add3A_568] : memref<4392960xf32, #tpu.memory_space<hbm>> -> memref<8320xf32, #tpu.memory_space<hbm>>
      tpu.wait_dma2 semaphore(%run_scoped3A : memref<!tpu.dma_semaphore, #tpu.memory_space<semaphore_mem>>) src(%dma_wait3A_648 : memref<8320xf32, #tpu.memory_space<hbm>>) dst(%arg7 : memref<8320xf32, #tpu.memory_space<vmem>>)
      tpu.yield
    }) : () -> ()
    %scan3A_569 = arith.constant 0 : i32
    %scan3A_570 = arith.constant 0 : i32
    %scan3A_571 = arith.constant 520 : i32
    %scan3A_572 = arith.addi %scan3A_570, %scan3A_571 : i32
    %scan3A_573 = arith.constant 1 : i32
    scf.for %scan3A_647 = %scan3A_570 to %scan3A_572 step %scan3A_573  : i32 {
      %mul3A_648 = arith.constant 16 : i32
      %mul3A_649 = arith.muli %scan3A_647, %mul3A_648 : i32
      %get3A = arith.index_cast %mul3A_649 : i32 to index
      %get3A_650 = tpu.vector_load %arg6[%get3A] {strides = array<i32>} : memref<8320xi32, #tpu.memory_space<vmem>>, vector<16xi32>,
      %sub3A_651 = vector.broadcast %mul3A_322 : i32 to vector<16xi32>
      %sub3A_652 = arith.subi %get3A_650, %sub3A_651 : vector<16xi32>
      %get3A_653 = arith.index_cast %mul3A_649 : i32 to index
      %get3A_654 = tpu.vector_load %arg7[%get3A_653] {strides = array<i32>} : memref<8320xf32, #tpu.memory_space<vmem>>, vector<16xf32>,
      %ge3A = arith.constant 0 : i32
      %ge3A_655 = vector.broadcast %ge3A : i32 to vector<16xi32>
      %ge3A_656 = arith.cmpi sge, %sub3A_652, %ge3A_655 : vector<16xi32>
      %lt3A = arith.constant 67600 : i32
      %lt3A_657 = vector.broadcast %lt3A : i32 to vector<16xi32>
      %lt3A_658 = arith.cmpi slt, %sub3A_652, %lt3A_657 : vector<16xi32>
      %and3A_659 = arith.andi %ge3A_656, %lt3A_658 : vector<16xi1>
      %jit3A_660 = arith.constant 0 : i32
      %jit3A_661 = arith.constant 67599 : i32
      %max3A_662 = vector.broadcast %jit3A_660 : i32 to vector<16xi32>
      %max3A_663 = arith.maxsi %max3A_662, %sub3A_652 : vector<16xi32>
      %min3A = vector.broadcast %jit3A_661 : i32 to vector<16xi32>
      %min3A_664 = arith.minsi %min3A, %max3A_663 : vector<16xi32>
      tpu.vector_store_idx %arg5[%min3A_664], %get3A_654 masked %and3A_659 {add = true} : memref<67600xf32, #tpu.memory_space<vmem>>[vector<16xi32>], vector<16xf32>, vector<16xi1>
    }
    %scan3A_574 = arith.constant 520 : i32
    %add3A_575 = arith.constant 2 : i32
    %add3A_576 = arith.addi %select_n3A_358, %add3A_575 : i32
    %mul3A_577 = arith.constant 66560 : i32
    %mul3A_578 = arith.muli %add3A_576, %mul3A_577 : i32
    %add3A_579 = arith.constant 16640 : i32
    %add3A_580 = arith.addi %mul3A_578, %add3A_579 : i32
    "tpu.region"() ({
      %run_scoped3A = tpu.sem_alloc : memref<!tpu.dma_semaphore, #tpu.memory_space<semaphore_mem>>
      %dma_start3A = tpu.memref_slice %arg2[%add3A_580] : memref<4392960xi32, #tpu.memory_space<hbm>> -> memref<8320xi32, #tpu.memory_space<hbm>>
      %dma_start3A_647 = tpu.memref_slice %arg2[%add3A_580] : memref<4392960xi32, #tpu.memory_space<hbm>> -> memref<8320xi32, #tpu.memory_space<hbm>>
      tpu.enqueue_dma source(%dma_start3A_647 : memref<8320xi32, #tpu.memory_space<hbm>>) target(%arg6 : memref<8320xi32, #tpu.memory_space<vmem>>) target_semaphore(%run_scoped3A : memref<!tpu.dma_semaphore, #tpu.memory_space<semaphore_mem>>)
      %dma_wait3A = tpu.memref_slice %arg2[%add3A_580] : memref<4392960xi32, #tpu.memory_space<hbm>> -> memref<8320xi32, #tpu.memory_space<hbm>>
      %dma_wait3A_648 = tpu.memref_slice %arg2[%add3A_580] : memref<4392960xi32, #tpu.memory_space<hbm>> -> memref<8320xi32, #tpu.memory_space<hbm>>
      tpu.wait_dma2 semaphore(%run_scoped3A : memref<!tpu.dma_semaphore, #tpu.memory_space<semaphore_mem>>) src(%dma_wait3A_648 : memref<8320xi32, #tpu.memory_space<hbm>>) dst(%arg6 : memref<8320xi32, #tpu.memory_space<vmem>>)
      tpu.yield
    }) : () -> ()
    "tpu.region"() ({
      %run_scoped3A = tpu.sem_alloc : memref<!tpu.dma_semaphore, #tpu.memory_space<semaphore_mem>>
      %dma_start3A = tpu.memref_slice %arg3[%add3A_580] : memref<4392960xf32, #tpu.memory_space<hbm>> -> memref<8320xf32, #tpu.memory_space<hbm>>
      %dma_start3A_647 = tpu.memref_slice %arg3[%add3A_580] : memref<4392960xf32, #tpu.memory_space<hbm>> -> memref<8320xf32, #tpu.memory_space<hbm>>
      tpu.enqueue_dma source(%dma_start3A_647 : memref<8320xf32, #tpu.memory_space<hbm>>) target(%arg7 : memref<8320xf32, #tpu.memory_space<vmem>>) target_semaphore(%run_scoped3A : memref<!tpu.dma_semaphore, #tpu.memory_space<semaphore_mem>>)
      %dma_wait3A = tpu.memref_slice %arg3[%add3A_580] : memref<4392960xf32, #tpu.memory_space<hbm>> -> memref<8320xf32, #tpu.memory_space<hbm>>
      %dma_wait3A_648 = tpu.memref_slice %arg3[%add3A_580] : memref<4392960xf32, #tpu.memory_space<hbm>> -> memref<8320xf32, #tpu.memory_space<hbm>>
      tpu.wait_dma2 semaphore(%run_scoped3A : memref<!tpu.dma_semaphore, #tpu.memory_space<semaphore_mem>>) src(%dma_wait3A_648 : memref<8320xf32, #tpu.memory_space<hbm>>) dst(%arg7 : memref<8320xf32, #tpu.memory_space<vmem>>)
      tpu.yield
    }) : () -> ()
    %scan3A_581 = arith.constant 0 : i32
    %scan3A_582 = arith.constant 0 : i32
    %scan3A_583 = arith.constant 520 : i32
    %scan3A_584 = arith.addi %scan3A_582, %scan3A_583 : i32
    %scan3A_585 = arith.constant 1 : i32
    scf.for %scan3A_647 = %scan3A_582 to %scan3A_584 step %scan3A_585  : i32 {
      %mul3A_648 = arith.constant 16 : i32
      %mul3A_649 = arith.muli %scan3A_647, %mul3A_648 : i32
      %get3A = arith.index_cast %mul3A_649 : i32 to index
      %get3A_650 = tpu.vector_load %arg6[%get3A] {strides = array<i32>} : memref<8320xi32, #tpu.memory_space<vmem>>, vector<16xi32>,
      %sub3A_651 = vector.broadcast %mul3A_322 : i32 to vector<16xi32>
      %sub3A_652 = arith.subi %get3A_650, %sub3A_651 : vector<16xi32>
      %get3A_653 = arith.index_cast %mul3A_649 : i32 to index
      %get3A_654 = tpu.vector_load %arg7[%get3A_653] {strides = array<i32>} : memref<8320xf32, #tpu.memory_space<vmem>>, vector<16xf32>,
      %ge3A = arith.constant 0 : i32
      %ge3A_655 = vector.broadcast %ge3A : i32 to vector<16xi32>
      %ge3A_656 = arith.cmpi sge, %sub3A_652, %ge3A_655 : vector<16xi32>
      %lt3A = arith.constant 67600 : i32
      %lt3A_657 = vector.broadcast %lt3A : i32 to vector<16xi32>
      %lt3A_658 = arith.cmpi slt, %sub3A_652, %lt3A_657 : vector<16xi32>
      %and3A_659 = arith.andi %ge3A_656, %lt3A_658 : vector<16xi1>
      %jit3A_660 = arith.constant 0 : i32
      %jit3A_661 = arith.constant 67599 : i32
      %max3A_662 = vector.broadcast %jit3A_660 : i32 to vector<16xi32>
      %max3A_663 = arith.maxsi %max3A_662, %sub3A_652 : vector<16xi32>
      %min3A = vector.broadcast %jit3A_661 : i32 to vector<16xi32>
      %min3A_664 = arith.minsi %min3A, %max3A_663 : vector<16xi32>
      tpu.vector_store_idx %arg5[%min3A_664], %get3A_654 masked %and3A_659 {add = true} : memref<67600xf32, #tpu.memory_space<vmem>>[vector<16xi32>], vector<16xf32>, vector<16xi1>
    }
    %scan3A_586 = arith.constant 520 : i32
    %add3A_587 = arith.constant 2 : i32
    %add3A_588 = arith.addi %select_n3A_358, %add3A_587 : i32
    %mul3A_589 = arith.constant 66560 : i32
    %mul3A_590 = arith.muli %add3A_588, %mul3A_589 : i32
    %add3A_591 = arith.constant 24960 : i32
    %add3A_592 = arith.addi %mul3A_590, %add3A_591 : i32
    "tpu.region"() ({
      %run_scoped3A = tpu.sem_alloc : memref<!tpu.dma_semaphore, #tpu.memory_space<semaphore_mem>>
      %dma_start3A = tpu.memref_slice %arg2[%add3A_592] : memref<4392960xi32, #tpu.memory_space<hbm>> -> memref<8320xi32, #tpu.memory_space<hbm>>
      %dma_start3A_647 = tpu.memref_slice %arg2[%add3A_592] : memref<4392960xi32, #tpu.memory_space<hbm>> -> memref<8320xi32, #tpu.memory_space<hbm>>
      tpu.enqueue_dma source(%dma_start3A_647 : memref<8320xi32, #tpu.memory_space<hbm>>) target(%arg6 : memref<8320xi32, #tpu.memory_space<vmem>>) target_semaphore(%run_scoped3A : memref<!tpu.dma_semaphore, #tpu.memory_space<semaphore_mem>>)
      %dma_wait3A = tpu.memref_slice %arg2[%add3A_592] : memref<4392960xi32, #tpu.memory_space<hbm>> -> memref<8320xi32, #tpu.memory_space<hbm>>
      %dma_wait3A_648 = tpu.memref_slice %arg2[%add3A_592] : memref<4392960xi32, #tpu.memory_space<hbm>> -> memref<8320xi32, #tpu.memory_space<hbm>>
      tpu.wait_dma2 semaphore(%run_scoped3A : memref<!tpu.dma_semaphore, #tpu.memory_space<semaphore_mem>>) src(%dma_wait3A_648 : memref<8320xi32, #tpu.memory_space<hbm>>) dst(%arg6 : memref<8320xi32, #tpu.memory_space<vmem>>)
      tpu.yield
    }) : () -> ()
    "tpu.region"() ({
      %run_scoped3A = tpu.sem_alloc : memref<!tpu.dma_semaphore, #tpu.memory_space<semaphore_mem>>
      %dma_start3A = tpu.memref_slice %arg3[%add3A_592] : memref<4392960xf32, #tpu.memory_space<hbm>> -> memref<8320xf32, #tpu.memory_space<hbm>>
      %dma_start3A_647 = tpu.memref_slice %arg3[%add3A_592] : memref<4392960xf32, #tpu.memory_space<hbm>> -> memref<8320xf32, #tpu.memory_space<hbm>>
      tpu.enqueue_dma source(%dma_start3A_647 : memref<8320xf32, #tpu.memory_space<hbm>>) target(%arg7 : memref<8320xf32, #tpu.memory_space<vmem>>) target_semaphore(%run_scoped3A : memref<!tpu.dma_semaphore, #tpu.memory_space<semaphore_mem>>)
      %dma_wait3A = tpu.memref_slice %arg3[%add3A_592] : memref<4392960xf32, #tpu.memory_space<hbm>> -> memref<8320xf32, #tpu.memory_space<hbm>>
      %dma_wait3A_648 = tpu.memref_slice %arg3[%add3A_592] : memref<4392960xf32, #tpu.memory_space<hbm>> -> memref<8320xf32, #tpu.memory_space<hbm>>
      tpu.wait_dma2 semaphore(%run_scoped3A : memref<!tpu.dma_semaphore, #tpu.memory_space<semaphore_mem>>) src(%dma_wait3A_648 : memref<8320xf32, #tpu.memory_space<hbm>>) dst(%arg7 : memref<8320xf32, #tpu.memory_space<vmem>>)
      tpu.yield
    }) : () -> ()
    %scan3A_593 = arith.constant 0 : i32
    %scan3A_594 = arith.constant 0 : i32
    %scan3A_595 = arith.constant 520 : i32
    %scan3A_596 = arith.addi %scan3A_594, %scan3A_595 : i32
    %scan3A_597 = arith.constant 1 : i32
    scf.for %scan3A_647 = %scan3A_594 to %scan3A_596 step %scan3A_597  : i32 {
      %mul3A_648 = arith.constant 16 : i32
      %mul3A_649 = arith.muli %scan3A_647, %mul3A_648 : i32
      %get3A = arith.index_cast %mul3A_649 : i32 to index
      %get3A_650 = tpu.vector_load %arg6[%get3A] {strides = array<i32>} : memref<8320xi32, #tpu.memory_space<vmem>>, vector<16xi32>,
      %sub3A_651 = vector.broadcast %mul3A_322 : i32 to vector<16xi32>
      %sub3A_652 = arith.subi %get3A_650, %sub3A_651 : vector<16xi32>
      %get3A_653 = arith.index_cast %mul3A_649 : i32 to index
      %get3A_654 = tpu.vector_load %arg7[%get3A_653] {strides = array<i32>} : memref<8320xf32, #tpu.memory_space<vmem>>, vector<16xf32>,
      %ge3A = arith.constant 0 : i32
      %ge3A_655 = vector.broadcast %ge3A : i32 to vector<16xi32>
      %ge3A_656 = arith.cmpi sge, %sub3A_652, %ge3A_655 : vector<16xi32>
      %lt3A = arith.constant 67600 : i32
      %lt3A_657 = vector.broadcast %lt3A : i32 to vector<16xi32>
      %lt3A_658 = arith.cmpi slt, %sub3A_652, %lt3A_657 : vector<16xi32>
      %and3A_659 = arith.andi %ge3A_656, %lt3A_658 : vector<16xi1>
      %jit3A_660 = arith.constant 0 : i32
      %jit3A_661 = arith.constant 67599 : i32
      %max3A_662 = vector.broadcast %jit3A_660 : i32 to vector<16xi32>
      %max3A_663 = arith.maxsi %max3A_662, %sub3A_652 : vector<16xi32>
      %min3A = vector.broadcast %jit3A_661 : i32 to vector<16xi32>
      %min3A_664 = arith.minsi %min3A, %max3A_663 : vector<16xi32>
      tpu.vector_store_idx %arg5[%min3A_664], %get3A_654 masked %and3A_659 {add = true} : memref<67600xf32, #tpu.memory_space<vmem>>[vector<16xi32>], vector<16xf32>, vector<16xi1>
    }
    %scan3A_598 = arith.constant 520 : i32
    %add3A_599 = arith.constant 2 : i32
    %add3A_600 = arith.addi %select_n3A_358, %add3A_599 : i32
    %mul3A_601 = arith.constant 66560 : i32
    %mul3A_602 = arith.muli %add3A_600, %mul3A_601 : i32
    %add3A_603 = arith.constant 33280 : i32
    %add3A_604 = arith.addi %mul3A_602, %add3A_603 : i32
    "tpu.region"() ({
      %run_scoped3A = tpu.sem_alloc : memref<!tpu.dma_semaphore, #tpu.memory_space<semaphore_mem>>
      %dma_start3A = tpu.memref_slice %arg2[%add3A_604] : memref<4392960xi32, #tpu.memory_space<hbm>> -> memref<8320xi32, #tpu.memory_space<hbm>>
      %dma_start3A_647 = tpu.memref_slice %arg2[%add3A_604] : memref<4392960xi32, #tpu.memory_space<hbm>> -> memref<8320xi32, #tpu.memory_space<hbm>>
      tpu.enqueue_dma source(%dma_start3A_647 : memref<8320xi32, #tpu.memory_space<hbm>>) target(%arg6 : memref<8320xi32, #tpu.memory_space<vmem>>) target_semaphore(%run_scoped3A : memref<!tpu.dma_semaphore, #tpu.memory_space<semaphore_mem>>)
      %dma_wait3A = tpu.memref_slice %arg2[%add3A_604] : memref<4392960xi32, #tpu.memory_space<hbm>> -> memref<8320xi32, #tpu.memory_space<hbm>>
      %dma_wait3A_648 = tpu.memref_slice %arg2[%add3A_604] : memref<4392960xi32, #tpu.memory_space<hbm>> -> memref<8320xi32, #tpu.memory_space<hbm>>
      tpu.wait_dma2 semaphore(%run_scoped3A : memref<!tpu.dma_semaphore, #tpu.memory_space<semaphore_mem>>) src(%dma_wait3A_648 : memref<8320xi32, #tpu.memory_space<hbm>>) dst(%arg6 : memref<8320xi32, #tpu.memory_space<vmem>>)
      tpu.yield
    }) : () -> ()
    "tpu.region"() ({
      %run_scoped3A = tpu.sem_alloc : memref<!tpu.dma_semaphore, #tpu.memory_space<semaphore_mem>>
      %dma_start3A = tpu.memref_slice %arg3[%add3A_604] : memref<4392960xf32, #tpu.memory_space<hbm>> -> memref<8320xf32, #tpu.memory_space<hbm>>
      %dma_start3A_647 = tpu.memref_slice %arg3[%add3A_604] : memref<4392960xf32, #tpu.memory_space<hbm>> -> memref<8320xf32, #tpu.memory_space<hbm>>
      tpu.enqueue_dma source(%dma_start3A_647 : memref<8320xf32, #tpu.memory_space<hbm>>) target(%arg7 : memref<8320xf32, #tpu.memory_space<vmem>>) target_semaphore(%run_scoped3A : memref<!tpu.dma_semaphore, #tpu.memory_space<semaphore_mem>>)
      %dma_wait3A = tpu.memref_slice %arg3[%add3A_604] : memref<4392960xf32, #tpu.memory_space<hbm>> -> memref<8320xf32, #tpu.memory_space<hbm>>
      %dma_wait3A_648 = tpu.memref_slice %arg3[%add3A_604] : memref<4392960xf32, #tpu.memory_space<hbm>> -> memref<8320xf32, #tpu.memory_space<hbm>>
      tpu.wait_dma2 semaphore(%run_scoped3A : memref<!tpu.dma_semaphore, #tpu.memory_space<semaphore_mem>>) src(%dma_wait3A_648 : memref<8320xf32, #tpu.memory_space<hbm>>) dst(%arg7 : memref<8320xf32, #tpu.memory_space<vmem>>)
      tpu.yield
    }) : () -> ()
    %scan3A_605 = arith.constant 0 : i32
    %scan3A_606 = arith.constant 0 : i32
    %scan3A_607 = arith.constant 520 : i32
    %scan3A_608 = arith.addi %scan3A_606, %scan3A_607 : i32
    %scan3A_609 = arith.constant 1 : i32
    scf.for %scan3A_647 = %scan3A_606 to %scan3A_608 step %scan3A_609  : i32 {
      %mul3A_648 = arith.constant 16 : i32
      %mul3A_649 = arith.muli %scan3A_647, %mul3A_648 : i32
      %get3A = arith.index_cast %mul3A_649 : i32 to index
      %get3A_650 = tpu.vector_load %arg6[%get3A] {strides = array<i32>} : memref<8320xi32, #tpu.memory_space<vmem>>, vector<16xi32>,
      %sub3A_651 = vector.broadcast %mul3A_322 : i32 to vector<16xi32>
      %sub3A_652 = arith.subi %get3A_650, %sub3A_651 : vector<16xi32>
      %get3A_653 = arith.index_cast %mul3A_649 : i32 to index
      %get3A_654 = tpu.vector_load %arg7[%get3A_653] {strides = array<i32>} : memref<8320xf32, #tpu.memory_space<vmem>>, vector<16xf32>,
      %ge3A = arith.constant 0 : i32
      %ge3A_655 = vector.broadcast %ge3A : i32 to vector<16xi32>
      %ge3A_656 = arith.cmpi sge, %sub3A_652, %ge3A_655 : vector<16xi32>
      %lt3A = arith.constant 67600 : i32
      %lt3A_657 = vector.broadcast %lt3A : i32 to vector<16xi32>
      %lt3A_658 = arith.cmpi slt, %sub3A_652, %lt3A_657 : vector<16xi32>
      %and3A_659 = arith.andi %ge3A_656, %lt3A_658 : vector<16xi1>
      %jit3A_660 = arith.constant 0 : i32
      %jit3A_661 = arith.constant 67599 : i32
      %max3A_662 = vector.broadcast %jit3A_660 : i32 to vector<16xi32>
      %max3A_663 = arith.maxsi %max3A_662, %sub3A_652 : vector<16xi32>
      %min3A = vector.broadcast %jit3A_661 : i32 to vector<16xi32>
      %min3A_664 = arith.minsi %min3A, %max3A_663 : vector<16xi32>
      tpu.vector_store_idx %arg5[%min3A_664], %get3A_654 masked %and3A_659 {add = true} : memref<67600xf32, #tpu.memory_space<vmem>>[vector<16xi32>], vector<16xf32>, vector<16xi1>
    }
    %scan3A_610 = arith.constant 520 : i32
    %add3A_611 = arith.constant 2 : i32
    %add3A_612 = arith.addi %select_n3A_358, %add3A_611 : i32
    %mul3A_613 = arith.constant 66560 : i32
    %mul3A_614 = arith.muli %add3A_612, %mul3A_613 : i32
    %add3A_615 = arith.constant 41600 : i32
    %add3A_616 = arith.addi %mul3A_614, %add3A_615 : i32
    "tpu.region"() ({
      %run_scoped3A = tpu.sem_alloc : memref<!tpu.dma_semaphore, #tpu.memory_space<semaphore_mem>>
      %dma_start3A = tpu.memref_slice %arg2[%add3A_616] : memref<4392960xi32, #tpu.memory_space<hbm>> -> memref<8320xi32, #tpu.memory_space<hbm>>
      %dma_start3A_647 = tpu.memref_slice %arg2[%add3A_616] : memref<4392960xi32, #tpu.memory_space<hbm>> -> memref<8320xi32, #tpu.memory_space<hbm>>
      tpu.enqueue_dma source(%dma_start3A_647 : memref<8320xi32, #tpu.memory_space<hbm>>) target(%arg6 : memref<8320xi32, #tpu.memory_space<vmem>>) target_semaphore(%run_scoped3A : memref<!tpu.dma_semaphore, #tpu.memory_space<semaphore_mem>>)
      %dma_wait3A = tpu.memref_slice %arg2[%add3A_616] : memref<4392960xi32, #tpu.memory_space<hbm>> -> memref<8320xi32, #tpu.memory_space<hbm>>
      %dma_wait3A_648 = tpu.memref_slice %arg2[%add3A_616] : memref<4392960xi32, #tpu.memory_space<hbm>> -> memref<8320xi32, #tpu.memory_space<hbm>>
      tpu.wait_dma2 semaphore(%run_scoped3A : memref<!tpu.dma_semaphore, #tpu.memory_space<semaphore_mem>>) src(%dma_wait3A_648 : memref<8320xi32, #tpu.memory_space<hbm>>) dst(%arg6 : memref<8320xi32, #tpu.memory_space<vmem>>)
      tpu.yield
    }) : () -> ()
    "tpu.region"() ({
      %run_scoped3A = tpu.sem_alloc : memref<!tpu.dma_semaphore, #tpu.memory_space<semaphore_mem>>
      %dma_start3A = tpu.memref_slice %arg3[%add3A_616] : memref<4392960xf32, #tpu.memory_space<hbm>> -> memref<8320xf32, #tpu.memory_space<hbm>>
      %dma_start3A_647 = tpu.memref_slice %arg3[%add3A_616] : memref<4392960xf32, #tpu.memory_space<hbm>> -> memref<8320xf32, #tpu.memory_space<hbm>>
      tpu.enqueue_dma source(%dma_start3A_647 : memref<8320xf32, #tpu.memory_space<hbm>>) target(%arg7 : memref<8320xf32, #tpu.memory_space<vmem>>) target_semaphore(%run_scoped3A : memref<!tpu.dma_semaphore, #tpu.memory_space<semaphore_mem>>)
      %dma_wait3A = tpu.memref_slice %arg3[%add3A_616] : memref<4392960xf32, #tpu.memory_space<hbm>> -> memref<8320xf32, #tpu.memory_space<hbm>>
      %dma_wait3A_648 = tpu.memref_slice %arg3[%add3A_616] : memref<4392960xf32, #tpu.memory_space<hbm>> -> memref<8320xf32, #tpu.memory_space<hbm>>
      tpu.wait_dma2 semaphore(%run_scoped3A : memref<!tpu.dma_semaphore, #tpu.memory_space<semaphore_mem>>) src(%dma_wait3A_648 : memref<8320xf32, #tpu.memory_space<hbm>>) dst(%arg7 : memref<8320xf32, #tpu.memory_space<vmem>>)
      tpu.yield
    }) : () -> ()
    %scan3A_617 = arith.constant 0 : i32
    %scan3A_618 = arith.constant 0 : i32
    %scan3A_619 = arith.constant 520 : i32
    %scan3A_620 = arith.addi %scan3A_618, %scan3A_619 : i32
    %scan3A_621 = arith.constant 1 : i32
    scf.for %scan3A_647 = %scan3A_618 to %scan3A_620 step %scan3A_621  : i32 {
      %mul3A_648 = arith.constant 16 : i32
      %mul3A_649 = arith.muli %scan3A_647, %mul3A_648 : i32
      %get3A = arith.index_cast %mul3A_649 : i32 to index
      %get3A_650 = tpu.vector_load %arg6[%get3A] {strides = array<i32>} : memref<8320xi32, #tpu.memory_space<vmem>>, vector<16xi32>,
      %sub3A_651 = vector.broadcast %mul3A_322 : i32 to vector<16xi32>
      %sub3A_652 = arith.subi %get3A_650, %sub3A_651 : vector<16xi32>
      %get3A_653 = arith.index_cast %mul3A_649 : i32 to index
      %get3A_654 = tpu.vector_load %arg7[%get3A_653] {strides = array<i32>} : memref<8320xf32, #tpu.memory_space<vmem>>, vector<16xf32>,
      %ge3A = arith.constant 0 : i32
      %ge3A_655 = vector.broadcast %ge3A : i32 to vector<16xi32>
      %ge3A_656 = arith.cmpi sge, %sub3A_652, %ge3A_655 : vector<16xi32>
      %lt3A = arith.constant 67600 : i32
      %lt3A_657 = vector.broadcast %lt3A : i32 to vector<16xi32>
      %lt3A_658 = arith.cmpi slt, %sub3A_652, %lt3A_657 : vector<16xi32>
      %and3A_659 = arith.andi %ge3A_656, %lt3A_658 : vector<16xi1>
      %jit3A_660 = arith.constant 0 : i32
      %jit3A_661 = arith.constant 67599 : i32
      %max3A_662 = vector.broadcast %jit3A_660 : i32 to vector<16xi32>
      %max3A_663 = arith.maxsi %max3A_662, %sub3A_652 : vector<16xi32>
      %min3A = vector.broadcast %jit3A_661 : i32 to vector<16xi32>
      %min3A_664 = arith.minsi %min3A, %max3A_663 : vector<16xi32>
      tpu.vector_store_idx %arg5[%min3A_664], %get3A_654 masked %and3A_659 {add = true} : memref<67600xf32, #tpu.memory_space<vmem>>[vector<16xi32>], vector<16xf32>, vector<16xi1>
    }
    %scan3A_622 = arith.constant 520 : i32
    %add3A_623 = arith.constant 2 : i32
    %add3A_624 = arith.addi %select_n3A_358, %add3A_623 : i32
    %mul3A_625 = arith.constant 66560 : i32
    %mul3A_626 = arith.muli %add3A_624, %mul3A_625 : i32
    %add3A_627 = arith.constant 49920 : i32
    %add3A_628 = arith.addi %mul3A_626, %add3A_627 : i32
    "tpu.region"() ({
      %run_scoped3A = tpu.sem_alloc : memref<!tpu.dma_semaphore, #tpu.memory_space<semaphore_mem>>
      %dma_start3A = tpu.memref_slice %arg2[%add3A_628] : memref<4392960xi32, #tpu.memory_space<hbm>> -> memref<8320xi32, #tpu.memory_space<hbm>>
      %dma_start3A_647 = tpu.memref_slice %arg2[%add3A_628] : memref<4392960xi32, #tpu.memory_space<hbm>> -> memref<8320xi32, #tpu.memory_space<hbm>>
      tpu.enqueue_dma source(%dma_start3A_647 : memref<8320xi32, #tpu.memory_space<hbm>>) target(%arg6 : memref<8320xi32, #tpu.memory_space<vmem>>) target_semaphore(%run_scoped3A : memref<!tpu.dma_semaphore, #tpu.memory_space<semaphore_mem>>)
      %dma_wait3A = tpu.memref_slice %arg2[%add3A_628] : memref<4392960xi32, #tpu.memory_space<hbm>> -> memref<8320xi32, #tpu.memory_space<hbm>>
      %dma_wait3A_648 = tpu.memref_slice %arg2[%add3A_628] : memref<4392960xi32, #tpu.memory_space<hbm>> -> memref<8320xi32, #tpu.memory_space<hbm>>
      tpu.wait_dma2 semaphore(%run_scoped3A : memref<!tpu.dma_semaphore, #tpu.memory_space<semaphore_mem>>) src(%dma_wait3A_648 : memref<8320xi32, #tpu.memory_space<hbm>>) dst(%arg6 : memref<8320xi32, #tpu.memory_space<vmem>>)
      tpu.yield
    }) : () -> ()
    "tpu.region"() ({
      %run_scoped3A = tpu.sem_alloc : memref<!tpu.dma_semaphore, #tpu.memory_space<semaphore_mem>>
      %dma_start3A = tpu.memref_slice %arg3[%add3A_628] : memref<4392960xf32, #tpu.memory_space<hbm>> -> memref<8320xf32, #tpu.memory_space<hbm>>
      %dma_start3A_647 = tpu.memref_slice %arg3[%add3A_628] : memref<4392960xf32, #tpu.memory_space<hbm>> -> memref<8320xf32, #tpu.memory_space<hbm>>
      tpu.enqueue_dma source(%dma_start3A_647 : memref<8320xf32, #tpu.memory_space<hbm>>) target(%arg7 : memref<8320xf32, #tpu.memory_space<vmem>>) target_semaphore(%run_scoped3A : memref<!tpu.dma_semaphore, #tpu.memory_space<semaphore_mem>>)
      %dma_wait3A = tpu.memref_slice %arg3[%add3A_628] : memref<4392960xf32, #tpu.memory_space<hbm>> -> memref<8320xf32, #tpu.memory_space<hbm>>
      %dma_wait3A_648 = tpu.memref_slice %arg3[%add3A_628] : memref<4392960xf32, #tpu.memory_space<hbm>> -> memref<8320xf32, #tpu.memory_space<hbm>>
      tpu.wait_dma2 semaphore(%run_scoped3A : memref<!tpu.dma_semaphore, #tpu.memory_space<semaphore_mem>>) src(%dma_wait3A_648 : memref<8320xf32, #tpu.memory_space<hbm>>) dst(%arg7 : memref<8320xf32, #tpu.memory_space<vmem>>)
      tpu.yield
    }) : () -> ()
    %scan3A_629 = arith.constant 0 : i32
    %scan3A_630 = arith.constant 0 : i32
    %scan3A_631 = arith.constant 520 : i32
    %scan3A_632 = arith.addi %scan3A_630, %scan3A_631 : i32
    %scan3A_633 = arith.constant 1 : i32
    scf.for %scan3A_647 = %scan3A_630 to %scan3A_632 step %scan3A_633  : i32 {
      %mul3A_648 = arith.constant 16 : i32
      %mul3A_649 = arith.muli %scan3A_647, %mul3A_648 : i32
      %get3A = arith.index_cast %mul3A_649 : i32 to index
      %get3A_650 = tpu.vector_load %arg6[%get3A] {strides = array<i32>} : memref<8320xi32, #tpu.memory_space<vmem>>, vector<16xi32>,
      %sub3A_651 = vector.broadcast %mul3A_322 : i32 to vector<16xi32>
      %sub3A_652 = arith.subi %get3A_650, %sub3A_651 : vector<16xi32>
      %get3A_653 = arith.index_cast %mul3A_649 : i32 to index
      %get3A_654 = tpu.vector_load %arg7[%get3A_653] {strides = array<i32>} : memref<8320xf32, #tpu.memory_space<vmem>>, vector<16xf32>,
      %ge3A = arith.constant 0 : i32
      %ge3A_655 = vector.broadcast %ge3A : i32 to vector<16xi32>
      %ge3A_656 = arith.cmpi sge, %sub3A_652, %ge3A_655 : vector<16xi32>
      %lt3A = arith.constant 67600 : i32
      %lt3A_657 = vector.broadcast %lt3A : i32 to vector<16xi32>
      %lt3A_658 = arith.cmpi slt, %sub3A_652, %lt3A_657 : vector<16xi32>
      %and3A_659 = arith.andi %ge3A_656, %lt3A_658 : vector<16xi1>
      %jit3A_660 = arith.constant 0 : i32
      %jit3A_661 = arith.constant 67599 : i32
      %max3A_662 = vector.broadcast %jit3A_660 : i32 to vector<16xi32>
      %max3A_663 = arith.maxsi %max3A_662, %sub3A_652 : vector<16xi32>
      %min3A = vector.broadcast %jit3A_661 : i32 to vector<16xi32>
      %min3A_664 = arith.minsi %min3A, %max3A_663 : vector<16xi32>
      tpu.vector_store_idx %arg5[%min3A_664], %get3A_654 masked %and3A_659 {add = true} : memref<67600xf32, #tpu.memory_space<vmem>>[vector<16xi32>], vector<16xf32>, vector<16xi1>
    }
    %scan3A_634 = arith.constant 520 : i32
    %add3A_635 = arith.constant 2 : i32
    %add3A_636 = arith.addi %select_n3A_358, %add3A_635 : i32
    %mul3A_637 = arith.constant 66560 : i32
    %mul3A_638 = arith.muli %add3A_636, %mul3A_637 : i32
    %add3A_639 = arith.constant 58240 : i32
    %add3A_640 = arith.addi %mul3A_638, %add3A_639 : i32
    "tpu.region"() ({
      %run_scoped3A = tpu.sem_alloc : memref<!tpu.dma_semaphore, #tpu.memory_space<semaphore_mem>>
      %dma_start3A = tpu.memref_slice %arg2[%add3A_640] : memref<4392960xi32, #tpu.memory_space<hbm>> -> memref<8320xi32, #tpu.memory_space<hbm>>
      %dma_start3A_647 = tpu.memref_slice %arg2[%add3A_640] : memref<4392960xi32, #tpu.memory_space<hbm>> -> memref<8320xi32, #tpu.memory_space<hbm>>
      tpu.enqueue_dma source(%dma_start3A_647 : memref<8320xi32, #tpu.memory_space<hbm>>) target(%arg6 : memref<8320xi32, #tpu.memory_space<vmem>>) target_semaphore(%run_scoped3A : memref<!tpu.dma_semaphore, #tpu.memory_space<semaphore_mem>>)
      %dma_wait3A = tpu.memref_slice %arg2[%add3A_640] : memref<4392960xi32, #tpu.memory_space<hbm>> -> memref<8320xi32, #tpu.memory_space<hbm>>
      %dma_wait3A_648 = tpu.memref_slice %arg2[%add3A_640] : memref<4392960xi32, #tpu.memory_space<hbm>> -> memref<8320xi32, #tpu.memory_space<hbm>>
      tpu.wait_dma2 semaphore(%run_scoped3A : memref<!tpu.dma_semaphore, #tpu.memory_space<semaphore_mem>>) src(%dma_wait3A_648 : memref<8320xi32, #tpu.memory_space<hbm>>) dst(%arg6 : memref<8320xi32, #tpu.memory_space<vmem>>)
      tpu.yield
    }) : () -> ()
    "tpu.region"() ({
      %run_scoped3A = tpu.sem_alloc : memref<!tpu.dma_semaphore, #tpu.memory_space<semaphore_mem>>
      %dma_start3A = tpu.memref_slice %arg3[%add3A_640] : memref<4392960xf32, #tpu.memory_space<hbm>> -> memref<8320xf32, #tpu.memory_space<hbm>>
      %dma_start3A_647 = tpu.memref_slice %arg3[%add3A_640] : memref<4392960xf32, #tpu.memory_space<hbm>> -> memref<8320xf32, #tpu.memory_space<hbm>>
      tpu.enqueue_dma source(%dma_start3A_647 : memref<8320xf32, #tpu.memory_space<hbm>>) target(%arg7 : memref<8320xf32, #tpu.memory_space<vmem>>) target_semaphore(%run_scoped3A : memref<!tpu.dma_semaphore, #tpu.memory_space<semaphore_mem>>)
      %dma_wait3A = tpu.memref_slice %arg3[%add3A_640] : memref<4392960xf32, #tpu.memory_space<hbm>> -> memref<8320xf32, #tpu.memory_space<hbm>>
      %dma_wait3A_648 = tpu.memref_slice %arg3[%add3A_640] : memref<4392960xf32, #tpu.memory_space<hbm>> -> memref<8320xf32, #tpu.memory_space<hbm>>
      tpu.wait_dma2 semaphore(%run_scoped3A : memref<!tpu.dma_semaphore, #tpu.memory_space<semaphore_mem>>) src(%dma_wait3A_648 : memref<8320xf32, #tpu.memory_space<hbm>>) dst(%arg7 : memref<8320xf32, #tpu.memory_space<vmem>>)
      tpu.yield
    }) : () -> ()
    %scan3A_641 = arith.constant 0 : i32
    %scan3A_642 = arith.constant 0 : i32
    %scan3A_643 = arith.constant 520 : i32
    %scan3A_644 = arith.addi %scan3A_642, %scan3A_643 : i32
    %scan3A_645 = arith.constant 1 : i32
    scf.for %scan3A_647 = %scan3A_642 to %scan3A_644 step %scan3A_645  : i32 {
      %mul3A_648 = arith.constant 16 : i32
      %mul3A_649 = arith.muli %scan3A_647, %mul3A_648 : i32
      %get3A = arith.index_cast %mul3A_649 : i32 to index
      %get3A_650 = tpu.vector_load %arg6[%get3A] {strides = array<i32>} : memref<8320xi32, #tpu.memory_space<vmem>>, vector<16xi32>,
      %sub3A_651 = vector.broadcast %mul3A_322 : i32 to vector<16xi32>
      %sub3A_652 = arith.subi %get3A_650, %sub3A_651 : vector<16xi32>
      %get3A_653 = arith.index_cast %mul3A_649 : i32 to index
      %get3A_654 = tpu.vector_load %arg7[%get3A_653] {strides = array<i32>} : memref<8320xf32, #tpu.memory_space<vmem>>, vector<16xf32>,
      %ge3A = arith.constant 0 : i32
      %ge3A_655 = vector.broadcast %ge3A : i32 to vector<16xi32>
      %ge3A_656 = arith.cmpi sge, %sub3A_652, %ge3A_655 : vector<16xi32>
      %lt3A = arith.constant 67600 : i32
      %lt3A_657 = vector.broadcast %lt3A : i32 to vector<16xi32>
      %lt3A_658 = arith.cmpi slt, %sub3A_652, %lt3A_657 : vector<16xi32>
      %and3A_659 = arith.andi %ge3A_656, %lt3A_658 : vector<16xi1>
      %jit3A_660 = arith.constant 0 : i32
      %jit3A_661 = arith.constant 67599 : i32
      %max3A_662 = vector.broadcast %jit3A_660 : i32 to vector<16xi32>
      %max3A_663 = arith.maxsi %max3A_662, %sub3A_652 : vector<16xi32>
      %min3A = vector.broadcast %jit3A_661 : i32 to vector<16xi32>
      %min3A_664 = arith.minsi %min3A, %max3A_663 : vector<16xi32>
      tpu.vector_store_idx %arg5[%min3A_664], %get3A_654 masked %and3A_659 {add = true} : memref<67600xf32, #tpu.memory_space<vmem>>[vector<16xi32>], vector<16xf32>, vector<16xi1>
    }
    %scan3A_646 = arith.constant 520 : i32
    "tpu.region"() ({
      %run_scoped3A = tpu.sem_alloc : memref<!tpu.dma_semaphore, #tpu.memory_space<semaphore_mem>>
      %dma_start3A = tpu.memref_slice %arg4[%mul3A_322] : memref<4326400xf32, #tpu.memory_space<hbm>> -> memref<67600xf32, #tpu.memory_space<hbm>>
      %dma_start3A_647 = tpu.memref_slice %arg4[%mul3A_322] : memref<4326400xf32, #tpu.memory_space<hbm>> -> memref<67600xf32, #tpu.memory_space<hbm>>
      tpu.enqueue_dma source(%arg5 : memref<67600xf32, #tpu.memory_space<vmem>>) target(%dma_start3A_647 : memref<67600xf32, #tpu.memory_space<hbm>>) target_semaphore(%run_scoped3A : memref<!tpu.dma_semaphore, #tpu.memory_space<semaphore_mem>>)
      %dma_wait3A = tpu.memref_slice %arg4[%mul3A_322] : memref<4326400xf32, #tpu.memory_space<hbm>> -> memref<67600xf32, #tpu.memory_space<hbm>>
      %dma_wait3A_648 = tpu.memref_slice %arg4[%mul3A_322] : memref<4326400xf32, #tpu.memory_space<hbm>> -> memref<67600xf32, #tpu.memory_space<hbm>>
      tpu.wait_dma2 semaphore(%run_scoped3A : memref<!tpu.dma_semaphore, #tpu.memory_space<semaphore_mem>>) src(%arg5 : memref<67600xf32, #tpu.memory_space<vmem>>) dst(%dma_wait3A_648 : memref<67600xf32, #tpu.memory_space<hbm>>)
      tpu.yield
    }) : () -> ()
    return
  }
}

module attributes {stable_mosaic.version = 14 : i64} {
  func.func @_k1_body(%arg0: i32, %arg1: memref<256x520xf32, #tpu.memory_space<vmem>>, %arg2: memref<256x520xf32, #tpu.memory_space<vmem>>, %arg3: memref<256x520xf32, #tpu.memory_space<vmem>>, %arg4: memref<256x520xf32, #tpu.memory_space<vmem>>, %arg5: memref<256x1xf32, #tpu.memory_space<vmem>>, %arg6: memref<256x520xi32, #tpu.memory_space<vmem>>, %arg7: memref<256x520xf32, #tpu.memory_space<vmem>>) attributes {dimension_semantics = [#tpu.dimension_semantics<arbitrary>], iteration_bounds = array<i64: 33>, scalar_prefetch = 0 : i64, scratch_operands = 0 : i64, tpu.core_type = #tpu.core_type<tc>, window_params = [{transform_indices = @transform_0, window_bounds = array<i64: 256, 520>}, {transform_indices = @transform_1, window_bounds = array<i64: 256, 520>}, {transform_indices = @transform_2, window_bounds = array<i64: 256, 520>}, {transform_indices = @transform_3, window_bounds = array<i64: 256, 520>}, {transform_indices = @transform_4, window_bounds = array<i64: 256, 1>}, {transform_indices = @transform_5, window_bounds = array<i64: 256, 520>}, {transform_indices = @transform_6, window_bounds = array<i64: 256, 520>}]} {
    %get3A = arith.constant 0 : index
    %get3A_0 = arith.constant 0 : index
    %get3A_1 = vector.load %arg1[%get3A, %get3A_0] : memref<256x520xf32, #tpu.memory_space<vmem>>, vector<256x520xf32>
    %get3A_2 = arith.constant 0 : index
    %get3A_3 = arith.constant 0 : index
    %get3A_4 = vector.load %arg2[%get3A_2, %get3A_3] : memref<256x520xf32, #tpu.memory_space<vmem>>, vector<256x520xf32>
    %get3A_5 = arith.constant 0 : index
    %get3A_6 = arith.constant 0 : index
    %get3A_7 = vector.load %arg3[%get3A_5, %get3A_6] : memref<256x520xf32, #tpu.memory_space<vmem>>, vector<256x520xf32>
    %get3A_8 = arith.constant 0 : index
    %get3A_9 = arith.constant 0 : index
    %get3A_10 = vector.load %arg4[%get3A_8, %get3A_9] : memref<256x520xf32, #tpu.memory_space<vmem>>, vector<256x520xf32>
    %mul3A = arith.mulf %get3A_1, %get3A_1 : vector<256x520xf32>
    %mul3A_11 = arith.mulf %get3A_4, %get3A_4 : vector<256x520xf32>
    %add3A = arith.addf %mul3A, %mul3A_11 : vector<256x520xf32>
    %sqrt3A = math.sqrt %add3A : vector<256x520xf32>
    %div3A = arith.constant 5.130000e+02 : f32
    %div3A_12 = vector.broadcast %div3A : f32 to vector<256x520xf32>
    %div3A_13 = arith.divf %sqrt3A, %div3A_12 : vector<256x520xf32>
    %mul3A_14 = arith.mulf %get3A_1, %get3A_7 : vector<256x520xf32>
    %mul3A_15 = arith.mulf %get3A_4, %get3A_10 : vector<256x520xf32>
    %add3A_16 = arith.addf %mul3A_14, %mul3A_15 : vector<256x520xf32>
    %mul3A_17 = arith.mulf %get3A_4, %get3A_7 : vector<256x520xf32>
    %mul3A_18 = arith.mulf %get3A_1, %get3A_10 : vector<256x520xf32>
    %sub3A = arith.subf %mul3A_17, %mul3A_18 : vector<256x520xf32>
    %atan23A = math.atan2 %sub3A, %add3A_16 : vector<256x520xf32>
    %div3A_19 = arith.constant 6.28318548 : f32
    %div3A_20 = vector.broadcast %div3A_19 : f32 to vector<256x520xf32>
    %div3A_21 = arith.divf %atan23A, %div3A_20 : vector<256x520xf32>
    %jit3A = arith.constant 1.000000e+00 : f32
    %rem3A = vector.broadcast %jit3A : f32 to vector<256x520xf32>
    %rem3A_22 = arith.remf %div3A_21, %rem3A : vector<256x520xf32>
    %ne3A = arith.constant 0.000000e+00 : f32
    %ne3A_23 = vector.broadcast %ne3A : f32 to vector<256x520xf32>
    %ne3A_24 = arith.cmpf one, %rem3A_22, %ne3A_23 : vector<256x520xf32>
    %lt3A = arith.constant 0.000000e+00 : f32
    %lt3A_25 = vector.broadcast %lt3A : f32 to vector<256x520xf32>
    %lt3A_26 = arith.cmpf olt, %rem3A_22, %lt3A_25 : vector<256x520xf32>
    %lt3A_27 = arith.constant 0.000000e+00 : f32
    %lt3A_28 = arith.cmpf olt, %jit3A, %lt3A_27 : f32
    %ne3A_29 = vector.broadcast %lt3A_28 : i1 to vector<256x520xi1>
    %ne3A_30 = vector.broadcast %ne3A_29 : vector<256x520xi1> to vector<256x520xi1>
    %ne3A_31 = arith.xori %lt3A_26, %ne3A_30 : vector<256x520xi1>
    %and3A = arith.andi %ne3A_31, %ne3A_24 : vector<256x520xi1>
    %add3A_32 = vector.broadcast %jit3A : f32 to vector<256x520xf32>
    %add3A_33 = arith.addf %rem3A_22, %add3A_32 : vector<256x520xf32>
    %select_n3A = arith.select %and3A, %add3A_33, %rem3A_22 : vector<256x520xi1>, vector<256x520xf32>
    %broadcast_in_dim3A = arith.constant 0.000000e+00 : f32
    %broadcast_in_dim3A_34 = vector.broadcast %broadcast_in_dim3A : f32 to vector<256x1xf32>
    %slice3A = vector.extract_strided_slice %get3A_1 {offsets = [0, 0], sizes = [256, 519], strides = [1, 1]} : vector<256x520xf32> to vector<256x519xf32>
    %concatenate3A = tpu.concatenate %broadcast_in_dim3A_34, %slice3A in 1 : vector<256x1xf32>, vector<256x519xf32> -> vector<256x520xf32>
    %slice3A_35 = vector.extract_strided_slice %get3A_4 {offsets = [0, 0], sizes = [256, 519], strides = [1, 1]} : vector<256x520xf32> to vector<256x519xf32>
    %concatenate3A_36 = tpu.concatenate %broadcast_in_dim3A_34, %slice3A_35 in 1 : vector<256x1xf32>, vector<256x519xf32> -> vector<256x520xf32>
    %mul3A_37 = arith.mulf %get3A_1, %concatenate3A : vector<256x520xf32>
    %mul3A_38 = arith.mulf %get3A_4, %concatenate3A_36 : vector<256x520xf32>
    %add3A_39 = arith.addf %mul3A_37, %mul3A_38 : vector<256x520xf32>
    %mul3A_40 = arith.mulf %get3A_4, %concatenate3A : vector<256x520xf32>
    %mul3A_41 = arith.mulf %get3A_1, %concatenate3A_36 : vector<256x520xf32>
    %sub3A_42 = arith.subf %mul3A_40, %mul3A_41 : vector<256x520xf32>
    %atan23A_43 = math.atan2 %sub3A_42, %add3A_39 : vector<256x520xf32>
    %div3A_44 = arith.constant 6.28318548 : f32
    %div3A_45 = vector.broadcast %div3A_44 : f32 to vector<256x520xf32>
    %div3A_46 = arith.divf %atan23A_43, %div3A_45 : vector<256x520xf32>
    %jit3A_47 = arith.constant 1.000000e+00 : f32
    %rem3A_48 = vector.broadcast %jit3A_47 : f32 to vector<256x520xf32>
    %rem3A_49 = arith.remf %div3A_46, %rem3A_48 : vector<256x520xf32>
    %ne3A_50 = arith.constant 0.000000e+00 : f32
    %ne3A_51 = vector.broadcast %ne3A_50 : f32 to vector<256x520xf32>
    %ne3A_52 = arith.cmpf one, %rem3A_49, %ne3A_51 : vector<256x520xf32>
    %lt3A_53 = arith.constant 0.000000e+00 : f32
    %lt3A_54 = vector.broadcast %lt3A_53 : f32 to vector<256x520xf32>
    %lt3A_55 = arith.cmpf olt, %rem3A_49, %lt3A_54 : vector<256x520xf32>
    %lt3A_56 = arith.constant 0.000000e+00 : f32
    %lt3A_57 = arith.cmpf olt, %jit3A_47, %lt3A_56 : f32
    %ne3A_58 = vector.broadcast %lt3A_57 : i1 to vector<256x520xi1>
    %ne3A_59 = vector.broadcast %ne3A_58 : vector<256x520xi1> to vector<256x520xi1>
    %ne3A_60 = arith.xori %lt3A_55, %ne3A_59 : vector<256x520xi1>
    %and3A_61 = arith.andi %ne3A_60, %ne3A_52 : vector<256x520xi1>
    %add3A_62 = vector.broadcast %jit3A_47 : f32 to vector<256x520xf32>
    %add3A_63 = arith.addf %rem3A_49, %add3A_62 : vector<256x520xf32>
    %select_n3A_64 = arith.select %and3A_61, %add3A_63, %rem3A_49 : vector<256x520xi1>, vector<256x520xf32>
    %sub3A_65 = arith.constant 5.000000e-01 : f32
    %sub3A_66 = vector.broadcast %sub3A_65 : f32 to vector<256x520xf32>
    %sub3A_67 = arith.subf %sub3A_66, %select_n3A_64 : vector<256x520xf32>
    %get3A_68 = arith.constant 0 : index
    %get3A_69 = arith.constant 0 : index
    %get3A_70 = vector.load %arg5[%get3A_68, %get3A_69] : memref<256x1xf32, #tpu.memory_space<vmem>>, vector<256x1xf32>
    %mul3A_71 = arith.constant 0.0232199542 : f32
    %mul3A_72 = vector.broadcast %mul3A_71 : f32 to vector<256x520xf32>
    %mul3A_73 = arith.mulf %sub3A_67, %mul3A_72 : vector<256x520xf32>
    %add3A_74 = vector.broadcast %get3A_70 : vector<256x1xf32> to vector<256x520xf32>
    %add3A_75 = arith.addf %add3A_74, %mul3A_73 : vector<256x520xf32>
    %ge3A = arith.constant 0.000000e+00 : f32
    %ge3A_76 = vector.broadcast %ge3A : f32 to vector<256x520xf32>
    %ge3A_77 = arith.cmpf oge, %select_n3A, %ge3A_76 : vector<256x520xf32>
    %le3A = arith.constant 5.000000e-01 : f32
    %le3A_78 = vector.broadcast %le3A : f32 to vector<256x520xf32>
    %le3A_79 = arith.cmpf ole, %select_n3A, %le3A_78 : vector<256x520xf32>
    %and3A_80 = arith.andi %ge3A_77, %le3A_79 : vector<256x520xi1>
    %ge3A_81 = arith.constant 0.000000e+00 : f32
    %ge3A_82 = vector.broadcast %ge3A_81 : f32 to vector<256x520xf32>
    %ge3A_83 = arith.cmpf oge, %add3A_75, %ge3A_82 : vector<256x520xf32>
    %and3A_84 = arith.andi %and3A_80, %ge3A_83 : vector<256x520xi1>
    %le3A_85 = arith.constant 47.5602722 : f32
    %le3A_86 = vector.broadcast %le3A_85 : f32 to vector<256x520xf32>
    %le3A_87 = arith.cmpf ole, %add3A_75, %le3A_86 : vector<256x520xf32>
    %and3A_88 = arith.andi %and3A_84, %le3A_87 : vector<256x520xi1>
    %jit3A_89 = arith.constant 0.000000e+00 : f32
    %broadcast_in_dim3A_90 = vector.broadcast %jit3A_89 : f32 to vector<256x520xf32>
    %select_n3A_91 = arith.select %and3A_88, %div3A_13, %broadcast_in_dim3A_90 : vector<256x520xi1>, vector<256x520xf32>
    %mul3A_92 = arith.constant 256 : i32
    %mul3A_93 = arith.muli %arg0, %mul3A_92 : i32
    %iota3A = tpu.iota {dimensions = array<i32: 0>} : vector<256x520xi32>
    %add3A_94 = vector.broadcast %mul3A_93 : i32 to vector<256x520xi32>
    %add3A_95 = arith.addi %add3A_94, %iota3A : vector<256x520xi32>
    %lt3A_96 = arith.constant 8193 : i32
    %lt3A_97 = vector.broadcast %lt3A_96 : i32 to vector<256x520xi32>
    %lt3A_98 = arith.cmpi slt, %add3A_95, %lt3A_97 : vector<256x520xi32>
    %jit3A_99 = arith.constant 0.000000e+00 : f32
    %broadcast_in_dim3A_100 = vector.broadcast %jit3A_99 : f32 to vector<256x520xf32>
    %select_n3A_101 = arith.select %lt3A_98, %select_n3A_91, %broadcast_in_dim3A_100 : vector<256x520xi1>, vector<256x520xf32>
    %div3A_102 = arith.constant 9.74658876E-4 : f32
    %div3A_103 = vector.broadcast %div3A_102 : f32 to vector<256x520xf32>
    %div3A_104 = arith.divf %select_n3A, %div3A_103 : vector<256x520xf32>
    %floor3A = math.floor %div3A_104 : vector<256x520xf32>
    %convert_element_type3A = arith.fptosi %floor3A : vector<256x520xf32> to vector<256x520xi32>
    %jit3A_105 = arith.constant 0 : i32
    %jit3A_106 = arith.constant 512 : i32
    %max3A = vector.broadcast %jit3A_105 : i32 to vector<256x520xi32>
    %max3A_107 = arith.maxsi %max3A, %convert_element_type3A : vector<256x520xi32>
    %min3A = vector.broadcast %jit3A_106 : i32 to vector<256x520xi32>
    %min3A_108 = arith.minsi %min3A, %max3A_107 : vector<256x520xi32>
    %div3A_109 = arith.constant 0.00580498856 : f32
    %div3A_110 = vector.broadcast %div3A_109 : f32 to vector<256x520xf32>
    %div3A_111 = arith.divf %add3A_75, %div3A_110 : vector<256x520xf32>
    %floor3A_112 = math.floor %div3A_111 : vector<256x520xf32>
    %convert_element_type3A_113 = arith.fptosi %floor3A_112 : vector<256x520xf32> to vector<256x520xi32>
    %jit3A_114 = arith.constant 0 : i32
    %jit3A_115 = arith.constant 8192 : i32
    %max3A_116 = vector.broadcast %jit3A_114 : i32 to vector<256x520xi32>
    %max3A_117 = arith.maxsi %max3A_116, %convert_element_type3A_113 : vector<256x520xi32>
    %min3A_118 = vector.broadcast %jit3A_115 : i32 to vector<256x520xi32>
    %min3A_119 = arith.minsi %min3A_118, %max3A_117 : vector<256x520xi32>
    %mul3A_120 = arith.constant 520 : i32
    %mul3A_121 = vector.broadcast %mul3A_120 : i32 to vector<256x520xi32>
    %mul3A_122 = arith.muli %min3A_119, %mul3A_121 : vector<256x520xi32>
    %add3A_123 = arith.addi %mul3A_122, %min3A_108 : vector<256x520xi32>
    %lt3A_124 = arith.constant 8193 : i32
    %lt3A_125 = vector.broadcast %lt3A_124 : i32 to vector<256x520xi32>
    %lt3A_126 = arith.cmpi slt, %add3A_95, %lt3A_125 : vector<256x520xi32>
    %jit3A_127 = arith.constant -1 : i32
    %broadcast_in_dim3A_128 = vector.broadcast %jit3A_127 : i32 to vector<256x520xi32>
    %select_n3A_129 = arith.select %lt3A_126, %add3A_123, %broadcast_in_dim3A_128 : vector<256x520xi1>, vector<256x520xi32>
    %swap3A = arith.constant 0 : index
    %swap3A_130 = arith.constant 0 : index
    %swap3A_131 = vector.load %arg6[%swap3A, %swap3A_130] : memref<256x520xi32, #tpu.memory_space<vmem>>, vector<256x520xi32>
    tpu.vector_store %arg6[%swap3A, %swap3A_130], %select_n3A_129 {strides = array<i32>} : memref<256x520xi32, #tpu.memory_space<vmem>>, vector<256x520xi32>,
    %swap3A_132 = arith.constant 0 : index
    %swap3A_133 = arith.constant 0 : index
    %swap3A_134 = vector.load %arg7[%swap3A_132, %swap3A_133] : memref<256x520xf32, #tpu.memory_space<vmem>>, vector<256x520xf32>
    tpu.vector_store %arg7[%swap3A_132, %swap3A_133], %select_n3A_101 {strides = array<i32>} : memref<256x520xf32, #tpu.memory_space<vmem>>, vector<256x520xf32>,
    return
  }
  func.func @transform_0(%arg0: i32) -> (i32, i32) {
    %c0_i32 = arith.constant 0 : i32
    %c0_i32_0 = arith.constant 0 : i32
    return %arg0, %c0_i32 : i32, i32
  }
  func.func @transform_1(%arg0: i32) -> (i32, i32) {
    %c0_i32 = arith.constant 0 : i32
    %c0_i32_0 = arith.constant 0 : i32
    return %arg0, %c0_i32 : i32, i32
  }
  func.func @transform_2(%arg0: i32) -> (i32, i32) {
    %c0_i32 = arith.constant 0 : i32
    %c0_i32_0 = arith.constant 0 : i32
    return %arg0, %c0_i32 : i32, i32
  }
  func.func @transform_3(%arg0: i32) -> (i32, i32) {
    %c0_i32 = arith.constant 0 : i32
    %c0_i32_0 = arith.constant 0 : i32
    return %arg0, %c0_i32 : i32, i32
  }
  func.func @transform_4(%arg0: i32) -> (i32, i32) {
    %c0_i32 = arith.constant 0 : i32
    %c0_i32_0 = arith.constant 0 : i32
    return %arg0, %c0_i32 : i32, i32
  }
  func.func @transform_5(%arg0: i32) -> (i32, i32) {
    %c0_i32 = arith.constant 0 : i32
    %c0_i32_0 = arith.constant 0 : i32
    return %arg0, %c0_i32 : i32, i32
  }
  func.func @transform_6(%arg0: i32) -> (i32, i32) {
    %c0_i32 = arith.constant 0 : i32
    %c0_i32_0 = arith.constant 0 : i32
    return %arg0, %c0_i32 : i32, i32
  }
}

module attributes {stable_mosaic.version = 14 : i64} {
  func.func @_k3_body(%arg0: i32, %arg1: memref<128x520xf32, #tpu.memory_space<vmem>>, %arg2: memref<128x520xf32, #tpu.memory_space<vmem>>) attributes {dimension_semantics = [#tpu.dimension_semantics<arbitrary>], iteration_bounds = array<i64: 65>, scalar_prefetch = 0 : i64, scratch_operands = 0 : i64, tpu.core_type = #tpu.core_type<tc>, window_params = [{transform_indices = @transform_0, window_bounds = array<i64: 128, 520>}, {transform_indices = @transform_1, window_bounds = array<i64: 128, 520>}]} {
    %get3A = arith.constant 0 : index
    %get3A_0 = arith.constant 0 : index
    %get3A_1 = vector.load %arg1[%get3A, %get3A_0] : memref<128x520xf32, #tpu.memory_space<vmem>>, vector<128x520xf32>
    %max3A = arith.constant 9.99999997E-7 : f32
    %max3A_2 = vector.broadcast %max3A : f32 to vector<128x520xf32>
    %max3A_3 = arith.maximumf %max3A_2, %get3A_1 : vector<128x520xf32>
    %log3A = math.log %max3A_3 : vector<128x520xf32>
    %mul3A = arith.constant 0.434294492 : f32
    %mul3A_4 = vector.broadcast %mul3A : f32 to vector<128x520xf32>
    %mul3A_5 = arith.mulf %log3A, %mul3A_4 : vector<128x520xf32>
    %mul3A_6 = arith.constant 2.000000e+01 : f32
    %mul3A_7 = vector.broadcast %mul3A_6 : f32 to vector<128x520xf32>
    %mul3A_8 = arith.mulf %mul3A_7, %mul3A_5 : vector<128x520xf32>
    %swap3A = arith.constant 0 : index
    %swap3A_9 = arith.constant 0 : index
    %swap3A_10 = vector.load %arg2[%swap3A, %swap3A_9] : memref<128x520xf32, #tpu.memory_space<vmem>>, vector<128x520xf32>
    tpu.vector_store %arg2[%swap3A, %swap3A_9], %mul3A_8 {strides = array<i32>} : memref<128x520xf32, #tpu.memory_space<vmem>>, vector<128x520xf32>,
    return
  }
  func.func @transform_0(%arg0: i32) -> (i32, i32) {
    %c0_i32 = arith.constant 0 : i32
    %c0_i32_0 = arith.constant 0 : i32
    return %arg0, %c0_i32 : i32, i32
  }
  func.func @transform_1(%arg0: i32) -> (i32, i32) {
    %c0_i32 = arith.constant 0 : i32
    %c0_i32_0 = arith.constant 0 : i32
    return %arg0, %c0_i32 : i32, i32
  }
}

</mosaic_0001>

<sc_bundles>
// kernel: kernel.5.cloned.1.call-start
scs
__scs_entry_jumppad:
0x0: {  	(pc) =	sbr.rel $0x88, $3  }
0x1: {  	(tag) =	ssettag $0x0;
	lr =	simm.s32 $0x1  }
0x2: {  	[smem:$0x3F9F] =	sst lr;
	_ =	strace $0xD0000000  }
0x3: {  	_ = 	snop  }
0x4: {  	_ = 	snop  }
0x5: {  	_ = 	snop  }
0x6: {  	_ = 	snop  }
0x7: {  	_ = 	snop  }
__scs_overlays_trampoline_lowered:
0x8: {  	[smem:$0x3FAE] =	sst s0  }
0x9: {  	[smem:$0x3FAF] =	sst s1  }
0xa: {  	[smem:$0x3FB0] =	sst s2  }
0xb: {  	[smem:$0x3FB1] =	sst s3  }
0xc: {  	[smem:$0x3FB2] =	sst s4  }
0xd: {  	[smem:$0x3FB3] =	sst s5  }
0xe: {  	[smem:$0x3FB4] =	sst s6  }
0xf: {  	[smem:$0x3FB5] =	sst s7  }
0x10: {  	[smem:$0x3FB6] =	sst s8  }
0x11: {  	[smem:$0x3FB7] =	sst s9;
	s0 =	simm.s32 @!p0 $0x0  }
0x12: {  	s1 =	sld [smem:$0x3F9D];
	s0 =	simm.s32 @p0 $0x1  }
0x13: {  	[smem:$0x3FB8] =	sst s0;
	s0 =	simm.s32 @!p1 $0x0  }
0x14: {  	s2 =	sld [smem:$0x3F9C];
	s0 =	simm.s32 @p1 $0x1  }
0x15: {  	[smem:$0x3FB9] =	sst s0;
	s0 =	simm.s32 @!p2 $0x0  }
0x16: {  	s3 =	sld [smem:$0x3FDB];
	s0 =	simm.s32 @p2 $0x1  }
0x17: {  	s4 =	simm.s32 $0x1BF5;
	[smem:$0x3FBB] =	sst s0  }
0x18: {  	s0 =	sld [smem:$0x3F9E];
	_ =	swait.ge [sflag:s4], $0x0  }
0x19: {  	s7 =	sld [smem:$0x3F9F]  }
0x1a: {  	s8 =	sadd.s32 $0xFFFFE003, lr  }
0x1b: {  	s9 =	sadd.s32 $0xFFFFFEF7, lr;
	s5 =	simm.s32 $0xFFFFFFFF;
	p2 =	slt.u32 s8, $0xFFFFF086  }
0x1c: {  	p1 =	slt.u32 s9, $0xF7A;
	s5 =	simm.s32 @!p2 $0x0  }
0x1d: {  	s5 =	simm.s32 @p1 $0x1;
	p0 =	seq.s32 s7, s2  }
0x1e: {  	s7 =	smul.u32 @!p0 $0xF7A, s2;
	p2 =	seq.s32 @!p0 s5, $0x0  }
0x1f: {  	s9 =	smul.u32 $0xF7A, s1;
	s8 =	simm.s32 @!p0 $0x1BF5;
	p2 =	por !p2, p0  }
0x20: {  	[sflag:s8] =	ssyncset.s32 @!p0 $0xFFFFF086;
	s6 =	sadd.s32 @!p0 s3, s7;
	s7 =	simm.s32 @!p0 $0x108  }
0x21: {  	s3 =	sadd.s32 s3, s9;
	s6 =	sadd.s32 @!p0 $0x88, s6;
	s7 =	simm.s32 @p2 $0x1082  }
0x22: {  	[simem:s7], [sflag:s8] =	dma.local @!p0 [hbm:s6], $0xF7A  }
0x23: {  	s9 =	sor.u32 $0xD0000000, s2;
	s6 =	simm.s32 $0x108;
	_ =	swait.ge @!p0 [sflag:s8], $0x0  }
0x24: {  	s3 =	sadd.s32 $0x88, s3;
	s6 =	simm.s32 @!p1 $0x1082;
	[sflag:s4] =	ssyncset.s32 $0xFFFFF086  }
0x25: {  	[simem:s6], [sflag:s4] =	dma.local [hbm:s3], $0xF7A  }
0x26: {  	[smem:$0x3F9F] =	sst s1;
	(tag) =	ssettag s2;
	_ =	strace s9  }
0x27: {  	s1 =	sld [smem:$0x3FAF]  }
0x28: {  	s2 =	sld [smem:$0x3FB0]  }
0x29: {  	s4 =	sld [smem:$0x3FB2]  }
0x2a: {  	p0 =	seq.s32 s5, $0x0;
	s5 =	sld [smem:$0x3FB3]  }
0x2b: {  	s6 =	sld [smem:$0x3FB4]  }
0x2c: {  	s7 =	sld [smem:$0x3FB5]  }
0x2d: {  	s3 =	simm.s32 $0x108;
	s8 =	sld [smem:$0x3FB6]  }
0x2e: {  	s3 =	simm.s32 @!p0 $0x1082;
	s9 =	sld [smem:$0x3FB7]  }
0x2f: {  	lr =	sadd.s32 s0, s3;
	s0 =	sld [smem:$0x3FAE]  }
0x30: {  	s3 =	sld [smem:$0x3FB1]  }
0x31: {  	[smem:$0x3FBA] =	sst s10  }
0x32: {  	s10 =	sld [smem:$0x3FB8];
	_ =	sdelay $0x3  }
0x33: {  	p0 =	seq.s32 s10, $0x1;
	s10 =	sld [smem:$0x3FBA];
	_ =	sdelay $0x3  }
0x34: {  	[smem:$0x3FBA] =	sst s10  }
0x35: {  	s10 =	sld [smem:$0x3FB9];
	_ =	sdelay $0x3  }
0x36: {  	p1 =	seq.s32 s10, $0x1;
	s10 =	sld [smem:$0x3FBA];
	_ =	sdelay $0x3  }
0x37: {  	[smem:$0x3FBA] =	sst s10  }
0x38: {  	s10 =	sld [smem:$0x3FBB]  }
0x39: {  	_ = 	snop;
	(pc) =	sbr.ind lr, $3  }
0x3a: {  	_ = 	snop  }
0x3b: {  	_ = 	snop  }
0x3c: {  	p2 =	seq.s32 s10, $0x1;
	s10 =	sld [smem:$0x3FBA]  }
0x3d: {  	_ =	shalt  }
0x3e: {  	_ =	shalt  }
0x3f: {  	_ =	shalt  }
0x40: {  	_ =	shalt  }
0x41: {  	_ =	shalt  }
0x42: {  	_ =	shalt  }
0x43: {  	_ =	shalt  }
0x44: {  	_ =	shalt  }
0x45: {  	_ =	shalt  }
0x46: {  	_ =	shalt  }
0x47: {  	_ =	shalt  }
0x48: {  	_ =	shalt  }
0x49: {  	_ =	shalt  }
0x4a: {  	_ =	shalt  }
0x4b: {  	_ =	shalt  }
0x4c: {  	_ =	shalt  }
0x4d: {  	_ =	shalt  }
0x4e: {  	_ =	shalt  }
0x4f: {  	_ =	shalt  }
0x50: {  	_ =	shalt  }
0x51: {  	_ =	shalt  }
0x52: {  	_ =	shalt  }
0x53: {  	_ =	shalt  }
0x54: {  	_ =	shalt  }
0x55: {  	_ =	shalt  }
0x56: {  	_ =	shalt  }
0x57: {  	_ =	shalt  }
0x58: {  	_ =	shalt  }
0x59: {  	_ =	shalt  }
0x5a: {  	_ =	shalt  }
0x5b: {  	_ =	shalt  }
0x5c: {  	_ =	shalt  }
0x5d: {  	_ =	shalt  }
0x5e: {  	_ =	shalt  }
0x5f: {  	_ =	shalt  }
0x60: {  	_ =	shalt  }
0x61: {  	_ =	shalt  }
0x62: {  	_ =	shalt  }
0x63: {  	_ =	shalt  }
0x64: {  	_ =	shalt  }
0x65: {  	_ =	shalt  }
0x66: {  	_ =	shalt  }
0x67: {  	_ =	shalt  }
0x68: {  	_ =	shalt  }
0x69: {  	_ =	shalt  }
0x6a: {  	_ =	shalt  }
0x6b: {  	_ =	shalt  }
0x6c: {  	_ =	shalt  }
0x6d: {  	_ =	shalt  }
0x6e: {  	_ =	shalt  }
0x6f: {  	_ =	shalt  }
0x70: {  	_ =	shalt  }
0x71: {  	_ =	shalt  }
0x72: {  	_ =	shalt  }
0x73: {  	_ =	shalt  }
0x74: {  	_ =	shalt  }
0x75: {  	_ =	shalt  }
0x76: {  	_ =	shalt  }
0x77: {  	_ =	shalt  }
0x78: {  	_ =	shalt  }
0x79: {  	_ =	shalt  }
0x7a: {  	_ =	shalt  }
0x7b: {  	_ =	shalt  }
0x7c: {  	_ =	shalt  }
0x7d: {  	_ =	shalt  }
0x7e: {  	_ =	shalt  }
0x7f: {  	_ =	shalt  }
0x80: {  	_ =	shalt  }
0x81: {  	_ =	shalt  }
0x82: {  	_ =	shalt  }
0x83: {  	_ =	shalt  }
0x84: {  	_ =	shalt  }
0x85: {  	_ =	shalt  }
0x86: {  	_ =	shalt  }
0x87: {  	_ =	shalt  }
.Lfunc_end0:
.L_simem_size_0:
called_computation.6_lowered:
.L_overlay_start_0:
0x88: {  	s2 =	sld [smem:$0x3FD9]  }
0x89: {  	s3 =	sld [smem:$0x3FFE];
	_ =	sdelay $0x1  }
0x8a: {  	s1 =	srdreg.scid  }
0x8b: {  	s0 =	sand.u32 $0x1, s1  }
0x8c: {  	s17 =	sshll.u32 s0, $0xA;
	s2 =	sadd.s32 s3, s2  }
0x8d: {  	s2 =	sadd.s32 s2, s17  }
0x8e: {  	[smem:$0x3FC6] =	sst s2  }
0x8f: {  	_ = 	snop  }
0x90: {  	s2 =	sld [smem:$0x3FD0];
	(tm) =	ssettm $0x1  }
0x91: {  	s18 =	sld [smem:$0x3FFB];
	_ =	sdelay $0x3  }
0x92: {  	_ =	strace s18  }
0x93: {  	s3 =	sld [smem:$0x3FFC];
	_ =	sdelay $0x3  }
0x94: {  	_ =	strace s3  }
0x95: {  	s3 =	sld [smem:$0x3FFD];
	_ =	sdelay $0x3  }
0x96: {  	_ =	strace s3  }
0x97: {  	_ =	strace $0x8FFFFFFF  }
0x98: {  	s19 =	sld [smem:$0x3FDB];
	_ =	sdelay $0x1  }
0x99: {  	s4 =	simm.s32 $_scs_section_size  }
0x9a: {  	s5 =	simm.s32 $_size__tile_overlayer_lowered;
	s6 =	simm.s32 $_tile_overlayer_lowered  }
0x9b: {  	s22 =	simm.s32 $0x1BFF;
	s21 =	sshll.u32 s6, $0x1;
	s3 =	sadd.s32 s4, s19  }
0x9c: {  	s7 =	simm.s32 $0x0;
	s20 =	sshll.u32 s5, $0x1;
	s5 =	sadd.s32 s21, s3  }
0x9d: {  	[timem:s7], [sflag:s22] =	dma.local [hbm:s5], s20  }
0x9e: {  	_ =	swait.ge [sflag:s22], s20  }
0x9f: {  	s4 =	ssub.s32 $0x0, s20;
	[sflag:s22] =	ssyncset.done $0x0  }
0xa0: {  	[sflag:s22] =	ssyncadd.s32 s4;
	_ =	sdelay $0x1  }
0xa1: {  	s23 =	simm.s32 $0x1B8B  }
0xa2: {  	_ =	swait.ge [sflag:s23], $0x1  }
0xa3: {  	[sflag:s23] =	ssyncset.done $0x0  }
0xa4: {  	s25 =	simm.s32 $0x1B8E;
	s24 =	sld [smem:$0x3FFE];
	[sflag:s23] =	ssyncadd.s32 $0xFFFFFFFF  }
0xa5: {  	s26 =	simm.s32 $execute0_lowered;
	[smem:$0x3FD2] =	sst s25  }
0xa6: {  	s5 =	sshll.u32 s26, $0x1;
	_ =	strace $0x80000058;
	[dreg:$0x1] =	wrdreg $0xFFFFFFFF  }
0xa7: {  	s28 =	simm.s32 $_size_execute0_lowered;
	s3 =	sadd.s32 s3, s5;
	[dreg:$0x0] =	wrdreg $0x0  }
0xa8: {  	s5 =	sshll.u32 s28, $0x1;
	[dreg:$0x2] =	wrdreg s3  }
0xa9: {  	[dreg:$0x3] =	wrdreg s5  }
0xaa: {  	[dreg:$0x4] =	wrdreg $0xC0  }
0xab: {  	_ =	task [dreg:s7], $0x5FFFF  }
0xac: {  	[dreg:$0x1] =	wrdreg $0xFFFFFFFF  }
0xad: {  	[dreg:$0x0] =	wrdreg $0x60  }
0xae: {  	[dreg:$0x2] =	wrdreg s24  }
0xaf: {  	[dreg:$0x3] =	wrdreg s2  }
0xb0: {  	[dreg:$0x4] =	wrdreg $0x9  }
0xb1: {  	_ =	task.clear_ibuf [dreg:s7], $0x5FFFF;
	_ =	strace $0x90000058  }
0xb2: {  	s29 =	simm.s32 $0x9;
	_ =	strace $0x8000005A  }
0xb3: {  	_ =	swait.ge [sflag:s29], $0x1  }
0xb4: {  	[sflag:s29] =	ssyncadd.s32 $0xFFFFFFFF  }
0xb5: {  	_ =	strace $0x9000005A  }
0xb6: {  	_ =	sfence  }
0xb7: {  	s30 =	sld [smem:$0x0];
	_ =	sdelay $0x2  }
0xb8: {  	s31 =	sshll.u32 s1, $0xD;
	s1 =	sshrl.u32 s1, $0x2  }
0xb9: {  	s3 =	sand.u32 $0x4000, s31;
	s1 =	sadd.s32 s1, s30  }
0xba: {  	s0 =	sor.u32 s3, s0;
	s1 =	sshll.u32 s1, $0x11  }
0xbb: {  	s0 =	sor.u32 s1, s0  }
0xbc: {  	s0 =	sadd.s32 $0x8F2B, s0  }
0xbd: {  	[sflag:s0] =	ssyncadd.remote.s32 $0x1  }
0xbe: {  	_ =	sfence.sel $0xFFFF  }
0xbf: {  	[dreg:$0x0] =	wrdreg $0xFFFFFFFF;
	(pc) =	sbr.abs _section_cstart, $3  }
0xc0: {  	[dreg:$0x1] =	wrdreg $0xFFFFFFFF  }
0xc1: {  	_ =	task.clear_ibuf [dreg:s7], $0x2FFFF;
	_ =	strace $0x9FFFFFFF  }
0xc2: {  	(tm) =	ssettm $0x7FFFFFFF  }
0xc3: {  	_ =	shalt  }
tec
execute0_lowered:
.L_overlay_start_1:
0x0: {  	(tag) =	ssettag $0x1  }
0x1: {  	s0 =	srdreg.scid;
	s2 =	stileid.u32  }
0x2: {  	s1 =	sand.u32 $0x1, s0;
	s6 =	sshll.u32 s2, $0x1  }
0x3: {  	s0 =	sor.u32 s1, s6  }
0x4: {  	s7 =	smul.u32 $0x82, s0;
	_ =	sdelay $0x1  }
0x5: {  	s2 =	smax.u32 s7, $0x8  }
0x6: {  	s2 =	sadd.s32 $0xFFFFFFF8, s2  }
0x7: {  	s3 =	sand.u32 $0x7E, s2  }
0x8: {  	p0 =	seq.s32 s0, $0x0;
	p1 =	sne.s32 s3, $0x0  }
0x9: {  	p0 =	por !p0, !p1  }
0xa: {  	s3 =	simm.s32 $0x1;
	p0 =	por !p0, !p0  }
0xb: {  	s2 =	sshrl.u32 s2, $0x7;
	s3 =	simm.s32 @!p0 $0x0  }
0xc: {  	s5 =	ssub.s32 $0x2, s1;
	s2 =	ssub.s32 s2, s3  }
0xd: {  	s8 =	sshrl.u32 s5, $0x1;
	s1 =	smul.u32 $0x10400, s2  }
0xe: {  	s4 =	rddreg [dreg:$0x0];
	s7 =	ssub.s32 s5, s8  }
0xf: {  	s3 =	sadd.s32 $0x3000, s4;
	s4 =	sadd.s32 $0x89200, s4;
	s9 =	sshrl.u32 s1, $0x3  }
0x10: {  	s10 =	sadd.s32 $0x2080, s1;
	s11 =	sadd.s32 $0x4100, s1;
	s15 =	sadd.s32 $0x6180, s1  }
0x11: {  	s17 =	sadd.s32 $0x8200, s1;
	s19 =	sadd.s32 $0xA280, s1;
	s23 =	sadd.s32 $0xC300, s1  }
0x12: {  	s25 =	sadd.s32 $0xE380, s1;
	s8 =	sadd.s32 $0x10400, s1;
	s6 =	sadd.s32 s3, s9  }
0x13: {  	s5 =	sshrl.u32 s10, $0x3;
	s2 =	sadd.s32 s4, s9;
	[dreg:$0x3] =	wrdreg s6  }
0x14: {  	s13 =	sshrl.u32 s11, $0x3;
	[dreg:$0x4] =	wrdreg s2;
	s12 =	sadd.s32 s3, s5  }
0x15: {  	s16 =	sshrl.u32 s15, $0x3;
	s5 =	sadd.s32 s4, s5;
	[dreg:$0x5] =	wrdreg s12  }
0x16: {  	s21 =	sshrl.u32 s19, $0x3;
	s14 =	sadd.s32 s3, s13;
	[dreg:$0x6] =	wrdreg s5  }
0x17: {  	s24 =	sshrl.u32 s23, $0x3;
	s2 =	sadd.s32 s4, s13;
	[dreg:$0x7] =	wrdreg s14  }
0x18: {  	s10 =	sshrl.u32 s8, $0x3;
	s18 =	sadd.s32 s3, s16;
	[dreg:$0x8] =	wrdreg s2  }
0x19: {  	s8 =	sadd.s32 $0x1E780, s1;
	s22 =	sadd.s32 s3, s21;
	[dreg:$0x9] =	wrdreg s18  }
0x1a: {  	s26 =	sadd.s32 s3, s24;
	s11 =	sadd.s32 s3, s10;
	[dreg:$0xd] =	wrdreg s22  }
0x1b: {  	s5 =	sshrl.u32 s17, $0x3;
	s2 =	sadd.s32 s4, s16;
	[dreg:$0xf] =	wrdreg s26  }
0x1c: {  	[dreg:$0x13] =	wrdreg s11;
	s12 =	sadd.s32 $0x12480, s1;
	s14 =	sadd.s32 $0x14500, s1  }
0x1d: {  	s16 =	sadd.s32 $0x16580, s1;
	[dreg:$0xa] =	wrdreg s2;
	s20 =	sadd.s32 s3, s5  }
0x1e: {  	s22 =	sadd.s32 $0x1A680, s1;
	s5 =	sadd.s32 s4, s5;
	[dreg:$0xb] =	wrdreg s20  }
0x1f: {  	s2 =	sadd.s32 s4, s21;
	s13 =	sshrl.u32 s12, $0x3;
	[dreg:$0xc] =	wrdreg s5  }
0x20: {  	s17 =	sshrl.u32 s16, $0x3;
	[dreg:$0xe] =	wrdreg s2;
	s2 =	sadd.s32 s4, s24  }
0x21: {  	s12 =	sadd.s32 $0x22880, s1;
	s15 =	sadd.s32 s3, s13;
	[dreg:$0x10] =	wrdreg s2  }
0x22: {  	s5 =	sshrl.u32 s25, $0x3;
	s19 =	sadd.s32 s3, s17;
	[dreg:$0x15] =	wrdreg s15  }
0x23: {  	s16 =	sadd.s32 $0x24900, s1;
	s9 =	sadd.s32 s3, s5;
	[dreg:$0x19] =	wrdreg s19  }
0x24: {  	s20 =	sadd.s32 $0x18600, s1;
	s5 =	sadd.s32 s4, s5;
	[dreg:$0x11] =	wrdreg s9  }
0x25: {  	s24 =	sadd.s32 $0x1C700, s1;
	s2 =	sadd.s32 s4, s10;
	[dreg:$0x12] =	wrdreg s5  }
0x26: {  	s21 =	sshrl.u32 s20, $0x3;
	[dreg:$0x14] =	wrdreg s2;
	s2 =	sadd.s32 s4, s13  }
0x27: {  	s25 =	sshrl.u32 s24, $0x3;
	s23 =	sadd.s32 s3, s21;
	[dreg:$0x16] =	wrdreg s2  }
0x28: {  	s5 =	sshrl.u32 s14, $0x3;
	s6 =	sadd.s32 s3, s25;
	[dreg:$0x1b] =	wrdreg s23  }
0x29: {  	s10 =	sadd.s32 $0x20800, s1;
	s18 =	sadd.s32 s3, s5;
	[dreg:$0x1f] =	wrdreg s6  }
0x2a: {  	s9 =	sshrl.u32 s8, $0x3;
	s5 =	sadd.s32 s4, s5;
	[dreg:$0x17] =	wrdreg s18  }
0x2b: {  	s13 =	sshrl.u32 s12, $0x3;
	s2 =	sadd.s32 s4, s17;
	[dreg:$0x18] =	wrdreg s5  }
0x2c: {  	s8 =	sadd.s32 $0x2CB00, s1;
	s11 =	sadd.s32 s3, s9;
	[dreg:$0x1a] =	wrdreg s2  }
0x2d: {  	s15 =	sadd.s32 s3, s13;
	s17 =	sshrl.u32 s16, $0x3;
	[smem:$0x7D1] =	sst s11  }
0x2e: {  	s6 =	sadd.s32 $0x2AA80, s1;
	s2 =	sadd.s32 s4, s21;
	[smem:$0x7D5] =	sst s15  }
0x2f: {  	s5 =	sshrl.u32 s22, $0x3;
	s19 =	sadd.s32 s3, s17;
	[dreg:$0x1c] =	wrdreg s2  }
0x30: {  	s18 =	sadd.s32 $0x26980, s1;
	s26 =	sadd.s32 s3, s5;
	[smem:$0x7D7] =	sst s19  }
0x31: {  	s21 =	sadd.s32 $0x28A00, s1;
	s5 =	sadd.s32 s4, s5;
	[dreg:$0x1d] =	wrdreg s26  }
0x32: {  	s1 =	sadd.s32 $0x2EB80, s1;
	s2 =	sadd.s32 s4, s25;
	[dreg:$0x1e] =	wrdreg s5  }
0x33: {  	s20 =	sshrl.u32 s18, $0x3;
	[smem:$0x7D0] =	sst s2;
	s2 =	sadd.s32 s4, s9  }
0x34: {  	s1 =	sshrl.u32 s1, $0x3;
	s22 =	sadd.s32 s3, s20;
	[smem:$0x7D2] =	sst s2  }
0x35: {  	s12 =	sadd.s32 s3, s1;
	[smem:$0x7D9] =	sst s22  }
0x36: {  	s5 =	sshrl.u32 s10, $0x3;
	s1 =	sadd.s32 s4, s1;
	[smem:$0x7E1] =	sst s12  }
0x37: {  	s14 =	sadd.s32 s3, s5;
	[smem:$0x7E2] =	sst s1  }
0x38: {  	s5 =	sadd.s32 s4, s5;
	[smem:$0x7D3] =	sst s14  }
0x39: {  	s9 =	smul.u32 $0x10810, s0;
	s2 =	sadd.s32 s4, s13;
	[smem:$0x7D4] =	sst s5  }
0x3a: {  	s0 =	sor.u32 $0x20, s0;
	[smem:$0x7D6] =	sst s2;
	s2 =	sadd.s32 s4, s17  }
0x3b: {  	s23 =	smul.u32 $0x82, s0;
	s5 =	sshrl.u32 s21, $0x3;
	[smem:$0x7D8] =	sst s2  }
0x3c: {  	s2 =	sadd.s32 s4, s20;
	s24 =	sadd.s32 s3, s5;
	s25 =	sadd.s32 s4, s5  }
0x3d: {  	s26 =	sadd.s32 $0xFFFFFFF8, s23;
	s5 =	sshrl.u32 s6, $0x3;
	[smem:$0x7DA] =	sst s2  }
0x3e: {  	s6 =	sshrl.u32 s8, $0x3;
	[smem:$0x7DB] =	sst s24;
	s2 =	sshrl.u32 s26, $0x7  }
0x3f: {  	[smem:$0x7DC] =	sst s25;
	s8 =	sadd.s32 s3, s5;
	s2 =	smul.u32 $0x10400, s2  }
0x40: {  	s7 =	smax.u32 s7, $0x1;
	s5 =	sadd.s32 s4, s5;
	[smem:$0x7DD] =	sst s8  }
0x41: {  	s10 =	sadd.s32 s3, s6;
	[smem:$0x7DE] =	sst s5;
	s2 =	sshrl.u32 s2, $0x3  }
0x42: {  	s11 =	sadd.s32 s4, s6;
	[smem:$0x7DF] =	sst s10;
	s13 =	sadd.s32 $0x410, s2  }
0x43: {  	[smem:$0x7E0] =	sst s11;
	s10 =	smul.u32 $0x10810, s0;
	s14 =	sadd.s32 s3, s13  }
0x44: {  	s15 =	sadd.s32 $0x820, s2;
	s0 =	sadd.s32 s4, s13;
	[smem:$0x7E3] =	sst s14  }
0x45: {  	s17 =	sadd.s32 $0xC30, s2;
	s16 =	sadd.s32 s3, s15;
	[smem:$0x7E4] =	sst s0  }
0x46: {  	s19 =	sadd.s32 $0x1040, s2;
	s18 =	sadd.s32 s3, s17;
	[smem:$0x7E5] =	sst s16  }
0x47: {  	s21 =	sadd.s32 $0x1450, s2;
	s20 =	sadd.s32 s3, s19;
	[smem:$0x7E7] =	sst s18  }
0x48: {  	s23 =	sadd.s32 $0x1860, s2;
	s22 =	sadd.s32 s3, s21;
	[smem:$0x7E9] =	sst s20  }
0x49: {  	s25 =	sadd.s32 $0x1C70, s2;
	s24 =	sadd.s32 s3, s23;
	[smem:$0x7EB] =	sst s22  }
0x4a: {  	s5 =	sadd.s32 $0x2080, s2;
	s26 =	sadd.s32 s3, s25;
	[smem:$0x7ED] =	sst s24  }
0x4b: {  	s8 =	sadd.s32 $0x2490, s2;
	s6 =	sadd.s32 s3, s5;
	[smem:$0x7EF] =	sst s26  }
0x4c: {  	s12 =	sadd.s32 $0x28A0, s2;
	s11 =	sadd.s32 s3, s8;
	[smem:$0x7F1] =	sst s6  }
0x4d: {  	s1 =	sadd.s32 $0x5140, s2;
	s13 =	sadd.s32 s3, s12;
	[smem:$0x7F3] =	sst s11  }
0x4e: {  	s0 =	sadd.s32 s4, s15;
	[smem:$0x7F5] =	sst s13;
	s14 =	sadd.s32 $0x2CB0, s2  }
0x4f: {  	s16 =	sadd.s32 $0x30C0, s2;
	s18 =	sadd.s32 $0x34D0, s2;
	s20 =	sadd.s32 $0x38E0, s2  }
0x50: {  	s22 =	sadd.s32 $0x3CF0, s2;
	s24 =	sadd.s32 $0x4510, s2;
	s11 =	rddreg [dreg:$0x1]  }
0x51: {  	s26 =	sadd.s32 $0x4D30, s2;
	[smem:$0x7E6] =	sst s0;
	s0 =	sadd.s32 s4, s17  }
0x52: {  	s6 =	sadd.s32 $0x5960, s2;
	s15 =	sadd.s32 s3, s14;
	[smem:$0x7E8] =	sst s0  }
0x53: {  	s13 =	sshrl.u32 s10, $0x3;
	s17 =	sadd.s32 s3, s16;
	[smem:$0x7F7] =	sst s15  }
0x54: {  	v1 =	vmov s10;
	s10 =	simm.s32 $0x12900;
	s0 =	sadd.s32 s4, s19;
	[smem:$0x7F9] =	sst s17  }
0x55: {  	s30 =	sadd.s32 s3, s6;
	s19 =	sadd.s32 s3, s18;
	[smem:$0x7EA] =	sst s0  }
0x56: {  	s31 =	sadd.s32 s4, s6;
	s0 =	sadd.s32 s4, s21;
	[smem:$0x7FB] =	sst s19  }
0x57: {  	s6 =	sadd.s32 s11, s13;
	s21 =	sadd.s32 s3, s20;
	[smem:$0x7EC] =	sst s0  }
0x58: {  	s15 =	sadd.s32 s3, s22;
	s0 =	sadd.s32 s4, s23;
	[smem:$0x7FD] =	sst s21  }
0x59: {  	s19 =	sadd.s32 s3, s24;
	s23 =	sadd.s32 $0x4100, s2;
	[smem:$0x7EE] =	sst s0  }
0x5a: {  	s0 =	sadd.s32 s4, s25;
	s17 =	sadd.s32 s3, s23;
	s25 =	sadd.s32 $0x4920, s2  }
0x5b: {  	[smem:$0x7F0] =	sst s0;
	s0 =	sadd.s32 s4, s5;
	s21 =	sadd.s32 s3, s25  }
0x5c: {  	s5 =	sadd.s32 $0x5550, s2;
	[smem:$0x7F2] =	sst s0;
	s0 =	sadd.s32 s4, s8  }
0x5d: {  	s28 =	sadd.s32 s3, s5;
	s29 =	sadd.s32 s4, s5;
	s8 =	sadd.s32 $0x5D70, s2  }
0x5e: {  	[smem:$0x7F4] =	sst s0;
	s0 =	sadd.s32 s4, s12;
	s12 =	sshrl.u32 s9, $0x3  }
0x5f: {  	v0 =	vmov s9;
	s9 =	simm.s32 $0x10880;
	[smem:$0x7F6] =	sst s0;
	s0 =	sadd.s32 s4, s14  }
0x60: {  	s14 =	sadd.s32 s4, s20;
	s20 =	sadd.s32 s4, s24;
	s24 =	sadd.s32 s4, s26  }
0x61: {  	s5 =	sadd.s32 s11, s12;
	[smem:$0x7F8] =	sst s0;
	s0 =	sadd.s32 s4, s16  }
0x62: {  	s16 =	sadd.s32 s4, s22;
	s22 =	sadd.s32 s4, s25;
	s25 =	sadd.s32 s3, s1  }
0x63: {  	[smem:$0x7FA] =	sst s0;
	s0 =	sadd.s32 s4, s18;
	s18 =	sadd.s32 s4, s23  }
0x64: {  	s23 =	sadd.s32 s3, s26;
	s26 =	sadd.s32 s4, s1;
	s1 =	sadd.s32 s4, s2  }
0x65: {  	[smem:$0x7FC] =	sst s0;
	s0 =	sadd.s32 s3, s2;
	s2 =	simm.s32 $0x0  }
0x66: {  	s11 =	simm.s32 $0x0;
	s4 =	sadd.s32 s4, s8;
	[smem:$0x7FF] =	sst s2  }
0x67: {  	v2 =	vimm.f32 $0.0e+00;
	s3 =	sadd.s32 s3, s8;
	s8 =	simm.s32 $0x1;
	_ =	strace $0x80000059  }
.LBB2_1:
0x68: {  	s12 =	simm.s32 $0x40;
	s13 =	simm.s32 $0x0  }
.LBB2_2:
0x69: {  	p0 =	sne.s32 s12, $0x42000;
	[tilespmem:s13+$0x0] =	vst v2;
	s13 =	smov.u32 s12;
	s12 =	sadd.s32 $0x40, s12  }
.Ltmp0:
0x6a: {  	(pc) =	sbr.rel @p0 .LBB2_2-.Ltmp0, $2  }
0x6b: {  	_ =	sdelay $0x2  }
0x6c: {  	s13 =	sshra.s32 s13, $0x2  }
0x6d: {  	[tilespmem:s13+$0x0] =	vst v2;
	s12 =	simm.s32 $0x0;
	s13 =	rddreg [dreg:$0x3]  }
0x6e: {  	[tilespmem:s9], [sflag:$0x1] =	stream.linear.gather [hbm4b:s13+s12], $0x2080, $0x38;
	[tilespmem:$0x14980] =	vst v63  }
0x6f: {  	_ =	swait.ge [sflag:s8], $0x2080  }
0x70: {  	[sflag:s8] =	ssyncset.done $0x0  }
0x71: {  	s13 =	rddreg [dreg:$0x4];
	[sflag:s8] =	ssyncadd.s32 $0xFFFFDF80  }
0x72: {  	[tilespmem:s10], [sflag:$0x1] =	stream.linear.gather [hbm4b:s13+s12], $0x2080, $0x38;
	[tilespmem:$0x14980] =	vst v63  }
0x73: {  	_ =	swait.ge [sflag:s8], $0x2080  }
0x74: {  	[sflag:s8] =	ssyncset.done $0x0  }
0x75: {  	s12 =	simm.s32 $0x0;
	s13 =	simm.s32 $0x40;
	[sflag:s8] =	ssyncadd.s32 $0xFFFFDF80  }
.LBB2_4:
0x76: {  	p0 =	sne.s32 s13, $0x81C0;
	v3 =	vld [tilespmem:s12+$0x10880];
	_ =	sdelay $0x4  }
0x77: {  	v3 =	vsub.s32 v3, v0  }
0x78: {  	vm0 =	vgt.s32 v3, $0x0  }
0x79: {  	vm1 =	vlt.u32 v3, $0x10810;
	v3 =	vnsel vm0, $0x0, v3  }
0x7a: {  	v4 =	vld [tilespmem:s12+$0x12900];
	v3 =	vmin.u32 v3, $0x1080F  }
.Ltmp1:
0x7b: {  	(pc) =	sbr.rel @p0 .LBB2_4-.Ltmp1, $2  }
0x7c: {  	_ =	sdelay $0x2  }
0x7d: {  	s12 =	sshra.s32 s13, $0x2;
	s13 =	sadd.s32 $0x40, s13;
	[tilespmem:v3+s2+$0x0] =	vst.idx.add.f32.msk vm1, v4  }
0x7e: {  	v3 =	vld [tilespmem:s12+$0x10880];
	_ =	sdelay $0x4  }
0x7f: {  	v3 =	vsub.s32 v3, v0  }
0x80: {  	vm0 =	vgt.s32 v3, $0x0  }
0x81: {  	vm1 =	vlt.u32 v3, $0x10810;
	v3 =	vnsel vm0, $0x0, v3  }
0x82: {  	v4 =	vld [tilespmem:s12+$0x12900];
	v3 =	vmin.u32 v3, $0x1080F;
	_ =	sdelay $0x4  }
0x83: {  	s12 =	simm.s32 $0x0;
	s13 =	rddreg [dreg:$0x5];
	[tilespmem:v3+s2+$0x0] =	vst.idx.add.f32.msk vm1, v4  }
0x84: {  	[tilespmem:s9], [sflag:$0x1] =	stream.linear.gather [hbm4b:s13+s12], $0x2080, $0x38;
	[tilespmem:$0x14980] =	vst v63  }
0x85: {  	_ =	swait.ge [sflag:s8], $0x2080  }
0x86: {  	[sflag:s8] =	ssyncset.done $0x0  }
0x87: {  	s13 =	rddreg [dreg:$0x6];
	[sflag:s8] =	ssyncadd.s32 $0xFFFFDF80  }
0x88: {  	[tilespmem:s10], [sflag:$0x1] =	stream.linear.gather [hbm4b:s13+s12], $0x2080, $0x38;
	[tilespmem:$0x14980] =	vst v63  }
0x89: {  	_ =	swait.ge [sflag:s8], $0x2080  }
0x8a: {  	[sflag:s8] =	ssyncset.done $0x0  }
0x8b: {  	s12 =	simm.s32 $0x0;
	s13 =	simm.s32 $0x40;
	[sflag:s8] =	ssyncadd.s32 $0xFFFFDF80  }
.LBB2_6:
0x8c: {  	p0 =	sne.s32 s13, $0x81C0;
	v3 =	vld [tilespmem:s12+$0x10880];
	_ =	sdelay $0x4  }
0x8d: {  	v3 =	vsub.s32 v3, v0  }
0x8e: {  	vm0 =	vgt.s32 v3, $0x0  }
0x8f: {  	vm1 =	vlt.u32 v3, $0x10810;
	v3 =	vnsel vm0, $0x0, v3  }
0x90: {  	v4 =	vld [tilespmem:s12+$0x12900];
	v3 =	vmin.u32 v3, $0x1080F  }
.Ltmp2:
0x91: {  	(pc) =	sbr.rel @p0 .LBB2_6-.Ltmp2, $2  }
0x92: {  	_ =	sdelay $0x2  }
0x93: {  	s12 =	sshra.s32 s13, $0x2;
	s13 =	sadd.s32 $0x40, s13;
	[tilespmem:v3+s2+$0x0] =	vst.idx.add.f32.msk vm1, v4  }
0x94: {  	v3 =	vld [tilespmem:s12+$0x10880];
	_ =	sdelay $0x4  }
0x95: {  	v3 =	vsub.s32 v3, v0  }
0x96: {  	vm0 =	vgt.s32 v3, $0x0  }
0x97: {  	vm1 =	vlt.u32 v3, $0x10810;
	v3 =	vnsel vm0, $0x0, v3  }
0x98: {  	v4 =	vld [tilespmem:s12+$0x12900];
	v3 =	vmin.u32 v3, $0x1080F;
	_ =	sdelay $0x4  }
0x99: {  	s12 =	simm.s32 $0x0;
	s13 =	rddreg [dreg:$0x7];
	[tilespmem:v3+s2+$0x0] =	vst.idx.add.f32.msk vm1, v4  }
0x9a: {  	[tilespmem:s9], [sflag:$0x1] =	stream.linear.gather [hbm4b:s13+s12], $0x2080, $0x38;
	[tilespmem:$0x14980] =	vst v63  }
0x9b: {  	_ =	swait.ge [sflag:s8], $0x2080  }
0x9c: {  	[sflag:s8] =	ssyncset.done $0x0  }
0x9d: {  	s13 =	rddreg [dreg:$0x8];
	[sflag:s8] =	ssyncadd.s32 $0xFFFFDF80  }
0x9e: {  	[tilespmem:s10], [sflag:$0x1] =	stream.linear.gather [hbm4b:s13+s12], $0x2080, $0x38;
	[tilespmem:$0x14980] =	vst v63  }
0x9f: {  	_ =	swait.ge [sflag:s8], $0x2080  }
0xa0: {  	[sflag:s8] =	ssyncset.done $0x0  }
0xa1: {  	s12 =	simm.s32 $0x0;
	s13 =	simm.s32 $0x40;
	[sflag:s8] =	ssyncadd.s32 $0xFFFFDF80  }
.LBB2_8:
0xa2: {  	p0 =	sne.s32 s13, $0x81C0;
	v3 =	vld [tilespmem:s12+$0x10880];
	_ =	sdelay $0x4  }
0xa3: {  	v3 =	vsub.s32 v3, v0  }
0xa4: {  	vm0 =	vgt.s32 v3, $0x0  }
0xa5: {  	vm1 =	vlt.u32 v3, $0x10810;
	v3 =	vnsel vm0, $0x0, v3  }
0xa6: {  	v4 =	vld [tilespmem:s12+$0x12900];
	v3 =	vmin.u32 v3, $0x1080F  }
.Ltmp3:
0xa7: {  	(pc) =	sbr.rel @p0 .LBB2_8-.Ltmp3, $2  }
0xa8: {  	_ =	sdelay $0x2  }
0xa9: {  	s12 =	sshra.s32 s13, $0x2;
	s13 =	sadd.s32 $0x40, s13;
	[tilespmem:v3+s2+$0x0] =	vst.idx.add.f32.msk vm1, v4  }
0xaa: {  	v3 =	vld [tilespmem:s12+$0x10880];
	_ =	sdelay $0x4  }
0xab: {  	v3 =	vsub.s32 v3, v0  }
0xac: {  	vm0 =	vgt.s32 v3, $0x0  }
0xad: {  	vm1 =	vlt.u32 v3, $0x10810;
	v3 =	vnsel vm0, $0x0, v3  }
0xae: {  	v4 =	vld [tilespmem:s12+$0x12900];
	v3 =	vmin.u32 v3, $0x1080F;
	_ =	sdelay $0x4  }
0xaf: {  	s12 =	simm.s32 $0x0;
	s13 =	rddreg [dreg:$0x9];
	[tilespmem:v3+s2+$0x0] =	vst.idx.add.f32.msk vm1, v4  }
0xb0: {  	[tilespmem:s9], [sflag:$0x1] =	stream.linear.gather [hbm4b:s13+s12], $0x2080, $0x38;
	[tilespmem:$0x14980] =	vst v63  }
0xb1: {  	_ =	swait.ge [sflag:s8], $0x2080  }
0xb2: {  	[sflag:s8] =	ssyncset.done $0x0  }
0xb3: {  	s13 =	rddreg [dreg:$0xa];
	[sflag:s8] =	ssyncadd.s32 $0xFFFFDF80  }
0xb4: {  	[tilespmem:s10], [sflag:$0x1] =	stream.linear.gather [hbm4b:s13+s12], $0x2080, $0x38;
	[tilespmem:$0x14980] =	vst v63  }
0xb5: {  	_ =	swait.ge [sflag:s8], $0x2080  }
0xb6: {  	[sflag:s8] =	ssyncset.done $0x0  }
0xb7: {  	s12 =	simm.s32 $0x0;
	s13 =	simm.s32 $0x40;
	[sflag:s8] =	ssyncadd.s32 $0xFFFFDF80  }
.LBB2_10:
0xb8: {  	p0 =	sne.s32 s13, $0x81C0;
	v3 =	vld [tilespmem:s12+$0x10880];
	_ =	sdelay $0x4  }
0xb9: {  	v3 =	vsub.s32 v3, v0  }
0xba: {  	vm0 =	vgt.s32 v3, $0x0  }
0xbb: {  	vm1 =	vlt.u32 v3, $0x10810;
	v3 =	vnsel vm0, $0x0, v3  }
0xbc: {  	v4 =	vld [tilespmem:s12+$0x12900];
	v3 =	vmin.u32 v3, $0x1080F  }
.Ltmp4:
0xbd: {  	(pc) =	sbr.rel @p0 .LBB2_10-.Ltmp4, $2  }
0xbe: {  	_ =	sdelay $0x2  }
0xbf: {  	s12 =	sshra.s32 s13, $0x2;
	s13 =	sadd.s32 $0x40, s13;
	[tilespmem:v3+s2+$0x0] =	vst.idx.add.f32.msk vm1, v4  }
0xc0: {  	v3 =	vld [tilespmem:s12+$0x10880];
	_ =	sdelay $0x4  }
0xc1: {  	v3 =	vsub.s32 v3, v0  }
0xc2: {  	vm0 =	vgt.s32 v3, $0x0  }
0xc3: {  	vm1 =	vlt.u32 v3, $0x10810;
	v3 =	vnsel vm0, $0x0, v3  }
0xc4: {  	v4 =	vld [tilespmem:s12+$0x12900];
	v3 =	vmin.u32 v3, $0x1080F;
	_ =	sdelay $0x4  }
0xc5: {  	s12 =	simm.s32 $0x0;
	s13 =	rddreg [dreg:$0xb];
	[tilespmem:v3+s2+$0x0] =	vst.idx.add.f32.msk vm1, v4  }
0xc6: {  	[tilespmem:s9], [sflag:$0x1] =	stream.linear.gather [hbm4b:s13+s12], $0x2080, $0x38;
	[tilespmem:$0x14980] =	vst v63  }
0xc7: {  	_ =	swait.ge [sflag:s8], $0x2080  }
0xc8: {  	[sflag:s8] =	ssyncset.done $0x0  }
0xc9: {  	s13 =	rddreg [dreg:$0xc];
	[sflag:s8] =	ssyncadd.s32 $0xFFFFDF80  }
0xca: {  	[tilespmem:s10], [sflag:$0x1] =	stream.linear.gather [hbm4b:s13+s12], $0x2080, $0x38;
	[tilespmem:$0x14980] =	vst v63  }
0xcb: {  	_ =	swait.ge [sflag:s8], $0x2080  }
0xcc: {  	[sflag:s8] =	ssyncset.done $0x0  }
0xcd: {  	s12 =	simm.s32 $0x0;
	s13 =	simm.s32 $0x40;
	[sflag:s8] =	ssyncadd.s32 $0xFFFFDF80  }
.LBB2_12:
0xce: {  	p0 =	sne.s32 s13, $0x81C0;
	v3 =	vld [tilespmem:s12+$0x10880];
	_ =	sdelay $0x4  }
0xcf: {  	v3 =	vsub.s32 v3, v0  }
0xd0: {  	vm0 =	vgt.s32 v3, $0x0  }
0xd1: {  	vm1 =	vlt.u32 v3, $0x10810;
	v3 =	vnsel vm0, $0x0, v3  }
0xd2: {  	v4 =	vld [tilespmem:s12+$0x12900];
	v3 =	vmin.u32 v3, $0x1080F  }
.Ltmp5:
0xd3: {  	(pc) =	sbr.rel @p0 .LBB2_12-.Ltmp5, $2  }
0xd4: {  	_ =	sdelay $0x2  }
0xd5: {  	s12 =	sshra.s32 s13, $0x2;
	s13 =	sadd.s32 $0x40, s13;
	[tilespmem:v3+s2+$0x0] =	vst.idx.add.f32.msk vm1, v4  }
0xd6: {  	v3 =	vld [tilespmem:s12+$0x10880];
	_ =	sdelay $0x4  }
0xd7: {  	v3 =	vsub.s32 v3, v0  }
0xd8: {  	vm0 =	vgt.s32 v3, $0x0  }
0xd9: {  	vm1 =	vlt.u32 v3, $0x10810;
	v3 =	vnsel vm0, $0x0, v3  }
0xda: {  	v4 =	vld [tilespmem:s12+$0x12900];
	v3 =	vmin.u32 v3, $0x1080F;
	_ =	sdelay $0x4  }
0xdb: {  	s12 =	simm.s32 $0x0;
	s13 =	rddreg [dreg:$0xd];
	[tilespmem:v3+s2+$0x0] =	vst.idx.add.f32.msk vm1, v4  }
0xdc: {  	[tilespmem:s9], [sflag:$0x1] =	stream.linear.gather [hbm4b:s13+s12], $0x2080, $0x38;
	[tilespmem:$0x14980] =	vst v63  }
0xdd: {  	_ =	swait.ge [sflag:s8], $0x2080  }
0xde: {  	[sflag:s8] =	ssyncset.done $0x0  }
0xdf: {  	s13 =	rddreg [dreg:$0xe];
	[sflag:s8] =	ssyncadd.s32 $0xFFFFDF80  }
0xe0: {  	[tilespmem:s10], [sflag:$0x1] =	stream.linear.gather [hbm4b:s13+s12], $0x2080, $0x38;
	[tilespmem:$0x14980] =	vst v63  }
0xe1: {  	_ =	swait.ge [sflag:s8], $0x2080  }
0xe2: {  	[sflag:s8] =	ssyncset.done $0x0  }
0xe3: {  	s12 =	simm.s32 $0x0;
	s13 =	simm.s32 $0x40;
	[sflag:s8] =	ssyncadd.s32 $0xFFFFDF80  }
.LBB2_14:
0xe4: {  	p0 =	sne.s32 s13, $0x81C0;
	v3 =	vld [tilespmem:s12+$0x10880];
	_ =	sdelay $0x4  }
0xe5: {  	v3 =	vsub.s32 v3, v0  }
0xe6: {  	vm0 =	vgt.s32 v3, $0x0  }
0xe7: {  	vm1 =	vlt.u32 v3, $0x10810;
	v3 =	vnsel vm0, $0x0, v3  }
0xe8: {  	v4 =	vld [tilespmem:s12+$0x12900];
	v3 =	vmin.u32 v3, $0x1080F  }
.Ltmp6:
0xe9: {  	(pc) =	sbr.rel @p0 .LBB2_14-.Ltmp6, $2  }
0xea: {  	_ =	sdelay $0x2  }
0xeb: {  	s12 =	sshra.s32 s13, $0x2;
	s13 =	sadd.s32 $0x40, s13;
	[tilespmem:v3+s2+$0x0] =	vst.idx.add.f32.msk vm1, v4  }
0xec: {  	v3 =	vld [tilespmem:s12+$0x10880];
	_ =	sdelay $0x4  }
0xed: {  	v3 =	vsub.s32 v3, v0  }
0xee: {  	vm0 =	vgt.s32 v3, $0x0  }
0xef: {  	vm1 =	vlt.u32 v3, $0x10810;
	v3 =	vnsel vm0, $0x0, v3  }
0xf0: {  	v4 =	vld [tilespmem:s12+$0x12900];
	v3 =	vmin.u32 v3, $0x1080F;
	_ =	sdelay $0x4  }
0xf1: {  	s12 =	simm.s32 $0x0;
	s13 =	rddreg [dreg:$0xf];
	[tilespmem:v3+s2+$0x0] =	vst.idx.add.f32.msk vm1, v4  }
0xf2: {  	[tilespmem:s9], [sflag:$0x1] =	stream.linear.gather [hbm4b:s13+s12], $0x2080, $0x38;
	[tilespmem:$0x14980] =	vst v63  }
0xf3: {  	_ =	swait.ge [sflag:s8], $0x2080  }
0xf4: {  	[sflag:s8] =	ssyncset.done $0x0  }
0xf5: {  	s13 =	rddreg [dreg:$0x10];
	[sflag:s8] =	ssyncadd.s32 $0xFFFFDF80  }
0xf6: {  	[tilespmem:s10], [sflag:$0x1] =	stream.linear.gather [hbm4b:s13+s12], $0x2080, $0x38;
	[tilespmem:$0x14980] =	vst v63  }
0xf7: {  	_ =	swait.ge [sflag:s8], $0x2080  }
0xf8: {  	[sflag:s8] =	ssyncset.done $0x0  }
0xf9: {  	s12 =	simm.s32 $0x0;
	s13 =	simm.s32 $0x40;
	[sflag:s8] =	ssyncadd.s32 $0xFFFFDF80  }
.LBB2_16:
0xfa: {  	p0 =	sne.s32 s13, $0x81C0;
	v3 =	vld [tilespmem:s12+$0x10880];
	_ =	sdelay $0x4  }
0xfb: {  	v3 =	vsub.s32 v3, v0  }
0xfc: {  	vm0 =	vgt.s32 v3, $0x0  }
0xfd: {  	vm1 =	vlt.u32 v3, $0x10810;
	v3 =	vnsel vm0, $0x0, v3  }
0xfe: {  	v4 =	vld [tilespmem:s12+$0x12900];
	v3 =	vmin.u32 v3, $0x1080F  }
.Ltmp7:
0xff: {  	(pc) =	sbr.rel @p0 .LBB2_16-.Ltmp7, $2  }
0x100: {  	_ =	sdelay $0x2  }
0x101: {  	s12 =	sshra.s32 s13, $0x2;
	s13 =	sadd.s32 $0x40, s13;
	[tilespmem:v3+s2+$0x0] =	vst.idx.add.f32.msk vm1, v4  }
0x102: {  	v3 =	vld [tilespmem:s12+$0x10880];
	_ =	sdelay $0x4  }
0x103: {  	v3 =	vsub.s32 v3, v0  }
0x104: {  	vm0 =	vgt.s32 v3, $0x0  }
0x105: {  	vm1 =	vlt.u32 v3, $0x10810;
	v3 =	vnsel vm0, $0x0, v3  }
0x106: {  	v4 =	vld [tilespmem:s12+$0x12900];
	v3 =	vmin.u32 v3, $0x1080F;
	_ =	sdelay $0x4  }
0x107: {  	s12 =	simm.s32 $0x0;
	s13 =	rddreg [dreg:$0x11];
	[tilespmem:v3+s2+$0x0] =	vst.idx.add.f32.msk vm1, v4  }
0x108: {  	[tilespmem:s9], [sflag:$0x1] =	stream.linear.gather [hbm4b:s13+s12], $0x2080, $0x38;
	[tilespmem:$0x14980] =	vst v63  }
0x109: {  	_ =	swait.ge [sflag:s8], $0x2080  }
0x10a: {  	[sflag:s8] =	ssyncset.done $0x0  }
0x10b: {  	s13 =	rddreg [dreg:$0x12];
	[sflag:s8] =	ssyncadd.s32 $0xFFFFDF80  }
0x10c: {  	[tilespmem:s10], [sflag:$0x1] =	stream.linear.gather [hbm4b:s13+s12], $0x2080, $0x38;
	[tilespmem:$0x14980] =	vst v63  }
0x10d: {  	_ =	swait.ge [sflag:s8], $0x2080  }
0x10e: {  	[sflag:s8] =	ssyncset.done $0x0  }
0x10f: {  	s12 =	simm.s32 $0x0;
	s13 =	simm.s32 $0x40;
	[sflag:s8] =	ssyncadd.s32 $0xFFFFDF80  }
.LBB2_18:
0x110: {  	p0 =	sne.s32 s13, $0x81C0;
	v3 =	vld [tilespmem:s12+$0x10880];
	_ =	sdelay $0x4  }
0x111: {  	v3 =	vsub.s32 v3, v0  }
0x112: {  	vm0 =	vgt.s32 v3, $0x0  }
0x113: {  	vm1 =	vlt.u32 v3, $0x10810;
	v3 =	vnsel vm0, $0x0, v3  }
0x114: {  	v4 =	vld [tilespmem:s12+$0x12900];
	v3 =	vmin.u32 v3, $0x1080F  }
.Ltmp8:
0x115: {  	(pc) =	sbr.rel @p0 .LBB2_18-.Ltmp8, $2  }
0x116: {  	_ =	sdelay $0x2  }
0x117: {  	s12 =	sshra.s32 s13, $0x2;
	s13 =	sadd.s32 $0x40, s13;
	[tilespmem:v3+s2+$0x0] =	vst.idx.add.f32.msk vm1, v4  }
0x118: {  	v3 =	vld [tilespmem:s12+$0x10880];
	_ =	sdelay $0x4  }
0x119: {  	v3 =	vsub.s32 v3, v0  }
0x11a: {  	vm0 =	vgt.s32 v3, $0x0  }
0x11b: {  	vm1 =	vlt.u32 v3, $0x10810;
	v3 =	vnsel vm0, $0x0, v3  }
0x11c: {  	v4 =	vld [tilespmem:s12+$0x12900];
	v3 =	vmin.u32 v3, $0x1080F;
	_ =	sdelay $0x4  }
0x11d: {  	s12 =	simm.s32 $0x0;
	s13 =	rddreg [dreg:$0x13];
	[tilespmem:v3+s2+$0x0] =	vst.idx.add.f32.msk vm1, v4  }
0x11e: {  	[tilespmem:s9], [sflag:$0x1] =	stream.linear.gather [hbm4b:s13+s12], $0x2080, $0x38;
	[tilespmem:$0x14980] =	vst v63  }
0x11f: {  	_ =	swait.ge [sflag:s8], $0x2080  }
0x120: {  	[sflag:s8] =	ssyncset.done $0x0  }
0x121: {  	s13 =	rddreg [dreg:$0x14];
	[sflag:s8] =	ssyncadd.s32 $0xFFFFDF80  }
0x122: {  	[tilespmem:s10], [sflag:$0x1] =	stream.linear.gather [hbm4b:s13+s12], $0x2080, $0x38;
	[tilespmem:$0x14980] =	vst v63  }
0x123: {  	_ =	swait.ge [sflag:s8], $0x2080  }
0x124: {  	[sflag:s8] =	ssyncset.done $0x0  }
0x125: {  	s12 =	simm.s32 $0x0;
	s13 =	simm.s32 $0x40;
	[sflag:s8] =	ssyncadd.s32 $0xFFFFDF80  }
.LBB2_20:
0x126: {  	p0 =	sne.s32 s13, $0x81C0;
	v3 =	vld [tilespmem:s12+$0x10880];
	_ =	sdelay $0x4  }
0x127: {  	v3 =	vsub.s32 v3, v0  }
0x128: {  	vm0 =	vgt.s32 v3, $0x0  }
0x129: {  	vm1 =	vlt.u32 v3, $0x10810;
	v3 =	vnsel vm0, $0x0, v3  }
0x12a: {  	v4 =	vld [tilespmem:s12+$0x12900];
	v3 =	vmin.u32 v3, $0x1080F  }
.Ltmp9:
0x12b: {  	(pc) =	sbr.rel @p0 .LBB2_20-.Ltmp9, $2  }
0x12c: {  	_ =	sdelay $0x2  }
0x12d: {  	s12 =	sshra.s32 s13, $0x2;
	s13 =	sadd.s32 $0x40, s13;
	[tilespmem:v3+s2+$0x0] =	vst.idx.add.f32.msk vm1, v4  }
0x12e: {  	v3 =	vld [tilespmem:s12+$0x10880];
	_ =	sdelay $0x4  }
0x12f: {  	v3 =	vsub.s32 v3, v0  }
0x130: {  	vm0 =	vgt.s32 v3, $0x0  }
0x131: {  	vm1 =	vlt.u32 v3, $0x10810;
	v3 =	vnsel vm0, $0x0, v3  }
0x132: {  	v4 =	vld [tilespmem:s12+$0x12900];
	v3 =	vmin.u32 v3, $0x1080F;
	_ =	sdelay $0x4  }
0x133: {  	s12 =	simm.s32 $0x0;
	s13 =	rddreg [dreg:$0x15];
	[tilespmem:v3+s2+$0x0] =	vst.idx.add.f32.msk vm1, v4  }
0x134: {  	[tilespmem:s9], [sflag:$0x1] =	stream.linear.gather [hbm4b:s13+s12], $0x2080, $0x38;
	[tilespmem:$0x14980] =	vst v63  }
0x135: {  	_ =	swait.ge [sflag:s8], $0x2080  }
0x136: {  	[sflag:s8] =	ssyncset.done $0x0  }
0x137: {  	s13 =	rddreg [dreg:$0x16];
	[sflag:s8] =	ssyncadd.s32 $0xFFFFDF80  }
0x138: {  	[tilespmem:s10], [sflag:$0x1] =	stream.linear.gather [hbm4b:s13+s12], $0x2080, $0x38;
	[tilespmem:$0x14980] =	vst v63  }
0x139: {  	_ =	swait.ge [sflag:s8], $0x2080  }
0x13a: {  	[sflag:s8] =	ssyncset.done $0x0  }
0x13b: {  	s12 =	simm.s32 $0x0;
	s13 =	simm.s32 $0x40;
	[sflag:s8] =	ssyncadd.s32 $0xFFFFDF80  }
.LBB2_22:
0x13c: {  	p0 =	sne.s32 s13, $0x81C0;
	v3 =	vld [tilespmem:s12+$0x10880];
	_ =	sdelay $0x4  }
0x13d: {  	v3 =	vsub.s32 v3, v0  }
0x13e: {  	vm0 =	vgt.s32 v3, $0x0  }
0x13f: {  	vm1 =	vlt.u32 v3, $0x10810;
	v3 =	vnsel vm0, $0x0, v3  }
0x140: {  	v4 =	vld [tilespmem:s12+$0x12900];
	v3 =	vmin.u32 v3, $0x1080F  }
.Ltmp10:
0x141: {  	(pc) =	sbr.rel @p0 .LBB2_22-.Ltmp10, $2  }
0x142: {  	_ =	sdelay $0x2  }
0x143: {  	s12 =	sshra.s32 s13, $0x2;
	s13 =	sadd.s32 $0x40, s13;
	[tilespmem:v3+s2+$0x0] =	vst.idx.add.f32.msk vm1, v4  }
0x144: {  	v3 =	vld [tilespmem:s12+$0x10880];
	_ =	sdelay $0x4  }
0x145: {  	v3 =	vsub.s32 v3, v0  }
0x146: {  	vm0 =	vgt.s32 v3, $0x0  }
0x147: {  	vm1 =	vlt.u32 v3, $0x10810;
	v3 =	vnsel vm0, $0x0, v3  }
0x148: {  	v4 =	vld [tilespmem:s12+$0x12900];
	v3 =	vmin.u32 v3, $0x1080F;
	_ =	sdelay $0x4  }
0x149: {  	s12 =	simm.s32 $0x0;
	s13 =	rddreg [dreg:$0x17];
	[tilespmem:v3+s2+$0x0] =	vst.idx.add.f32.msk vm1, v4  }
0x14a: {  	[tilespmem:s9], [sflag:$0x1] =	stream.linear.gather [hbm4b:s13+s12], $0x2080, $0x38;
	[tilespmem:$0x14980] =	vst v63  }
0x14b: {  	_ =	swait.ge [sflag:s8], $0x2080  }
0x14c: {  	[sflag:s8] =	ssyncset.done $0x0  }
0x14d: {  	s13 =	rddreg [dreg:$0x18];
	[sflag:s8] =	ssyncadd.s32 $0xFFFFDF80  }
0x14e: {  	[tilespmem:s10], [sflag:$0x1] =	stream.linear.gather [hbm4b:s13+s12], $0x2080, $0x38;
	[tilespmem:$0x14980] =	vst v63  }
0x14f: {  	_ =	swait.ge [sflag:s8], $0x2080  }
0x150: {  	[sflag:s8] =	ssyncset.done $0x0  }
0x151: {  	s12 =	simm.s32 $0x0;
	s13 =	simm.s32 $0x40;
	[sflag:s8] =	ssyncadd.s32 $0xFFFFDF80  }
.LBB2_24:
0x152: {  	p0 =	sne.s32 s13, $0x81C0;
	v3 =	vld [tilespmem:s12+$0x10880];
	_ =	sdelay $0x4  }
0x153: {  	v3 =	vsub.s32 v3, v0  }
0x154: {  	vm0 =	vgt.s32 v3, $0x0  }
0x155: {  	vm1 =	vlt.u32 v3, $0x10810;
	v3 =	vnsel vm0, $0x0, v3  }
0x156: {  	v4 =	vld [tilespmem:s12+$0x12900];
	v3 =	vmin.u32 v3, $0x1080F  }
.Ltmp11:
0x157: {  	(pc) =	sbr.rel @p0 .LBB2_24-.Ltmp11, $2  }
0x158: {  	_ =	sdelay $0x2  }
0x159: {  	s12 =	sshra.s32 s13, $0x2;
	s13 =	sadd.s32 $0x40, s13;
	[tilespmem:v3+s2+$0x0] =	vst.idx.add.f32.msk vm1, v4  }
0x15a: {  	v3 =	vld [tilespmem:s12+$0x10880];
	_ =	sdelay $0x4  }
0x15b: {  	v3 =	vsub.s32 v3, v0  }
0x15c: {  	vm0 =	vgt.s32 v3, $0x0  }
0x15d: {  	vm1 =	vlt.u32 v3, $0x10810;
	v3 =	vnsel vm0, $0x0, v3  }
0x15e: {  	v4 =	vld [tilespmem:s12+$0x12900];
	v3 =	vmin.u32 v3, $0x1080F;
	_ =	sdelay $0x4  }
0x15f: {  	s12 =	simm.s32 $0x0;
	s13 =	rddreg [dreg:$0x19];
	[tilespmem:v3+s2+$0x0] =	vst.idx.add.f32.msk vm1, v4  }
0x160: {  	[tilespmem:s9], [sflag:$0x1] =	stream.linear.gather [hbm4b:s13+s12], $0x2080, $0x38;
	[tilespmem:$0x14980] =	vst v63  }
0x161: {  	_ =	swait.ge [sflag:s8], $0x2080  }
0x162: {  	[sflag:s8] =	ssyncset.done $0x0  }
0x163: {  	s13 =	rddreg [dreg:$0x1a];
	[sflag:s8] =	ssyncadd.s32 $0xFFFFDF80  }
0x164: {  	[tilespmem:s10], [sflag:$0x1] =	stream.linear.gather [hbm4b:s13+s12], $0x2080, $0x38;
	[tilespmem:$0x14980] =	vst v63  }
0x165: {  	_ =	swait.ge [sflag:s8], $0x2080  }
0x166: {  	[sflag:s8] =	ssyncset.done $0x0  }
0x167: {  	s12 =	simm.s32 $0x0;
	s13 =	simm.s32 $0x40;
	[sflag:s8] =	ssyncadd.s32 $0xFFFFDF80  }
.LBB2_26:
0x168: {  	p0 =	sne.s32 s13, $0x81C0;
	v3 =	vld [tilespmem:s12+$0x10880];
	_ =	sdelay $0x4  }
0x169: {  	v3 =	vsub.s32 v3, v0  }
0x16a: {  	vm0 =	vgt.s32 v3, $0x0  }
0x16b: {  	vm1 =	vlt.u32 v3, $0x10810;
	v3 =	vnsel vm0, $0x0, v3  }
0x16c: {  	v4 =	vld [tilespmem:s12+$0x12900];
	v3 =	vmin.u32 v3, $0x1080F  }
.Ltmp12:
0x16d: {  	(pc) =	sbr.rel @p0 .LBB2_26-.Ltmp12, $2  }
0x16e: {  	_ =	sdelay $0x2  }
0x16f: {  	s12 =	sshra.s32 s13, $0x2;
	s13 =	sadd.s32 $0x40, s13;
	[tilespmem:v3+s2+$0x0] =	vst.idx.add.f32.msk vm1, v4  }
0x170: {  	v3 =	vld [tilespmem:s12+$0x10880];
	_ =	sdelay $0x4  }
0x171: {  	v3 =	vsub.s32 v3, v0  }
0x172: {  	vm0 =	vgt.s32 v3, $0x0  }
0x173: {  	vm1 =	vlt.u32 v3, $0x10810;
	v3 =	vnsel vm0, $0x0, v3  }
0x174: {  	v4 =	vld [tilespmem:s12+$0x12900];
	v3 =	vmin.u32 v3, $0x1080F;
	_ =	sdelay $0x4  }
0x175: {  	s12 =	simm.s32 $0x0;
	s13 =	rddreg [dreg:$0x1b];
	[tilespmem:v3+s2+$0x0] =	vst.idx.add.f32.msk vm1, v4  }
0x176: {  	[tilespmem:s9], [sflag:$0x1] =	stream.linear.gather [hbm4b:s13+s12], $0x2080, $0x38;
	[tilespmem:$0x14980] =	vst v63  }
0x177: {  	_ =	swait.ge [sflag:s8], $0x2080  }
0x178: {  	[sflag:s8] =	ssyncset.done $0x0  }
0x179: {  	s13 =	rddreg [dreg:$0x1c];
	[sflag:s8] =	ssyncadd.s32 $0xFFFFDF80  }
0x17a: {  	[tilespmem:s10], [sflag:$0x1] =	stream.linear.gather [hbm4b:s13+s12], $0x2080, $0x38;
	[tilespmem:$0x14980] =	vst v63  }
0x17b: {  	_ =	swait.ge [sflag:s8], $0x2080  }
0x17c: {  	[sflag:s8] =	ssyncset.done $0x0  }
0x17d: {  	s12 =	simm.s32 $0x0;
	s13 =	simm.s32 $0x40;
	[sflag:s8] =	ssyncadd.s32 $0xFFFFDF80  }
.LBB2_28:
0x17e: {  	p0 =	sne.s32 s13, $0x81C0;
	v3 =	vld [tilespmem:s12+$0x10880];
	_ =	sdelay $0x4  }
0x17f: {  	v3 =	vsub.s32 v3, v0  }
0x180: {  	vm0 =	vgt.s32 v3, $0x0  }
0x181: {  	vm1 =	vlt.u32 v3, $0x10810;
	v3 =	vnsel vm0, $0x0, v3  }
0x182: {  	v4 =	vld [tilespmem:s12+$0x12900];
	v3 =	vmin.u32 v3, $0x1080F  }
.Ltmp13:
0x183: {  	(pc) =	sbr.rel @p0 .LBB2_28-.Ltmp13, $2  }
0x184: {  	_ =	sdelay $0x2  }
0x185: {  	s12 =	sshra.s32 s13, $0x2;
	s13 =	sadd.s32 $0x40, s13;
	[tilespmem:v3+s2+$0x0] =	vst.idx.add.f32.msk vm1, v4  }
0x186: {  	v3 =	vld [tilespmem:s12+$0x10880];
	_ =	sdelay $0x4  }
0x187: {  	v3 =	vsub.s32 v3, v0  }
0x188: {  	vm0 =	vgt.s32 v3, $0x0  }
0x189: {  	vm1 =	vlt.u32 v3, $0x10810;
	v3 =	vnsel vm0, $0x0, v3  }
0x18a: {  	v4 =	vld [tilespmem:s12+$0x12900];
	v3 =	vmin.u32 v3, $0x1080F;
	_ =	sdelay $0x4  }
0x18b: {  	s12 =	simm.s32 $0x0;
	s13 =	rddreg [dreg:$0x1d];
	[tilespmem:v3+s2+$0x0] =	vst.idx.add.f32.msk vm1, v4  }
0x18c: {  	[tilespmem:s9], [sflag:$0x1] =	stream.linear.gather [hbm4b:s13+s12], $0x2080, $0x38;
	[tilespmem:$0x14980] =	vst v63  }
0x18d: {  	_ =	swait.ge [sflag:s8], $0x2080  }
0x18e: {  	[sflag:s8] =	ssyncset.done $0x0  }
0x18f: {  	s13 =	rddreg [dreg:$0x1e];
	[sflag:s8] =	ssyncadd.s32 $0xFFFFDF80  }
0x190: {  	[tilespmem:s10], [sflag:$0x1] =	stream.linear.gather [hbm4b:s13+s12], $0x2080, $0x38;
	[tilespmem:$0x14980] =	vst v63  }
0x191: {  	_ =	swait.ge [sflag:s8], $0x2080  }
0x192: {  	[sflag:s8] =	ssyncset.done $0x0  }
0x193: {  	s12 =	simm.s32 $0x0;
	s13 =	simm.s32 $0x40;
	[sflag:s8] =	ssyncadd.s32 $0xFFFFDF80  }
.LBB2_30:
0x194: {  	p0 =	sne.s32 s13, $0x81C0;
	v3 =	vld [tilespmem:s12+$0x10880];
	_ =	sdelay $0x4  }
0x195: {  	v3 =	vsub.s32 v3, v0  }
0x196: {  	vm0 =	vgt.s32 v3, $0x0  }
0x197: {  	vm1 =	vlt.u32 v3, $0x10810;
	v3 =	vnsel vm0, $0x0, v3  }
0x198: {  	v4 =	vld [tilespmem:s12+$0x12900];
	v3 =	vmin.u32 v3, $0x1080F  }
.Ltmp14:
0x199: {  	(pc) =	sbr.rel @p0 .LBB2_30-.Ltmp14, $2  }
0x19a: {  	_ =	sdelay $0x2  }
0x19b: {  	s12 =	sshra.s32 s13, $0x2;
	s13 =	sadd.s32 $0x40, s13;
	[tilespmem:v3+s2+$0x0] =	vst.idx.add.f32.msk vm1, v4  }
0x19c: {  	v3 =	vld [tilespmem:s12+$0x10880];
	_ =	sdelay $0x4  }
0x19d: {  	v3 =	vsub.s32 v3, v0  }
0x19e: {  	vm0 =	vgt.s32 v3, $0x0  }
0x19f: {  	vm1 =	vlt.u32 v3, $0x10810;
	v3 =	vnsel vm0, $0x0, v3  }
0x1a0: {  	v4 =	vld [tilespmem:s12+$0x12900];
	v3 =	vmin.u32 v3, $0x1080F;
	_ =	sdelay $0x4  }
0x1a1: {  	s12 =	simm.s32 $0x0;
	s13 =	rddreg [dreg:$0x1f];
	[tilespmem:v3+s2+$0x0] =	vst.idx.add.f32.msk vm1, v4  }
0x1a2: {  	[tilespmem:s9], [sflag:$0x1] =	stream.linear.gather [hbm4b:s13+s12], $0x2080, $0x38;
	[tilespmem:$0x14980] =	vst v63  }
0x1a3: {  	_ =	swait.ge [sflag:s8], $0x2080  }
0x1a4: {  	s13 =	sld [smem:$0x7D0]  }
0x1a5: {  	[sflag:s8] =	ssyncset.done $0x0  }
0x1a6: {  	[sflag:s8] =	ssyncadd.s32 $0xFFFFDF80  }
0x1a7: {  	[tilespmem:s10], [sflag:$0x1] =	stream.linear.gather [hbm4b:s13+s12], $0x2080, $0x38;
	[tilespmem:$0x14980] =	vst v63  }
0x1a8: {  	_ =	swait.ge [sflag:s8], $0x2080  }
0x1a9: {  	[sflag:s8] =	ssyncset.done $0x0  }
0x1aa: {  	s12 =	simm.s32 $0x0;
	s13 =	simm.s32 $0x40;
	[sflag:s8] =	ssyncadd.s32 $0xFFFFDF80  }
.LBB2_32:
0x1ab: {  	p0 =	sne.s32 s13, $0x81C0;
	v3 =	vld [tilespmem:s12+$0x10880];
	_ =	sdelay $0x4  }
0x1ac: {  	v3 =	vsub.s32 v3, v0  }
0x1ad: {  	vm0 =	vgt.s32 v3, $0x0  }
0x1ae: {  	vm1 =	vlt.u32 v3, $0x10810;
	v3 =	vnsel vm0, $0x0, v3  }
0x1af: {  	v4 =	vld [tilespmem:s12+$0x12900];
	v3 =	vmin.u32 v3, $0x1080F  }
.Ltmp15:
0x1b0: {  	(pc) =	sbr.rel @p0 .LBB2_32-.Ltmp15, $2  }
0x1b1: {  	_ =	sdelay $0x2  }
0x1b2: {  	s12 =	sshra.s32 s13, $0x2;
	s13 =	sadd.s32 $0x40, s13;
	[tilespmem:v3+s2+$0x0] =	vst.idx.add.f32.msk vm1, v4  }
0x1b3: {  	v3 =	vld [tilespmem:s12+$0x10880];
	_ =	sdelay $0x4  }
0x1b4: {  	v3 =	vsub.s32 v3, v0  }
0x1b5: {  	vm0 =	vgt.s32 v3, $0x0  }
0x1b6: {  	vm1 =	vlt.u32 v3, $0x10810;
	v3 =	vnsel vm0, $0x0, v3  }
0x1b7: {  	v4 =	vld [tilespmem:s12+$0x12900];
	v3 =	vmin.u32 v3, $0x1080F;
	_ =	sdelay $0x2  }
0x1b8: {  	s13 =	sld [smem:$0x7D1];
	_ =	sdelay $0x1  }
0x1b9: {  	s12 =	simm.s32 $0x0;
	[tilespmem:v3+s2+$0x0] =	vst.idx.add.f32.msk vm1, v4  }
0x1ba: {  	[tilespmem:s9], [sflag:$0x1] =	stream.linear.gather [hbm4b:s13+s12], $0x2080, $0x38;
	[tilespmem:$0x14980] =	vst v63  }
0x1bb: {  	_ =	swait.ge [sflag:s8], $0x2080  }
0x1bc: {  	s13 =	sld [smem:$0x7D2]  }
0x1bd: {  	[sflag:s8] =	ssyncset.done $0x0  }
0x1be: {  	[sflag:s8] =	ssyncadd.s32 $0xFFFFDF80  }
0x1bf: {  	[tilespmem:s10], [sflag:$0x1] =	stream.linear.gather [hbm4b:s13+s12], $0x2080, $0x38;
	[tilespmem:$0x14980] =	vst v63  }
0x1c0: {  	_ =	swait.ge [sflag:s8], $0x2080  }
0x1c1: {  	[sflag:s8] =	ssyncset.done $0x0  }
0x1c2: {  	s12 =	simm.s32 $0x0;
	s13 =	simm.s32 $0x40;
	[sflag:s8] =	ssyncadd.s32 $0xFFFFDF80  }
.LBB2_34:
0x1c3: {  	p0 =	sne.s32 s13, $0x81C0;
	v3 =	vld [tilespmem:s12+$0x10880];
	_ =	sdelay $0x4  }
0x1c4: {  	v3 =	vsub.s32 v3, v0  }
0x1c5: {  	vm0 =	vgt.s32 v3, $0x0  }
0x1c6: {  	vm1 =	vlt.u32 v3, $0x10810;
	v3 =	vnsel vm0, $0x0, v3  }
0x1c7: {  	v4 =	vld [tilespmem:s12+$0x12900];
	v3 =	vmin.u32 v3, $0x1080F  }
.Ltmp16:
0x1c8: {  	(pc) =	sbr.rel @p0 .LBB2_34-.Ltmp16, $2  }
0x1c9: {  	_ =	sdelay $0x2  }
0x1ca: {  	s12 =	sshra.s32 s13, $0x2;
	s13 =	sadd.s32 $0x40, s13;
	[tilespmem:v3+s2+$0x0] =	vst.idx.add.f32.msk vm1, v4  }
0x1cb: {  	v3 =	vld [tilespmem:s12+$0x10880];
	_ =	sdelay $0x4  }
0x1cc: {  	v3 =	vsub.s32 v3, v0  }
0x1cd: {  	vm0 =	vgt.s32 v3, $0x0  }
0x1ce: {  	vm1 =	vlt.u32 v3, $0x10810;
	v3 =	vnsel vm0, $0x0, v3  }
0x1cf: {  	v4 =	vld [tilespmem:s12+$0x12900];
	v3 =	vmin.u32 v3, $0x1080F;
	_ =	sdelay $0x2  }
0x1d0: {  	s13 =	sld [smem:$0x7D3];
	_ =	sdelay $0x1  }
0x1d1: {  	s12 =	simm.s32 $0x0;
	[tilespmem:v3+s2+$0x0] =	vst.idx.add.f32.msk vm1, v4  }
0x1d2: {  	[tilespmem:s9], [sflag:$0x1] =	stream.linear.gather [hbm4b:s13+s12], $0x2080, $0x38;
	[tilespmem:$0x14980] =	vst v63  }
0x1d3: {  	_ =	swait.ge [sflag:s8], $0x2080  }
0x1d4: {  	s13 =	sld [smem:$0x7D4]  }
0x1d5: {  	[sflag:s8] =	ssyncset.done $0x0  }
0x1d6: {  	[sflag:s8] =	ssyncadd.s32 $0xFFFFDF80  }
0x1d7: {  	[tilespmem:s10], [sflag:$0x1] =	stream.linear.gather [hbm4b:s13+s12], $0x2080, $0x38;
	[tilespmem:$0x14980] =	vst v63  }
0x1d8: {  	_ =	swait.ge [sflag:s8], $0x2080  }
0x1d9: {  	[sflag:s8] =	ssyncset.done $0x0  }
0x1da: {  	s12 =	simm.s32 $0x0;
	s13 =	simm.s32 $0x40;
	[sflag:s8] =	ssyncadd.s32 $0xFFFFDF80  }
.LBB2_36:
0x1db: {  	p0 =	sne.s32 s13, $0x81C0;
	v3 =	vld [tilespmem:s12+$0x10880];
	_ =	sdelay $0x4  }
0x1dc: {  	v3 =	vsub.s32 v3, v0  }
0x1dd: {  	vm0 =	vgt.s32 v3, $0x0  }
0x1de: {  	vm1 =	vlt.u32 v3, $0x10810;
	v3 =	vnsel vm0, $0x0, v3  }
0x1df: {  	v4 =	vld [tilespmem:s12+$0x12900];
	v3 =	vmin.u32 v3, $0x1080F  }
.Ltmp17:
0x1e0: {  	(pc) =	sbr.rel @p0 .LBB2_36-.Ltmp17, $2  }
0x1e1: {  	_ =	sdelay $0x2  }
0x1e2: {  	s12 =	sshra.s32 s13, $0x2;
	s13 =	sadd.s32 $0x40, s13;
	[tilespmem:v3+s2+$0x0] =	vst.idx.add.f32.msk vm1, v4  }
0x1e3: {  	v3 =	vld [tilespmem:s12+$0x10880];
	_ =	sdelay $0x4  }
0x1e4: {  	v3 =	vsub.s32 v3, v0  }
0x1e5: {  	vm0 =	vgt.s32 v3, $0x0  }
0x1e6: {  	vm1 =	vlt.u32 v3, $0x10810;
	v3 =	vnsel vm0, $0x0, v3  }
0x1e7: {  	v4 =	vld [tilespmem:s12+$0x12900];
	v3 =	vmin.u32 v3, $0x1080F;
	_ =	sdelay $0x2  }
0x1e8: {  	s13 =	sld [smem:$0x7D5];
	_ =	sdelay $0x1  }
0x1e9: {  	s12 =	simm.s32 $0x0;
	[tilespmem:v3+s2+$0x0] =	vst.idx.add.f32.msk vm1, v4  }
0x1ea: {  	[tilespmem:s9], [sflag:$0x1] =	stream.linear.gather [hbm4b:s13+s12], $0x2080, $0x38;
	[tilespmem:$0x14980] =	vst v63  }
0x1eb: {  	_ =	swait.ge [sflag:s8], $0x2080  }
0x1ec: {  	s13 =	sld [smem:$0x7D6]  }
0x1ed: {  	[sflag:s8] =	ssyncset.done $0x0  }
0x1ee: {  	[sflag:s8] =	ssyncadd.s32 $0xFFFFDF80  }
0x1ef: {  	[tilespmem:s10], [sflag:$0x1] =	stream.linear.gather [hbm4b:s13+s12], $0x2080, $0x38;
	[tilespmem:$0x14980] =	vst v63  }
0x1f0: {  	_ =	swait.ge [sflag:s8], $0x2080  }
0x1f1: {  	[sflag:s8] =	ssyncset.done $0x0  }
0x1f2: {  	s12 =	simm.s32 $0x0;
	s13 =	simm.s32 $0x40;
	[sflag:s8] =	ssyncadd.s32 $0xFFFFDF80  }
.LBB2_38:
0x1f3: {  	p0 =	sne.s32 s13, $0x81C0;
	v3 =	vld [tilespmem:s12+$0x10880];
	_ =	sdelay $0x4  }
0x1f4: {  	v3 =	vsub.s32 v3, v0  }
0x1f5: {  	vm0 =	vgt.s32 v3, $0x0  }
0x1f6: {  	vm1 =	vlt.u32 v3, $0x10810;
	v3 =	vnsel vm0, $0x0, v3  }
0x1f7: {  	v4 =	vld [tilespmem:s12+$0x12900];
	v3 =	vmin.u32 v3, $0x1080F  }
.Ltmp18:
0x1f8: {  	(pc) =	sbr.rel @p0 .LBB2_38-.Ltmp18, $2  }
0x1f9: {  	_ =	sdelay $0x2  }
0x1fa: {  	s12 =	sshra.s32 s13, $0x2;
	s13 =	sadd.s32 $0x40, s13;
	[tilespmem:v3+s2+$0x0] =	vst.idx.add.f32.msk vm1, v4  }
0x1fb: {  	v3 =	vld [tilespmem:s12+$0x10880];
	_ =	sdelay $0x4  }
0x1fc: {  	v3 =	vsub.s32 v3, v0  }
0x1fd: {  	vm0 =	vgt.s32 v3, $0x0  }
0x1fe: {  	vm1 =	vlt.u32 v3, $0x10810;
	v3 =	vnsel vm0, $0x0, v3  }
0x1ff: {  	v4 =	vld [tilespmem:s12+$0x12900];
	v3 =	vmin.u32 v3, $0x1080F;
	_ =	sdelay $0x2  }
0x200: {  	s13 =	sld [smem:$0x7D7];
	_ =	sdelay $0x1  }
0x201: {  	s12 =	simm.s32 $0x0;
	[tilespmem:v3+s2+$0x0] =	vst.idx.add.f32.msk vm1, v4  }
0x202: {  	[tilespmem:s9], [sflag:$0x1] =	stream.linear.gather [hbm4b:s13+s12], $0x2080, $0x38;
	[tilespmem:$0x14980] =	vst v63  }
0x203: {  	_ =	swait.ge [sflag:s8], $0x2080  }
0x204: {  	s13 =	sld [smem:$0x7D8]  }
0x205: {  	[sflag:s8] =	ssyncset.done $0x0  }
0x206: {  	[sflag:s8] =	ssyncadd.s32 $0xFFFFDF80  }
0x207: {  	[tilespmem:s10], [sflag:$0x1] =	stream.linear.gather [hbm4b:s13+s12], $0x2080, $0x38;
	[tilespmem:$0x14980] =	vst v63  }
0x208: {  	_ =	swait.ge [sflag:s8], $0x2080  }
0x209: {  	[sflag:s8] =	ssyncset.done $0x0  }
0x20a: {  	s12 =	simm.s32 $0x0;
	s13 =	simm.s32 $0x40;
	[sflag:s8] =	ssyncadd.s32 $0xFFFFDF80  }
.LBB2_40:
0x20b: {  	p0 =	sne.s32 s13, $0x81C0;
	v3 =	vld [tilespmem:s12+$0x10880];
	_ =	sdelay $0x4  }
0x20c: {  	v3 =	vsub.s32 v3, v0  }
0x20d: {  	vm0 =	vgt.s32 v3, $0x0  }
0x20e: {  	vm1 =	vlt.u32 v3, $0x10810;
	v3 =	vnsel vm0, $0x0, v3  }
0x20f: {  	v4 =	vld [tilespmem:s12+$0x12900];
	v3 =	vmin.u32 v3, $0x1080F  }
.Ltmp19:
0x210: {  	(pc) =	sbr.rel @p0 .LBB2_40-.Ltmp19, $2  }
0x211: {  	_ =	sdelay $0x2  }
0x212: {  	s12 =	sshra.s32 s13, $0x2;
	s13 =	sadd.s32 $0x40, s13;
	[tilespmem:v3+s2+$0x0] =	vst.idx.add.f32.msk vm1, v4  }
0x213: {  	v3 =	vld [tilespmem:s12+$0x10880];
	_ =	sdelay $0x4  }
0x214: {  	v3 =	vsub.s32 v3, v0  }
0x215: {  	vm0 =	vgt.s32 v3, $0x0  }
0x216: {  	vm1 =	vlt.u32 v3, $0x10810;
	v3 =	vnsel vm0, $0x0, v3  }
0x217: {  	v4 =	vld [tilespmem:s12+$0x12900];
	v3 =	vmin.u32 v3, $0x1080F;
	_ =	sdelay $0x2  }
0x218: {  	s13 =	sld [smem:$0x7D9];
	_ =	sdelay $0x1  }
0x219: {  	s12 =	simm.s32 $0x0;
	[tilespmem:v3+s2+$0x0] =	vst.idx.add.f32.msk vm1, v4  }
0x21a: {  	[tilespmem:s9], [sflag:$0x1] =	stream.linear.gather [hbm4b:s13+s12], $0x2080, $0x38;
	[tilespmem:$0x14980] =	vst v63  }
0x21b: {  	_ =	swait.ge [sflag:s8], $0x2080  }
0x21c: {  	s13 =	sld [smem:$0x7DA]  }
0x21d: {  	[sflag:s8] =	ssyncset.done $0x0  }
0x21e: {  	[sflag:s8] =	ssyncadd.s32 $0xFFFFDF80  }
0x21f: {  	[tilespmem:s10], [sflag:$0x1] =	stream.linear.gather [hbm4b:s13+s12], $0x2080, $0x38;
	[tilespmem:$0x14980] =	vst v63  }
0x220: {  	_ =	swait.ge [sflag:s8], $0x2080  }
0x221: {  	[sflag:s8] =	ssyncset.done $0x0  }
0x222: {  	s12 =	simm.s32 $0x0;
	s13 =	simm.s32 $0x40;
	[sflag:s8] =	ssyncadd.s32 $0xFFFFDF80  }
.LBB2_42:
0x223: {  	p0 =	sne.s32 s13, $0x81C0;
	v3 =	vld [tilespmem:s12+$0x10880];
	_ =	sdelay $0x4  }
0x224: {  	v3 =	vsub.s32 v3, v0  }
0x225: {  	vm0 =	vgt.s32 v3, $0x0  }
0x226: {  	vm1 =	vlt.u32 v3, $0x10810;
	v3 =	vnsel vm0, $0x0, v3  }
0x227: {  	v4 =	vld [tilespmem:s12+$0x12900];
	v3 =	vmin.u32 v3, $0x1080F  }
.Ltmp20:
0x228: {  	(pc) =	sbr.rel @p0 .LBB2_42-.Ltmp20, $2  }
0x229: {  	_ =	sdelay $0x2  }
0x22a: {  	s12 =	sshra.s32 s13, $0x2;
	s13 =	sadd.s32 $0x40, s13;
	[tilespmem:v3+s2+$0x0] =	vst.idx.add.f32.msk vm1, v4  }
0x22b: {  	v3 =	vld [tilespmem:s12+$0x10880];
	_ =	sdelay $0x4  }
0x22c: {  	v3 =	vsub.s32 v3, v0  }
0x22d: {  	vm0 =	vgt.s32 v3, $0x0  }
0x22e: {  	vm1 =	vlt.u32 v3, $0x10810;
	v3 =	vnsel vm0, $0x0, v3  }
0x22f: {  	v4 =	vld [tilespmem:s12+$0x12900];
	v3 =	vmin.u32 v3, $0x1080F;
	_ =	sdelay $0x2  }
0x230: {  	s13 =	sld [smem:$0x7DB];
	_ =	sdelay $0x1  }
0x231: {  	s12 =	simm.s32 $0x0;
	[tilespmem:v3+s2+$0x0] =	vst.idx.add.f32.msk vm1, v4  }
0x232: {  	[tilespmem:s9], [sflag:$0x1] =	stream.linear.gather [hbm4b:s13+s12], $0x2080, $0x38;
	[tilespmem:$0x14980] =	vst v63  }
0x233: {  	_ =	swait.ge [sflag:s8], $0x2080  }
0x234: {  	s13 =	sld [smem:$0x7DC]  }
0x235: {  	[sflag:s8] =	ssyncset.done $0x0  }
0x236: {  	[sflag:s8] =	ssyncadd.s32 $0xFFFFDF80  }
0x237: {  	[tilespmem:s10], [sflag:$0x1] =	stream.linear.gather [hbm4b:s13+s12], $0x2080, $0x38;
	[tilespmem:$0x14980] =	vst v63  }
0x238: {  	_ =	swait.ge [sflag:s8], $0x2080  }
0x239: {  	[sflag:s8] =	ssyncset.done $0x0  }
0x23a: {  	s12 =	simm.s32 $0x0;
	s13 =	simm.s32 $0x40;
	[sflag:s8] =	ssyncadd.s32 $0xFFFFDF80  }
.LBB2_44:
0x23b: {  	p0 =	sne.s32 s13, $0x81C0;
	v3 =	vld [tilespmem:s12+$0x10880];
	_ =	sdelay $0x4  }
0x23c: {  	v3 =	vsub.s32 v3, v0  }
0x23d: {  	vm0 =	vgt.s32 v3, $0x0  }
0x23e: {  	vm1 =	vlt.u32 v3, $0x10810;
	v3 =	vnsel vm0, $0x0, v3  }
0x23f: {  	v4 =	vld [tilespmem:s12+$0x12900];
	v3 =	vmin.u32 v3, $0x1080F  }
.Ltmp21:
0x240: {  	(pc) =	sbr.rel @p0 .LBB2_44-.Ltmp21, $2  }
0x241: {  	_ =	sdelay $0x2  }
0x242: {  	s12 =	sshra.s32 s13, $0x2;
	s13 =	sadd.s32 $0x40, s13;
	[tilespmem:v3+s2+$0x0] =	vst.idx.add.f32.msk vm1, v4  }
0x243: {  	v3 =	vld [tilespmem:s12+$0x10880];
	_ =	sdelay $0x4  }
0x244: {  	v3 =	vsub.s32 v3, v0  }
0x245: {  	vm0 =	vgt.s32 v3, $0x0  }
0x246: {  	vm1 =	vlt.u32 v3, $0x10810;
	v3 =	vnsel vm0, $0x0, v3  }
0x247: {  	v4 =	vld [tilespmem:s12+$0x12900];
	v3 =	vmin.u32 v3, $0x1080F;
	_ =	sdelay $0x2  }
0x248: {  	s13 =	sld [smem:$0x7DD];
	_ =	sdelay $0x1  }
0x249: {  	s12 =	simm.s32 $0x0;
	[tilespmem:v3+s2+$0x0] =	vst.idx.add.f32.msk vm1, v4  }
0x24a: {  	[tilespmem:s9], [sflag:$0x1] =	stream.linear.gather [hbm4b:s13+s12], $0x2080, $0x38;
	[tilespmem:$0x14980] =	vst v63  }
0x24b: {  	_ =	swait.ge [sflag:s8], $0x2080  }
0x24c: {  	s13 =	sld [smem:$0x7DE]  }
0x24d: {  	[sflag:s8] =	ssyncset.done $0x0  }
0x24e: {  	[sflag:s8] =	ssyncadd.s32 $0xFFFFDF80  }
0x24f: {  	[tilespmem:s10], [sflag:$0x1] =	stream.linear.gather [hbm4b:s13+s12], $0x2080, $0x38;
	[tilespmem:$0x14980] =	vst v63  }
0x250: {  	_ =	swait.ge [sflag:s8], $0x2080  }
0x251: {  	[sflag:s8] =	ssyncset.done $0x0  }
0x252: {  	s12 =	simm.s32 $0x0;
	s13 =	simm.s32 $0x40;
	[sflag:s8] =	ssyncadd.s32 $0xFFFFDF80  }
.LBB2_46:
0x253: {  	p0 =	sne.s32 s13, $0x81C0;
	v3 =	vld [tilespmem:s12+$0x10880];
	_ =	sdelay $0x4  }
0x254: {  	v3 =	vsub.s32 v3, v0  }
0x255: {  	vm0 =	vgt.s32 v3, $0x0  }
0x256: {  	vm1 =	vlt.u32 v3, $0x10810;
	v3 =	vnsel vm0, $0x0, v3  }
0x257: {  	v4 =	vld [tilespmem:s12+$0x12900];
	v3 =	vmin.u32 v3, $0x1080F  }
.Ltmp22:
0x258: {  	(pc) =	sbr.rel @p0 .LBB2_46-.Ltmp22, $2  }
0x259: {  	_ =	sdelay $0x2  }
0x25a: {  	s12 =	sshra.s32 s13, $0x2;
	s13 =	sadd.s32 $0x40, s13;
	[tilespmem:v3+s2+$0x0] =	vst.idx.add.f32.msk vm1, v4  }
0x25b: {  	v3 =	vld [tilespmem:s12+$0x10880];
	_ =	sdelay $0x4  }
0x25c: {  	v3 =	vsub.s32 v3, v0  }
0x25d: {  	vm0 =	vgt.s32 v3, $0x0  }
0x25e: {  	vm1 =	vlt.u32 v3, $0x10810;
	v3 =	vnsel vm0, $0x0, v3  }
0x25f: {  	v4 =	vld [tilespmem:s12+$0x12900];
	v3 =	vmin.u32 v3, $0x1080F;
	_ =	sdelay $0x2  }
0x260: {  	s13 =	sld [smem:$0x7DF];
	_ =	sdelay $0x1  }
0x261: {  	s12 =	simm.s32 $0x0;
	[tilespmem:v3+s2+$0x0] =	vst.idx.add.f32.msk vm1, v4  }
0x262: {  	[tilespmem:s9], [sflag:$0x1] =	stream.linear.gather [hbm4b:s13+s12], $0x2080, $0x38;
	[tilespmem:$0x14980] =	vst v63  }
0x263: {  	_ =	swait.ge [sflag:s8], $0x2080  }
0x264: {  	s13 =	sld [smem:$0x7E0]  }
0x265: {  	[sflag:s8] =	ssyncset.done $0x0  }
0x266: {  	[sflag:s8] =	ssyncadd.s32 $0xFFFFDF80  }
0x267: {  	[tilespmem:s10], [sflag:$0x1] =	stream.linear.gather [hbm4b:s13+s12], $0x2080, $0x38;
	[tilespmem:$0x14980] =	vst v63  }
0x268: {  	_ =	swait.ge [sflag:s8], $0x2080  }
0x269: {  	[sflag:s8] =	ssyncset.done $0x0  }
0x26a: {  	s12 =	simm.s32 $0x0;
	s13 =	simm.s32 $0x40;
	[sflag:s8] =	ssyncadd.s32 $0xFFFFDF80  }
.LBB2_48:
0x26b: {  	p0 =	sne.s32 s13, $0x81C0;
	v3 =	vld [tilespmem:s12+$0x10880];
	_ =	sdelay $0x4  }
0x26c: {  	v3 =	vsub.s32 v3, v0  }
0x26d: {  	vm0 =	vgt.s32 v3, $0x0  }
0x26e: {  	vm1 =	vlt.u32 v3, $0x10810;
	v3 =	vnsel vm0, $0x0, v3  }
0x26f: {  	v4 =	vld [tilespmem:s12+$0x12900];
	v3 =	vmin.u32 v3, $0x1080F  }
.Ltmp23:
0x270: {  	(pc) =	sbr.rel @p0 .LBB2_48-.Ltmp23, $2  }
0x271: {  	_ =	sdelay $0x2  }
0x272: {  	s12 =	sshra.s32 s13, $0x2;
	s13 =	sadd.s32 $0x40, s13;
	[tilespmem:v3+s2+$0x0] =	vst.idx.add.f32.msk vm1, v4  }
0x273: {  	v3 =	vld [tilespmem:s12+$0x10880];
	_ =	sdelay $0x4  }
0x274: {  	v3 =	vsub.s32 v3, v0  }
0x275: {  	vm0 =	vgt.s32 v3, $0x0  }
0x276: {  	vm1 =	vlt.u32 v3, $0x10810;
	v3 =	vnsel vm0, $0x0, v3  }
0x277: {  	v4 =	vld [tilespmem:s12+$0x12900];
	v3 =	vmin.u32 v3, $0x1080F;
	_ =	sdelay $0x2  }
0x278: {  	s13 =	sld [smem:$0x7E1];
	_ =	sdelay $0x1  }
0x279: {  	s12 =	simm.s32 $0x0;
	[tilespmem:v3+s2+$0x0] =	vst.idx.add.f32.msk vm1, v4  }
0x27a: {  	[tilespmem:s9], [sflag:$0x1] =	stream.linear.gather [hbm4b:s13+s12], $0x2080, $0x38;
	[tilespmem:$0x14980] =	vst v63  }
0x27b: {  	_ =	swait.ge [sflag:s8], $0x2080  }
0x27c: {  	s13 =	sld [smem:$0x7E2]  }
0x27d: {  	[sflag:s8] =	ssyncset.done $0x0  }
0x27e: {  	[sflag:s8] =	ssyncadd.s32 $0xFFFFDF80  }
0x27f: {  	[tilespmem:s10], [sflag:$0x1] =	stream.linear.gather [hbm4b:s13+s12], $0x2080, $0x38;
	[tilespmem:$0x14980] =	vst v63  }
0x280: {  	_ =	swait.ge [sflag:s8], $0x2080  }
0x281: {  	[sflag:s8] =	ssyncset.done $0x0  }
0x282: {  	s12 =	simm.s32 $0x0;
	s13 =	simm.s32 $0x40;
	[sflag:s8] =	ssyncadd.s32 $0xFFFFDF80  }
.LBB2_50:
0x283: {  	p0 =	sne.s32 s13, $0x81C0;
	v3 =	vld [tilespmem:s12+$0x10880];
	_ =	sdelay $0x4  }
0x284: {  	v3 =	vsub.s32 v3, v0  }
0x285: {  	vm0 =	vgt.s32 v3, $0x0  }
0x286: {  	vm1 =	vlt.u32 v3, $0x10810;
	v3 =	vnsel vm0, $0x0, v3  }
0x287: {  	v4 =	vld [tilespmem:s12+$0x12900];
	v3 =	vmin.u32 v3, $0x1080F  }
.Ltmp24:
0x288: {  	(pc) =	sbr.rel @p0 .LBB2_50-.Ltmp24, $2  }
0x289: {  	_ =	sdelay $0x2  }
0x28a: {  	s12 =	sshra.s32 s13, $0x2;
	s13 =	sadd.s32 $0x40, s13;
	[tilespmem:v3+s2+$0x0] =	vst.idx.add.f32.msk vm1, v4  }
0x28b: {  	v3 =	vld [tilespmem:s12+$0x10880];
	_ =	sdelay $0x4  }
0x28c: {  	v3 =	vsub.s32 v3, v0  }
0x28d: {  	vm0 =	vgt.s32 v3, $0x0  }
0x28e: {  	vm1 =	vlt.u32 v3, $0x10810;
	v3 =	vnsel vm0, $0x0, v3  }
0x28f: {  	v4 =	vld [tilespmem:s12+$0x12900];
	v3 =	vmin.u32 v3, $0x1080F;
	_ =	sdelay $0x4  }
0x290: {  	s13 =	simm.s32 $0x0;
	[tilespmem:v3+s2+$0x0] =	vst.idx.add.f32.msk vm1, v4  }
0x291: {  	[hbm4b:s5+s13] =	stream.linear.scatter [tilespmem:s13], [sflag:$0x1], $0x10810, $0x38;
	[tilespmem:$0x14980] =	vst v63  }
0x292: {  	_ =	swait.ge [sflag:s8], $0x10810  }
0x293: {  	[sflag:s8] =	ssyncset.done $0x0  }
0x294: {  	s12 =	simm.s32 $0x40;
	s13 =	simm.s32 $0x0;
	[sflag:s8] =	ssyncadd.s32 $0xFFFEF7F0  }
.LBB2_52:
0x295: {  	p0 =	sne.s32 s12, $0x42000;
	[tilespmem:s13+$0x0] =	vst v2;
	s13 =	smov.u32 s12;
	s12 =	sadd.s32 $0x40, s12  }
.Ltmp25:
0x296: {  	(pc) =	sbr.rel @p0 .LBB2_52-.Ltmp25, $2  }
0x297: {  	_ =	sdelay $0x2  }
0x298: {  	s13 =	sshra.s32 s13, $0x2  }
0x299: {  	[tilespmem:s13+$0x0] =	vst v2;
	s12 =	simm.s32 $0x0  }
0x29a: {  	[tilespmem:s9], [sflag:$0x1] =	stream.linear.gather [hbm4b:s0+s12], $0x2080, $0x38;
	[tilespmem:$0x14980] =	vst v63  }
0x29b: {  	_ =	swait.ge [sflag:s8], $0x2080  }
0x29c: {  	[sflag:s8] =	ssyncset.done $0x0  }
0x29d: {  	[sflag:s8] =	ssyncadd.s32 $0xFFFFDF80  }
0x29e: {  	[tilespmem:s10], [sflag:$0x1] =	stream.linear.gather [hbm4b:s1+s12], $0x2080, $0x38;
	[tilespmem:$0x14980] =	vst v63  }
0x29f: {  	_ =	swait.ge [sflag:s8], $0x2080  }
0x2a0: {  	[sflag:s8] =	ssyncset.done $0x0  }
0x2a1: {  	s13 =	simm.s32 $0x40;
	s12 =	simm.s32 $0x0;
	[sflag:s8] =	ssyncadd.s32 $0xFFFFDF80  }
.LBB2_54:
0x2a2: {  	p0 =	sne.s32 s13, $0x81C0;
	v3 =	vld [tilespmem:s12+$0x10880];
	_ =	sdelay $0x4  }
0x2a3: {  	v3 =	vsub.s32 v3, v1  }
0x2a4: {  	vm0 =	vgt.s32 v3, $0x0  }
0x2a5: {  	vm1 =	vlt.u32 v3, $0x10810;
	v3 =	vnsel vm0, $0x0, v3  }
0x2a6: {  	v4 =	vld [tilespmem:s12+$0x12900];
	v3 =	vmin.u32 v3, $0x1080F  }
.Ltmp26:
0x2a7: {  	(pc) =	sbr.rel @p0 .LBB2_54-.Ltmp26, $2  }
0x2a8: {  	_ =	sdelay $0x2  }
0x2a9: {  	s12 =	sshra.s32 s13, $0x2;
	s13 =	sadd.s32 $0x40, s13;
	[tilespmem:v3+s2+$0x0] =	vst.idx.add.f32.msk vm1, v4  }
0x2aa: {  	v3 =	vld [tilespmem:s12+$0x10880];
	_ =	sdelay $0x4  }
0x2ab: {  	v3 =	vsub.s32 v3, v1  }
0x2ac: {  	vm0 =	vgt.s32 v3, $0x0  }
0x2ad: {  	vm1 =	vlt.u32 v3, $0x10810;
	v3 =	vnsel vm0, $0x0, v3  }
0x2ae: {  	v4 =	vld [tilespmem:s12+$0x12900];
	v3 =	vmin.u32 v3, $0x1080F;
	_ =	sdelay $0x2  }
0x2af: {  	s13 =	sld [smem:$0x7E3];
	_ =	sdelay $0x1  }
0x2b0: {  	s12 =	simm.s32 $0x0;
	[tilespmem:v3+s2+$0x0] =	vst.idx.add.f32.msk vm1, v4  }
0x2b1: {  	[tilespmem:s9], [sflag:$0x1] =	stream.linear.gather [hbm4b:s13+s12], $0x2080, $0x38;
	[tilespmem:$0x14980] =	vst v63  }
0x2b2: {  	_ =	swait.ge [sflag:s8], $0x2080  }
0x2b3: {  	s13 =	sld [smem:$0x7E4]  }
0x2b4: {  	[sflag:s8] =	ssyncset.done $0x0  }
0x2b5: {  	[sflag:s8] =	ssyncadd.s32 $0xFFFFDF80  }
0x2b6: {  	[tilespmem:s10], [sflag:$0x1] =	stream.linear.gather [hbm4b:s13+s12], $0x2080, $0x38;
	[tilespmem:$0x14980] =	vst v63  }
0x2b7: {  	_ =	swait.ge [sflag:s8], $0x2080  }
0x2b8: {  	[sflag:s8] =	ssyncset.done $0x0  }
0x2b9: {  	s12 =	simm.s32 $0x0;
	s13 =	simm.s32 $0x40;
	[sflag:s8] =	ssyncadd.s32 $0xFFFFDF80  }
.LBB2_56:
0x2ba: {  	p0 =	sne.s32 s13, $0x81C0;
	v3 =	vld [tilespmem:s12+$0x10880];
	_ =	sdelay $0x4  }
0x2bb: {  	v3 =	vsub.s32 v3, v1  }
0x2bc: {  	vm0 =	vgt.s32 v3, $0x0  }
0x2bd: {  	vm1 =	vlt.u32 v3, $0x10810;
	v3 =	vnsel vm0, $0x0, v3  }
0x2be: {  	v4 =	vld [tilespmem:s12+$0x12900];
	v3 =	vmin.u32 v3, $0x1080F  }
.Ltmp27:
0x2bf: {  	(pc) =	sbr.rel @p0 .LBB2_56-.Ltmp27, $2  }
0x2c0: {  	_ =	sdelay $0x2  }
0x2c1: {  	s12 =	sshra.s32 s13, $0x2;
	s13 =	sadd.s32 $0x40, s13;
	[tilespmem:v3+s2+$0x0] =	vst.idx.add.f32.msk vm1, v4  }
0x2c2: {  	v3 =	vld [tilespmem:s12+$0x10880];
	_ =	sdelay $0x4  }
0x2c3: {  	v3 =	vsub.s32 v3, v1  }
0x2c4: {  	vm0 =	vgt.s32 v3, $0x0  }
0x2c5: {  	vm1 =	vlt.u32 v3, $0x10810;
	v3 =	vnsel vm0, $0x0, v3  }
0x2c6: {  	v4 =	vld [tilespmem:s12+$0x12900];
	v3 =	vmin.u32 v3, $0x1080F;
	_ =	sdelay $0x2  }
0x2c7: {  	s13 =	sld [smem:$0x7E5];
	_ =	sdelay $0x1  }
0x2c8: {  	s12 =	simm.s32 $0x0;
	[tilespmem:v3+s2+$0x0] =	vst.idx.add.f32.msk vm1, v4  }
0x2c9: {  	[tilespmem:s9], [sflag:$0x1] =	stream.linear.gather [hbm4b:s13+s12], $0x2080, $0x38;
	[tilespmem:$0x14980] =	vst v63  }
0x2ca: {  	_ =	swait.ge [sflag:s8], $0x2080  }
0x2cb: {  	s13 =	sld [smem:$0x7E6]  }
0x2cc: {  	[sflag:s8] =	ssyncset.done $0x0  }
0x2cd: {  	[sflag:s8] =	ssyncadd.s32 $0xFFFFDF80  }
0x2ce: {  	[tilespmem:s10], [sflag:$0x1] =	stream.linear.gather [hbm4b:s13+s12], $0x2080, $0x38;
	[tilespmem:$0x14980] =	vst v63  }
0x2cf: {  	_ =	swait.ge [sflag:s8], $0x2080  }
0x2d0: {  	[sflag:s8] =	ssyncset.done $0x0  }
0x2d1: {  	s12 =	simm.s32 $0x0;
	s13 =	simm.s32 $0x40;
	[sflag:s8] =	ssyncadd.s32 $0xFFFFDF80  }
.LBB2_58:
0x2d2: {  	p0 =	sne.s32 s13, $0x81C0;
	v3 =	vld [tilespmem:s12+$0x10880];
	_ =	sdelay $0x4  }
0x2d3: {  	v3 =	vsub.s32 v3, v1  }
0x2d4: {  	vm0 =	vgt.s32 v3, $0x0  }
0x2d5: {  	vm1 =	vlt.u32 v3, $0x10810;
	v3 =	vnsel vm0, $0x0, v3  }
0x2d6: {  	v4 =	vld [tilespmem:s12+$0x12900];
	v3 =	vmin.u32 v3, $0x1080F  }
.Ltmp28:
0x2d7: {  	(pc) =	sbr.rel @p0 .LBB2_58-.Ltmp28, $2  }
0x2d8: {  	_ =	sdelay $0x2  }
0x2d9: {  	s12 =	sshra.s32 s13, $0x2;
	s13 =	sadd.s32 $0x40, s13;
	[tilespmem:v3+s2+$0x0] =	vst.idx.add.f32.msk vm1, v4  }
0x2da: {  	v3 =	vld [tilespmem:s12+$0x10880];
	_ =	sdelay $0x4  }
0x2db: {  	v3 =	vsub.s32 v3, v1  }
0x2dc: {  	vm0 =	vgt.s32 v3, $0x0  }
0x2dd: {  	vm1 =	vlt.u32 v3, $0x10810;
	v3 =	vnsel vm0, $0x0, v3  }
0x2de: {  	v4 =	vld [tilespmem:s12+$0x12900];
	v3 =	vmin.u32 v3, $0x1080F;
	_ =	sdelay $0x2  }
0x2df: {  	s13 =	sld [smem:$0x7E7];
	_ =	sdelay $0x1  }
0x2e0: {  	s12 =	simm.s32 $0x0;
	[tilespmem:v3+s2+$0x0] =	vst.idx.add.f32.msk vm1, v4  }
0x2e1: {  	[tilespmem:s9], [sflag:$0x1] =	stream.linear.gather [hbm4b:s13+s12], $0x2080, $0x38;
	[tilespmem:$0x14980] =	vst v63  }
0x2e2: {  	_ =	swait.ge [sflag:s8], $0x2080  }
0x2e3: {  	s13 =	sld [smem:$0x7E8]  }
0x2e4: {  	[sflag:s8] =	ssyncset.done $0x0  }
0x2e5: {  	[sflag:s8] =	ssyncadd.s32 $0xFFFFDF80  }
0x2e6: {  	[tilespmem:s10], [sflag:$0x1] =	stream.linear.gather [hbm4b:s13+s12], $0x2080, $0x38;
	[tilespmem:$0x14980] =	vst v63  }
0x2e7: {  	_ =	swait.ge [sflag:s8], $0x2080  }
0x2e8: {  	[sflag:s8] =	ssyncset.done $0x0  }
0x2e9: {  	s12 =	simm.s32 $0x0;
	s13 =	simm.s32 $0x40;
	[sflag:s8] =	ssyncadd.s32 $0xFFFFDF80  }
.LBB2_60:
0x2ea: {  	p0 =	sne.s32 s13, $0x81C0;
	v3 =	vld [tilespmem:s12+$0x10880];
	_ =	sdelay $0x4  }
0x2eb: {  	v3 =	vsub.s32 v3, v1  }
0x2ec: {  	vm0 =	vgt.s32 v3, $0x0  }
0x2ed: {  	vm1 =	vlt.u32 v3, $0x10810;
	v3 =	vnsel vm0, $0x0, v3  }
0x2ee: {  	v4 =	vld [tilespmem:s12+$0x12900];
	v3 =	vmin.u32 v3, $0x1080F  }
.Ltmp29:
0x2ef: {  	(pc) =	sbr.rel @p0 .LBB2_60-.Ltmp29, $2  }
0x2f0: {  	_ =	sdelay $0x2  }
0x2f1: {  	s12 =	sshra.s32 s13, $0x2;
	s13 =	sadd.s32 $0x40, s13;
	[tilespmem:v3+s2+$0x0] =	vst.idx.add.f32.msk vm1, v4  }
0x2f2: {  	v3 =	vld [tilespmem:s12+$0x10880];
	_ =	sdelay $0x4  }
0x2f3: {  	v3 =	vsub.s32 v3, v1  }
0x2f4: {  	vm0 =	vgt.s32 v3, $0x0  }
0x2f5: {  	vm1 =	vlt.u32 v3, $0x10810;
	v3 =	vnsel vm0, $0x0, v3  }
0x2f6: {  	v4 =	vld [tilespmem:s12+$0x12900];
	v3 =	vmin.u32 v3, $0x1080F;
	_ =	sdelay $0x2  }
0x2f7: {  	s13 =	sld [smem:$0x7E9];
	_ =	sdelay $0x1  }
0x2f8: {  	s12 =	simm.s32 $0x0;
	[tilespmem:v3+s2+$0x0] =	vst.idx.add.f32.msk vm1, v4  }
0x2f9: {  	[tilespmem:s9], [sflag:$0x1] =	stream.linear.gather [hbm4b:s13+s12], $0x2080, $0x38;
	[tilespmem:$0x14980] =	vst v63  }
0x2fa: {  	_ =	swait.ge [sflag:s8], $0x2080  }
0x2fb: {  	s13 =	sld [smem:$0x7EA]  }
0x2fc: {  	[sflag:s8] =	ssyncset.done $0x0  }
0x2fd: {  	[sflag:s8] =	ssyncadd.s32 $0xFFFFDF80  }
0x2fe: {  	[tilespmem:s10], [sflag:$0x1] =	stream.linear.gather [hbm4b:s13+s12], $0x2080, $0x38;
	[tilespmem:$0x14980] =	vst v63  }
0x2ff: {  	_ =	swait.ge [sflag:s8], $0x2080  }
0x300: {  	[sflag:s8] =	ssyncset.done $0x0  }
0x301: {  	s12 =	simm.s32 $0x0;
	s13 =	simm.s32 $0x40;
	[sflag:s8] =	ssyncadd.s32 $0xFFFFDF80  }
.LBB2_62:
0x302: {  	p0 =	sne.s32 s13, $0x81C0;
	v3 =	vld [tilespmem:s12+$0x10880];
	_ =	sdelay $0x4  }
0x303: {  	v3 =	vsub.s32 v3, v1  }
0x304: {  	vm0 =	vgt.s32 v3, $0x0  }
0x305: {  	vm1 =	vlt.u32 v3, $0x10810;
	v3 =	vnsel vm0, $0x0, v3  }
0x306: {  	v4 =	vld [tilespmem:s12+$0x12900];
	v3 =	vmin.u32 v3, $0x1080F  }
.Ltmp30:
0x307: {  	(pc) =	sbr.rel @p0 .LBB2_62-.Ltmp30, $2  }
0x308: {  	_ =	sdelay $0x2  }
0x309: {  	s12 =	sshra.s32 s13, $0x2;
	s13 =	sadd.s32 $0x40, s13;
	[tilespmem:v3+s2+$0x0] =	vst.idx.add.f32.msk vm1, v4  }
0x30a: {  	v3 =	vld [tilespmem:s12+$0x10880];
	_ =	sdelay $0x4  }
0x30b: {  	v3 =	vsub.s32 v3, v1  }
0x30c: {  	vm0 =	vgt.s32 v3, $0x0  }
0x30d: {  	vm1 =	vlt.u32 v3, $0x10810;
	v3 =	vnsel vm0, $0x0, v3  }
0x30e: {  	v4 =	vld [tilespmem:s12+$0x12900];
	v3 =	vmin.u32 v3, $0x1080F;
	_ =	sdelay $0x2  }
0x30f: {  	s13 =	sld [smem:$0x7EB];
	_ =	sdelay $0x1  }
0x310: {  	s12 =	simm.s32 $0x0;
	[tilespmem:v3+s2+$0x0] =	vst.idx.add.f32.msk vm1, v4  }
0x311: {  	[tilespmem:s9], [sflag:$0x1] =	stream.linear.gather [hbm4b:s13+s12], $0x2080, $0x38;
	[tilespmem:$0x14980] =	vst v63  }
0x312: {  	_ =	swait.ge [sflag:s8], $0x2080  }
0x313: {  	s13 =	sld [smem:$0x7EC]  }
0x314: {  	[sflag:s8] =	ssyncset.done $0x0  }
0x315: {  	[sflag:s8] =	ssyncadd.s32 $0xFFFFDF80  }
0x316: {  	[tilespmem:s10], [sflag:$0x1] =	stream.linear.gather [hbm4b:s13+s12], $0x2080, $0x38;
	[tilespmem:$0x14980] =	vst v63  }
0x317: {  	_ =	swait.ge [sflag:s8], $0x2080  }
0x318: {  	[sflag:s8] =	ssyncset.done $0x0  }
0x319: {  	s12 =	simm.s32 $0x0;
	s13 =	simm.s32 $0x40;
	[sflag:s8] =	ssyncadd.s32 $0xFFFFDF80  }
.LBB2_64:
0x31a: {  	p0 =	sne.s32 s13, $0x81C0;
	v3 =	vld [tilespmem:s12+$0x10880];
	_ =	sdelay $0x4  }
0x31b: {  	v3 =	vsub.s32 v3, v1  }
0x31c: {  	vm0 =	vgt.s32 v3, $0x0  }
0x31d: {  	vm1 =	vlt.u32 v3, $0x10810;
	v3 =	vnsel vm0, $0x0, v3  }
0x31e: {  	v4 =	vld [tilespmem:s12+$0x12900];
	v3 =	vmin.u32 v3, $0x1080F  }
.Ltmp31:
0x31f: {  	(pc) =	sbr.rel @p0 .LBB2_64-.Ltmp31, $2  }
0x320: {  	_ =	sdelay $0x2  }
0x321: {  	s12 =	sshra.s32 s13, $0x2;
	s13 =	sadd.s32 $0x40, s13;
	[tilespmem:v3+s2+$0x0] =	vst.idx.add.f32.msk vm1, v4  }
0x322: {  	v3 =	vld [tilespmem:s12+$0x10880];
	_ =	sdelay $0x4  }
0x323: {  	v3 =	vsub.s32 v3, v1  }
0x324: {  	vm0 =	vgt.s32 v3, $0x0  }
0x325: {  	vm1 =	vlt.u32 v3, $0x10810;
	v3 =	vnsel vm0, $0x0, v3  }
0x326: {  	v4 =	vld [tilespmem:s12+$0x12900];
	v3 =	vmin.u32 v3, $0x1080F;
	_ =	sdelay $0x2  }
0x327: {  	s13 =	sld [smem:$0x7ED];
	_ =	sdelay $0x1  }
0x328: {  	s12 =	simm.s32 $0x0;
	[tilespmem:v3+s2+$0x0] =	vst.idx.add.f32.msk vm1, v4  }
0x329: {  	[tilespmem:s9], [sflag:$0x1] =	stream.linear.gather [hbm4b:s13+s12], $0x2080, $0x38;
	[tilespmem:$0x14980] =	vst v63  }
0x32a: {  	_ =	swait.ge [sflag:s8], $0x2080  }
0x32b: {  	s13 =	sld [smem:$0x7EE]  }
0x32c: {  	[sflag:s8] =	ssyncset.done $0x0  }
0x32d: {  	[sflag:s8] =	ssyncadd.s32 $0xFFFFDF80  }
0x32e: {  	[tilespmem:s10], [sflag:$0x1] =	stream.linear.gather [hbm4b:s13+s12], $0x2080, $0x38;
	[tilespmem:$0x14980] =	vst v63  }
0x32f: {  	_ =	swait.ge [sflag:s8], $0x2080  }
0x330: {  	[sflag:s8] =	ssyncset.done $0x0  }
0x331: {  	s12 =	simm.s32 $0x0;
	s13 =	simm.s32 $0x40;
	[sflag:s8] =	ssyncadd.s32 $0xFFFFDF80  }
.LBB2_66:
0x332: {  	p0 =	sne.s32 s13, $0x81C0;
	v3 =	vld [tilespmem:s12+$0x10880];
	_ =	sdelay $0x4  }
0x333: {  	v3 =	vsub.s32 v3, v1  }
0x334: {  	vm0 =	vgt.s32 v3, $0x0  }
0x335: {  	vm1 =	vlt.u32 v3, $0x10810;
	v3 =	vnsel vm0, $0x0, v3  }
0x336: {  	v4 =	vld [tilespmem:s12+$0x12900];
	v3 =	vmin.u32 v3, $0x1080F  }
.Ltmp32:
0x337: {  	(pc) =	sbr.rel @p0 .LBB2_66-.Ltmp32, $2  }
0x338: {  	_ =	sdelay $0x2  }
0x339: {  	s12 =	sshra.s32 s13, $0x2;
	s13 =	sadd.s32 $0x40, s13;
	[tilespmem:v3+s2+$0x0] =	vst.idx.add.f32.msk vm1, v4  }
0x33a: {  	v3 =	vld [tilespmem:s12+$0x10880];
	_ =	sdelay $0x4  }
0x33b: {  	v3 =	vsub.s32 v3, v1  }
0x33c: {  	vm0 =	vgt.s32 v3, $0x0  }
0x33d: {  	vm1 =	vlt.u32 v3, $0x10810;
	v3 =	vnsel vm0, $0x0, v3  }
0x33e: {  	v4 =	vld [tilespmem:s12+$0x12900];
	v3 =	vmin.u32 v3, $0x1080F;
	_ =	sdelay $0x2  }
0x33f: {  	s13 =	sld [smem:$0x7EF];
	_ =	sdelay $0x1  }
0x340: {  	s12 =	simm.s32 $0x0;
	[tilespmem:v3+s2+$0x0] =	vst.idx.add.f32.msk vm1, v4  }
0x341: {  	[tilespmem:s9], [sflag:$0x1] =	stream.linear.gather [hbm4b:s13+s12], $0x2080, $0x38;
	[tilespmem:$0x14980] =	vst v63  }
0x342: {  	_ =	swait.ge [sflag:s8], $0x2080  }
0x343: {  	s13 =	sld [smem:$0x7F0]  }
0x344: {  	[sflag:s8] =	ssyncset.done $0x0  }
0x345: {  	[sflag:s8] =	ssyncadd.s32 $0xFFFFDF80  }
0x346: {  	[tilespmem:s10], [sflag:$0x1] =	stream.linear.gather [hbm4b:s13+s12], $0x2080, $0x38;
	[tilespmem:$0x14980] =	vst v63  }
0x347: {  	_ =	swait.ge [sflag:s8], $0x2080  }
0x348: {  	[sflag:s8] =	ssyncset.done $0x0  }
0x349: {  	s12 =	simm.s32 $0x0;
	s13 =	simm.s32 $0x40;
	[sflag:s8] =	ssyncadd.s32 $0xFFFFDF80  }
.LBB2_68:
0x34a: {  	p0 =	sne.s32 s13, $0x81C0;
	v3 =	vld [tilespmem:s12+$0x10880];
	_ =	sdelay $0x4  }
0x34b: {  	v3 =	vsub.s32 v3, v1  }
0x34c: {  	vm0 =	vgt.s32 v3, $0x0  }
0x34d: {  	vm1 =	vlt.u32 v3, $0x10810;
	v3 =	vnsel vm0, $0x0, v3  }
0x34e: {  	v4 =	vld [tilespmem:s12+$0x12900];
	v3 =	vmin.u32 v3, $0x1080F  }
.Ltmp33:
0x34f: {  	(pc) =	sbr.rel @p0 .LBB2_68-.Ltmp33, $2  }
0x350: {  	_ =	sdelay $0x2  }
0x351: {  	s12 =	sshra.s32 s13, $0x2;
	s13 =	sadd.s32 $0x40, s13;
	[tilespmem:v3+s2+$0x0] =	vst.idx.add.f32.msk vm1, v4  }
0x352: {  	v3 =	vld [tilespmem:s12+$0x10880];
	_ =	sdelay $0x4  }
0x353: {  	v3 =	vsub.s32 v3, v1  }
0x354: {  	vm0 =	vgt.s32 v3, $0x0  }
0x355: {  	vm1 =	vlt.u32 v3, $0x10810;
	v3 =	vnsel vm0, $0x0, v3  }
0x356: {  	v4 =	vld [tilespmem:s12+$0x12900];
	v3 =	vmin.u32 v3, $0x1080F;
	_ =	sdelay $0x2  }
0x357: {  	s13 =	sld [smem:$0x7F1];
	_ =	sdelay $0x1  }
0x358: {  	s12 =	simm.s32 $0x0;
	[tilespmem:v3+s2+$0x0] =	vst.idx.add.f32.msk vm1, v4  }
0x359: {  	[tilespmem:s9], [sflag:$0x1] =	stream.linear.gather [hbm4b:s13+s12], $0x2080, $0x38;
	[tilespmem:$0x14980] =	vst v63  }
0x35a: {  	_ =	swait.ge [sflag:s8], $0x2080  }
0x35b: {  	s13 =	sld [smem:$0x7F2]  }
0x35c: {  	[sflag:s8] =	ssyncset.done $0x0  }
0x35d: {  	[sflag:s8] =	ssyncadd.s32 $0xFFFFDF80  }
0x35e: {  	[tilespmem:s10], [sflag:$0x1] =	stream.linear.gather [hbm4b:s13+s12], $0x2080, $0x38;
	[tilespmem:$0x14980] =	vst v63  }
0x35f: {  	_ =	swait.ge [sflag:s8], $0x2080  }
0x360: {  	[sflag:s8] =	ssyncset.done $0x0  }
0x361: {  	s12 =	simm.s32 $0x0;
	s13 =	simm.s32 $0x40;
	[sflag:s8] =	ssyncadd.s32 $0xFFFFDF80  }
.LBB2_70:
0x362: {  	p0 =	sne.s32 s13, $0x81C0;
	v3 =	vld [tilespmem:s12+$0x10880];
	_ =	sdelay $0x4  }
0x363: {  	v3 =	vsub.s32 v3, v1  }
0x364: {  	vm0 =	vgt.s32 v3, $0x0  }
0x365: {  	vm1 =	vlt.u32 v3, $0x10810;
	v3 =	vnsel vm0, $0x0, v3  }
0x366: {  	v4 =	vld [tilespmem:s12+$0x12900];
	v3 =	vmin.u32 v3, $0x1080F  }
.Ltmp34:
0x367: {  	(pc) =	sbr.rel @p0 .LBB2_70-.Ltmp34, $2  }
0x368: {  	_ =	sdelay $0x2  }
0x369: {  	s12 =	sshra.s32 s13, $0x2;
	s13 =	sadd.s32 $0x40, s13;
	[tilespmem:v3+s2+$0x0] =	vst.idx.add.f32.msk vm1, v4  }
0x36a: {  	v3 =	vld [tilespmem:s12+$0x10880];
	_ =	sdelay $0x4  }
0x36b: {  	v3 =	vsub.s32 v3, v1  }
0x36c: {  	vm0 =	vgt.s32 v3, $0x0  }
0x36d: {  	vm1 =	vlt.u32 v3, $0x10810;
	v3 =	vnsel vm0, $0x0, v3  }
0x36e: {  	v4 =	vld [tilespmem:s12+$0x12900];
	v3 =	vmin.u32 v3, $0x1080F;
	_ =	sdelay $0x2  }
0x36f: {  	s13 =	sld [smem:$0x7F3];
	_ =	sdelay $0x1  }
0x370: {  	s12 =	simm.s32 $0x0;
	[tilespmem:v3+s2+$0x0] =	vst.idx.add.f32.msk vm1, v4  }
0x371: {  	[tilespmem:s9], [sflag:$0x1] =	stream.linear.gather [hbm4b:s13+s12], $0x2080, $0x38;
	[tilespmem:$0x14980] =	vst v63  }
0x372: {  	_ =	swait.ge [sflag:s8], $0x2080  }
0x373: {  	s13 =	sld [smem:$0x7F4]  }
0x374: {  	[sflag:s8] =	ssyncset.done $0x0  }
0x375: {  	[sflag:s8] =	ssyncadd.s32 $0xFFFFDF80  }
0x376: {  	[tilespmem:s10], [sflag:$0x1] =	stream.linear.gather [hbm4b:s13+s12], $0x2080, $0x38;
	[tilespmem:$0x14980] =	vst v63  }
0x377: {  	_ =	swait.ge [sflag:s8], $0x2080  }
0x378: {  	[sflag:s8] =	ssyncset.done $0x0  }
0x379: {  	s12 =	simm.s32 $0x0;
	s13 =	simm.s32 $0x40;
	[sflag:s8] =	ssyncadd.s32 $0xFFFFDF80  }
.LBB2_72:
0x37a: {  	p0 =	sne.s32 s13, $0x81C0;
	v3 =	vld [tilespmem:s12+$0x10880];
	_ =	sdelay $0x4  }
0x37b: {  	v3 =	vsub.s32 v3, v1  }
0x37c: {  	vm0 =	vgt.s32 v3, $0x0  }
0x37d: {  	vm1 =	vlt.u32 v3, $0x10810;
	v3 =	vnsel vm0, $0x0, v3  }
0x37e: {  	v4 =	vld [tilespmem:s12+$0x12900];
	v3 =	vmin.u32 v3, $0x1080F  }
.Ltmp35:
0x37f: {  	(pc) =	sbr.rel @p0 .LBB2_72-.Ltmp35, $2  }
0x380: {  	_ =	sdelay $0x2  }
0x381: {  	s12 =	sshra.s32 s13, $0x2;
	s13 =	sadd.s32 $0x40, s13;
	[tilespmem:v3+s2+$0x0] =	vst.idx.add.f32.msk vm1, v4  }
0x382: {  	v3 =	vld [tilespmem:s12+$0x10880];
	_ =	sdelay $0x4  }
0x383: {  	v3 =	vsub.s32 v3, v1  }
0x384: {  	vm0 =	vgt.s32 v3, $0x0  }
0x385: {  	vm1 =	vlt.u32 v3, $0x10810;
	v3 =	vnsel vm0, $0x0, v3  }
0x386: {  	v4 =	vld [tilespmem:s12+$0x12900];
	v3 =	vmin.u32 v3, $0x1080F;
	_ =	sdelay $0x2  }
0x387: {  	s13 =	sld [smem:$0x7F5];
	_ =	sdelay $0x1  }
0x388: {  	s12 =	simm.s32 $0x0;
	[tilespmem:v3+s2+$0x0] =	vst.idx.add.f32.msk vm1, v4  }
0x389: {  	[tilespmem:s9], [sflag:$0x1] =	stream.linear.gather [hbm4b:s13+s12], $0x2080, $0x38;
	[tilespmem:$0x14980] =	vst v63  }
0x38a: {  	_ =	swait.ge [sflag:s8], $0x2080  }
0x38b: {  	s13 =	sld [smem:$0x7F6]  }
0x38c: {  	[sflag:s8] =	ssyncset.done $0x0  }
0x38d: {  	[sflag:s8] =	ssyncadd.s32 $0xFFFFDF80  }
0x38e: {  	[tilespmem:s10], [sflag:$0x1] =	stream.linear.gather [hbm4b:s13+s12], $0x2080, $0x38;
	[tilespmem:$0x14980] =	vst v63  }
0x38f: {  	_ =	swait.ge [sflag:s8], $0x2080  }
0x390: {  	[sflag:s8] =	ssyncset.done $0x0  }
0x391: {  	s12 =	simm.s32 $0x0;
	s13 =	simm.s32 $0x40;
	[sflag:s8] =	ssyncadd.s32 $0xFFFFDF80  }
.LBB2_74:
0x392: {  	p0 =	sne.s32 s13, $0x81C0;
	v3 =	vld [tilespmem:s12+$0x10880];
	_ =	sdelay $0x4  }
0x393: {  	v3 =	vsub.s32 v3, v1  }
0x394: {  	vm0 =	vgt.s32 v3, $0x0  }
0x395: {  	vm1 =	vlt.u32 v3, $0x10810;
	v3 =	vnsel vm0, $0x0, v3  }
0x396: {  	v4 =	vld [tilespmem:s12+$0x12900];
	v3 =	vmin.u32 v3, $0x1080F  }
.Ltmp36:
0x397: {  	(pc) =	sbr.rel @p0 .LBB2_74-.Ltmp36, $2  }
0x398: {  	_ =	sdelay $0x2  }
0x399: {  	s12 =	sshra.s32 s13, $0x2;
	s13 =	sadd.s32 $0x40, s13;
	[tilespmem:v3+s2+$0x0] =	vst.idx.add.f32.msk vm1, v4  }
0x39a: {  	v3 =	vld [tilespmem:s12+$0x10880];
	_ =	sdelay $0x4  }
0x39b: {  	v3 =	vsub.s32 v3, v1  }
0x39c: {  	vm0 =	vgt.s32 v3, $0x0  }
0x39d: {  	vm1 =	vlt.u32 v3, $0x10810;
	v3 =	vnsel vm0, $0x0, v3  }
0x39e: {  	v4 =	vld [tilespmem:s12+$0x12900];
	v3 =	vmin.u32 v3, $0x1080F;
	_ =	sdelay $0x2  }
0x39f: {  	s13 =	sld [smem:$0x7F7];
	_ =	sdelay $0x1  }
0x3a0: {  	s12 =	simm.s32 $0x0;
	[tilespmem:v3+s2+$0x0] =	vst.idx.add.f32.msk vm1, v4  }
0x3a1: {  	[tilespmem:s9], [sflag:$0x1] =	stream.linear.gather [hbm4b:s13+s12], $0x2080, $0x38;
	[tilespmem:$0x14980] =	vst v63  }
0x3a2: {  	_ =	swait.ge [sflag:s8], $0x2080  }
0x3a3: {  	s13 =	sld [smem:$0x7F8]  }
0x3a4: {  	[sflag:s8] =	ssyncset.done $0x0  }
0x3a5: {  	[sflag:s8] =	ssyncadd.s32 $0xFFFFDF80  }
0x3a6: {  	[tilespmem:s10], [sflag:$0x1] =	stream.linear.gather [hbm4b:s13+s12], $0x2080, $0x38;
	[tilespmem:$0x14980] =	vst v63  }
0x3a7: {  	_ =	swait.ge [sflag:s8], $0x2080  }
0x3a8: {  	[sflag:s8] =	ssyncset.done $0x0  }
0x3a9: {  	s12 =	simm.s32 $0x0;
	s13 =	simm.s32 $0x40;
	[sflag:s8] =	ssyncadd.s32 $0xFFFFDF80  }
.LBB2_76:
0x3aa: {  	p0 =	sne.s32 s13, $0x81C0;
	v3 =	vld [tilespmem:s12+$0x10880];
	_ =	sdelay $0x4  }
0x3ab: {  	v3 =	vsub.s32 v3, v1  }
0x3ac: {  	vm0 =	vgt.s32 v3, $0x0  }
0x3ad: {  	vm1 =	vlt.u32 v3, $0x10810;
	v3 =	vnsel vm0, $0x0, v3  }
0x3ae: {  	v4 =	vld [tilespmem:s12+$0x12900];
	v3 =	vmin.u32 v3, $0x1080F  }
.Ltmp37:
0x3af: {  	(pc) =	sbr.rel @p0 .LBB2_76-.Ltmp37, $2  }
0x3b0: {  	_ =	sdelay $0x2  }
0x3b1: {  	s12 =	sshra.s32 s13, $0x2;
	s13 =	sadd.s32 $0x40, s13;
	[tilespmem:v3+s2+$0x0] =	vst.idx.add.f32.msk vm1, v4  }
0x3b2: {  	v3 =	vld [tilespmem:s12+$0x10880];
	_ =	sdelay $0x4  }
0x3b3: {  	v3 =	vsub.s32 v3, v1  }
0x3b4: {  	vm0 =	vgt.s32 v3, $0x0  }
0x3b5: {  	vm1 =	vlt.u32 v3, $0x10810;
	v3 =	vnsel vm0, $0x0, v3  }
0x3b6: {  	v4 =	vld [tilespmem:s12+$0x12900];
	v3 =	vmin.u32 v3, $0x1080F;
	_ =	sdelay $0x2  }
0x3b7: {  	s13 =	sld [smem:$0x7F9];
	_ =	sdelay $0x1  }
0x3b8: {  	s12 =	simm.s32 $0x0;
	[tilespmem:v3+s2+$0x0] =	vst.idx.add.f32.msk vm1, v4  }
0x3b9: {  	[tilespmem:s9], [sflag:$0x1] =	stream.linear.gather [hbm4b:s13+s12], $0x2080, $0x38;
	[tilespmem:$0x14980] =	vst v63  }
0x3ba: {  	_ =	swait.ge [sflag:s8], $0x2080  }
0x3bb: {  	s13 =	sld [smem:$0x7FA]  }
0x3bc: {  	[sflag:s8] =	ssyncset.done $0x0  }
0x3bd: {  	[sflag:s8] =	ssyncadd.s32 $0xFFFFDF80  }
0x3be: {  	[tilespmem:s10], [sflag:$0x1] =	stream.linear.gather [hbm4b:s13+s12], $0x2080, $0x38;
	[tilespmem:$0x14980] =	vst v63  }
0x3bf: {  	_ =	swait.ge [sflag:s8], $0x2080  }
0x3c0: {  	[sflag:s8] =	ssyncset.done $0x0  }
0x3c1: {  	s12 =	simm.s32 $0x0;
	s13 =	simm.s32 $0x40;
	[sflag:s8] =	ssyncadd.s32 $0xFFFFDF80  }
.LBB2_78:
0x3c2: {  	p0 =	sne.s32 s13, $0x81C0;
	v3 =	vld [tilespmem:s12+$0x10880];
	_ =	sdelay $0x4  }
0x3c3: {  	v3 =	vsub.s32 v3, v1  }
0x3c4: {  	vm0 =	vgt.s32 v3, $0x0  }
0x3c5: {  	vm1 =	vlt.u32 v3, $0x10810;
	v3 =	vnsel vm0, $0x0, v3  }
0x3c6: {  	v4 =	vld [tilespmem:s12+$0x12900];
	v3 =	vmin.u32 v3, $0x1080F  }
.Ltmp38:
0x3c7: {  	(pc) =	sbr.rel @p0 .LBB2_78-.Ltmp38, $2  }
0x3c8: {  	_ =	sdelay $0x2  }
0x3c9: {  	s12 =	sshra.s32 s13, $0x2;
	s13 =	sadd.s32 $0x40, s13;
	[tilespmem:v3+s2+$0x0] =	vst.idx.add.f32.msk vm1, v4  }
0x3ca: {  	v3 =	vld [tilespmem:s12+$0x10880];
	_ =	sdelay $0x4  }
0x3cb: {  	v3 =	vsub.s32 v3, v1  }
0x3cc: {  	vm0 =	vgt.s32 v3, $0x0  }
0x3cd: {  	vm1 =	vlt.u32 v3, $0x10810;
	v3 =	vnsel vm0, $0x0, v3  }
0x3ce: {  	v4 =	vld [tilespmem:s12+$0x12900];
	v3 =	vmin.u32 v3, $0x1080F;
	_ =	sdelay $0x2  }
0x3cf: {  	s13 =	sld [smem:$0x7FB];
	_ =	sdelay $0x1  }
0x3d0: {  	s12 =	simm.s32 $0x0;
	[tilespmem:v3+s2+$0x0] =	vst.idx.add.f32.msk vm1, v4  }
0x3d1: {  	[tilespmem:s9], [sflag:$0x1] =	stream.linear.gather [hbm4b:s13+s12], $0x2080, $0x38;
	[tilespmem:$0x14980] =	vst v63  }
0x3d2: {  	_ =	swait.ge [sflag:s8], $0x2080  }
0x3d3: {  	s13 =	sld [smem:$0x7FC]  }
0x3d4: {  	[sflag:s8] =	ssyncset.done $0x0  }
0x3d5: {  	[sflag:s8] =	ssyncadd.s32 $0xFFFFDF80  }
0x3d6: {  	[tilespmem:s10], [sflag:$0x1] =	stream.linear.gather [hbm4b:s13+s12], $0x2080, $0x38;
	[tilespmem:$0x14980] =	vst v63  }
0x3d7: {  	_ =	swait.ge [sflag:s8], $0x2080  }
0x3d8: {  	[sflag:s8] =	ssyncset.done $0x0  }
0x3d9: {  	s12 =	simm.s32 $0x0;
	s13 =	simm.s32 $0x40;
	[sflag:s8] =	ssyncadd.s32 $0xFFFFDF80  }
.LBB2_80:
0x3da: {  	p0 =	sne.s32 s13, $0x81C0;
	v3 =	vld [tilespmem:s12+$0x10880];
	_ =	sdelay $0x4  }
0x3db: {  	v3 =	vsub.s32 v3, v1  }
0x3dc: {  	vm0 =	vgt.s32 v3, $0x0  }
0x3dd: {  	vm1 =	vlt.u32 v3, $0x10810;
	v3 =	vnsel vm0, $0x0, v3  }
0x3de: {  	v4 =	vld [tilespmem:s12+$0x12900];
	v3 =	vmin.u32 v3, $0x1080F  }
.Ltmp39:
0x3df: {  	(pc) =	sbr.rel @p0 .LBB2_80-.Ltmp39, $2  }
0x3e0: {  	_ =	sdelay $0x2  }
0x3e1: {  	s12 =	sshra.s32 s13, $0x2;
	s13 =	sadd.s32 $0x40, s13;
	[tilespmem:v3+s2+$0x0] =	vst.idx.add.f32.msk vm1, v4  }
0x3e2: {  	v3 =	vld [tilespmem:s12+$0x10880];
	_ =	sdelay $0x4  }
0x3e3: {  	v3 =	vsub.s32 v3, v1  }
0x3e4: {  	vm0 =	vgt.s32 v3, $0x0  }
0x3e5: {  	vm1 =	vlt.u32 v3, $0x10810;
	v3 =	vnsel vm0, $0x0, v3  }
0x3e6: {  	v4 =	vld [tilespmem:s12+$0x12900];
	v3 =	vmin.u32 v3, $0x1080F;
	_ =	sdelay $0x2  }
0x3e7: {  	s13 =	sld [smem:$0x7FD];
	_ =	sdelay $0x1  }
0x3e8: {  	s12 =	simm.s32 $0x0;
	[tilespmem:v3+s2+$0x0] =	vst.idx.add.f32.msk vm1, v4  }
0x3e9: {  	[tilespmem:s9], [sflag:$0x1] =	stream.linear.gather [hbm4b:s13+s12], $0x2080, $0x38;
	[tilespmem:$0x14980] =	vst v63  }
0x3ea: {  	_ =	swait.ge [sflag:s8], $0x2080  }
0x3eb: {  	[sflag:s8] =	ssyncset.done $0x0  }
0x3ec: {  	[sflag:s8] =	ssyncadd.s32 $0xFFFFDF80  }
0x3ed: {  	[tilespmem:s10], [sflag:$0x1] =	stream.linear.gather [hbm4b:s14+s12], $0x2080, $0x38;
	[tilespmem:$0x14980] =	vst v63  }
0x3ee: {  	_ =	swait.ge [sflag:s8], $0x2080  }
0x3ef: {  	[sflag:s8] =	ssyncset.done $0x0  }
0x3f0: {  	s13 =	simm.s32 $0x40;
	s12 =	simm.s32 $0x0;
	[sflag:s8] =	ssyncadd.s32 $0xFFFFDF80  }
.LBB2_82:
0x3f1: {  	p0 =	sne.s32 s13, $0x81C0;
	v3 =	vld [tilespmem:s12+$0x10880];
	_ =	sdelay $0x4  }
0x3f2: {  	v3 =	vsub.s32 v3, v1  }
0x3f3: {  	vm0 =	vgt.s32 v3, $0x0  }
0x3f4: {  	vm1 =	vlt.u32 v3, $0x10810;
	v3 =	vnsel vm0, $0x0, v3  }
0x3f5: {  	v4 =	vld [tilespmem:s12+$0x12900];
	v3 =	vmin.u32 v3, $0x1080F  }
.Ltmp40:
0x3f6: {  	(pc) =	sbr.rel @p0 .LBB2_82-.Ltmp40, $2  }
0x3f7: {  	_ =	sdelay $0x2  }
0x3f8: {  	s12 =	sshra.s32 s13, $0x2;
	s13 =	sadd.s32 $0x40, s13;
	[tilespmem:v3+s2+$0x0] =	vst.idx.add.f32.msk vm1, v4  }
0x3f9: {  	v3 =	vld [tilespmem:s12+$0x10880];
	_ =	sdelay $0x4  }
0x3fa: {  	v3 =	vsub.s32 v3, v1  }
0x3fb: {  	vm0 =	vgt.s32 v3, $0x0  }
0x3fc: {  	vm1 =	vlt.u32 v3, $0x10810;
	v3 =	vnsel vm0, $0x0, v3  }
0x3fd: {  	v4 =	vld [tilespmem:s12+$0x12900];
	v3 =	vmin.u32 v3, $0x1080F;
	_ =	sdelay $0x4  }
0x3fe: {  	s13 =	simm.s32 $0x0;
	[tilespmem:v3+s2+$0x0] =	vst.idx.add.f32.msk vm1, v4  }
0x3ff: {  	[tilespmem:s9], [sflag:$0x1] =	stream.linear.gather [hbm4b:s15+s13], $0x2080, $0x38;
	[tilespmem:$0x14980] =	vst v63  }
0x400: {  	_ =	swait.ge [sflag:s8], $0x2080  }
0x401: {  	[sflag:s8] =	ssyncset.done $0x0  }
0x402: {  	[sflag:s8] =	ssyncadd.s32 $0xFFFFDF80  }
0x403: {  	[tilespmem:s10], [sflag:$0x1] =	stream.linear.gather [hbm4b:s16+s13], $0x2080, $0x38;
	[tilespmem:$0x14980] =	vst v63  }
0x404: {  	_ =	swait.ge [sflag:s8], $0x2080  }
0x405: {  	[sflag:s8] =	ssyncset.done $0x0  }
0x406: {  	s12 =	simm.s32 $0x0;
	s13 =	simm.s32 $0x40;
	[sflag:s8] =	ssyncadd.s32 $0xFFFFDF80  }
.LBB2_84:
0x407: {  	p0 =	sne.s32 s13, $0x81C0;
	v3 =	vld [tilespmem:s12+$0x10880];
	_ =	sdelay $0x4  }
0x408: {  	v3 =	vsub.s32 v3, v1  }
0x409: {  	vm0 =	vgt.s32 v3, $0x0  }
0x40a: {  	vm1 =	vlt.u32 v3, $0x10810;
	v3 =	vnsel vm0, $0x0, v3  }
0x40b: {  	v4 =	vld [tilespmem:s12+$0x12900];
	v3 =	vmin.u32 v3, $0x1080F  }
.Ltmp41:
0x40c: {  	(pc) =	sbr.rel @p0 .LBB2_84-.Ltmp41, $2  }
0x40d: {  	_ =	sdelay $0x2  }
0x40e: {  	s12 =	sshra.s32 s13, $0x2;
	s13 =	sadd.s32 $0x40, s13;
	[tilespmem:v3+s2+$0x0] =	vst.idx.add.f32.msk vm1, v4  }
0x40f: {  	v3 =	vld [tilespmem:s12+$0x10880];
	_ =	sdelay $0x4  }
0x410: {  	v3 =	vsub.s32 v3, v1  }
0x411: {  	vm0 =	vgt.s32 v3, $0x0  }
0x412: {  	vm1 =	vlt.u32 v3, $0x10810;
	v3 =	vnsel vm0, $0x0, v3  }
0x413: {  	v4 =	vld [tilespmem:s12+$0x12900];
	v3 =	vmin.u32 v3, $0x1080F;
	_ =	sdelay $0x4  }
0x414: {  	s13 =	simm.s32 $0x0;
	[tilespmem:v3+s2+$0x0] =	vst.idx.add.f32.msk vm1, v4  }
0x415: {  	[tilespmem:s9], [sflag:$0x1] =	stream.linear.gather [hbm4b:s17+s13], $0x2080, $0x38;
	[tilespmem:$0x14980] =	vst v63  }
0x416: {  	_ =	swait.ge [sflag:s8], $0x2080  }
0x417: {  	[sflag:s8] =	ssyncset.done $0x0  }
0x418: {  	[sflag:s8] =	ssyncadd.s32 $0xFFFFDF80  }
0x419: {  	[tilespmem:s10], [sflag:$0x1] =	stream.linear.gather [hbm4b:s18+s13], $0x2080, $0x38;
	[tilespmem:$0x14980] =	vst v63  }
0x41a: {  	_ =	swait.ge [sflag:s8], $0x2080  }
0x41b: {  	[sflag:s8] =	ssyncset.done $0x0  }
0x41c: {  	s12 =	simm.s32 $0x0;
	s13 =	simm.s32 $0x40;
	[sflag:s8] =	ssyncadd.s32 $0xFFFFDF80  }
.LBB2_86:
0x41d: {  	p0 =	sne.s32 s13, $0x81C0;
	v3 =	vld [tilespmem:s12+$0x10880];
	_ =	sdelay $0x4  }
0x41e: {  	v3 =	vsub.s32 v3, v1  }
0x41f: {  	vm0 =	vgt.s32 v3, $0x0  }
0x420: {  	vm1 =	vlt.u32 v3, $0x10810;
	v3 =	vnsel vm0, $0x0, v3  }
0x421: {  	v4 =	vld [tilespmem:s12+$0x12900];
	v3 =	vmin.u32 v3, $0x1080F  }
.Ltmp42:
0x422: {  	(pc) =	sbr.rel @p0 .LBB2_86-.Ltmp42, $2  }
0x423: {  	_ =	sdelay $0x2  }
0x424: {  	s12 =	sshra.s32 s13, $0x2;
	s13 =	sadd.s32 $0x40, s13;
	[tilespmem:v3+s2+$0x0] =	vst.idx.add.f32.msk vm1, v4  }
0x425: {  	v3 =	vld [tilespmem:s12+$0x10880];
	_ =	sdelay $0x4  }
0x426: {  	v3 =	vsub.s32 v3, v1  }
0x427: {  	vm0 =	vgt.s32 v3, $0x0  }
0x428: {  	vm1 =	vlt.u32 v3, $0x10810;
	v3 =	vnsel vm0, $0x0, v3  }
0x429: {  	v4 =	vld [tilespmem:s12+$0x12900];
	v3 =	vmin.u32 v3, $0x1080F;
	_ =	sdelay $0x4  }
0x42a: {  	s13 =	simm.s32 $0x0;
	[tilespmem:v3+s2+$0x0] =	vst.idx.add.f32.msk vm1, v4  }
0x42b: {  	[tilespmem:s9], [sflag:$0x1] =	stream.linear.gather [hbm4b:s19+s13], $0x2080, $0x38;
	[tilespmem:$0x14980] =	vst v63  }
0x42c: {  	_ =	swait.ge [sflag:s8], $0x2080  }
0x42d: {  	[sflag:s8] =	ssyncset.done $0x0  }
0x42e: {  	[sflag:s8] =	ssyncadd.s32 $0xFFFFDF80  }
0x42f: {  	[tilespmem:s10], [sflag:$0x1] =	stream.linear.gather [hbm4b:s20+s13], $0x2080, $0x38;
	[tilespmem:$0x14980] =	vst v63  }
0x430: {  	_ =	swait.ge [sflag:s8], $0x2080  }
0x431: {  	[sflag:s8] =	ssyncset.done $0x0  }
0x432: {  	s12 =	simm.s32 $0x0;
	s13 =	simm.s32 $0x40;
	[sflag:s8] =	ssyncadd.s32 $0xFFFFDF80  }
.LBB2_88:
0x433: {  	p0 =	sne.s32 s13, $0x81C0;
	v3 =	vld [tilespmem:s12+$0x10880];
	_ =	sdelay $0x4  }
0x434: {  	v3 =	vsub.s32 v3, v1  }
0x435: {  	vm0 =	vgt.s32 v3, $0x0  }
0x436: {  	vm1 =	vlt.u32 v3, $0x10810;
	v3 =	vnsel vm0, $0x0, v3  }
0x437: {  	v4 =	vld [tilespmem:s12+$0x12900];
	v3 =	vmin.u32 v3, $0x1080F  }
.Ltmp43:
0x438: {  	(pc) =	sbr.rel @p0 .LBB2_88-.Ltmp43, $2  }
0x439: {  	_ =	sdelay $0x2  }
0x43a: {  	s12 =	sshra.s32 s13, $0x2;
	s13 =	sadd.s32 $0x40, s13;
	[tilespmem:v3+s2+$0x0] =	vst.idx.add.f32.msk vm1, v4  }
0x43b: {  	v3 =	vld [tilespmem:s12+$0x10880];
	_ =	sdelay $0x4  }
0x43c: {  	v3 =	vsub.s32 v3, v1  }
0x43d: {  	vm0 =	vgt.s32 v3, $0x0  }
0x43e: {  	vm1 =	vlt.u32 v3, $0x10810;
	v3 =	vnsel vm0, $0x0, v3  }
0x43f: {  	v4 =	vld [tilespmem:s12+$0x12900];
	v3 =	vmin.u32 v3, $0x1080F;
	_ =	sdelay $0x4  }
0x440: {  	s13 =	simm.s32 $0x0;
	[tilespmem:v3+s2+$0x0] =	vst.idx.add.f32.msk vm1, v4  }
0x441: {  	[tilespmem:s9], [sflag:$0x1] =	stream.linear.gather [hbm4b:s21+s13], $0x2080, $0x38;
	[tilespmem:$0x14980] =	vst v63  }
0x442: {  	_ =	swait.ge [sflag:s8], $0x2080  }
0x443: {  	[sflag:s8] =	ssyncset.done $0x0  }
0x444: {  	[sflag:s8] =	ssyncadd.s32 $0xFFFFDF80  }
0x445: {  	[tilespmem:s10], [sflag:$0x1] =	stream.linear.gather [hbm4b:s22+s13], $0x2080, $0x38;
	[tilespmem:$0x14980] =	vst v63  }
0x446: {  	_ =	swait.ge [sflag:s8], $0x2080  }
0x447: {  	[sflag:s8] =	ssyncset.done $0x0  }
0x448: {  	s12 =	simm.s32 $0x0;
	s13 =	simm.s32 $0x40;
	[sflag:s8] =	ssyncadd.s32 $0xFFFFDF80  }
.LBB2_90:
0x449: {  	p0 =	sne.s32 s13, $0x81C0;
	v3 =	vld [tilespmem:s12+$0x10880];
	_ =	sdelay $0x4  }
0x44a: {  	v3 =	vsub.s32 v3, v1  }
0x44b: {  	vm0 =	vgt.s32 v3, $0x0  }
0x44c: {  	vm1 =	vlt.u32 v3, $0x10810;
	v3 =	vnsel vm0, $0x0, v3  }
0x44d: {  	v4 =	vld [tilespmem:s12+$0x12900];
	v3 =	vmin.u32 v3, $0x1080F  }
.Ltmp44:
0x44e: {  	(pc) =	sbr.rel @p0 .LBB2_90-.Ltmp44, $2  }
0x44f: {  	_ =	sdelay $0x2  }
0x450: {  	s12 =	sshra.s32 s13, $0x2;
	s13 =	sadd.s32 $0x40, s13;
	[tilespmem:v3+s2+$0x0] =	vst.idx.add.f32.msk vm1, v4  }
0x451: {  	v3 =	vld [tilespmem:s12+$0x10880];
	_ =	sdelay $0x4  }
0x452: {  	v3 =	vsub.s32 v3, v1  }
0x453: {  	vm0 =	vgt.s32 v3, $0x0  }
0x454: {  	vm1 =	vlt.u32 v3, $0x10810;
	v3 =	vnsel vm0, $0x0, v3  }
0x455: {  	v4 =	vld [tilespmem:s12+$0x12900];
	v3 =	vmin.u32 v3, $0x1080F;
	_ =	sdelay $0x4  }
0x456: {  	s13 =	simm.s32 $0x0;
	[tilespmem:v3+s2+$0x0] =	vst.idx.add.f32.msk vm1, v4  }
0x457: {  	[tilespmem:s9], [sflag:$0x1] =	stream.linear.gather [hbm4b:s23+s13], $0x2080, $0x38;
	[tilespmem:$0x14980] =	vst v63  }
0x458: {  	_ =	swait.ge [sflag:s8], $0x2080  }
0x459: {  	[sflag:s8] =	ssyncset.done $0x0  }
0x45a: {  	[sflag:s8] =	ssyncadd.s32 $0xFFFFDF80  }
0x45b: {  	[tilespmem:s10], [sflag:$0x1] =	stream.linear.gather [hbm4b:s24+s13], $0x2080, $0x38;
	[tilespmem:$0x14980] =	vst v63  }
0x45c: {  	_ =	swait.ge [sflag:s8], $0x2080  }
0x45d: {  	[sflag:s8] =	ssyncset.done $0x0  }
0x45e: {  	s12 =	simm.s32 $0x0;
	s13 =	simm.s32 $0x40;
	[sflag:s8] =	ssyncadd.s32 $0xFFFFDF80  }
.LBB2_92:
0x45f: {  	p0 =	sne.s32 s13, $0x81C0;
	v3 =	vld [tilespmem:s12+$0x10880];
	_ =	sdelay $0x4  }
0x460: {  	v3 =	vsub.s32 v3, v1  }
0x461: {  	vm0 =	vgt.s32 v3, $0x0  }
0x462: {  	vm1 =	vlt.u32 v3, $0x10810;
	v3 =	vnsel vm0, $0x0, v3  }
0x463: {  	v4 =	vld [tilespmem:s12+$0x12900];
	v3 =	vmin.u32 v3, $0x1080F  }
.Ltmp45:
0x464: {  	(pc) =	sbr.rel @p0 .LBB2_92-.Ltmp45, $2  }
0x465: {  	_ =	sdelay $0x2  }
0x466: {  	s12 =	sshra.s32 s13, $0x2;
	s13 =	sadd.s32 $0x40, s13;
	[tilespmem:v3+s2+$0x0] =	vst.idx.add.f32.msk vm1, v4  }
0x467: {  	v3 =	vld [tilespmem:s12+$0x10880];
	_ =	sdelay $0x4  }
0x468: {  	v3 =	vsub.s32 v3, v1  }
0x469: {  	vm0 =	vgt.s32 v3, $0x0  }
0x46a: {  	vm1 =	vlt.u32 v3, $0x10810;
	v3 =	vnsel vm0, $0x0, v3  }
0x46b: {  	v4 =	vld [tilespmem:s12+$0x12900];
	v3 =	vmin.u32 v3, $0x1080F;
	_ =	sdelay $0x4  }
0x46c: {  	s13 =	simm.s32 $0x0;
	[tilespmem:v3+s2+$0x0] =	vst.idx.add.f32.msk vm1, v4  }
0x46d: {  	[tilespmem:s9], [sflag:$0x1] =	stream.linear.gather [hbm4b:s25+s13], $0x2080, $0x38;
	[tilespmem:$0x14980] =	vst v63  }
0x46e: {  	_ =	swait.ge [sflag:s8], $0x2080  }
0x46f: {  	[sflag:s8] =	ssyncset.done $0x0  }
0x470: {  	[sflag:s8] =	ssyncadd.s32 $0xFFFFDF80  }
0x471: {  	[tilespmem:s10], [sflag:$0x1] =	stream.linear.gather [hbm4b:s26+s13], $0x2080, $0x38;
	[tilespmem:$0x14980] =	vst v63  }
0x472: {  	_ =	swait.ge [sflag:s8], $0x2080  }
0x473: {  	[sflag:s8] =	ssyncset.done $0x0  }
0x474: {  	s12 =	simm.s32 $0x0;
	s13 =	simm.s32 $0x40;
	[sflag:s8] =	ssyncadd.s32 $0xFFFFDF80  }
.LBB2_94:
0x475: {  	p0 =	sne.s32 s13, $0x81C0;
	v3 =	vld [tilespmem:s12+$0x10880];
	_ =	sdelay $0x4  }
0x476: {  	v3 =	vsub.s32 v3, v1  }
0x477: {  	vm0 =	vgt.s32 v3, $0x0  }
0x478: {  	vm1 =	vlt.u32 v3, $0x10810;
	v3 =	vnsel vm0, $0x0, v3  }
0x479: {  	v4 =	vld [tilespmem:s12+$0x12900];
	v3 =	vmin.u32 v3, $0x1080F  }
.Ltmp46:
0x47a: {  	(pc) =	sbr.rel @p0 .LBB2_94-.Ltmp46, $2  }
0x47b: {  	_ =	sdelay $0x2  }
0x47c: {  	s12 =	sshra.s32 s13, $0x2;
	s13 =	sadd.s32 $0x40, s13;
	[tilespmem:v3+s2+$0x0] =	vst.idx.add.f32.msk vm1, v4  }
0x47d: {  	v3 =	vld [tilespmem:s12+$0x10880];
	_ =	sdelay $0x4  }
0x47e: {  	v3 =	vsub.s32 v3, v1  }
0x47f: {  	vm0 =	vgt.s32 v3, $0x0  }
0x480: {  	vm1 =	vlt.u32 v3, $0x10810;
	v3 =	vnsel vm0, $0x0, v3  }
0x481: {  	v4 =	vld [tilespmem:s12+$0x12900];
	v3 =	vmin.u32 v3, $0x1080F;
	_ =	sdelay $0x4  }
0x482: {  	s13 =	simm.s32 $0x0;
	[tilespmem:v3+s2+$0x0] =	vst.idx.add.f32.msk vm1, v4  }
0x483: {  	[tilespmem:s9], [sflag:$0x1] =	stream.linear.gather [hbm4b:s28+s13], $0x2080, $0x38;
	[tilespmem:$0x14980] =	vst v63  }
0x484: {  	_ =	swait.ge [sflag:s8], $0x2080  }
0x485: {  	[sflag:s8] =	ssyncset.done $0x0  }
0x486: {  	[sflag:s8] =	ssyncadd.s32 $0xFFFFDF80  }
0x487: {  	[tilespmem:s10], [sflag:$0x1] =	stream.linear.gather [hbm4b:s29+s13], $0x2080, $0x38;
	[tilespmem:$0x14980] =	vst v63  }
0x488: {  	_ =	swait.ge [sflag:s8], $0x2080  }
0x489: {  	[sflag:s8] =	ssyncset.done $0x0  }
0x48a: {  	s12 =	simm.s32 $0x0;
	s13 =	simm.s32 $0x40;
	[sflag:s8] =	ssyncadd.s32 $0xFFFFDF80  }
.LBB2_96:
0x48b: {  	p0 =	sne.s32 s13, $0x81C0;
	v3 =	vld [tilespmem:s12+$0x10880];
	_ =	sdelay $0x4  }
0x48c: {  	v3 =	vsub.s32 v3, v1  }
0x48d: {  	vm0 =	vgt.s32 v3, $0x0  }
0x48e: {  	vm1 =	vlt.u32 v3, $0x10810;
	v3 =	vnsel vm0, $0x0, v3  }
0x48f: {  	v4 =	vld [tilespmem:s12+$0x12900];
	v3 =	vmin.u32 v3, $0x1080F  }
.Ltmp47:
0x490: {  	(pc) =	sbr.rel @p0 .LBB2_96-.Ltmp47, $2  }
0x491: {  	_ =	sdelay $0x2  }
0x492: {  	s12 =	sshra.s32 s13, $0x2;
	s13 =	sadd.s32 $0x40, s13;
	[tilespmem:v3+s2+$0x0] =	vst.idx.add.f32.msk vm1, v4  }
0x493: {  	v3 =	vld [tilespmem:s12+$0x10880];
	_ =	sdelay $0x4  }
0x494: {  	v3 =	vsub.s32 v3, v1  }
0x495: {  	vm0 =	vgt.s32 v3, $0x0  }
0x496: {  	vm1 =	vlt.u32 v3, $0x10810;
	v3 =	vnsel vm0, $0x0, v3  }
0x497: {  	v4 =	vld [tilespmem:s12+$0x12900];
	v3 =	vmin.u32 v3, $0x1080F;
	_ =	sdelay $0x4  }
0x498: {  	s13 =	simm.s32 $0x0;
	[tilespmem:v3+s2+$0x0] =	vst.idx.add.f32.msk vm1, v4  }
0x499: {  	[tilespmem:s9], [sflag:$0x1] =	stream.linear.gather [hbm4b:s30+s13], $0x2080, $0x38;
	[tilespmem:$0x14980] =	vst v63  }
0x49a: {  	_ =	swait.ge [sflag:s8], $0x2080  }
0x49b: {  	[sflag:s8] =	ssyncset.done $0x0  }
0x49c: {  	[sflag:s8] =	ssyncadd.s32 $0xFFFFDF80  }
0x49d: {  	[tilespmem:s10], [sflag:$0x1] =	stream.linear.gather [hbm4b:s31+s13], $0x2080, $0x38;
	[tilespmem:$0x14980] =	vst v63  }
0x49e: {  	_ =	swait.ge [sflag:s8], $0x2080  }
0x49f: {  	[sflag:s8] =	ssyncset.done $0x0  }
0x4a0: {  	s12 =	simm.s32 $0x0;
	s13 =	simm.s32 $0x40;
	[sflag:s8] =	ssyncadd.s32 $0xFFFFDF80  }
.LBB2_98:
0x4a1: {  	p0 =	sne.s32 s13, $0x81C0;
	v3 =	vld [tilespmem:s12+$0x10880];
	_ =	sdelay $0x4  }
0x4a2: {  	v3 =	vsub.s32 v3, v1  }
0x4a3: {  	vm0 =	vgt.s32 v3, $0x0  }
0x4a4: {  	vm1 =	vlt.u32 v3, $0x10810;
	v3 =	vnsel vm0, $0x0, v3  }
0x4a5: {  	v4 =	vld [tilespmem:s12+$0x12900];
	v3 =	vmin.u32 v3, $0x1080F  }
.Ltmp48:
0x4a6: {  	(pc) =	sbr.rel @p0 .LBB2_98-.Ltmp48, $2  }
0x4a7: {  	_ =	sdelay $0x2  }
0x4a8: {  	s12 =	sshra.s32 s13, $0x2;
	s13 =	sadd.s32 $0x40, s13;
	[tilespmem:v3+s2+$0x0] =	vst.idx.add.f32.msk vm1, v4  }
0x4a9: {  	v3 =	vld [tilespmem:s12+$0x10880];
	_ =	sdelay $0x4  }
0x4aa: {  	v3 =	vsub.s32 v3, v1  }
0x4ab: {  	vm0 =	vgt.s32 v3, $0x0  }
0x4ac: {  	vm1 =	vlt.u32 v3, $0x10810;
	v3 =	vnsel vm0, $0x0, v3  }
0x4ad: {  	v4 =	vld [tilespmem:s12+$0x12900];
	v3 =	vmin.u32 v3, $0x1080F;
	_ =	sdelay $0x4  }
0x4ae: {  	s13 =	simm.s32 $0x0;
	[tilespmem:v3+s2+$0x0] =	vst.idx.add.f32.msk vm1, v4  }
0x4af: {  	[tilespmem:s9], [sflag:$0x1] =	stream.linear.gather [hbm4b:s3+s13], $0x2080, $0x38;
	[tilespmem:$0x14980] =	vst v63  }
0x4b0: {  	_ =	swait.ge [sflag:s8], $0x2080  }
0x4b1: {  	[sflag:s8] =	ssyncset.done $0x0  }
0x4b2: {  	[sflag:s8] =	ssyncadd.s32 $0xFFFFDF80  }
0x4b3: {  	[tilespmem:s10], [sflag:$0x1] =	stream.linear.gather [hbm4b:s4+s13], $0x2080, $0x38;
	[tilespmem:$0x14980] =	vst v63  }
0x4b4: {  	_ =	swait.ge [sflag:s8], $0x2080  }
0x4b5: {  	[sflag:s8] =	ssyncset.done $0x0  }
0x4b6: {  	s12 =	simm.s32 $0x0;
	s13 =	simm.s32 $0x40;
	[sflag:s8] =	ssyncadd.s32 $0xFFFFDF80  }
.LBB2_100:
0x4b7: {  	p0 =	sne.s32 s13, $0x81C0;
	v3 =	vld [tilespmem:s12+$0x10880];
	_ =	sdelay $0x4  }
0x4b8: {  	v3 =	vsub.s32 v3, v1  }
0x4b9: {  	vm0 =	vgt.s32 v3, $0x0  }
0x4ba: {  	vm1 =	vlt.u32 v3, $0x10810;
	v3 =	vnsel vm0, $0x0, v3  }
0x4bb: {  	v4 =	vld [tilespmem:s12+$0x12900];
	v3 =	vmin.u32 v3, $0x1080F  }
.Ltmp49:
0x4bc: {  	(pc) =	sbr.rel @p0 .LBB2_100-.Ltmp49, $2  }
0x4bd: {  	_ =	sdelay $0x2  }
0x4be: {  	s12 =	sshra.s32 s13, $0x2;
	s13 =	sadd.s32 $0x40, s13;
	[tilespmem:v3+s2+$0x0] =	vst.idx.add.f32.msk vm1, v4  }
0x4bf: {  	v3 =	vld [tilespmem:s12+$0x10880];
	_ =	sdelay $0x4  }
0x4c0: {  	v3 =	vsub.s32 v3, v1  }
0x4c1: {  	vm0 =	vgt.s32 v3, $0x0  }
0x4c2: {  	vm1 =	vlt.u32 v3, $0x10810;
	v3 =	vnsel vm0, $0x0, v3  }
0x4c3: {  	v4 =	vld [tilespmem:s12+$0x12900];
	v3 =	vmin.u32 v3, $0x1080F;
	_ =	sdelay $0x2  }
0x4c4: {  	s11 =	sadd.s32 $0x1, s11  }
0x4c5: {  	p0 =	sne.s32 s11, s7  }
.Ltmp50:
0x4c6: {  	[tilespmem:v3+s2+$0x0] =	vst.idx.add.f32.msk vm1, v4;
	(pc) =	sbr.rel @p0 .LBB2_1-.Ltmp50, $4  }
0x4c7: {  	[hbm4b:s6+s2] =	stream.linear.scatter [tilespmem:s2], [sflag:$0x1], $0x10810, $0x38;
	[tilespmem:$0x14980] =	vst v63  }
0x4c8: {  	_ =	swait.ge [sflag:s8], $0x10810  }
0x4c9: {  	[sflag:s8] =	ssyncset.done $0x0  }
0x4ca: {  	[sflag:s8] =	ssyncadd.s32 $0xFFFEF7F0  }
0x4cb: {  	_ =	sfence.sel $0x180000  }
0x4cc: {  	[bflag:$0x0] =	sbarrier.arrive $0xFFFF  }
0x4cd: {  	_ =	strace $0x90000059  }
0x4ce: {  	s0 =	stileid.u32;
	[bflag:$0x2] =	sbarrier.arrive $0xFFFF  }
0x4cf: {  	p0 =	sne.s32 s0, $0x0;
	s0 =	rddreg [dreg:$0x2]  }
0x4d0: {  	s0 =	sadd.s32 @!p0 $0x100000, s0  }
0x4d1: {  	[sflag:s0] =	ssyncadd.tile.s32 @!p0 $0x1;
	_ =	shalt  }
.Lfunc_end2:
_tile_overlayer_lowered:
.L_overlay_start_2:
0x4d2: {  	(tag) =	ssettag $0x2  }
0x4d3: {  	s0 =	rddreg [dreg:$0x0];
	s2 =	stileid.u32  }
0x4d4: {  	s1 =	rddreg [dreg:$0x1];
	p0 =	sne.s32 s2, $0x0  }
0x4d5: {  	s3 =	rddreg [dreg:$0x2];
	[bflag:$0x3] =	sbarrier.arrive $0xFFFF;
	s2 =	simm.s32 @!p0 $0x1C01  }
0x4d6: {  	[timem:s3], [sflag:s2] =	dma.local @!p0 [hbm:s0], s1  }
0x4d7: {  	s0 =	simm.s32 @!p0 $0x1  }
0x4d8: {  	_ =	swait.ge @!p0 [sflag:s0], s1  }
0x4d9: {  	s1 =	ssub.s32 @!p0 $0x0, s1;
	[sflag:s0] =	ssyncset.done @!p0 $0x0  }
0x4da: {  	[sflag:s0] =	ssyncadd.s32 @!p0 s1  }
0x4db: {  	[bflag:$0x3] =	sbarrier.arrive $0xFFFF  }
0x4dc: {  	_ =	shalt  }

// kernel: sparse-core-data-format-call.1.cloned.1.call-start
scs
called_computation.1_lowered:
.L_overlay_start_0:
0x0: {  	s2 =	sld [smem:$0x3FD9]  }
0x1: {  	s3 =	sld [smem:$0x3FFE];
	_ =	sdelay $0x1  }
0x2: {  	s1 =	srdreg.scid  }
0x3: {  	s0 =	sand.u32 $0x1, s1  }
0x4: {  	s18 =	sshll.u32 s0, $0xA;
	s2 =	sadd.s32 s3, s2  }
0x5: {  	s2 =	sadd.s32 s2, s18  }
0x6: {  	[smem:$0x3FC6] =	sst s2  }
0x7: {  	_ = 	snop  }
0x8: {  	(tm) =	ssettm $0x1  }
0x9: {  	s19 =	sld [smem:$0x3FFB];
	_ =	sdelay $0x3  }
0xa: {  	_ =	strace s19  }
0xb: {  	s2 =	sld [smem:$0x3FFC];
	_ =	sdelay $0x3  }
0xc: {  	_ =	strace s2  }
0xd: {  	s2 =	sld [smem:$0x3FFD];
	_ =	sdelay $0x3  }
0xe: {  	_ =	strace s2  }
0xf: {  	_ =	strace $0x8FFFFFFF  }
0x10: {  	s20 =	sld [smem:$0x3FDB];
	_ =	sdelay $0x1  }
0x11: {  	s21 =	simm.s32 $_scs_section_size  }
0x12: {  	s4 =	simm.s32 $_size__tile_overlayer_lowered;
	s5 =	simm.s32 $_tile_overlayer_lowered  }
0x13: {  	s6 =	simm.s32 $0x1BFF;
	s22 =	sshll.u32 s5, $0x1;
	s3 =	sadd.s32 s21, s20  }
0x14: {  	s23 =	simm.s32 $0x0;
	s4 =	sshll.u32 s4, $0x1;
	s5 =	sadd.s32 s22, s3  }
0x15: {  	[timem:s23], [sflag:s6] =	dma.local [hbm:s5], s4  }
0x16: {  	_ =	swait.ge [sflag:s6], s4  }
0x17: {  	s4 =	ssub.s32 $0x0, s4;
	[sflag:s6] =	ssyncset.done $0x0  }
0x18: {  	[sflag:s6] =	ssyncadd.s32 s4;
	_ =	sdelay $0x1  }
0x19: {  	s24 =	simm.s32 $0x1B8B  }
0x1a: {  	_ =	swait.ge [sflag:s24], $0x1  }
0x1b: {  	[sflag:s24] =	ssyncset.done $0x0  }
0x1c: {  	[sflag:s24] =	ssyncadd.s32 $0xFFFFFFFF  }
0x1d: {  	s4 =	sld [smem:$0x0]  }
0x1e: {  	s5 =	sand.u32 $0xFFFFFFFE, s1  }
0x1f: {  	p0 =	sne.s32 s1, s5  }
0x20: {  	s5 =	sshll.u32 @p0 s5, $0xE  }
0x21: {  	s5 =	sadd.s32 @p0 $0x11B8D, s5;
	s6 =	sshll.u32 @p0 s4, $0x11  }
0x22: {  	s5 =	sor.u32 @p0 s6, s5  }
0x23: {  	[sflag:s5] =	ssyncadd.remote.s32 @p0 $0x1;
	_ =	sdelay $0x1  }
0x24: {  	s5 =	simm.s32 @p0 $0x1B8D  }
0x25: {  	_ =	swait.eq @p0 [sflag:s5], $0x1  }
0x26: {  	[sflag:s5] =	ssyncadd.s32 @p0 $0xFFFFFFFF  }
0x27: {  	s6 =	sshll.u32 @!p0 s1, $0xE  }
0x28: {  	s6 =	sor.u32 @!p0 $0x4000, s6;
	s5 =	simm.s32 @!p0 $0x1B8D  }
0x29: {  	s4 =	sshll.u32 @!p0 s4, $0x11;
	s6 =	sadd.s32 @!p0 $0x11B8D, s6;
	_ =	swait.eq @!p0 [sflag:s5], $0x1  }
0x2a: {  	s4 =	sor.u32 @!p0 s4, s6;
	[sflag:s5] =	ssyncadd.s32 @!p0 $0xFFFFFFFF  }
0x2b: {  	s26 =	simm.s32 $0x1B8E;
	s25 =	sld [smem:$0x3FFE];
	[sflag:s4] =	ssyncadd.remote.s32 @!p0 $0x1  }
0x2c: {  	s27 =	simm.s32 $execute0_lowered;
	[smem:$0x3FD2] =	sst s26  }
0x2d: {  	s5 =	sshll.u32 s27, $0x1;
	_ =	strace $0x8000004F;
	[dreg:$0x1] =	wrdreg $0xFFFFFFFF  }
0x2e: {  	s28 =	simm.s32 $_size_execute0_lowered;
	s3 =	sadd.s32 s3, s5;
	[dreg:$0x0] =	wrdreg $0x0  }
0x2f: {  	s5 =	sshll.u32 s28, $0x1;
	[dreg:$0x2] =	wrdreg s3  }
0x30: {  	[dreg:$0x3] =	wrdreg s5  }
0x31: {  	[dreg:$0x4] =	wrdreg $0xC0  }
0x32: {  	_ =	task [dreg:s23], $0x5FFFF  }
0x33: {  	[dreg:$0x1] =	wrdreg $0xFFFFFFFF  }
0x34: {  	[dreg:$0x0] =	wrdreg $0x60  }
0x35: {  	[dreg:$0x2] =	wrdreg s25  }
0x36: {  	[dreg:$0x3] =	wrdreg $0xA  }
0x37: {  	_ =	task.clear_ibuf [dreg:s23], $0x4FFFF;
	_ =	strace $0x9000004F  }
0x38: {  	s29 =	simm.s32 $0xA;
	_ =	strace $0x80000051  }
0x39: {  	_ =	swait.ge [sflag:s29], $0x1  }
0x3a: {  	[sflag:s29] =	ssyncadd.s32 $0xFFFFFFFF  }
0x3b: {  	_ =	strace $0x90000051  }
0x3c: {  	_ =	sfence  }
0x3d: {  	s30 =	sld [smem:$0x0];
	_ =	sdelay $0x2  }
0x3e: {  	s31 =	sshll.u32 s1, $0xD;
	s1 =	sshrl.u32 s1, $0x2  }
0x3f: {  	s4 =	sand.u32 $0x4000, s31;
	s1 =	sadd.s32 s1, s30  }
0x40: {  	s0 =	sor.u32 s4, s0;
	s1 =	sshll.u32 s1, $0x11  }
0x41: {  	s0 =	sor.u32 s1, s0  }
0x42: {  	s0 =	sadd.s32 $0x8F2B, s0  }
0x43: {  	[sflag:s0] =	ssyncadd.remote.s32 $0x1  }
0x44: {  	_ =	sfence.sel $0xFFFF  }
0x45: {  	[dreg:$0x0] =	wrdreg $0xFFFFFFFF;
	(pc) =	sbr.abs _section_cstart, $3  }
0x46: {  	[dreg:$0x1] =	wrdreg $0xFFFFFFFF  }
0x47: {  	_ =	task.clear_ibuf [dreg:s23], $0x2FFFF;
	_ =	strace $0x9FFFFFFF  }
0x48: {  	(tm) =	ssettm $0x7FFFFFFF  }
0x49: {  	_ =	shalt  }
tec
execute0_lowered:
.L_overlay_start_1:
0x0: {  	(tag) =	ssettag $0x1  }
0x1: {  	s0 =	srdreg.scid  }
0x2: {  	s5 =	rddreg [dreg:$0x0];
	s1 =	stileid.u32;
	s4 =	simm.s32 $0x1  }
0x3: {  	s6 =	simm.s32 $0x2;
	s8 =	simm.s32 $0x0;
	s2 =	sshll.u32 s0, $0x4  }
0x4: {  	s9 =	simm.s32 $0x0;
	s13 =	simm.s32 $0x0;
	s2 =	sand.u32 $0x10, s2  }
.Ltmp0:
0x5: {  	s10 =	simm.s32 $0x0;
	s3 =	sor.u32 s1, s2;
	(pc) =	sbr.rel .LBB1_1-.Ltmp0, $4  }
0x6: {  	s0 =	rddreg [dreg:$0x1];
	_ =	strace $0x80000050;
	s3 =	sshll.u32 s3, $0x1  }
0x7: {  	s12 =	simm.s32 $0x0;
	[sflag:s4] =	ssyncpa.u1 $0x0;
	s7 =	ssub.s32 $0x400, s3  }
0x8: {  	s2 =	sadd.s32 $0x504200, s5;
	[sflag:s6] =	ssyncpa.u1 $0x0;
	s6 =	sshrl.u32 s7, $0x6  }
0x9: {  	s5 =	sadd.s32 $0x303A00, s5;
	s11 =	smov.u32 s3;
	s7 =	sadd.s32 $0x2, s6  }
.LBB1_9:
0xa: {  	s15 =	sshll.u32 s12, $0xE  }
0xb: {  	s16 =	sshll.u32 s10, $0xA;
	s15 =	sand.u32 $0x4000, s15  }
0xc: {  	s16 =	sadd.s32 s5, s16;
	s15 =	sor.u32 $0x8000, s15  }
0xd: {  	[hbm4b:s16+s8] =	stream.linear.scatter [tilespmem:s15], [sflag:$0x2], s14, $0x38;
	[tilespmem:$0x10000] =	vst v63  }
.LBB1_10:
0xe: {  	p0 =	slt.u32 s12, $0x2  }
0xf: {  	p1 =	sgt.s32 @!p0 s13, $0x3FF  }
0x10: {  	s14 =	smov.u32 s13;
	s15 =	sshra.s32 @!p0 s13, $0x1F;
	p1 =	por !p1, p0  }
0x11: {  	s13 =	sand.u32 @!p0 s15, s13;
	s14 =	simm.s32 @p1 $0x3FF  }
0x12: {  	s13 =	ssub.s32 @!p0 s14, s13  }
0x13: {  	s13 =	sadd.s32 @!p0 $0xFFFFFC01, s13  }
0x14: {  	s14 =	sshll.u32 @!p0 s13, $0xF  }
0x15: {  	p1 =	sgt.s32 @!p0 s13, $0x1;
	s13 =	ssub.s32 @!p0 $0x10000, s14  }
0x16: {  	s15 =	sadd.s32 $0x40, s11;
	p1 =	por !p1, p0;
	s13 =	sshrl.u32 @!p0 s13, $0x2  }
0x17: {  	s13 =	simm.s32 @!p1 $0x0;
	p1 =	sgt.s32 s15, $0x400  }
0x18: {  	s15 =	smov.u32 @p1 s3;
	p1 =	sne.s32 s12, s7  }
.Ltmp1:
0x19: {  	_ = 	snop;
	(pc) =	sbr.rel @!p1 .LBB1_11-.Ltmp1, $4  }
0x1a: {  	s14 =	simm.s32 @!p0 $0x2  }
0x1b: {  	s9 =	sadd.s32 $0x4000, s9;
	_ =	swait.ge @!p0 [sflag:s14], s13;
	s16 =	ssub.s32 @!p0 $0x0, s13  }
0x1c: {  	s13 =	smov.u32 s10;
	s12 =	sadd.s32 $0x1, s12;
	[sflag:s14] =	ssyncset.done @!p0 $0x0  }
0x1d: {  	s10 =	smov.u32 s11;
	s11 =	smov.u32 s15;
	[sflag:s14] =	ssyncadd.s32 @!p0 s16  }
.LBB1_1:
0x1e: {  	p0 =	sgt.u32 s12, s6  }
0x1f: {  	p1 =	sgt.s32 @!p0 s11, $0x3FF  }
0x20: {  	s14 =	smov.u32 s11;
	s15 =	sshra.s32 @!p0 s11, $0x1F;
	p1 =	por !p1, p0  }
0x21: {  	s15 =	sand.u32 @!p0 s15, s11;
	s14 =	simm.s32 @p1 $0x3FF  }
0x22: {  	s14 =	ssub.s32 @!p0 s14, s15  }
0x23: {  	s14 =	sadd.s32 @!p0 $0xFFFFFC01, s14  }
0x24: {  	s17 =	simm.s32 @!p0 $0x0;
	s15 =	sxor.u32 @!p0 $0xFFFFFFFF, s12;
	s16 =	sshll.u32 @!p0 s14, $0xF  }
0x25: {  	s15 =	sshll.u32 @!p0 s15, $0xE;
	p1 =	sgt.s32 @!p0 s14, $0x1;
	s14 =	ssub.s32 @!p0 $0x10000, s16  }
0x26: {  	p1 =	por !p1, p0;
	s16 =	sshll.u32 @!p0 s11, $0xA;
	s14 =	sshrl.u32 @!p0 s14, $0x2  }
0x27: {  	s15 =	sand.u32 @!p0 $0x4000, s15;
	s16 =	sadd.s32 @!p0 s2, s16;
	s14 =	simm.s32 @!p1 $0x0  }
0x28: {  	[tilespmem:s15], [sflag:$0x1] =	stream.linear.gather @!p0 [hbm4b:s16+s17], s14, $0x38;
	[tilespmem:$0x10000] =	vst v63  }
0x29: {  	p0 =	seq.s32 s12, $0x0  }
0x2a: {  	p1 =	sge.u32 @!p0 s12, s7  }
0x2b: {  	p0 =	por p0, p1  }
.Ltmp2:
0x2c: {  	_ = 	snop;
	(pc) =	sbr.rel @p0 .LBB1_10-.Ltmp2, $1  }
0x2d: {  	_ =	sdelay $0x3  }
0x2e: {  	p0 =	sgt.s32 s10, $0x3FF;
	s14 =	smov.u32 s10;
	s15 =	sshra.s32 s10, $0x1F  }
0x2f: {  	s14 =	simm.s32 @!p0 $0x3FF;
	s15 =	sand.u32 s15, s10  }
0x30: {  	s14 =	ssub.s32 s14, s15  }
0x31: {  	s16 =	sadd.s32 $0x2, s10;
	s14 =	sadd.s32 $0xFFFFFC01, s14  }
0x32: {  	p1 =	slt.s32 s16, $0x401;
	s30 =	sshll.u32 s14, $0xF  }
0x33: {  	s16 =	simm.s32 @!p1 $0x401;
	s15 =	ssub.s32 $0x10000, s30  }
0x34: {  	p0 =	sgt.s32 s14, $0x1;
	s14 =	sshrl.u32 s15, $0x2;
	s15 =	ssub.s32 s16, s10  }
0x35: {  	s14 =	simm.s32 @p0 $0x0;
	p0 =	slt.s32 s15, $0x1  }
.Ltmp3:
0x36: {  	_ = 	snop;
	(pc) =	sbr.rel @p0 .LBB1_9-.Ltmp3, $4  }
0x37: {  	_ = 	snop  }
0x38: {  	_ =	swait.ge [sflag:s4], s14  }
0x39: {  	s31 =	ssub.s32 $0x0, s14;
	[sflag:s4] =	ssyncset.done $0x0  }
0x3a: {  	[sflag:s4] =	ssyncadd.s32 s31  }
0x3b: {  	s17 =	sand.u32 $0x4000, s9  }
0x3c: {  	s18 =	simm.s32 $0x0;
	s16 =	sor.u32 $0x8040, s17;
	s17 =	sor.u32 $0x40, s17  }
.LBB1_4:
0x3d: {  	s19 =	smov.u32 s17;
	s20 =	smov.u32 s16;
	s21 =	simm.s32 $0x0  }
.LBB1_5:
0x3e: {  	v0 =	vmov s19;
	_ =	sdelay $0x3  }
0x3f: {  	s23 =	simm.s32 $0x0  }
0x40: {  	v6 =	vld.idx.msk [tilespmem:v0+s23+$0x30 ss:$0x1], $0xffff  }
0x41: {  	v7 =	vld.idx.msk [tilespmem:v0+s23+$0xFFFFFFC0 ss:$0x1], $0xffff  }
0x42: {  	v5 =	vld.idx.msk [tilespmem:v0+s23+$0xFFFFFFD0 ss:$0x1], $0xffff  }
0x43: {  	v4 =	vld.idx.msk [tilespmem:v0+s23+$0xFFFFFFE0 ss:$0x1], $0xffff  }
0x44: {  	v3 =	vld.idx.msk [tilespmem:v0+s23+$0xFFFFFFF0 ss:$0x1], $0xffff  }
0x45: {  	v1 =	vld.idx.msk [tilespmem:v0+s23+$0x0 ss:$0x1], $0xffff  }
0x46: {  	v2 =	vld.idx.msk [tilespmem:v0+s23+$0x10 ss:$0x1], $0xffff;
	[tilespmem:s20+$0x30] =	vst v6  }
0x47: {  	s22 =	simm.s32 $0x80;
	s24 =	simm.s32 $0x400;
	[tilespmem:s20+$0xFFFFFFC0] =	vst v7;
	v6 =	vld.idx.msk [tilespmem:v0+s23+$0x20 ss:$0x1], $0xffff;
	s23 =	smov.u32 s20  }
.LBB1_6:
0x48: {  	p0 =	sne.s32 s24, $0xE00;
	v7 =	vld.idx.msk [tilespmem:v0+s22+$0x30 ss:$0x1], $0xffff;
	[tilespmem:s23+$0xFFFFFFD0] =	vst v5  }
0x49: {  	v8 =	vld.idx.msk [tilespmem:v0+s22+$0xFFFFFFC0 ss:$0x1], $0xffff;
	[tilespmem:s23+$0xFFFFFFE0] =	vst v4  }
0x4a: {  	v5 =	vld.idx.msk [tilespmem:v0+s22+$0xFFFFFFD0 ss:$0x1], $0xffff;
	[tilespmem:s23+$0xFFFFFFF0] =	vst v3  }
.Ltmp4:
0x4b: {  	v4 =	vld.idx.msk [tilespmem:v0+s22+$0xFFFFFFE0 ss:$0x1], $0xffff;
	[tilespmem:s23+$0x0] =	vst v1;
	(pc) =	sbr.rel @p0 .LBB1_6-.Ltmp4, $4  }
0x4c: {  	v3 =	vld.idx.msk [tilespmem:v0+s22+$0xFFFFFFF0 ss:$0x1], $0xffff;
	[tilespmem:s23+$0x10] =	vst v2  }
0x4d: {  	v1 =	vld.idx.msk [tilespmem:v0+s22+$0x0 ss:$0x1], $0xffff;
	[tilespmem:s23+$0x20] =	vst v6;
	s23 =	sadd.s32 $0x400, s23  }
0x4e: {  	v2 =	vld.idx.msk [tilespmem:v0+s22+$0x10 ss:$0x1], $0xffff;
	[tilespmem:s23+$0x30] =	vst v7  }
0x4f: {  	[tilespmem:s23+$0xFFFFFFC0] =	vst v8;
	v6 =	vld.idx.msk [tilespmem:v0+s22+$0x20 ss:$0x1], $0xffff;
	s22 =	sshra.s32 s24, $0x2;
	s24 =	sadd.s32 $0x200, s24  }
0x50: {  	_ =	sdelay $0x2  }
0x51: {  	[tilespmem:s23+$0xFFFFFFD0] =	vst v5  }
0x52: {  	v56 =	vld.idx.msk [tilespmem:v0+s22+$0x30 ss:$0x1], $0xffff;
	[tilespmem:s23+$0xFFFFFFE0] =	vst v4  }
0x53: {  	v57 =	vld.idx.msk [tilespmem:v0+s22+$0xFFFFFFC0 ss:$0x1], $0xffff;
	[tilespmem:s23+$0xFFFFFFF0] =	vst v3  }
0x54: {  	v58 =	vld.idx.msk [tilespmem:v0+s22+$0xFFFFFFD0 ss:$0x1], $0xffff;
	[tilespmem:s23+$0x0] =	vst v1  }
0x55: {  	v59 =	vld.idx.msk [tilespmem:v0+s22+$0xFFFFFFE0 ss:$0x1], $0xffff;
	[tilespmem:s23+$0x10] =	vst v2  }
0x56: {  	v60 =	vld.idx.msk [tilespmem:v0+s22+$0xFFFFFFF0 ss:$0x1], $0xffff;
	s31 =	sadd.s32 $0x400, s23;
	[tilespmem:s23+$0x20] =	vst v6  }
0x57: {  	v61 =	vld.idx.msk [tilespmem:v0+s22+$0x0 ss:$0x1], $0xffff;
	[tilespmem:s31+$0x30] =	vst v56  }
0x58: {  	v62 =	vld.idx.msk [tilespmem:v0+s22+$0x10 ss:$0x1], $0xffff;
	s21 =	sadd.s32 $0x1, s21;
	[tilespmem:s31+$0xFFFFFFC0] =	vst v57  }
0x59: {  	v63 =	vld.idx.msk [tilespmem:v0+s22+$0x20 ss:$0x1], $0xffff;
	p0 =	sne.s32 s21, $0x8;
	[tilespmem:s31+$0xFFFFFFD0] =	vst v58  }
.Ltmp5:
0x5a: {  	[tilespmem:s31+$0xFFFFFFE0] =	vst v59;
	(pc) =	sbr.rel @p0 .LBB1_5-.Ltmp5, $4  }
0x5b: {  	[tilespmem:s31+$0xFFFFFFF0] =	vst v60  }
0x5c: {  	[tilespmem:s31+$0x0] =	vst v61  }
0x5d: {  	[tilespmem:s31+$0x10] =	vst v62  }
0x5e: {  	s20 =	sadd.s32 $0x80, s20;
	s19 =	sadd.s32 $0x400, s19;
	[tilespmem:s31+$0x20] =	vst v63  }
0x5f: {  	s18 =	sadd.s32 $0x1, s18  }
0x60: {  	p0 =	sne.s32 s18, s15  }
.Ltmp6:
0x61: {  	_ = 	snop;
	(pc) =	sbr.rel @p0 .LBB1_4-.Ltmp6, $4  }
.Ltmp7:
0x62: {  	_ = 	snop;
	(pc) =	sbr.rel @!p0 .LBB1_9-.Ltmp7, $4  }
0x63: {  	_ = 	snop  }
0x64: {  	_ = 	snop  }
0x65: {  	s16 =	sadd.s32 $0x2000, s16;
	s17 =	sadd.s32 $0x2000, s17  }
0x66: {  	_ = 	snop  }
.LBB1_11:
0x67: {  	_ =	sfence.sel $0x180000  }
0x68: {  	s2 =	simm.s32 $0x1;
	[bflag:$0x0] =	sbarrier.arrive $0xFFFF  }
0x69: {  	s31 =	simm.s32 $0x2;
	[sflag:s2] =	ssyncpa.u1 $0x1  }
0x6a: {  	[sflag:s31] =	ssyncpa.u1 $0x1  }
0x6b: {  	p0 =	sne.s32 s1, $0x0;
	_ =	strace $0x90000050  }
0x6c: {  	s0 =	sadd.s32 @!p0 $0x100000, s0;
	[bflag:$0x2] =	sbarrier.arrive $0xFFFF  }
0x6d: {  	[sflag:s0] =	ssyncadd.tile.s32 @!p0 $0x1;
	_ =	shalt  }
.Lfunc_end1:
_tile_overlayer_lowered:
.L_overlay_start_2:
0x6e: {  	(tag) =	ssettag $0x2  }
0x6f: {  	s0 =	rddreg [dreg:$0x0];
	s2 =	stileid.u32  }
0x70: {  	s1 =	rddreg [dreg:$0x1];
	p0 =	sne.s32 s2, $0x0  }
0x71: {  	s3 =	rddreg [dreg:$0x2];
	[bflag:$0x3] =	sbarrier.arrive $0xFFFF;
	s2 =	simm.s32 @!p0 $0x1C01  }
0x72: {  	[timem:s3], [sflag:s2] =	dma.local @!p0 [hbm:s0], s1  }
0x73: {  	s0 =	simm.s32 @!p0 $0x1  }
0x74: {  	_ =	swait.ge @!p0 [sflag:s0], s1  }
0x75: {  	s1 =	ssub.s32 @!p0 $0x0, s1;
	[sflag:s0] =	ssyncset.done @!p0 $0x0  }
0x76: {  	[sflag:s0] =	ssyncadd.s32 @!p0 s1  }
0x77: {  	[bflag:$0x3] =	sbarrier.arrive $0xFFFF  }
0x78: {  	_ =	shalt  }

// kernel: sparse-core-data-format-call.2.cloned.1.call-start
scs
called_computation.2_lowered:
.L_overlay_start_0:
0x0: {  	s2 =	sld [smem:$0x3FD9]  }
0x1: {  	s3 =	sld [smem:$0x3FFE];
	_ =	sdelay $0x1  }
0x2: {  	s1 =	srdreg.scid  }
0x3: {  	s0 =	sand.u32 $0x1, s1  }
0x4: {  	s18 =	sshll.u32 s0, $0xA;
	s2 =	sadd.s32 s3, s2  }
0x5: {  	s2 =	sadd.s32 s2, s18  }
0x6: {  	[smem:$0x3FC6] =	sst s2  }
0x7: {  	_ = 	snop  }
0x8: {  	(tm) =	ssettm $0x1  }
0x9: {  	s19 =	sld [smem:$0x3FFB];
	_ =	sdelay $0x3  }
0xa: {  	_ =	strace s19  }
0xb: {  	s2 =	sld [smem:$0x3FFC];
	_ =	sdelay $0x3  }
0xc: {  	_ =	strace s2  }
0xd: {  	s2 =	sld [smem:$0x3FFD];
	_ =	sdelay $0x3  }
0xe: {  	_ =	strace s2  }
0xf: {  	_ =	strace $0x8FFFFFFF  }
0x10: {  	s20 =	sld [smem:$0x3FDB];
	_ =	sdelay $0x1  }
0x11: {  	s21 =	simm.s32 $_scs_section_size  }
0x12: {  	s4 =	simm.s32 $_size__tile_overlayer_lowered;
	s5 =	simm.s32 $_tile_overlayer_lowered  }
0x13: {  	s6 =	simm.s32 $0x1BFF;
	s22 =	sshll.u32 s5, $0x1;
	s3 =	sadd.s32 s21, s20  }
0x14: {  	s23 =	simm.s32 $0x0;
	s4 =	sshll.u32 s4, $0x1;
	s5 =	sadd.s32 s22, s3  }
0x15: {  	[timem:s23], [sflag:s6] =	dma.local [hbm:s5], s4  }
0x16: {  	_ =	swait.ge [sflag:s6], s4  }
0x17: {  	s4 =	ssub.s32 $0x0, s4;
	[sflag:s6] =	ssyncset.done $0x0  }
0x18: {  	[sflag:s6] =	ssyncadd.s32 s4;
	_ =	sdelay $0x1  }
0x19: {  	s24 =	simm.s32 $0x1B8B  }
0x1a: {  	_ =	swait.ge [sflag:s24], $0x1  }
0x1b: {  	[sflag:s24] =	ssyncset.done $0x0  }
0x1c: {  	[sflag:s24] =	ssyncadd.s32 $0xFFFFFFFF  }
0x1d: {  	s4 =	sld [smem:$0x0]  }
0x1e: {  	s5 =	sand.u32 $0xFFFFFFFE, s1  }
0x1f: {  	p0 =	sne.s32 s1, s5  }
0x20: {  	s5 =	sshll.u32 @p0 s5, $0xE  }
0x21: {  	s5 =	sadd.s32 @p0 $0x11B8D, s5;
	s6 =	sshll.u32 @p0 s4, $0x11  }
0x22: {  	s5 =	sor.u32 @p0 s6, s5  }
0x23: {  	[sflag:s5] =	ssyncadd.remote.s32 @p0 $0x1;
	_ =	sdelay $0x1  }
0x24: {  	s5 =	simm.s32 @p0 $0x1B8D  }
0x25: {  	_ =	swait.eq @p0 [sflag:s5], $0x1  }
0x26: {  	[sflag:s5] =	ssyncadd.s32 @p0 $0xFFFFFFFF  }
0x27: {  	s6 =	sshll.u32 @!p0 s1, $0xE  }
0x28: {  	s6 =	sor.u32 @!p0 $0x4000, s6;
	s5 =	simm.s32 @!p0 $0x1B8D  }
0x29: {  	s4 =	sshll.u32 @!p0 s4, $0x11;
	s6 =	sadd.s32 @!p0 $0x11B8D, s6;
	_ =	swait.eq @!p0 [sflag:s5], $0x1  }
0x2a: {  	s4 =	sor.u32 @!p0 s4, s6;
	[sflag:s5] =	ssyncadd.s32 @!p0 $0xFFFFFFFF  }
0x2b: {  	s26 =	simm.s32 $0x1B8E;
	s25 =	sld [smem:$0x3FFE];
	[sflag:s4] =	ssyncadd.remote.s32 @!p0 $0x1  }
0x2c: {  	s27 =	simm.s32 $execute0_lowered;
	[smem:$0x3FD2] =	sst s26  }
0x2d: {  	s5 =	sshll.u32 s27, $0x1;
	_ =	strace $0x80000052;
	[dreg:$0x1] =	wrdreg $0xFFFFFFFF  }
0x2e: {  	s28 =	simm.s32 $_size_execute0_lowered;
	s3 =	sadd.s32 s3, s5;
	[dreg:$0x0] =	wrdreg $0x0  }
0x2f: {  	s5 =	sshll.u32 s28, $0x1;
	[dreg:$0x2] =	wrdreg s3  }
0x30: {  	[dreg:$0x3] =	wrdreg s5  }
0x31: {  	[dreg:$0x4] =	wrdreg $0xC0  }
0x32: {  	_ =	task [dreg:s23], $0x5FFFF  }
0x33: {  	[dreg:$0x1] =	wrdreg $0xFFFFFFFF  }
0x34: {  	[dreg:$0x0] =	wrdreg $0x60  }
0x35: {  	[dreg:$0x2] =	wrdreg s25  }
0x36: {  	[dreg:$0x3] =	wrdreg $0xB  }
0x37: {  	_ =	task.clear_ibuf [dreg:s23], $0x4FFFF;
	_ =	strace $0x90000052  }
0x38: {  	s29 =	simm.s32 $0xB;
	_ =	strace $0x80000054  }
0x39: {  	_ =	swait.ge [sflag:s29], $0x1  }
0x3a: {  	[sflag:s29] =	ssyncadd.s32 $0xFFFFFFFF  }
0x3b: {  	_ =	strace $0x90000054  }
0x3c: {  	_ =	sfence  }
0x3d: {  	s30 =	sld [smem:$0x0];
	_ =	sdelay $0x2  }
0x3e: {  	s31 =	sshll.u32 s1, $0xD;
	s1 =	sshrl.u32 s1, $0x2  }
0x3f: {  	s4 =	sand.u32 $0x4000, s31;
	s1 =	sadd.s32 s1, s30  }
0x40: {  	s0 =	sor.u32 s4, s0;
	s1 =	sshll.u32 s1, $0x11  }
0x41: {  	s0 =	sor.u32 s1, s0  }
0x42: {  	s0 =	sadd.s32 $0x8F2B, s0  }
0x43: {  	[sflag:s0] =	ssyncadd.remote.s32 $0x1  }
0x44: {  	_ =	sfence.sel $0xFFFF  }
0x45: {  	[dreg:$0x0] =	wrdreg $0xFFFFFFFF;
	(pc) =	sbr.abs _section_cstart, $3  }
0x46: {  	[dreg:$0x1] =	wrdreg $0xFFFFFFFF  }
0x47: {  	_ =	task.clear_ibuf [dreg:s23], $0x2FFFF;
	_ =	strace $0x9FFFFFFF  }
0x48: {  	(tm) =	ssettm $0x7FFFFFFF  }
0x49: {  	_ =	shalt  }
tec
execute0_lowered:
.L_overlay_start_1:
0x0: {  	(tag) =	ssettag $0x1  }
0x1: {  	s0 =	srdreg.scid  }
0x2: {  	s5 =	rddreg [dreg:$0x0];
	s1 =	stileid.u32;
	s4 =	simm.s32 $0x1  }
0x3: {  	s6 =	simm.s32 $0x2;
	s8 =	simm.s32 $0x0;
	s2 =	sshll.u32 s0, $0x4  }
0x4: {  	s9 =	simm.s32 $0x0;
	s13 =	simm.s32 $0x0;
	s2 =	sand.u32 $0x10, s2  }
.Ltmp0:
0x5: {  	s10 =	simm.s32 $0x0;
	s3 =	sor.u32 s1, s2;
	(pc) =	sbr.rel .LBB1_1-.Ltmp0, $4  }
0x6: {  	s0 =	rddreg [dreg:$0x1];
	_ =	strace $0x80000053;
	s3 =	sshll.u32 s3, $0x1  }
0x7: {  	s12 =	simm.s32 $0x0;
	[sflag:s4] =	ssyncpa.u1 $0x0;
	s7 =	ssub.s32 $0x400, s3  }
0x8: {  	s2 =	sadd.s32 $0x103400, s5;
	[sflag:s6] =	ssyncpa.u1 $0x0;
	s6 =	sshrl.u32 s7, $0x6  }
0x9: {  	s5 =	sadd.s32 $0x604600, s5;
	s11 =	smov.u32 s3;
	s7 =	sadd.s32 $0x2, s6  }
.LBB1_9:
0xa: {  	s15 =	sshll.u32 s12, $0xE  }
0xb: {  	s16 =	sshll.u32 s10, $0xA;
	s15 =	sand.u32 $0x4000, s15  }
0xc: {  	s16 =	sadd.s32 s5, s16;
	s15 =	sor.u32 $0x8000, s15  }
0xd: {  	[hbm4b:s16+s8] =	stream.linear.scatter [tilespmem:s15], [sflag:$0x2], s14, $0x38;
	[tilespmem:$0x10000] =	vst v63  }
.LBB1_10:
0xe: {  	p0 =	slt.u32 s12, $0x2  }
0xf: {  	p1 =	sgt.s32 @!p0 s13, $0x3FF  }
0x10: {  	s14 =	smov.u32 s13;
	s15 =	sshra.s32 @!p0 s13, $0x1F;
	p1 =	por !p1, p0  }
0x11: {  	s13 =	sand.u32 @!p0 s15, s13;
	s14 =	simm.s32 @p1 $0x3FF  }
0x12: {  	s13 =	ssub.s32 @!p0 s14, s13  }
0x13: {  	s13 =	sadd.s32 @!p0 $0xFFFFFC01, s13  }
0x14: {  	s14 =	sshll.u32 @!p0 s13, $0xF  }
0x15: {  	p1 =	sgt.s32 @!p0 s13, $0x1;
	s13 =	ssub.s32 @!p0 $0x10000, s14  }
0x16: {  	s15 =	sadd.s32 $0x40, s11;
	p1 =	por !p1, p0;
	s13 =	sshrl.u32 @!p0 s13, $0x2  }
0x17: {  	s13 =	simm.s32 @!p1 $0x0;
	p1 =	sgt.s32 s15, $0x400  }
0x18: {  	s15 =	smov.u32 @p1 s3;
	p1 =	sne.s32 s12, s7  }
.Ltmp1:
0x19: {  	_ = 	snop;
	(pc) =	sbr.rel @!p1 .LBB1_11-.Ltmp1, $4  }
0x1a: {  	s14 =	simm.s32 @!p0 $0x2  }
0x1b: {  	s9 =	sadd.s32 $0x4000, s9;
	_ =	swait.ge @!p0 [sflag:s14], s13;
	s16 =	ssub.s32 @!p0 $0x0, s13  }
0x1c: {  	s13 =	smov.u32 s10;
	s12 =	sadd.s32 $0x1, s12;
	[sflag:s14] =	ssyncset.done @!p0 $0x0  }
0x1d: {  	s10 =	smov.u32 s11;
	s11 =	smov.u32 s15;
	[sflag:s14] =	ssyncadd.s32 @!p0 s16  }
.LBB1_1:
0x1e: {  	p0 =	sgt.u32 s12, s6  }
0x1f: {  	p1 =	sgt.s32 @!p0 s11, $0x3FF  }
0x20: {  	s14 =	smov.u32 s11;
	s15 =	sshra.s32 @!p0 s11, $0x1F;
	p1 =	por !p1, p0  }
0x21: {  	s15 =	sand.u32 @!p0 s15, s11;
	s14 =	simm.s32 @p1 $0x3FF  }
0x22: {  	s14 =	ssub.s32 @!p0 s14, s15  }
0x23: {  	s14 =	sadd.s32 @!p0 $0xFFFFFC01, s14  }
0x24: {  	s17 =	simm.s32 @!p0 $0x0;
	s15 =	sxor.u32 @!p0 $0xFFFFFFFF, s12;
	s16 =	sshll.u32 @!p0 s14, $0xF  }
0x25: {  	s15 =	sshll.u32 @!p0 s15, $0xE;
	p1 =	sgt.s32 @!p0 s14, $0x1;
	s14 =	ssub.s32 @!p0 $0x10000, s16  }
0x26: {  	p1 =	por !p1, p0;
	s16 =	sshll.u32 @!p0 s11, $0xA;
	s14 =	sshrl.u32 @!p0 s14, $0x2  }
0x27: {  	s15 =	sand.u32 @!p0 $0x4000, s15;
	s16 =	sadd.s32 @!p0 s2, s16;
	s14 =	simm.s32 @!p1 $0x0  }
0x28: {  	[tilespmem:s15], [sflag:$0x1] =	stream.linear.gather @!p0 [hbm4b:s16+s17], s14, $0x38;
	[tilespmem:$0x10000] =	vst v63  }
0x29: {  	p0 =	seq.s32 s12, $0x0  }
0x2a: {  	p1 =	sge.u32 @!p0 s12, s7  }
0x2b: {  	p0 =	por p0, p1  }
.Ltmp2:
0x2c: {  	_ = 	snop;
	(pc) =	sbr.rel @p0 .LBB1_10-.Ltmp2, $1  }
0x2d: {  	_ =	sdelay $0x3  }
0x2e: {  	p0 =	sgt.s32 s10, $0x3FF;
	s14 =	smov.u32 s10;
	s15 =	sshra.s32 s10, $0x1F  }
0x2f: {  	s14 =	simm.s32 @!p0 $0x3FF;
	s15 =	sand.u32 s15, s10  }
0x30: {  	s14 =	ssub.s32 s14, s15  }
0x31: {  	s16 =	sadd.s32 $0x2, s10;
	s14 =	sadd.s32 $0xFFFFFC01, s14  }
0x32: {  	p1 =	slt.s32 s16, $0x401;
	s30 =	sshll.u32 s14, $0xF  }
0x33: {  	s16 =	simm.s32 @!p1 $0x401;
	s15 =	ssub.s32 $0x10000, s30  }
0x34: {  	p0 =	sgt.s32 s14, $0x1;
	s14 =	sshrl.u32 s15, $0x2;
	s15 =	ssub.s32 s16, s10  }
0x35: {  	s14 =	simm.s32 @p0 $0x0;
	p0 =	slt.s32 s15, $0x1  }
.Ltmp3:
0x36: {  	_ = 	snop;
	(pc) =	sbr.rel @p0 .LBB1_9-.Ltmp3, $4  }
0x37: {  	_ = 	snop  }
0x38: {  	_ =	swait.ge [sflag:s4], s14  }
0x39: {  	s31 =	ssub.s32 $0x0, s14;
	[sflag:s4] =	ssyncset.done $0x0  }
0x3a: {  	[sflag:s4] =	ssyncadd.s32 s31  }
0x3b: {  	s17 =	sand.u32 $0x4000, s9  }
0x3c: {  	s18 =	simm.s32 $0x0;
	s16 =	sor.u32 $0x8040, s17;
	s17 =	sor.u32 $0x40, s17  }
.LBB1_4:
0x3d: {  	s19 =	smov.u32 s17;
	s20 =	smov.u32 s16;
	s21 =	simm.s32 $0x0  }
.LBB1_5:
0x3e: {  	v0 =	vmov s19;
	_ =	sdelay $0x3  }
0x3f: {  	s23 =	simm.s32 $0x0  }
0x40: {  	v6 =	vld.idx.msk [tilespmem:v0+s23+$0x30 ss:$0x1], $0xffff  }
0x41: {  	v7 =	vld.idx.msk [tilespmem:v0+s23+$0xFFFFFFC0 ss:$0x1], $0xffff  }
0x42: {  	v5 =	vld.idx.msk [tilespmem:v0+s23+$0xFFFFFFD0 ss:$0x1], $0xffff  }
0x43: {  	v4 =	vld.idx.msk [tilespmem:v0+s23+$0xFFFFFFE0 ss:$0x1], $0xffff  }
0x44: {  	v3 =	vld.idx.msk [tilespmem:v0+s23+$0xFFFFFFF0 ss:$0x1], $0xffff  }
0x45: {  	v1 =	vld.idx.msk [tilespmem:v0+s23+$0x0 ss:$0x1], $0xffff  }
0x46: {  	v2 =	vld.idx.msk [tilespmem:v0+s23+$0x10 ss:$0x1], $0xffff;
	[tilespmem:s20+$0x30] =	vst v6  }
0x47: {  	s22 =	simm.s32 $0x80;
	s24 =	simm.s32 $0x400;
	[tilespmem:s20+$0xFFFFFFC0] =	vst v7;
	v6 =	vld.idx.msk [tilespmem:v0+s23+$0x20 ss:$0x1], $0xffff;
	s23 =	smov.u32 s20  }
.LBB1_6:
0x48: {  	p0 =	sne.s32 s24, $0xE00;
	v7 =	vld.idx.msk [tilespmem:v0+s22+$0x30 ss:$0x1], $0xffff;
	[tilespmem:s23+$0xFFFFFFD0] =	vst v5  }
0x49: {  	v8 =	vld.idx.msk [tilespmem:v0+s22+$0xFFFFFFC0 ss:$0x1], $0xffff;
	[tilespmem:s23+$0xFFFFFFE0] =	vst v4  }
0x4a: {  	v5 =	vld.idx.msk [tilespmem:v0+s22+$0xFFFFFFD0 ss:$0x1], $0xffff;
	[tilespmem:s23+$0xFFFFFFF0] =	vst v3  }
.Ltmp4:
0x4b: {  	v4 =	vld.idx.msk [tilespmem:v0+s22+$0xFFFFFFE0 ss:$0x1], $0xffff;
	[tilespmem:s23+$0x0] =	vst v1;
	(pc) =	sbr.rel @p0 .LBB1_6-.Ltmp4, $4  }
0x4c: {  	v3 =	vld.idx.msk [tilespmem:v0+s22+$0xFFFFFFF0 ss:$0x1], $0xffff;
	[tilespmem:s23+$0x10] =	vst v2  }
0x4d: {  	v1 =	vld.idx.msk [tilespmem:v0+s22+$0x0 ss:$0x1], $0xffff;
	[tilespmem:s23+$0x20] =	vst v6;
	s23 =	sadd.s32 $0x400, s23  }
0x4e: {  	v2 =	vld.idx.msk [tilespmem:v0+s22+$0x10 ss:$0x1], $0xffff;
	[tilespmem:s23+$0x30] =	vst v7  }
0x4f: {  	[tilespmem:s23+$0xFFFFFFC0] =	vst v8;
	v6 =	vld.idx.msk [tilespmem:v0+s22+$0x20 ss:$0x1], $0xffff;
	s22 =	sshra.s32 s24, $0x2;
	s24 =	sadd.s32 $0x200, s24  }
0x50: {  	_ =	sdelay $0x2  }
0x51: {  	[tilespmem:s23+$0xFFFFFFD0] =	vst v5  }
0x52: {  	v56 =	vld.idx.msk [tilespmem:v0+s22+$0x30 ss:$0x1], $0xffff;
	[tilespmem:s23+$0xFFFFFFE0] =	vst v4  }
0x53: {  	v57 =	vld.idx.msk [tilespmem:v0+s22+$0xFFFFFFC0 ss:$0x1], $0xffff;
	[tilespmem:s23+$0xFFFFFFF0] =	vst v3  }
0x54: {  	v58 =	vld.idx.msk [tilespmem:v0+s22+$0xFFFFFFD0 ss:$0x1], $0xffff;
	[tilespmem:s23+$0x0] =	vst v1  }
0x55: {  	v59 =	vld.idx.msk [tilespmem:v0+s22+$0xFFFFFFE0 ss:$0x1], $0xffff;
	[tilespmem:s23+$0x10] =	vst v2  }
0x56: {  	v60 =	vld.idx.msk [tilespmem:v0+s22+$0xFFFFFFF0 ss:$0x1], $0xffff;
	s31 =	sadd.s32 $0x400, s23;
	[tilespmem:s23+$0x20] =	vst v6  }
0x57: {  	v61 =	vld.idx.msk [tilespmem:v0+s22+$0x0 ss:$0x1], $0xffff;
	[tilespmem:s31+$0x30] =	vst v56  }
0x58: {  	v62 =	vld.idx.msk [tilespmem:v0+s22+$0x10 ss:$0x1], $0xffff;
	s21 =	sadd.s32 $0x1, s21;
	[tilespmem:s31+$0xFFFFFFC0] =	vst v57  }
0x59: {  	v63 =	vld.idx.msk [tilespmem:v0+s22+$0x20 ss:$0x1], $0xffff;
	p0 =	sne.s32 s21, $0x8;
	[tilespmem:s31+$0xFFFFFFD0] =	vst v58  }
.Ltmp5:
0x5a: {  	[tilespmem:s31+$0xFFFFFFE0] =	vst v59;
	(pc) =	sbr.rel @p0 .LBB1_5-.Ltmp5, $4  }
0x5b: {  	[tilespmem:s31+$0xFFFFFFF0] =	vst v60  }
0x5c: {  	[tilespmem:s31+$0x0] =	vst v61  }
0x5d: {  	[tilespmem:s31+$0x10] =	vst v62  }
0x5e: {  	s20 =	sadd.s32 $0x80, s20;
	s19 =	sadd.s32 $0x400, s19;
	[tilespmem:s31+$0x20] =	vst v63  }
0x5f: {  	s18 =	sadd.s32 $0x1, s18  }
0x60: {  	p0 =	sne.s32 s18, s15  }
.Ltmp6:
0x61: {  	_ = 	snop;
	(pc) =	sbr.rel @p0 .LBB1_4-.Ltmp6, $4  }
.Ltmp7:
0x62: {  	_ = 	snop;
	(pc) =	sbr.rel @!p0 .LBB1_9-.Ltmp7, $4  }
0x63: {  	_ = 	snop  }
0x64: {  	_ = 	snop  }
0x65: {  	s16 =	sadd.s32 $0x2000, s16;
	s17 =	sadd.s32 $0x2000, s17  }
0x66: {  	_ = 	snop  }
.LBB1_11:
0x67: {  	_ =	sfence.sel $0x180000  }
0x68: {  	s2 =	simm.s32 $0x1;
	[bflag:$0x0] =	sbarrier.arrive $0xFFFF  }
0x69: {  	s31 =	simm.s32 $0x2;
	[sflag:s2] =	ssyncpa.u1 $0x1  }
0x6a: {  	[sflag:s31] =	ssyncpa.u1 $0x1  }
0x6b: {  	p0 =	sne.s32 s1, $0x0;
	_ =	strace $0x90000053  }
0x6c: {  	s0 =	sadd.s32 @!p0 $0x100000, s0;
	[bflag:$0x2] =	sbarrier.arrive $0xFFFF  }
0x6d: {  	[sflag:s0] =	ssyncadd.tile.s32 @!p0 $0x1;
	_ =	shalt  }
.Lfunc_end1:
_tile_overlayer_lowered:
.L_overlay_start_2:
0x6e: {  	(tag) =	ssettag $0x2  }
0x6f: {  	s0 =	rddreg [dreg:$0x0];
	s2 =	stileid.u32  }
0x70: {  	s1 =	rddreg [dreg:$0x1];
	p0 =	sne.s32 s2, $0x0  }
0x71: {  	s3 =	rddreg [dreg:$0x2];
	[bflag:$0x3] =	sbarrier.arrive $0xFFFF;
	s2 =	simm.s32 @!p0 $0x1C01  }
0x72: {  	[timem:s3], [sflag:s2] =	dma.local @!p0 [hbm:s0], s1  }
0x73: {  	s0 =	simm.s32 @!p0 $0x1  }
0x74: {  	_ =	swait.ge @!p0 [sflag:s0], s1  }
0x75: {  	s1 =	ssub.s32 @!p0 $0x0, s1;
	[sflag:s0] =	ssyncset.done @!p0 $0x0  }
0x76: {  	[sflag:s0] =	ssyncadd.s32 @!p0 s1  }
0x77: {  	[bflag:$0x3] =	sbarrier.arrive $0xFFFF  }
0x78: {  	_ =	shalt  }

// kernel: sparse-core-data-format-call.3.cloned.1.call-start
scs
called_computation.3_lowered:
.L_overlay_start_0:
0x0: {  	s2 =	sld [smem:$0x3FD9]  }
0x1: {  	s3 =	sld [smem:$0x3FFE];
	_ =	sdelay $0x1  }
0x2: {  	s1 =	srdreg.scid  }
0x3: {  	s0 =	sand.u32 $0x1, s1  }
0x4: {  	s18 =	sshll.u32 s0, $0xA;
	s2 =	sadd.s32 s3, s2  }
0x5: {  	s2 =	sadd.s32 s2, s18  }
0x6: {  	[smem:$0x3FC6] =	sst s2  }
0x7: {  	_ = 	snop  }
0x8: {  	(tm) =	ssettm $0x1  }
0x9: {  	s19 =	sld [smem:$0x3FFB];
	_ =	sdelay $0x3  }
0xa: {  	_ =	strace s19  }
0xb: {  	s2 =	sld [smem:$0x3FFC];
	_ =	sdelay $0x3  }
0xc: {  	_ =	strace s2  }
0xd: {  	s2 =	sld [smem:$0x3FFD];
	_ =	sdelay $0x3  }
0xe: {  	_ =	strace s2  }
0xf: {  	_ =	strace $0x8FFFFFFF  }
0x10: {  	s20 =	sld [smem:$0x3FDB];
	_ =	sdelay $0x1  }
0x11: {  	s21 =	simm.s32 $_scs_section_size  }
0x12: {  	s4 =	simm.s32 $_size__tile_overlayer_lowered;
	s5 =	simm.s32 $_tile_overlayer_lowered  }
0x13: {  	s6 =	simm.s32 $0x1BFF;
	s22 =	sshll.u32 s5, $0x1;
	s3 =	sadd.s32 s21, s20  }
0x14: {  	s23 =	simm.s32 $0x0;
	s4 =	sshll.u32 s4, $0x1;
	s5 =	sadd.s32 s22, s3  }
0x15: {  	[timem:s23], [sflag:s6] =	dma.local [hbm:s5], s4  }
0x16: {  	_ =	swait.ge [sflag:s6], s4  }
0x17: {  	s4 =	ssub.s32 $0x0, s4;
	[sflag:s6] =	ssyncset.done $0x0  }
0x18: {  	[sflag:s6] =	ssyncadd.s32 s4;
	_ =	sdelay $0x1  }
0x19: {  	s24 =	simm.s32 $0x1B8B  }
0x1a: {  	_ =	swait.ge [sflag:s24], $0x1  }
0x1b: {  	[sflag:s24] =	ssyncset.done $0x0  }
0x1c: {  	[sflag:s24] =	ssyncadd.s32 $0xFFFFFFFF  }
0x1d: {  	s4 =	sld [smem:$0x0]  }
0x1e: {  	s5 =	sand.u32 $0xFFFFFFFE, s1  }
0x1f: {  	p0 =	sne.s32 s1, s5  }
0x20: {  	s5 =	sshll.u32 @p0 s5, $0xE  }
0x21: {  	s5 =	sadd.s32 @p0 $0x11B8D, s5;
	s6 =	sshll.u32 @p0 s4, $0x11  }
0x22: {  	s5 =	sor.u32 @p0 s6, s5  }
0x23: {  	[sflag:s5] =	ssyncadd.remote.s32 @p0 $0x1;
	_ =	sdelay $0x1  }
0x24: {  	s5 =	simm.s32 @p0 $0x1B8D  }
0x25: {  	_ =	swait.eq @p0 [sflag:s5], $0x1  }
0x26: {  	[sflag:s5] =	ssyncadd.s32 @p0 $0xFFFFFFFF  }
0x27: {  	s6 =	sshll.u32 @!p0 s1, $0xE  }
0x28: {  	s6 =	sor.u32 @!p0 $0x4000, s6;
	s5 =	simm.s32 @!p0 $0x1B8D  }
0x29: {  	s4 =	sshll.u32 @!p0 s4, $0x11;
	s6 =	sadd.s32 @!p0 $0x11B8D, s6;
	_ =	swait.eq @!p0 [sflag:s5], $0x1  }
0x2a: {  	s4 =	sor.u32 @!p0 s4, s6;
	[sflag:s5] =	ssyncadd.s32 @!p0 $0xFFFFFFFF  }
0x2b: {  	s26 =	simm.s32 $0x1B8E;
	s25 =	sld [smem:$0x3FFE];
	[sflag:s4] =	ssyncadd.remote.s32 @!p0 $0x1  }
0x2c: {  	s27 =	simm.s32 $execute0_lowered;
	[smem:$0x3FD2] =	sst s26  }
0x2d: {  	s5 =	sshll.u32 s27, $0x1;
	_ =	strace $0x80000055;
	[dreg:$0x1] =	wrdreg $0xFFFFFFFF  }
0x2e: {  	s28 =	simm.s32 $_size_execute0_lowered;
	s3 =	sadd.s32 s3, s5;
	[dreg:$0x0] =	wrdreg $0x0  }
0x2f: {  	s5 =	sshll.u32 s28, $0x1;
	[dreg:$0x2] =	wrdreg s3  }
0x30: {  	[dreg:$0x3] =	wrdreg s5  }
0x31: {  	[dreg:$0x4] =	wrdreg $0xC0  }
0x32: {  	_ =	task [dreg:s23], $0x5FFFF  }
0x33: {  	[dreg:$0x1] =	wrdreg $0xFFFFFFFF  }
0x34: {  	[dreg:$0x0] =	wrdreg $0x60  }
0x35: {  	[dreg:$0x2] =	wrdreg s25  }
0x36: {  	[dreg:$0x3] =	wrdreg $0xC  }
0x37: {  	_ =	task.clear_ibuf [dreg:s23], $0x4FFFF;
	_ =	strace $0x90000055  }
0x38: {  	s29 =	simm.s32 $0xC;
	_ =	strace $0x80000057  }
0x39: {  	_ =	swait.ge [sflag:s29], $0x1  }
0x3a: {  	[sflag:s29] =	ssyncadd.s32 $0xFFFFFFFF  }
0x3b: {  	_ =	strace $0x90000057  }
0x3c: {  	_ =	sfence  }
0x3d: {  	s30 =	sld [smem:$0x0];
	_ =	sdelay $0x2  }
0x3e: {  	s31 =	sshll.u32 s1, $0xD;
	s1 =	sshrl.u32 s1, $0x2  }
0x3f: {  	s4 =	sand.u32 $0x4000, s31;
	s1 =	sadd.s32 s1, s30  }
0x40: {  	s0 =	sor.u32 s4, s0;
	s1 =	sshll.u32 s1, $0x11  }
0x41: {  	s0 =	sor.u32 s1, s0  }
0x42: {  	s0 =	sadd.s32 $0x8F2B, s0  }
0x43: {  	[sflag:s0] =	ssyncadd.remote.s32 $0x1  }
0x44: {  	_ =	sfence.sel $0xFFFF  }
0x45: {  	[dreg:$0x0] =	wrdreg $0xFFFFFFFF;
	(pc) =	sbr.abs _section_cstart, $3  }
0x46: {  	[dreg:$0x1] =	wrdreg $0xFFFFFFFF  }
0x47: {  	_ =	task.clear_ibuf [dreg:s23], $0x2FFFF;
	_ =	strace $0x9FFFFFFF  }
0x48: {  	(tm) =	ssettm $0x7FFFFFFF  }
0x49: {  	_ =	shalt  }
tec
execute0_lowered:
.L_overlay_start_1:
0x0: {  	(tag) =	ssettag $0x1  }
0x1: {  	s0 =	srdreg.scid  }
0x2: {  	s5 =	rddreg [dreg:$0x0];
	s1 =	stileid.u32;
	s4 =	simm.s32 $0x1  }
0x3: {  	s6 =	simm.s32 $0x2;
	s8 =	simm.s32 $0x0;
	s2 =	sshll.u32 s0, $0x4  }
0x4: {  	s9 =	simm.s32 $0x0;
	s13 =	simm.s32 $0x0;
	s2 =	sand.u32 $0x10, s2  }
.Ltmp0:
0x5: {  	s10 =	simm.s32 $0x0;
	s3 =	sor.u32 s1, s2;
	(pc) =	sbr.rel .LBB1_1-.Ltmp0, $4  }
0x6: {  	s0 =	rddreg [dreg:$0x1];
	_ =	strace $0x80000056;
	s3 =	sshll.u32 s3, $0x1  }
0x7: {  	s12 =	simm.s32 $0x0;
	[sflag:s4] =	ssyncpa.u1 $0x0;
	s7 =	ssub.s32 $0x400, s3  }
0x8: {  	s2 =	sadd.s32 $0x704A00, s5;
	[sflag:s6] =	ssyncpa.u1 $0x0;
	s6 =	sshrl.u32 s7, $0x6  }
0x9: {  	s5 =	sadd.s32 $0x804E00, s5;
	s11 =	smov.u32 s3;
	s7 =	sadd.s32 $0x2, s6  }
.LBB1_9:
0xa: {  	s15 =	sshll.u32 s12, $0xE  }
0xb: {  	s16 =	sshll.u32 s10, $0xA;
	s15 =	sand.u32 $0x4000, s15  }
0xc: {  	s16 =	sadd.s32 s5, s16;
	s15 =	sor.u32 $0x8000, s15  }
0xd: {  	[hbm4b:s16+s8] =	stream.linear.scatter [tilespmem:s15], [sflag:$0x2], s14, $0x38;
	[tilespmem:$0x10000] =	vst v63  }
.LBB1_10:
0xe: {  	p0 =	slt.u32 s12, $0x2  }
0xf: {  	p1 =	sgt.s32 @!p0 s13, $0x3FF  }
0x10: {  	s14 =	smov.u32 s13;
	s15 =	sshra.s32 @!p0 s13, $0x1F;
	p1 =	por !p1, p0  }
0x11: {  	s13 =	sand.u32 @!p0 s15, s13;
	s14 =	simm.s32 @p1 $0x3FF  }
0x12: {  	s13 =	ssub.s32 @!p0 s14, s13  }
0x13: {  	s13 =	sadd.s32 @!p0 $0xFFFFFC01, s13  }
0x14: {  	s14 =	sshll.u32 @!p0 s13, $0xF  }
0x15: {  	p1 =	sgt.s32 @!p0 s13, $0x1;
	s13 =	ssub.s32 @!p0 $0x10000, s14  }
0x16: {  	s15 =	sadd.s32 $0x40, s11;
	p1 =	por !p1, p0;
	s13 =	sshrl.u32 @!p0 s13, $0x2  }
0x17: {  	s13 =	simm.s32 @!p1 $0x0;
	p1 =	sgt.s32 s15, $0x400  }
0x18: {  	s15 =	smov.u32 @p1 s3;
	p1 =	sne.s32 s12, s7  }
.Ltmp1:
0x19: {  	_ = 	snop;
	(pc) =	sbr.rel @!p1 .LBB1_11-.Ltmp1, $4  }
0x1a: {  	s14 =	simm.s32 @!p0 $0x2  }
0x1b: {  	s9 =	sadd.s32 $0x4000, s9;
	_ =	swait.ge @!p0 [sflag:s14], s13;
	s16 =	ssub.s32 @!p0 $0x0, s13  }
0x1c: {  	s13 =	smov.u32 s10;
	s12 =	sadd.s32 $0x1, s12;
	[sflag:s14] =	ssyncset.done @!p0 $0x0  }
0x1d: {  	s10 =	smov.u32 s11;
	s11 =	smov.u32 s15;
	[sflag:s14] =	ssyncadd.s32 @!p0 s16  }
.LBB1_1:
0x1e: {  	p0 =	sgt.u32 s12, s6  }
0x1f: {  	p1 =	sgt.s32 @!p0 s11, $0x3FF  }
0x20: {  	s14 =	smov.u32 s11;
	s15 =	sshra.s32 @!p0 s11, $0x1F;
	p1 =	por !p1, p0  }
0x21: {  	s15 =	sand.u32 @!p0 s15, s11;
	s14 =	simm.s32 @p1 $0x3FF  }
0x22: {  	s14 =	ssub.s32 @!p0 s14, s15  }
0x23: {  	s14 =	sadd.s32 @!p0 $0xFFFFFC01, s14  }
0x24: {  	s17 =	simm.s32 @!p0 $0x0;
	s15 =	sxor.u32 @!p0 $0xFFFFFFFF, s12;
	s16 =	sshll.u32 @!p0 s14, $0xF  }
0x25: {  	s15 =	sshll.u32 @!p0 s15, $0xE;
	p1 =	sgt.s32 @!p0 s14, $0x1;
	s14 =	ssub.s32 @!p0 $0x10000, s16  }
0x26: {  	p1 =	por !p1, p0;
	s16 =	sshll.u32 @!p0 s11, $0xA;
	s14 =	sshrl.u32 @!p0 s14, $0x2  }
0x27: {  	s15 =	sand.u32 @!p0 $0x4000, s15;
	s16 =	sadd.s32 @!p0 s2, s16;
	s14 =	simm.s32 @!p1 $0x0  }
0x28: {  	[tilespmem:s15], [sflag:$0x1] =	stream.linear.gather @!p0 [hbm4b:s16+s17], s14, $0x38;
	[tilespmem:$0x10000] =	vst v63  }
0x29: {  	p0 =	seq.s32 s12, $0x0  }
0x2a: {  	p1 =	sge.u32 @!p0 s12, s7  }
0x2b: {  	p0 =	por p0, p1  }
.Ltmp2:
0x2c: {  	_ = 	snop;
	(pc) =	sbr.rel @p0 .LBB1_10-.Ltmp2, $1  }
0x2d: {  	_ =	sdelay $0x3  }
0x2e: {  	p0 =	sgt.s32 s10, $0x3FF;
	s14 =	smov.u32 s10;
	s15 =	sshra.s32 s10, $0x1F  }
0x2f: {  	s14 =	simm.s32 @!p0 $0x3FF;
	s15 =	sand.u32 s15, s10  }
0x30: {  	s14 =	ssub.s32 s14, s15  }
0x31: {  	s16 =	sadd.s32 $0x2, s10;
	s14 =	sadd.s32 $0xFFFFFC01, s14  }
0x32: {  	p1 =	slt.s32 s16, $0x401;
	s30 =	sshll.u32 s14, $0xF  }
0x33: {  	s16 =	simm.s32 @!p1 $0x401;
	s15 =	ssub.s32 $0x10000, s30  }
0x34: {  	p0 =	sgt.s32 s14, $0x1;
	s14 =	sshrl.u32 s15, $0x2;
	s15 =	ssub.s32 s16, s10  }
0x35: {  	s14 =	simm.s32 @p0 $0x0;
	p0 =	slt.s32 s15, $0x1  }
.Ltmp3:
0x36: {  	_ = 	snop;
	(pc) =	sbr.rel @p0 .LBB1_9-.Ltmp3, $4  }
0x37: {  	_ = 	snop  }
0x38: {  	_ =	swait.ge [sflag:s4], s14  }
0x39: {  	s31 =	ssub.s32 $0x0, s14;
	[sflag:s4] =	ssyncset.done $0x0  }
0x3a: {  	[sflag:s4] =	ssyncadd.s32 s31  }
0x3b: {  	s17 =	sand.u32 $0x4000, s9  }
0x3c: {  	s18 =	simm.s32 $0x0;
	s16 =	sor.u32 $0x8040, s17;
	s17 =	sor.u32 $0x40, s17  }
.LBB1_4:
0x3d: {  	s19 =	smov.u32 s17;
	s20 =	smov.u32 s16;
	s21 =	simm.s32 $0x0  }
.LBB1_5:
0x3e: {  	v0 =	vmov s19;
	_ =	sdelay $0x3  }
0x3f: {  	s23 =	simm.s32 $0x0  }
0x40: {  	v6 =	vld.idx.msk [tilespmem:v0+s23+$0x30 ss:$0x1], $0xffff  }
0x41: {  	v7 =	vld.idx.msk [tilespmem:v0+s23+$0xFFFFFFC0 ss:$0x1], $0xffff  }
0x42: {  	v5 =	vld.idx.msk [tilespmem:v0+s23+$0xFFFFFFD0 ss:$0x1], $0xffff  }
0x43: {  	v4 =	vld.idx.msk [tilespmem:v0+s23+$0xFFFFFFE0 ss:$0x1], $0xffff  }
0x44: {  	v3 =	vld.idx.msk [tilespmem:v0+s23+$0xFFFFFFF0 ss:$0x1], $0xffff  }
0x45: {  	v1 =	vld.idx.msk [tilespmem:v0+s23+$0x0 ss:$0x1], $0xffff  }
0x46: {  	v2 =	vld.idx.msk [tilespmem:v0+s23+$0x10 ss:$0x1], $0xffff;
	[tilespmem:s20+$0x30] =	vst v6  }
0x47: {  	s22 =	simm.s32 $0x80;
	s24 =	simm.s32 $0x400;
	[tilespmem:s20+$0xFFFFFFC0] =	vst v7;
	v6 =	vld.idx.msk [tilespmem:v0+s23+$0x20 ss:$0x1], $0xffff;
	s23 =	smov.u32 s20  }
.LBB1_6:
0x48: {  	p0 =	sne.s32 s24, $0xE00;
	v7 =	vld.idx.msk [tilespmem:v0+s22+$0x30 ss:$0x1], $0xffff;
	[tilespmem:s23+$0xFFFFFFD0] =	vst v5  }
0x49: {  	v8 =	vld.idx.msk [tilespmem:v0+s22+$0xFFFFFFC0 ss:$0x1], $0xffff;
	[tilespmem:s23+$0xFFFFFFE0] =	vst v4  }
0x4a: {  	v5 =	vld.idx.msk [tilespmem:v0+s22+$0xFFFFFFD0 ss:$0x1], $0xffff;
	[tilespmem:s23+$0xFFFFFFF0] =	vst v3  }
.Ltmp4:
0x4b: {  	v4 =	vld.idx.msk [tilespmem:v0+s22+$0xFFFFFFE0 ss:$0x1], $0xffff;
	[tilespmem:s23+$0x0] =	vst v1;
	(pc) =	sbr.rel @p0 .LBB1_6-.Ltmp4, $4  }
0x4c: {  	v3 =	vld.idx.msk [tilespmem:v0+s22+$0xFFFFFFF0 ss:$0x1], $0xffff;
	[tilespmem:s23+$0x10] =	vst v2  }
0x4d: {  	v1 =	vld.idx.msk [tilespmem:v0+s22+$0x0 ss:$0x1], $0xffff;
	[tilespmem:s23+$0x20] =	vst v6;
	s23 =	sadd.s32 $0x400, s23  }
0x4e: {  	v2 =	vld.idx.msk [tilespmem:v0+s22+$0x10 ss:$0x1], $0xffff;
	[tilespmem:s23+$0x30] =	vst v7  }
0x4f: {  	[tilespmem:s23+$0xFFFFFFC0] =	vst v8;
	v6 =	vld.idx.msk [tilespmem:v0+s22+$0x20 ss:$0x1], $0xffff;
	s22 =	sshra.s32 s24, $0x2;
	s24 =	sadd.s32 $0x200, s24  }
0x50: {  	_ =	sdelay $0x2  }
0x51: {  	[tilespmem:s23+$0xFFFFFFD0] =	vst v5  }
0x52: {  	v56 =	vld.idx.msk [tilespmem:v0+s22+$0x30 ss:$0x1], $0xffff;
	[tilespmem:s23+$0xFFFFFFE0] =	vst v4  }
0x53: {  	v57 =	vld.idx.msk [tilespmem:v0+s22+$0xFFFFFFC0 ss:$0x1], $0xffff;
	[tilespmem:s23+$0xFFFFFFF0] =	vst v3  }
0x54: {  	v58 =	vld.idx.msk [tilespmem:v0+s22+$0xFFFFFFD0 ss:$0x1], $0xffff;
	[tilespmem:s23+$0x0] =	vst v1  }
0x55: {  	v59 =	vld.idx.msk [tilespmem:v0+s22+$0xFFFFFFE0 ss:$0x1], $0xffff;
	[tilespmem:s23+$0x10] =	vst v2  }
0x56: {  	v60 =	vld.idx.msk [tilespmem:v0+s22+$0xFFFFFFF0 ss:$0x1], $0xffff;
	s31 =	sadd.s32 $0x400, s23;
	[tilespmem:s23+$0x20] =	vst v6  }
0x57: {  	v61 =	vld.idx.msk [tilespmem:v0+s22+$0x0 ss:$0x1], $0xffff;
	[tilespmem:s31+$0x30] =	vst v56  }
0x58: {  	v62 =	vld.idx.msk [tilespmem:v0+s22+$0x10 ss:$0x1], $0xffff;
	s21 =	sadd.s32 $0x1, s21;
	[tilespmem:s31+$0xFFFFFFC0] =	vst v57  }
0x59: {  	v63 =	vld.idx.msk [tilespmem:v0+s22+$0x20 ss:$0x1], $0xffff;
	p0 =	sne.s32 s21, $0x8;
	[tilespmem:s31+$0xFFFFFFD0] =	vst v58  }
.Ltmp5:
0x5a: {  	[tilespmem:s31+$0xFFFFFFE0] =	vst v59;
	(pc) =	sbr.rel @p0 .LBB1_5-.Ltmp5, $4  }
0x5b: {  	[tilespmem:s31+$0xFFFFFFF0] =	vst v60  }
0x5c: {  	[tilespmem:s31+$0x0] =	vst v61  }
0x5d: {  	[tilespmem:s31+$0x10] =	vst v62  }
0x5e: {  	s20 =	sadd.s32 $0x80, s20;
	s19 =	sadd.s32 $0x400, s19;
	[tilespmem:s31+$0x20] =	vst v63  }
0x5f: {  	s18 =	sadd.s32 $0x1, s18  }
0x60: {  	p0 =	sne.s32 s18, s15  }
.Ltmp6:
0x61: {  	_ = 	snop;
	(pc) =	sbr.rel @p0 .LBB1_4-.Ltmp6, $4  }
.Ltmp7:
0x62: {  	_ = 	snop;
	(pc) =	sbr.rel @!p0 .LBB1_9-.Ltmp7, $4  }
0x63: {  	_ = 	snop  }
0x64: {  	_ = 	snop  }
0x65: {  	s16 =	sadd.s32 $0x2000, s16;
	s17 =	sadd.s32 $0x2000, s17  }
0x66: {  	_ = 	snop  }
.LBB1_11:
0x67: {  	_ =	sfence.sel $0x180000  }
0x68: {  	s2 =	simm.s32 $0x1;
	[bflag:$0x0] =	sbarrier.arrive $0xFFFF  }
0x69: {  	s31 =	simm.s32 $0x2;
	[sflag:s2] =	ssyncpa.u1 $0x1  }
0x6a: {  	[sflag:s31] =	ssyncpa.u1 $0x1  }
0x6b: {  	p0 =	sne.s32 s1, $0x0;
	_ =	strace $0x90000056  }
0x6c: {  	s0 =	sadd.s32 @!p0 $0x100000, s0;
	[bflag:$0x2] =	sbarrier.arrive $0xFFFF  }
0x6d: {  	[sflag:s0] =	ssyncadd.tile.s32 @!p0 $0x1;
	_ =	shalt  }
.Lfunc_end1:
_tile_overlayer_lowered:
.L_overlay_start_2:
0x6e: {  	(tag) =	ssettag $0x2  }
0x6f: {  	s0 =	rddreg [dreg:$0x0];
	s2 =	stileid.u32  }
0x70: {  	s1 =	rddreg [dreg:$0x1];
	p0 =	sne.s32 s2, $0x0  }
0x71: {  	s3 =	rddreg [dreg:$0x2];
	[bflag:$0x3] =	sbarrier.arrive $0xFFFF;
	s2 =	simm.s32 @!p0 $0x1C01  }
0x72: {  	[timem:s3], [sflag:s2] =	dma.local @!p0 [hbm:s0], s1  }
0x73: {  	s0 =	simm.s32 @!p0 $0x1  }
0x74: {  	_ =	swait.ge @!p0 [sflag:s0], s1  }
0x75: {  	s1 =	ssub.s32 @!p0 $0x0, s1;
	[sflag:s0] =	ssyncset.done @!p0 $0x0  }
0x76: {  	[sflag:s0] =	ssyncadd.s32 @!p0 s1  }
0x77: {  	[bflag:$0x3] =	sbarrier.arrive $0xFFFF  }
0x78: {  	_ =	shalt  }

// kernel: sparse-core-data-format-call.4.cloned.1.call-start
scs
called_computation.4_lowered:
.L_overlay_start_0:
0x0: {  	s1 =	sld [smem:$0x3FD9]  }
0x1: {  	s2 =	sld [smem:$0x3FFE];
	_ =	sdelay $0x1  }
0x2: {  	s3 =	srdreg.scid  }
0x3: {  	s0 =	sand.u32 $0x1, s3  }
0x4: {  	s17 =	sshll.u32 s0, $0xA;
	s1 =	sadd.s32 s2, s1  }
0x5: {  	s1 =	sadd.s32 s1, s17  }
0x6: {  	[smem:$0x3FC6] =	sst s1  }
0x7: {  	_ = 	snop  }
0x8: {  	(tm) =	ssettm $0x1  }
0x9: {  	s18 =	sld [smem:$0x3FFB];
	_ =	sdelay $0x3  }
0xa: {  	_ =	strace s18  }
0xb: {  	s1 =	sld [smem:$0x3FFC];
	_ =	sdelay $0x3  }
0xc: {  	_ =	strace s1  }
0xd: {  	s1 =	sld [smem:$0x3FFD];
	_ =	sdelay $0x3  }
0xe: {  	_ =	strace s1  }
0xf: {  	_ =	strace $0x8FFFFFFF  }
0x10: {  	s19 =	sld [smem:$0x3FDB];
	_ =	sdelay $0x1  }
0x11: {  	s20 =	simm.s32 $_scs_section_size  }
0x12: {  	s4 =	simm.s32 $_size__tile_overlayer_lowered;
	s5 =	simm.s32 $_tile_overlayer_lowered  }
0x13: {  	s23 =	simm.s32 $0x1BFF;
	s22 =	sshll.u32 s5, $0x1;
	s1 =	sadd.s32 s20, s19  }
0x14: {  	s6 =	simm.s32 $0x0;
	s21 =	sshll.u32 s4, $0x1;
	s4 =	sadd.s32 s22, s1  }
0x15: {  	[timem:s6], [sflag:s23] =	dma.local [hbm:s4], s21  }
0x16: {  	_ =	swait.ge [sflag:s23], s21  }
0x17: {  	s2 =	ssub.s32 $0x0, s21;
	[sflag:s23] =	ssyncset.done $0x0  }
0x18: {  	[sflag:s23] =	ssyncadd.s32 s2;
	_ =	sdelay $0x1  }
0x19: {  	s24 =	simm.s32 $0x1B8B  }
0x1a: {  	_ =	swait.ge [sflag:s24], $0x1  }
0x1b: {  	[sflag:s24] =	ssyncset.done $0x0  }
0x1c: {  	s26 =	simm.s32 $0x1B8E;
	s25 =	sld [smem:$0x3FFE];
	[sflag:s24] =	ssyncadd.s32 $0xFFFFFFFF  }
0x1d: {  	s27 =	simm.s32 $execute0_lowered;
	[smem:$0x3FD2] =	sst s26  }
0x1e: {  	s4 =	sshll.u32 s27, $0x1;
	_ =	strace $0x80000046;
	[dreg:$0x1] =	wrdreg $0xFFFFFFFF  }
0x1f: {  	s28 =	simm.s32 $_size_execute0_lowered;
	s1 =	sadd.s32 s1, s4;
	[dreg:$0x0] =	wrdreg $0x0  }
0x20: {  	s4 =	sshll.u32 s28, $0x1;
	[dreg:$0x2] =	wrdreg s1  }
0x21: {  	[dreg:$0x3] =	wrdreg s4  }
0x22: {  	[dreg:$0x4] =	wrdreg $0xC0  }
0x23: {  	_ =	task [dreg:s6], $0x5FFFF  }
0x24: {  	[dreg:$0x1] =	wrdreg $0xFFFFFFFF  }
0x25: {  	[dreg:$0x0] =	wrdreg $0x60  }
0x26: {  	[dreg:$0x2] =	wrdreg s25  }
0x27: {  	[dreg:$0x3] =	wrdreg $0x9  }
0x28: {  	_ =	task.clear_ibuf [dreg:s6], $0x4FFFF;
	_ =	strace $0x90000046  }
0x29: {  	s29 =	simm.s32 $0x9;
	_ =	strace $0x80000048  }
0x2a: {  	_ =	swait.ge [sflag:s29], $0x1  }
0x2b: {  	[sflag:s29] =	ssyncadd.s32 $0xFFFFFFFF  }
0x2c: {  	_ =	strace $0x90000048  }
0x2d: {  	_ =	sfence  }
0x2e: {  	s30 =	sld [smem:$0x0];
	_ =	sdelay $0x2  }
0x2f: {  	s31 =	sshll.u32 s3, $0xD;
	s3 =	sshrl.u32 s3, $0x2  }
0x30: {  	s2 =	sand.u32 $0x4000, s31;
	s1 =	sadd.s32 s3, s30  }
0x31: {  	s0 =	sor.u32 s2, s0;
	s1 =	sshll.u32 s1, $0x11  }
0x32: {  	s0 =	sor.u32 s1, s0  }
0x33: {  	s0 =	sadd.s32 $0x8F2B, s0  }
0x34: {  	[sflag:s0] =	ssyncadd.remote.s32 $0x1  }
0x35: {  	_ =	sfence.sel $0xFFFF  }
0x36: {  	[dreg:$0x0] =	wrdreg $0xFFFFFFFF;
	(pc) =	sbr.abs _section_cstart, $3  }
0x37: {  	[dreg:$0x1] =	wrdreg $0xFFFFFFFF  }
0x38: {  	_ =	task.clear_ibuf [dreg:s6], $0x2FFFF;
	_ =	strace $0x9FFFFFFF  }
0x39: {  	(tm) =	ssettm $0x7FFFFFFF  }
tec
execute0_lowered:
.L_overlay_start_1:
0x0: {  	(tag) =	ssettag $0x1  }
0x1: {  	s4 =	rddreg [dreg:$0x0];
	s1 =	stileid.u32  }
0x2: {  	s2 =	srdreg.scid;
	s0 =	rddreg [dreg:$0x1]  }
0x3: {  	_ =	strace $0x80000047;
	s5 =	simm.s32 $0x1;
	s8 =	simm.s32 $0x2  }
0x4: {  	s16 =	simm.s32 $0x0;
	p0 =	por $0x0, $0x0;
	s18 =	simm.s32 $0x0  }
0x5: {  	s17 =	simm.s32 $0x0;
	s9 =	simm.s32 $0x0;
	s10 =	simm.s32 $0x0  }
0x6: {  	s11 =	simm.s32 $0x0;
	s3 =	sshll.u32 s1, $0x4;
	s2 =	sshll.u32 s2, $0x8  }
.Ltmp0:
0x7: {  	s14 =	simm.s32 $0x0;
	s3 =	sor.u32 s3, s2;
	(pc) =	sbr.rel .LBB1_1-.Ltmp0, $4  }
0x8: {  	s15 =	simm.s32 $0x0;
	[sflag:s5] =	ssyncpa.u1 $0x0;
	s3 =	sand.u32 $0x180, s3  }
0x9: {  	s7 =	sand.u32 $0x7, s1;
	s2 =	sadd.s32 $0x303E00, s4;
	s6 =	ssub.s32 $0x2000, s3  }
0xa: {  	s4 =	sadd.s32 $0x203600, s4;
	[sflag:s8] =	ssyncpa.u1 $0x0;
	s6 =	sshrl.u32 s6, $0x9  }
0xb: {  	s13 =	smov.u32 s7;
	s12 =	smov.u32 s3;
	s8 =	sadd.s32 $0x2, s6  }
.LBB1_5:
0xc: {  	p1 =	slt.u32 s15, $0x2  }
0xd: {  	p2 =	sgt.s32 @!p1 s18, $0x7  }
0xe: {  	s19 =	smov.u32 s18;
	s20 =	sshra.s32 @!p1 s18, $0x1F;
	p2 =	por !p2, p1  }
0xf: {  	s18 =	sand.u32 @!p1 s20, s18;
	s19 =	simm.s32 @p2 $0x7  }
0x10: {  	p3 =	sgt.s32 @!p1 s16, $0x1F88;
	s18 =	ssub.s32 @!p1 s19, s18  }
0x11: {  	p3 =	por !p3, p1;
	s20 =	smov.u32 s16;
	s19 =	sadd.s32 @!p1 $0xFFFFFFF9, s18  }
0x12: {  	s18 =	ssub.s32 @!p1 $0x8, s18;
	p2 =	sgt.s32 @!p1 s19, $0x0;
	s19 =	sshra.s32 @!p1 s16, $0x1F  }
0x13: {  	s16 =	sand.u32 @!p1 s19, s16;
	s19 =	ssub.s32 @!p1 $0x0, s17;
	p2 =	por !p2, p1  }
0x14: {  	s20 =	simm.s32 @p3 $0x1F88;
	s17 =	smin.u32 @!p1 s17, s19;
	s18 =	simm.s32 @!p2 $0x0  }
0x15: {  	s16 =	ssub.s32 @!p1 s20, s16;
	s20 =	smov.u32 s13;
	p2 =	sgt.s32 @!p1 s17, $0x7F  }
0x16: {  	s19 =	sadd.s32 @!p1 $0xFFFFE078, s16;
	s17 =	ssub.s32 @!p1 $0x80, s17;
	p2 =	por !p2, p1  }
0x17: {  	s16 =	ssub.s32 @!p1 $0x2008, s16;
	p3 =	sgt.s32 @!p1 s19, $0x7F;
	s17 =	simm.s32 @!p2 $0x0  }
0x18: {  	s19 =	sadd.s32 $0x200, s12;
	p2 =	por !p3, p1;
	s17 =	smul.u32 @!p1 s17, s18  }
0x19: {  	s16 =	simm.s32 @!p2 $0x0;
	p2 =	sgt.s32 s19, $0x2000;
	s18 =	sadd.s32 $0x8, s13  }
0x1a: {  	s21 =	smov.u32 s14;
	s20 =	smov.u32 @p2 s18  }
0x1b: {  	s16 =	smul.u32 @!p1 s16, s17;
	p3 =	sgt.s32 s20, $0x7;
	s17 =	sadd.s32 $0x80, s14  }
0x1c: {  	p0 =	por !p0, !p0;
	s22 =	simm.s32 @!p1 $0x2;
	s21 =	smov.u32 @p3 s17  }
0x1d: {  	s19 =	smov.u32 @p2 s3;
	s18 =	smov.u32 s10;
	p2 =	sgt.s32 s21, $0x7F  }
0x1e: {  	s10 =	smov.u32 s13;
	s21 =	simm.s32 @p2 $0x0;
	p2 =	sne.s32 s15, s8  }
.Ltmp1:
0x1f: {  	s20 =	smov.u32 @p3 s7;
	s17 =	smov.u32 s11;
	(pc) =	sbr.rel @!p2 .LBB1_6-.Ltmp1, $4  }
0x20: {  	s11 =	smov.u32 s14;
	s16 =	sand.u32 @!p1 $0x3FFFFFFF, s16;
	s13 =	smov.u32 s20  }
0x21: {  	_ =	swait.ge @!p1 [sflag:s22], s16;
	s23 =	ssub.s32 @!p1 $0x0, s16;
	s16 =	smov.u32 s9  }
0x22: {  	s15 =	sadd.s32 $0x1, s15;
	s9 =	smov.u32 s12;
	[sflag:s22] =	ssyncset.done @!p1 $0x0  }
0x23: {  	s12 =	smov.u32 s19;
	s14 =	smov.u32 s21;
	[sflag:s22] =	ssyncadd.s32 @!p1 s23  }
.LBB1_1:
0x24: {  	p1 =	sgt.u32 s15, s6  }
0x25: {  	s19 =	sshrl.u32 @!p1 s13, $0x3  }
0x26: {  	s20 =	sshll.u32 @!p1 s12, $0x3;
	s19 =	smul.u32 @!p1 $0x10400, s19  }
0x27: {  	s21 =	sshll.u32 @!p1 s13, $0x7;
	s20 =	sand.u32 @!p1 $0xFFFFFC00, s20  }
0x28: {  	s19 =	sadd.s32 @!p1 s19, s20;
	s20 =	sand.u32 @!p1 $0x380, s21  }
0x29: {  	s21 =	sand.u32 @!p1 $0x7F, s12;
	s19 =	sor.u32 @!p1 s20, s19  }
0x2a: {  	s20 =	sor.u32 @!p1 s21, s19  }
0x2b: {  	s21 =	smulhi.u32 @!p1 $0xFC0FC0FD, s20  }
0x2c: {  	s19 =	smulhi.u32 @!p1 $0xFC0FC0FD, s19  }
0x2d: {  	s21 =	sshrl.u32 @!p1 s21, $0xD  }
0x2e: {  	s19 =	sshrl.u32 @!p1 s19, $0xD;
	s21 =	smul.u32 @!p1 $0x2080, s21  }
0x2f: {  	s22 =	sxor.u32 @!p1 $0xFFFFFFFF, s15;
	s23 =	smul.u32 @!p1 $0x2080, s14;
	s19 =	sand.u32 @!p1 $0x7, s19  }
0x30: {  	s22 =	sshll.u32 @!p1 s22, $0xE;
	s19 =	smul.u32 @!p1 $0x410, s19;
	s20 =	ssub.s32 @!p1 s20, s21  }
0x31: {  	s21 =	sand.u32 @!p1 $0x4000, s22;
	s22 =	sadd.s32 @!p1 s2, s23;
	s23 =	sand.u32 @!p1 $0x7, s20  }
0x32: {  	s20 =	sshrl.u32 @!p1 s20, $0x3;
	s19 =	sadd.s32 @!p1 s19, s22;
	s22 =	sshll.u32 @!p1 s23, $0x12  }
0x33: {  	s19 =	sadd.s32 @!p1 s20, s19;
	s20 =	sor.u32 @!p1 $0x80, s22;
	s22 =	simm.s32 @!p1 $0x10400  }
0x34: {  	[tilespmem:s21], [sflag:$0x1] =	stream.strided.gather @!p1 [hbm4b:s19+s20], $0x4000, s22, s20, $0x38;
	[tilespmem:$0x10100] =	vst v63  }
0x35: {  	p1 =	seq.s32 s15, $0x0  }
0x36: {  	p2 =	sge.u32 @!p1 s15, s8  }
0x37: {  	p1 =	por p1, p2  }
.Ltmp2:
0x38: {  	_ = 	snop;
	(pc) =	sbr.rel @p1 .LBB1_5-.Ltmp2, $1  }
0x39: {  	_ =	sdelay $0x3  }
0x3a: {  	s19 =	simm.s32 $0x1  }
0x3b: {  	_ =	swait.ge [sflag:s5], $0x4000;
	s19 =	simm.s32 @!p0 $0x0  }
0x3c: {  	[sflag:s5] =	ssyncset.done $0x0;
	s20 =	sshll.u32 s19, $0xE  }
0x3d: {  	[sflag:s5] =	ssyncadd.s32 $0xFFFFC000;
	s20 =	sor.u32 $0x40, s20  }
0x3e: {  	s19 =	smul.u32 $0x10200, s19;
	v0 =	vld [tilespmem:s20+$0x30]  }
0x3f: {  	v1 =	vld [tilespmem:s20+$0xFFFFFFD0]  }
0x40: {  	s19 =	sshrl.u32 s19, $0x2;
	v5 =	vld [tilespmem:s20+$0xFFFFFFE0]  }
0x41: {  	v6 =	vld [tilespmem:s20+$0xFFFFFFF0];
	s22 =	sor.u32 $0x8000, s19  }
0x42: {  	s31 =	sand.u32 $0x1, s15;
	v4 =	vld [tilespmem:s20+$0x0];
	s21 =	sadd.s32 $0x0, s22  }
0x43: {  	v3 =	vld [tilespmem:s20+$0x10];
	s19 =	smul.u32 $0x10200, s31;
	[tilespmem:s21+$0x3870 ss:$0x81] =	vst.msk $0xffff, v0  }
0x44: {  	v2 =	vld [tilespmem:s20+$0x20];
	[tilespmem:s21+$0x810 ss:$0x81] =	vst.msk $0xffff, v1  }
0x45: {  	s19 =	sshrl.u32 s19, $0x2;
	v0 =	vld [tilespmem:s20+$0xFFFFFFC0];
	[tilespmem:s21+$0x1020 ss:$0x81] =	vst.msk $0xffff, v5;
	s20 =	sadd.s32 $0x80, s20  }
0x46: {  	s23 =	simm.s32 $0x4;
	s24 =	simm.s32 $0x8;
	s19 =	sor.u32 $0x8000, s19;
	[tilespmem:s21+$0x1830 ss:$0x81] =	vst.msk $0xffff, v6;
	v1 =	vld [tilespmem:s20+$0x30]  }
.LBB1_3:
0x47: {  	p1 =	sne.s32 s24, $0x1FC;
	v5 =	vld [tilespmem:s20+$0xFFFFFFD0];
	[tilespmem:s21+$0x2040 ss:$0x81] =	vst.msk $0xffff, v4  }
0x48: {  	v6 =	vld [tilespmem:s20+$0xFFFFFFE0];
	[tilespmem:s21+$0x2850 ss:$0x81] =	vst.msk $0xffff, v3  }
0x49: {  	s25 =	sshra.s32 s23, $0x2;
	s23 =	smov.u32 s24;
	v7 =	vld [tilespmem:s20+$0xFFFFFFF0];
	[tilespmem:s21+$0x3060 ss:$0x81] =	vst.msk $0xffff, v2  }
.Ltmp3:
0x4a: {  	v4 =	vld [tilespmem:s20+$0x0];
	[tilespmem:s21+$0x0 ss:$0x81] =	vst.msk $0xffff, v0;
	s21 =	sadd.s32 s25, s22;
	(pc) =	sbr.rel @p1 .LBB1_3-.Ltmp3, $4  }
0x4b: {  	v3 =	vld [tilespmem:s20+$0x10];
	[tilespmem:s21+$0x3870 ss:$0x81] =	vst.msk $0xffff, v1  }
0x4c: {  	[tilespmem:s21+$0x810 ss:$0x81] =	vst.msk $0xffff, v5;
	v2 =	vld [tilespmem:s20+$0x20]  }
0x4d: {  	v0 =	vld [tilespmem:s20+$0xFFFFFFC0];
	[tilespmem:s21+$0x1020 ss:$0x81] =	vst.msk $0xffff, v6;
	s20 =	sadd.s32 $0x80, s20  }
0x4e: {  	s24 =	sadd.s32 $0x4, s24;
	v1 =	vld [tilespmem:s20+$0x30];
	[tilespmem:s21+$0x1830 ss:$0x81] =	vst.msk $0xffff, v7  }
0x4f: {  	s24 =	sshll.u32 s9, $0x7  }
0x50: {  	s25 =	sshll.u32 s11, $0x3;
	p1 =	sgt.s32 s10, $0x7;
	s29 =	sshra.s32 s10, $0x1F  }
0x51: {  	s23 =	sshra.s32 s23, $0x2;
	s26 =	sand.u32 $0xFFFFFC00, s24;
	s25 =	sand.u32 $0xFFFFFC00, s25  }
0x52: {  	s28 =	ssub.s32 $0x0, s11;
	s24 =	sand.u32 $0x380, s24;
	s25 =	sadd.s32 s25, s26  }
0x53: {  	[tilespmem:s21+$0x2040 ss:$0x81] =	vst.msk $0xffff, v4;
	s22 =	sadd.s32 s23, s22;
	s24 =	sor.u32 s24, s25;
	s25 =	smov.u32 s10  }
0x54: {  	[tilespmem:s21+$0x2850 ss:$0x81] =	vst.msk $0xffff, v3;
	s26 =	sand.u32 s29, s10;
	s24 =	sshrl.u32 s24, $0x7;
	s25 =	simm.s32 @!p1 $0x7  }
0x55: {  	v5 =	vld [tilespmem:s20+$0xFFFFFFD0];
	[tilespmem:s21+$0x3060 ss:$0x81] =	vst.msk $0xffff, v2;
	s29 =	sshra.s32 s9, $0x1F;
	s27 =	smulhi.u32 $0xFFC01, s24;
	s25 =	ssub.s32 s25, s26  }
0x56: {  	v58 =	vld [tilespmem:s20+$0xFFFFFFE0];
	[tilespmem:s21+$0x0 ss:$0x81] =	vst.msk $0xffff, v0;
	s21 =	sand.u32 s29, s9;
	s30 =	sadd.s32 $0xFFFFFFF9, s25;
	s23 =	ssub.s32 $0x8, s25  }
0x57: {  	v59 =	vld [tilespmem:s20+$0xFFFFFFF0];
	s25 =	smov.u32 s9;
	s31 =	sshrl.u32 s27, $0x1;
	p1 =	sgt.s32 s30, $0x0  }
0x58: {  	v60 =	vld [tilespmem:s20+$0x0];
	s27 =	smin.u32 s11, s28;
	s23 =	simm.s32 @p1 $0x0;
	p1 =	sgt.s32 s9, $0x1F88  }
0x59: {  	v61 =	vld [tilespmem:s20+$0x10];
	[tilespmem:s22+$0x3870 ss:$0x81] =	vst.msk $0xffff, v1;
	s25 =	simm.s32 @!p1 $0x1F88;
	p1 =	sgt.s32 s27, $0x7F;
	s27 =	ssub.s32 $0x80, s27  }
0x5a: {  	v62 =	vld [tilespmem:s20+$0x20];
	[tilespmem:s22+$0x810 ss:$0x81] =	vst.msk $0xffff, v5;
	s30 =	smul.u32 $0x2008, s31;
	s21 =	ssub.s32 s25, s21;
	s27 =	simm.s32 @p1 $0x0  }
0x5b: {  	v63 =	vld [tilespmem:s20+$0xFFFFFFC0];
	[tilespmem:s22+$0x1020 ss:$0x81] =	vst.msk $0xffff, v58;
	s28 =	sshrl.u32 s11, $0x3;
	s31 =	smul.u32 s27, s23;
	s26 =	sadd.s32 $0xFFFFE078, s21  }
0x5c: {  	[tilespmem:s22+$0x1830 ss:$0x81] =	vst.msk $0xffff, v59;
	s21 =	ssub.s32 $0x2008, s21;
	s27 =	smul.u32 $0x20080, s10;
	p1 =	sgt.s32 s26, $0x7F  }
.Ltmp4:
0x5d: {  	[tilespmem:s22+$0x2040 ss:$0x81] =	vst.msk $0xffff, v60;
	s29 =	sand.u32 $0xF, s28;
	s21 =	simm.s32 @p1 $0x0;
	(pc) =	sbr.rel .LBB1_5-.Ltmp4, $4  }
0x5e: {  	[tilespmem:s22+$0x2850 ss:$0x81] =	vst.msk $0xffff, v61;
	s24 =	ssub.s32 s24, s30;
	s23 =	sadd.s32 s4, s27;
	s20 =	smul.u32 s21, s31  }
0x5f: {  	[tilespmem:s22+$0x3060 ss:$0x81] =	vst.msk $0xffff, v62;
	s30 =	sshll.u32 s24, $0x4;
	s21 =	sadd.s32 s29, s23  }
0x60: {  	[tilespmem:s22+$0x0 ss:$0x81] =	vst.msk $0xffff, v63;
	s31 =	sand.u32 $0x7, s11;
	s21 =	sadd.s32 s30, s21;
	s20 =	sand.u32 $0x3FFFFFFF, s20  }
0x61: {  	[hbm4b:s21+s31] =	stream.linear.scatter [tilespmem:s19], [sflag:$0x2], s20, $0x20;
	[tilespmem:$0x10100] =	vst v63  }
.LBB1_6:
0x62: {  	_ =	sfence.sel $0x180000  }
0x63: {  	s2 =	simm.s32 $0x1;
	[bflag:$0x0] =	sbarrier.arrive $0xFFFF  }
0x64: {  	s31 =	simm.s32 $0x2;
	[sflag:s2] =	ssyncpa.u1 $0x1  }
0x65: {  	[sflag:s31] =	ssyncpa.u1 $0x1  }
0x66: {  	p0 =	sne.s32 s1, $0x0;
	_ =	strace $0x90000047  }
0x67: {  	s0 =	sadd.s32 @!p0 $0x100000, s0;
	[bflag:$0x2] =	sbarrier.arrive $0xFFFF  }
0x68: {  	[sflag:s0] =	ssyncadd.tile.s32 @!p0 $0x1;
	_ =	shalt  }
.Lfunc_end1:
_tile_overlayer_lowered:
.L_overlay_start_2:
0x69: {  	(tag) =	ssettag $0x2  }
0x6a: {  	s0 =	rddreg [dreg:$0x0];
	s2 =	stileid.u32  }
0x6b: {  	s1 =	rddreg [dreg:$0x1];
	p0 =	sne.s32 s2, $0x0  }
0x6c: {  	s3 =	rddreg [dreg:$0x2];
	[bflag:$0x3] =	sbarrier.arrive $0xFFFF;
	s2 =	simm.s32 @!p0 $0x1C01  }
0x6d: {  	[timem:s3], [sflag:s2] =	dma.local @!p0 [hbm:s0], s1  }
0x6e: {  	s0 =	simm.s32 @!p0 $0x1  }
0x6f: {  	_ =	swait.ge @!p0 [sflag:s0], s1  }
0x70: {  	s1 =	ssub.s32 @!p0 $0x0, s1;
	[sflag:s0] =	ssyncset.done @!p0 $0x0  }
0x71: {  	[sflag:s0] =	ssyncadd.s32 @!p0 s1  }
0x72: {  	[bflag:$0x3] =	sbarrier.arrive $0xFFFF  }
0x73: {  	_ =	shalt  }

// kernel: sparse-core-data-format-call.5.cloned.1.call-start
scs
called_computation.5_lowered:
.L_overlay_start_0:
0x0: {  	s2 =	sld [smem:$0x3FD9]  }
0x1: {  	s3 =	sld [smem:$0x3FFE];
	_ =	sdelay $0x1  }
0x2: {  	s1 =	srdreg.scid  }
0x3: {  	s0 =	sand.u32 $0x1, s1  }
0x4: {  	s18 =	sshll.u32 s0, $0xA;
	s2 =	sadd.s32 s3, s2  }
0x5: {  	s2 =	sadd.s32 s2, s18  }
0x6: {  	[smem:$0x3FC6] =	sst s2  }
0x7: {  	_ = 	snop  }
0x8: {  	(tm) =	ssettm $0x1  }
0x9: {  	s19 =	sld [smem:$0x3FFB];
	_ =	sdelay $0x3  }
0xa: {  	_ =	strace s19  }
0xb: {  	s2 =	sld [smem:$0x3FFC];
	_ =	sdelay $0x3  }
0xc: {  	_ =	strace s2  }
0xd: {  	s2 =	sld [smem:$0x3FFD];
	_ =	sdelay $0x3  }
0xe: {  	_ =	strace s2  }
0xf: {  	_ =	strace $0x8FFFFFFF  }
0x10: {  	s20 =	sld [smem:$0x3FDB];
	_ =	sdelay $0x1  }
0x11: {  	s21 =	simm.s32 $_scs_section_size  }
0x12: {  	s4 =	simm.s32 $_size__tile_overlayer_lowered;
	s5 =	simm.s32 $_tile_overlayer_lowered  }
0x13: {  	s6 =	simm.s32 $0x1BFF;
	s22 =	sshll.u32 s5, $0x1;
	s3 =	sadd.s32 s21, s20  }
0x14: {  	s23 =	simm.s32 $0x0;
	s4 =	sshll.u32 s4, $0x1;
	s5 =	sadd.s32 s22, s3  }
0x15: {  	[timem:s23], [sflag:s6] =	dma.local [hbm:s5], s4  }
0x16: {  	_ =	swait.ge [sflag:s6], s4  }
0x17: {  	s4 =	ssub.s32 $0x0, s4;
	[sflag:s6] =	ssyncset.done $0x0  }
0x18: {  	[sflag:s6] =	ssyncadd.s32 s4;
	_ =	sdelay $0x1  }
0x19: {  	s24 =	simm.s32 $0x1B8B  }
0x1a: {  	_ =	swait.ge [sflag:s24], $0x1  }
0x1b: {  	[sflag:s24] =	ssyncset.done $0x0  }
0x1c: {  	[sflag:s24] =	ssyncadd.s32 $0xFFFFFFFF  }
0x1d: {  	s4 =	sld [smem:$0x0]  }
0x1e: {  	s5 =	sand.u32 $0xFFFFFFFE, s1  }
0x1f: {  	p0 =	sne.s32 s1, s5  }
0x20: {  	s5 =	sshll.u32 @p0 s5, $0xE  }
0x21: {  	s5 =	sadd.s32 @p0 $0x11B8D, s5;
	s6 =	sshll.u32 @p0 s4, $0x11  }
0x22: {  	s5 =	sor.u32 @p0 s6, s5  }
0x23: {  	[sflag:s5] =	ssyncadd.remote.s32 @p0 $0x1;
	_ =	sdelay $0x1  }
0x24: {  	s5 =	simm.s32 @p0 $0x1B8D  }
0x25: {  	_ =	swait.eq @p0 [sflag:s5], $0x1  }
0x26: {  	[sflag:s5] =	ssyncadd.s32 @p0 $0xFFFFFFFF  }
0x27: {  	s6 =	sshll.u32 @!p0 s1, $0xE  }
0x28: {  	s6 =	sor.u32 @!p0 $0x4000, s6;
	s5 =	simm.s32 @!p0 $0x1B8D  }
0x29: {  	s4 =	sshll.u32 @!p0 s4, $0x11;
	s6 =	sadd.s32 @!p0 $0x11B8D, s6;
	_ =	swait.eq @!p0 [sflag:s5], $0x1  }
0x2a: {  	s4 =	sor.u32 @!p0 s4, s6;
	[sflag:s5] =	ssyncadd.s32 @!p0 $0xFFFFFFFF  }
0x2b: {  	s26 =	simm.s32 $0x1B8E;
	s25 =	sld [smem:$0x3FFE];
	[sflag:s4] =	ssyncadd.remote.s32 @!p0 $0x1  }
0x2c: {  	s27 =	simm.s32 $execute0_lowered;
	[smem:$0x3FD2] =	sst s26  }
0x2d: {  	s5 =	sshll.u32 s27, $0x1;
	_ =	strace $0x80000049;
	[dreg:$0x1] =	wrdreg $0xFFFFFFFF  }
0x2e: {  	s28 =	simm.s32 $_size_execute0_lowered;
	s3 =	sadd.s32 s3, s5;
	[dreg:$0x0] =	wrdreg $0x0  }
0x2f: {  	s5 =	sshll.u32 s28, $0x1;
	[dreg:$0x2] =	wrdreg s3  }
0x30: {  	[dreg:$0x3] =	wrdreg s5  }
0x31: {  	[dreg:$0x4] =	wrdreg $0xC0  }
0x32: {  	_ =	task [dreg:s23], $0x5FFFF  }
0x33: {  	[dreg:$0x1] =	wrdreg $0xFFFFFFFF  }
0x34: {  	[dreg:$0x0] =	wrdreg $0x60  }
0x35: {  	[dreg:$0x2] =	wrdreg s25  }
0x36: {  	[dreg:$0x3] =	wrdreg $0xA  }
0x37: {  	_ =	task.clear_ibuf [dreg:s23], $0x4FFFF;
	_ =	strace $0x90000049  }
0x38: {  	s29 =	simm.s32 $0xA;
	_ =	strace $0x8000004B  }
0x39: {  	_ =	swait.ge [sflag:s29], $0x1  }
0x3a: {  	[sflag:s29] =	ssyncadd.s32 $0xFFFFFFFF  }
0x3b: {  	_ =	strace $0x9000004B  }
0x3c: {  	_ =	sfence  }
0x3d: {  	s30 =	sld [smem:$0x0];
	_ =	sdelay $0x2  }
0x3e: {  	s31 =	sshll.u32 s1, $0xD;
	s1 =	sshrl.u32 s1, $0x2  }
0x3f: {  	s4 =	sand.u32 $0x4000, s31;
	s1 =	sadd.s32 s1, s30  }
0x40: {  	s0 =	sor.u32 s4, s0;
	s1 =	sshll.u32 s1, $0x11  }
0x41: {  	s0 =	sor.u32 s1, s0  }
0x42: {  	s0 =	sadd.s32 $0x8F2B, s0  }
0x43: {  	[sflag:s0] =	ssyncadd.remote.s32 $0x1  }
0x44: {  	_ =	sfence.sel $0xFFFF  }
0x45: {  	[dreg:$0x0] =	wrdreg $0xFFFFFFFF;
	(pc) =	sbr.abs _section_cstart, $3  }
0x46: {  	[dreg:$0x1] =	wrdreg $0xFFFFFFFF  }
0x47: {  	_ =	task.clear_ibuf [dreg:s23], $0x2FFFF;
	_ =	strace $0x9FFFFFFF  }
0x48: {  	(tm) =	ssettm $0x7FFFFFFF  }
0x49: {  	_ =	shalt  }
tec
execute0_lowered:
.L_overlay_start_1:
0x0: {  	(tag) =	ssettag $0x1  }
0x1: {  	s4 =	rddreg [dreg:$0x0];
	s1 =	stileid.u32  }
0x2: {  	s2 =	srdreg.scid;
	s0 =	rddreg [dreg:$0x1]  }
0x3: {  	_ =	strace $0x8000004A;
	s5 =	simm.s32 $0x1;
	s8 =	simm.s32 $0x2  }
0x4: {  	s16 =	simm.s32 $0x0;
	p0 =	por $0x0, $0x0;
	s18 =	simm.s32 $0x0  }
0x5: {  	s17 =	simm.s32 $0x0;
	s9 =	simm.s32 $0x0;
	s10 =	simm.s32 $0x0  }
0x6: {  	s11 =	simm.s32 $0x0;
	s3 =	sshll.u32 s1, $0x4;
	s2 =	sshll.u32 s2, $0x8  }
.Ltmp0:
0x7: {  	s14 =	simm.s32 $0x0;
	s3 =	sor.u32 s3, s2;
	(pc) =	sbr.rel .LBB1_1-.Ltmp0, $4  }
0x8: {  	s15 =	simm.s32 $0x0;
	[sflag:s5] =	ssyncpa.u1 $0x0;
	s3 =	sand.u32 $0x180, s3  }
0x9: {  	s7 =	sand.u32 $0x7, s1;
	s2 =	sadd.s32 $0x407E00, s4;
	s6 =	ssub.s32 $0x2000, s3  }
0xa: {  	s4 =	sadd.s32 $0x3000, s4;
	[sflag:s8] =	ssyncpa.u1 $0x0;
	s6 =	sshrl.u32 s6, $0x9  }
0xb: {  	s13 =	smov.u32 s7;
	s12 =	smov.u32 s3;
	s8 =	sadd.s32 $0x2, s6  }
.LBB1_5:
0xc: {  	p1 =	slt.u32 s15, $0x2  }
0xd: {  	p2 =	sgt.s32 @!p1 s18, $0x7  }
0xe: {  	s19 =	smov.u32 s18;
	s20 =	sshra.s32 @!p1 s18, $0x1F;
	p2 =	por !p2, p1  }
0xf: {  	s18 =	sand.u32 @!p1 s20, s18;
	s19 =	simm.s32 @p2 $0x7  }
0x10: {  	p3 =	sgt.s32 @!p1 s16, $0x1F88;
	s18 =	ssub.s32 @!p1 s19, s18  }
0x11: {  	p3 =	por !p3, p1;
	s20 =	smov.u32 s16;
	s19 =	sadd.s32 @!p1 $0xFFFFFFF9, s18  }
0x12: {  	s18 =	ssub.s32 @!p1 $0x8, s18;
	p2 =	sgt.s32 @!p1 s19, $0x0;
	s19 =	sshra.s32 @!p1 s16, $0x1F  }
0x13: {  	s16 =	sand.u32 @!p1 s19, s16;
	s19 =	ssub.s32 @!p1 $0x0, s17;
	p2 =	por !p2, p1  }
0x14: {  	s20 =	simm.s32 @p3 $0x1F88;
	s17 =	smin.u32 @!p1 s17, s19;
	s18 =	simm.s32 @!p2 $0x0  }
0x15: {  	s16 =	ssub.s32 @!p1 s20, s16;
	s20 =	smov.u32 s13;
	p2 =	sgt.s32 @!p1 s17, $0x7F  }
0x16: {  	s19 =	sadd.s32 @!p1 $0xFFFFE078, s16;
	s17 =	ssub.s32 @!p1 $0x80, s17;
	p2 =	por !p2, p1  }
0x17: {  	s16 =	ssub.s32 @!p1 $0x2008, s16;
	p3 =	sgt.s32 @!p1 s19, $0x7F;
	s17 =	simm.s32 @!p2 $0x0  }
0x18: {  	s19 =	sadd.s32 $0x200, s12;
	p2 =	por !p3, p1;
	s17 =	smul.u32 @!p1 s17, s18  }
0x19: {  	s16 =	simm.s32 @!p2 $0x0;
	p2 =	sgt.s32 s19, $0x2000;
	s18 =	sadd.s32 $0x8, s13  }
0x1a: {  	s21 =	smov.u32 s14;
	s20 =	smov.u32 @p2 s18  }
0x1b: {  	s16 =	smul.u32 @!p1 s16, s17;
	p3 =	sgt.s32 s20, $0x7;
	s17 =	sadd.s32 $0x80, s14  }
0x1c: {  	p0 =	por !p0, !p0;
	s22 =	simm.s32 @!p1 $0x2;
	s21 =	smov.u32 @p3 s17  }
0x1d: {  	s19 =	smov.u32 @p2 s3;
	s18 =	smov.u32 s10;
	p2 =	sgt.s32 s21, $0x7F  }
0x1e: {  	s10 =	smov.u32 s13;
	s21 =	simm.s32 @p2 $0x0;
	p2 =	sne.s32 s15, s8  }
.Ltmp1:
0x1f: {  	s20 =	smov.u32 @p3 s7;
	s17 =	smov.u32 s11;
	(pc) =	sbr.rel @!p2 .LBB1_6-.Ltmp1, $4  }
0x20: {  	s11 =	smov.u32 s14;
	s16 =	sand.u32 @!p1 $0x3FFFFFFF, s16;
	s13 =	smov.u32 s20  }
0x21: {  	_ =	swait.ge @!p1 [sflag:s22], s16;
	s23 =	ssub.s32 @!p1 $0x0, s16;
	s16 =	smov.u32 s9  }
0x22: {  	s15 =	sadd.s32 $0x1, s15;
	s9 =	smov.u32 s12;
	[sflag:s22] =	ssyncset.done @!p1 $0x0  }
0x23: {  	s12 =	smov.u32 s19;
	s14 =	smov.u32 s21;
	[sflag:s22] =	ssyncadd.s32 @!p1 s23  }
.LBB1_1:
0x24: {  	p1 =	sgt.u32 s15, s6  }
0x25: {  	s19 =	sshrl.u32 @!p1 s13, $0x3  }
0x26: {  	s20 =	sshll.u32 @!p1 s12, $0x3;
	s19 =	smul.u32 @!p1 $0x10400, s19  }
0x27: {  	s21 =	sshll.u32 @!p1 s13, $0x7;
	s20 =	sand.u32 @!p1 $0xFFFFFC00, s20  }
0x28: {  	s19 =	sadd.s32 @!p1 s19, s20;
	s20 =	sand.u32 @!p1 $0x380, s21  }
0x29: {  	s21 =	sand.u32 @!p1 $0x7F, s12;
	s19 =	sor.u32 @!p1 s20, s19  }
0x2a: {  	s20 =	sor.u32 @!p1 s21, s19  }
0x2b: {  	s21 =	smulhi.u32 @!p1 $0xFC0FC0FD, s20  }
0x2c: {  	s19 =	smulhi.u32 @!p1 $0xFC0FC0FD, s19  }
0x2d: {  	s21 =	sshrl.u32 @!p1 s21, $0xD  }
0x2e: {  	s19 =	sshrl.u32 @!p1 s19, $0xD;
	s21 =	smul.u32 @!p1 $0x2080, s21  }
0x2f: {  	s22 =	sxor.u32 @!p1 $0xFFFFFFFF, s15;
	s23 =	smul.u32 @!p1 $0x2080, s14;
	s19 =	sand.u32 @!p1 $0x7, s19  }
0x30: {  	s22 =	sshll.u32 @!p1 s22, $0xE;
	s19 =	smul.u32 @!p1 $0x410, s19;
	s20 =	ssub.s32 @!p1 s20, s21  }
0x31: {  	s21 =	sand.u32 @!p1 $0x4000, s22;
	s22 =	sadd.s32 @!p1 s2, s23;
	s23 =	sand.u32 @!p1 $0x7, s20  }
0x32: {  	s20 =	sshrl.u32 @!p1 s20, $0x3;
	s19 =	sadd.s32 @!p1 s19, s22;
	s22 =	sshll.u32 @!p1 s23, $0x12  }
0x33: {  	s19 =	sadd.s32 @!p1 s20, s19;
	s20 =	sor.u32 @!p1 $0x80, s22;
	s22 =	simm.s32 @!p1 $0x10400  }
0x34: {  	[tilespmem:s21], [sflag:$0x1] =	stream.strided.gather @!p1 [hbm4b:s19+s20], $0x4000, s22, s20, $0x38;
	[tilespmem:$0x10100] =	vst v63  }
0x35: {  	p1 =	seq.s32 s15, $0x0  }
0x36: {  	p2 =	sge.u32 @!p1 s15, s8  }
0x37: {  	p1 =	por p1, p2  }
.Ltmp2:
0x38: {  	_ = 	snop;
	(pc) =	sbr.rel @p1 .LBB1_5-.Ltmp2, $1  }
0x39: {  	_ =	sdelay $0x3  }
0x3a: {  	s19 =	simm.s32 $0x1  }
0x3b: {  	_ =	swait.ge [sflag:s5], $0x4000;
	s19 =	simm.s32 @!p0 $0x0  }
0x3c: {  	[sflag:s5] =	ssyncset.done $0x0;
	s20 =	sshll.u32 s19, $0xE  }
0x3d: {  	[sflag:s5] =	ssyncadd.s32 $0xFFFFC000;
	s20 =	sor.u32 $0x40, s20  }
0x3e: {  	s19 =	smul.u32 $0x10200, s19;
	v0 =	vld [tilespmem:s20+$0x30]  }
0x3f: {  	v1 =	vld [tilespmem:s20+$0xFFFFFFD0]  }
0x40: {  	s19 =	sshrl.u32 s19, $0x2;
	v5 =	vld [tilespmem:s20+$0xFFFFFFE0]  }
0x41: {  	v6 =	vld [tilespmem:s20+$0xFFFFFFF0];
	s22 =	sor.u32 $0x8000, s19  }
0x42: {  	s31 =	sand.u32 $0x1, s15;
	v4 =	vld [tilespmem:s20+$0x0];
	s21 =	sadd.s32 $0x0, s22  }
0x43: {  	v3 =	vld [tilespmem:s20+$0x10];
	s19 =	smul.u32 $0x10200, s31;
	[tilespmem:s21+$0x3870 ss:$0x81] =	vst.msk $0xffff, v0  }
0x44: {  	v2 =	vld [tilespmem:s20+$0x20];
	[tilespmem:s21+$0x810 ss:$0x81] =	vst.msk $0xffff, v1  }
0x45: {  	s19 =	sshrl.u32 s19, $0x2;
	v0 =	vld [tilespmem:s20+$0xFFFFFFC0];
	[tilespmem:s21+$0x1020 ss:$0x81] =	vst.msk $0xffff, v5;
	s20 =	sadd.s32 $0x80, s20  }
0x46: {  	s23 =	simm.s32 $0x4;
	s24 =	simm.s32 $0x8;
	s19 =	sor.u32 $0x8000, s19;
	[tilespmem:s21+$0x1830 ss:$0x81] =	vst.msk $0xffff, v6;
	v1 =	vld [tilespmem:s20+$0x30]  }
.LBB1_3:
0x47: {  	p1 =	sne.s32 s24, $0x1FC;
	v5 =	vld [tilespmem:s20+$0xFFFFFFD0];
	[tilespmem:s21+$0x2040 ss:$0x81] =	vst.msk $0xffff, v4  }
0x48: {  	v6 =	vld [tilespmem:s20+$0xFFFFFFE0];
	[tilespmem:s21+$0x2850 ss:$0x81] =	vst.msk $0xffff, v3  }
0x49: {  	s25 =	sshra.s32 s23, $0x2;
	s23 =	smov.u32 s24;
	v7 =	vld [tilespmem:s20+$0xFFFFFFF0];
	[tilespmem:s21+$0x3060 ss:$0x81] =	vst.msk $0xffff, v2  }
.Ltmp3:
0x4a: {  	v4 =	vld [tilespmem:s20+$0x0];
	[tilespmem:s21+$0x0 ss:$0x81] =	vst.msk $0xffff, v0;
	s21 =	sadd.s32 s25, s22;
	(pc) =	sbr.rel @p1 .LBB1_3-.Ltmp3, $4  }
0x4b: {  	v3 =	vld [tilespmem:s20+$0x10];
	[tilespmem:s21+$0x3870 ss:$0x81] =	vst.msk $0xffff, v1  }
0x4c: {  	[tilespmem:s21+$0x810 ss:$0x81] =	vst.msk $0xffff, v5;
	v2 =	vld [tilespmem:s20+$0x20]  }
0x4d: {  	v0 =	vld [tilespmem:s20+$0xFFFFFFC0];
	[tilespmem:s21+$0x1020 ss:$0x81] =	vst.msk $0xffff, v6;
	s20 =	sadd.s32 $0x80, s20  }
0x4e: {  	s24 =	sadd.s32 $0x4, s24;
	v1 =	vld [tilespmem:s20+$0x30];
	[tilespmem:s21+$0x1830 ss:$0x81] =	vst.msk $0xffff, v7  }
0x4f: {  	s24 =	sshll.u32 s9, $0x7  }
0x50: {  	s25 =	sshll.u32 s11, $0x3;
	p1 =	sgt.s32 s10, $0x7;
	s29 =	sshra.s32 s10, $0x1F  }
0x51: {  	s23 =	sshra.s32 s23, $0x2;
	s26 =	sand.u32 $0xFFFFFC00, s24;
	s25 =	sand.u32 $0xFFFFFC00, s25  }
0x52: {  	s28 =	ssub.s32 $0x0, s11;
	s24 =	sand.u32 $0x380, s24;
	s25 =	sadd.s32 s25, s26  }
0x53: {  	[tilespmem:s21+$0x2040 ss:$0x81] =	vst.msk $0xffff, v4;
	s22 =	sadd.s32 s23, s22;
	s24 =	sor.u32 s24, s25;
	s25 =	smov.u32 s10  }
0x54: {  	[tilespmem:s21+$0x2850 ss:$0x81] =	vst.msk $0xffff, v3;
	s26 =	sand.u32 s29, s10;
	s24 =	sshrl.u32 s24, $0x7;
	s25 =	simm.s32 @!p1 $0x7  }
0x55: {  	v5 =	vld [tilespmem:s20+$0xFFFFFFD0];
	[tilespmem:s21+$0x3060 ss:$0x81] =	vst.msk $0xffff, v2;
	s29 =	sshra.s32 s9, $0x1F;
	s27 =	smulhi.u32 $0xFFC01, s24;
	s25 =	ssub.s32 s25, s26  }
0x56: {  	v58 =	vld [tilespmem:s20+$0xFFFFFFE0];
	[tilespmem:s21+$0x0 ss:$0x81] =	vst.msk $0xffff, v0;
	s21 =	sand.u32 s29, s9;
	s30 =	sadd.s32 $0xFFFFFFF9, s25;
	s23 =	ssub.s32 $0x8, s25  }
0x57: {  	v59 =	vld [tilespmem:s20+$0xFFFFFFF0];
	s25 =	smov.u32 s9;
	s31 =	sshrl.u32 s27, $0x1;
	p1 =	sgt.s32 s30, $0x0  }
0x58: {  	v60 =	vld [tilespmem:s20+$0x0];
	s27 =	smin.u32 s11, s28;
	s23 =	simm.s32 @p1 $0x0;
	p1 =	sgt.s32 s9, $0x1F88  }
0x59: {  	v61 =	vld [tilespmem:s20+$0x10];
	[tilespmem:s22+$0x3870 ss:$0x81] =	vst.msk $0xffff, v1;
	s25 =	simm.s32 @!p1 $0x1F88;
	p1 =	sgt.s32 s27, $0x7F;
	s27 =	ssub.s32 $0x80, s27  }
0x5a: {  	v62 =	vld [tilespmem:s20+$0x20];
	[tilespmem:s22+$0x810 ss:$0x81] =	vst.msk $0xffff, v5;
	s30 =	smul.u32 $0x2008, s31;
	s21 =	ssub.s32 s25, s21;
	s27 =	simm.s32 @p1 $0x0  }
0x5b: {  	v63 =	vld [tilespmem:s20+$0xFFFFFFC0];
	[tilespmem:s22+$0x1020 ss:$0x81] =	vst.msk $0xffff, v58;
	s28 =	sshrl.u32 s11, $0x3;
	s31 =	smul.u32 s27, s23;
	s26 =	sadd.s32 $0xFFFFE078, s21  }
0x5c: {  	[tilespmem:s22+$0x1830 ss:$0x81] =	vst.msk $0xffff, v59;
	s21 =	ssub.s32 $0x2008, s21;
	s27 =	smul.u32 $0x20080, s10;
	p1 =	sgt.s32 s26, $0x7F  }
.Ltmp4:
0x5d: {  	[tilespmem:s22+$0x2040 ss:$0x81] =	vst.msk $0xffff, v60;
	s29 =	sand.u32 $0xF, s28;
	s21 =	simm.s32 @p1 $0x0;
	(pc) =	sbr.rel .LBB1_5-.Ltmp4, $4  }
0x5e: {  	[tilespmem:s22+$0x2850 ss:$0x81] =	vst.msk $0xffff, v61;
	s24 =	ssub.s32 s24, s30;
	s23 =	sadd.s32 s4, s27;
	s20 =	smul.u32 s21, s31  }
0x5f: {  	[tilespmem:s22+$0x3060 ss:$0x81] =	vst.msk $0xffff, v62;
	s30 =	sshll.u32 s24, $0x4;
	s21 =	sadd.s32 s29, s23  }
0x60: {  	[tilespmem:s22+$0x0 ss:$0x81] =	vst.msk $0xffff, v63;
	s31 =	sand.u32 $0x7, s11;
	s21 =	sadd.s32 s30, s21;
	s20 =	sand.u32 $0x3FFFFFFF, s20  }
0x61: {  	[hbm4b:s21+s31] =	stream.linear.scatter [tilespmem:s19], [sflag:$0x2], s20, $0x20;
	[tilespmem:$0x10100] =	vst v63  }
.LBB1_6:
0x62: {  	_ =	sfence.sel $0x180000  }
0x63: {  	s2 =	simm.s32 $0x1;
	[bflag:$0x0] =	sbarrier.arrive $0xFFFF  }
0x64: {  	s31 =	simm.s32 $0x2;
	[sflag:s2] =	ssyncpa.u1 $0x1  }
0x65: {  	[sflag:s31] =	ssyncpa.u1 $0x1  }
0x66: {  	p0 =	sne.s32 s1, $0x0;
	_ =	strace $0x9000004A  }
0x67: {  	s0 =	sadd.s32 @!p0 $0x100000, s0;
	[bflag:$0x2] =	sbarrier.arrive $0xFFFF  }
0x68: {  	[sflag:s0] =	ssyncadd.tile.s32 @!p0 $0x1;
	_ =	shalt  }
.Lfunc_end1:
_tile_overlayer_lowered:
.L_overlay_start_2:
0x69: {  	(tag) =	ssettag $0x2  }
0x6a: {  	s0 =	rddreg [dreg:$0x0];
	s2 =	stileid.u32  }
0x6b: {  	s1 =	rddreg [dreg:$0x1];
	p0 =	sne.s32 s2, $0x0  }
0x6c: {  	s3 =	rddreg [dreg:$0x2];
	[bflag:$0x3] =	sbarrier.arrive $0xFFFF;
	s2 =	simm.s32 @!p0 $0x1C01  }
0x6d: {  	[timem:s3], [sflag:s2] =	dma.local @!p0 [hbm:s0], s1  }
0x6e: {  	s0 =	simm.s32 @!p0 $0x1  }
0x6f: {  	_ =	swait.ge @!p0 [sflag:s0], s1  }
0x70: {  	s1 =	ssub.s32 @!p0 $0x0, s1;
	[sflag:s0] =	ssyncset.done @!p0 $0x0  }
0x71: {  	[sflag:s0] =	ssyncadd.s32 @!p0 s1  }
0x72: {  	[bflag:$0x3] =	sbarrier.arrive $0xFFFF  }
0x73: {  	_ =	shalt  }

// kernel: sparse-core-data-format-call.cloned.1.call-start
scs
called_computation_lowered:
.L_overlay_start_0:
0x0: {  	s1 =	sld [smem:$0x3FD9]  }
0x1: {  	s2 =	sld [smem:$0x3FFE];
	_ =	sdelay $0x1  }
0x2: {  	s3 =	srdreg.scid  }
0x3: {  	s0 =	sand.u32 $0x1, s3  }
0x4: {  	s17 =	sshll.u32 s0, $0xA;
	s1 =	sadd.s32 s2, s1  }
0x5: {  	s1 =	sadd.s32 s1, s17  }
0x6: {  	[smem:$0x3FC6] =	sst s1  }
0x7: {  	_ = 	snop  }
0x8: {  	(tm) =	ssettm $0x1  }
0x9: {  	s18 =	sld [smem:$0x3FFB];
	_ =	sdelay $0x3  }
0xa: {  	_ =	strace s18  }
0xb: {  	s1 =	sld [smem:$0x3FFC];
	_ =	sdelay $0x3  }
0xc: {  	_ =	strace s1  }
0xd: {  	s1 =	sld [smem:$0x3FFD];
	_ =	sdelay $0x3  }
0xe: {  	_ =	strace s1  }
0xf: {  	_ =	strace $0x8FFFFFFF  }
0x10: {  	s19 =	sld [smem:$0x3FDB];
	_ =	sdelay $0x1  }
0x11: {  	s20 =	simm.s32 $_scs_section_size  }
0x12: {  	s4 =	simm.s32 $_size__tile_overlayer_lowered;
	s5 =	simm.s32 $_tile_overlayer_lowered  }
0x13: {  	s23 =	simm.s32 $0x1BFF;
	s22 =	sshll.u32 s5, $0x1;
	s1 =	sadd.s32 s20, s19  }
0x14: {  	s6 =	simm.s32 $0x0;
	s21 =	sshll.u32 s4, $0x1;
	s4 =	sadd.s32 s22, s1  }
0x15: {  	[timem:s6], [sflag:s23] =	dma.local [hbm:s4], s21  }
0x16: {  	_ =	swait.ge [sflag:s23], s21  }
0x17: {  	s2 =	ssub.s32 $0x0, s21;
	[sflag:s23] =	ssyncset.done $0x0  }
0x18: {  	[sflag:s23] =	ssyncadd.s32 s2;
	_ =	sdelay $0x1  }
0x19: {  	s24 =	simm.s32 $0x1B8B  }
0x1a: {  	_ =	swait.ge [sflag:s24], $0x1  }
0x1b: {  	[sflag:s24] =	ssyncset.done $0x0  }
0x1c: {  	s26 =	simm.s32 $0x1B8E;
	s25 =	sld [smem:$0x3FFE];
	[sflag:s24] =	ssyncadd.s32 $0xFFFFFFFF  }
0x1d: {  	s27 =	simm.s32 $execute0_lowered;
	[smem:$0x3FD2] =	sst s26  }
0x1e: {  	s4 =	sshll.u32 s27, $0x1;
	_ =	strace $0x8000004C;
	[dreg:$0x1] =	wrdreg $0xFFFFFFFF  }
0x1f: {  	s28 =	simm.s32 $_size_execute0_lowered;
	s1 =	sadd.s32 s1, s4;
	[dreg:$0x0] =	wrdreg $0x0  }
0x20: {  	s4 =	sshll.u32 s28, $0x1;
	[dreg:$0x2] =	wrdreg s1  }
0x21: {  	[dreg:$0x3] =	wrdreg s4  }
0x22: {  	[dreg:$0x4] =	wrdreg $0xC0  }
0x23: {  	_ =	task [dreg:s6], $0x5FFFF  }
0x24: {  	[dreg:$0x1] =	wrdreg $0xFFFFFFFF  }
0x25: {  	[dreg:$0x0] =	wrdreg $0x60  }
0x26: {  	[dreg:$0x2] =	wrdreg s25  }
0x27: {  	[dreg:$0x3] =	wrdreg $0x9  }
0x28: {  	_ =	task.clear_ibuf [dreg:s6], $0x4FFFF;
	_ =	strace $0x9000004C  }
0x29: {  	s29 =	simm.s32 $0x9;
	_ =	strace $0x8000004E  }
0x2a: {  	_ =	swait.ge [sflag:s29], $0x1  }
0x2b: {  	[sflag:s29] =	ssyncadd.s32 $0xFFFFFFFF  }
0x2c: {  	_ =	strace $0x9000004E  }
0x2d: {  	_ =	sfence  }
0x2e: {  	s30 =	sld [smem:$0x0];
	_ =	sdelay $0x2  }
0x2f: {  	s31 =	sshll.u32 s3, $0xD;
	s3 =	sshrl.u32 s3, $0x2  }
0x30: {  	s2 =	sand.u32 $0x4000, s31;
	s1 =	sadd.s32 s3, s30  }
0x31: {  	s0 =	sor.u32 s2, s0;
	s1 =	sshll.u32 s1, $0x11  }
0x32: {  	s0 =	sor.u32 s1, s0  }
0x33: {  	s0 =	sadd.s32 $0x8F2B, s0  }
0x34: {  	[sflag:s0] =	ssyncadd.remote.s32 $0x1  }
0x35: {  	_ =	sfence.sel $0xFFFF  }
0x36: {  	[dreg:$0x0] =	wrdreg $0xFFFFFFFF;
	(pc) =	sbr.abs _section_cstart, $3  }
0x37: {  	[dreg:$0x1] =	wrdreg $0xFFFFFFFF  }
0x38: {  	_ =	task.clear_ibuf [dreg:s6], $0x2FFFF;
	_ =	strace $0x9FFFFFFF  }
0x39: {  	(tm) =	ssettm $0x7FFFFFFF  }
tec
execute0_lowered:
.L_overlay_start_1:
0x0: {  	(tag) =	ssettag $0x1  }
0x1: {  	s0 =	srdreg.scid  }
0x2: {  	s5 =	rddreg [dreg:$0x0];
	s1 =	stileid.u32;
	s4 =	simm.s32 $0x1  }
0x3: {  	s6 =	simm.s32 $0x2;
	s8 =	simm.s32 $0x0;
	s2 =	sshll.u32 s0, $0x4  }
0x4: {  	s9 =	simm.s32 $0x0;
	s13 =	simm.s32 $0x0;
	s2 =	sand.u32 $0x10, s2  }
.Ltmp0:
0x5: {  	s10 =	simm.s32 $0x0;
	s3 =	sor.u32 s1, s2;
	(pc) =	sbr.rel .LBB1_1-.Ltmp0, $4  }
0x6: {  	s0 =	rddreg [dreg:$0x1];
	_ =	strace $0x8000004D;
	s3 =	sshll.u32 s3, $0x1  }
0x7: {  	s12 =	simm.s32 $0x0;
	[sflag:s4] =	ssyncpa.u1 $0x0;
	s7 =	ssub.s32 $0x400, s3  }
0x8: {  	s2 =	sadd.s32 $0x403E00, s5;
	[sflag:s6] =	ssyncpa.u1 $0x0;
	s6 =	sshrl.u32 s7, $0x6  }
0x9: {  	s5 =	sadd.s32 $0x3000, s5;
	s11 =	smov.u32 s3;
	s7 =	sadd.s32 $0x2, s6  }
.LBB1_9:
0xa: {  	s15 =	sshll.u32 s12, $0xE  }
0xb: {  	s16 =	sshll.u32 s10, $0xA;
	s15 =	sand.u32 $0x4000, s15  }
0xc: {  	s16 =	sadd.s32 s5, s16;
	s15 =	sor.u32 $0x8000, s15  }
0xd: {  	[hbm4b:s16+s8] =	stream.linear.scatter [tilespmem:s15], [sflag:$0x2], s14, $0x38;
	[tilespmem:$0x10000] =	vst v63  }
.LBB1_10:
0xe: {  	p0 =	slt.u32 s12, $0x2  }
0xf: {  	p1 =	sgt.s32 @!p0 s13, $0x3FF  }
0x10: {  	s14 =	smov.u32 s13;
	s15 =	sshra.s32 @!p0 s13, $0x1F;
	p1 =	por !p1, p0  }
0x11: {  	s13 =	sand.u32 @!p0 s15, s13;
	s14 =	simm.s32 @p1 $0x3FF  }
0x12: {  	s13 =	ssub.s32 @!p0 s14, s13  }
0x13: {  	s13 =	sadd.s32 @!p0 $0xFFFFFC01, s13  }
0x14: {  	s14 =	sshll.u32 @!p0 s13, $0xF  }
0x15: {  	p1 =	sgt.s32 @!p0 s13, $0x1;
	s13 =	ssub.s32 @!p0 $0x10000, s14  }
0x16: {  	s15 =	sadd.s32 $0x40, s11;
	p1 =	por !p1, p0;
	s13 =	sshrl.u32 @!p0 s13, $0x2  }
0x17: {  	s13 =	simm.s32 @!p1 $0x0;
	p1 =	sgt.s32 s15, $0x400  }
0x18: {  	s15 =	smov.u32 @p1 s3;
	p1 =	sne.s32 s12, s7  }
.Ltmp1:
0x19: {  	_ = 	snop;
	(pc) =	sbr.rel @!p1 .LBB1_11-.Ltmp1, $4  }
0x1a: {  	s14 =	simm.s32 @!p0 $0x2  }
0x1b: {  	s9 =	sadd.s32 $0x4000, s9;
	_ =	swait.ge @!p0 [sflag:s14], s13;
	s16 =	ssub.s32 @!p0 $0x0, s13  }
0x1c: {  	s13 =	smov.u32 s10;
	s12 =	sadd.s32 $0x1, s12;
	[sflag:s14] =	ssyncset.done @!p0 $0x0  }
0x1d: {  	s10 =	smov.u32 s11;
	s11 =	smov.u32 s15;
	[sflag:s14] =	ssyncadd.s32 @!p0 s16  }
.LBB1_1:
0x1e: {  	p0 =	sgt.u32 s12, s6  }
0x1f: {  	p1 =	sgt.s32 @!p0 s11, $0x3FF  }
0x20: {  	s14 =	smov.u32 s11;
	s15 =	sshra.s32 @!p0 s11, $0x1F;
	p1 =	por !p1, p0  }
0x21: {  	s15 =	sand.u32 @!p0 s15, s11;
	s14 =	simm.s32 @p1 $0x3FF  }
0x22: {  	s14 =	ssub.s32 @!p0 s14, s15  }
0x23: {  	s14 =	sadd.s32 @!p0 $0xFFFFFC01, s14  }
0x24: {  	s17 =	simm.s32 @!p0 $0x0;
	s15 =	sxor.u32 @!p0 $0xFFFFFFFF, s12;
	s16 =	sshll.u32 @!p0 s14, $0xF  }
0x25: {  	s15 =	sshll.u32 @!p0 s15, $0xE;
	p1 =	sgt.s32 @!p0 s14, $0x1;
	s14 =	ssub.s32 @!p0 $0x10000, s16  }
0x26: {  	p1 =	por !p1, p0;
	s16 =	sshll.u32 @!p0 s11, $0xA;
	s14 =	sshrl.u32 @!p0 s14, $0x2  }
0x27: {  	s15 =	sand.u32 @!p0 $0x4000, s15;
	s16 =	sadd.s32 @!p0 s2, s16;
	s14 =	simm.s32 @!p1 $0x0  }
0x28: {  	[tilespmem:s15], [sflag:$0x1] =	stream.linear.gather @!p0 [hbm4b:s16+s17], s14, $0x38;
	[tilespmem:$0x10000] =	vst v63  }
0x29: {  	p0 =	seq.s32 s12, $0x0  }
0x2a: {  	p1 =	sge.u32 @!p0 s12, s7  }
0x2b: {  	p0 =	por p0, p1  }
.Ltmp2:
0x2c: {  	_ = 	snop;
	(pc) =	sbr.rel @p0 .LBB1_10-.Ltmp2, $1  }
0x2d: {  	_ =	sdelay $0x3  }
0x2e: {  	p0 =	sgt.s32 s10, $0x3FF;
	s14 =	smov.u32 s10;
	s15 =	sshra.s32 s10, $0x1F  }
0x2f: {  	s14 =	simm.s32 @!p0 $0x3FF;
	s15 =	sand.u32 s15, s10  }
0x30: {  	s14 =	ssub.s32 s14, s15  }
0x31: {  	s16 =	sadd.s32 $0x2, s10;
	s14 =	sadd.s32 $0xFFFFFC01, s14  }
0x32: {  	p1 =	slt.s32 s16, $0x401;
	s30 =	sshll.u32 s14, $0xF  }
0x33: {  	s16 =	simm.s32 @!p1 $0x401;
	s15 =	ssub.s32 $0x10000, s30  }
0x34: {  	p0 =	sgt.s32 s14, $0x1;
	s14 =	sshrl.u32 s15, $0x2;
	s15 =	ssub.s32 s16, s10  }
0x35: {  	s14 =	simm.s32 @p0 $0x0;
	p0 =	slt.s32 s15, $0x1  }
.Ltmp3:
0x36: {  	_ = 	snop;
	(pc) =	sbr.rel @p0 .LBB1_9-.Ltmp3, $4  }
0x37: {  	_ = 	snop  }
0x38: {  	_ =	swait.ge [sflag:s4], s14  }
0x39: {  	s31 =	ssub.s32 $0x0, s14;
	[sflag:s4] =	ssyncset.done $0x0  }
0x3a: {  	[sflag:s4] =	ssyncadd.s32 s31  }
0x3b: {  	s17 =	sand.u32 $0x4000, s9  }
0x3c: {  	s18 =	simm.s32 $0x0;
	s16 =	sor.u32 $0x8040, s17;
	s17 =	sor.u32 $0x40, s17  }
.LBB1_4:
0x3d: {  	s19 =	smov.u32 s17;
	s20 =	smov.u32 s16;
	s21 =	simm.s32 $0x0  }
.LBB1_5:
0x3e: {  	v0 =	vmov s19;
	_ =	sdelay $0x3  }
0x3f: {  	s23 =	simm.s32 $0x0  }
0x40: {  	v6 =	vld.idx.msk [tilespmem:v0+s23+$0x30 ss:$0x1], $0xffff  }
0x41: {  	v7 =	vld.idx.msk [tilespmem:v0+s23+$0xFFFFFFC0 ss:$0x1], $0xffff  }
0x42: {  	v5 =	vld.idx.msk [tilespmem:v0+s23+$0xFFFFFFD0 ss:$0x1], $0xffff  }
0x43: {  	v4 =	vld.idx.msk [tilespmem:v0+s23+$0xFFFFFFE0 ss:$0x1], $0xffff  }
0x44: {  	v3 =	vld.idx.msk [tilespmem:v0+s23+$0xFFFFFFF0 ss:$0x1], $0xffff  }
0x45: {  	v1 =	vld.idx.msk [tilespmem:v0+s23+$0x0 ss:$0x1], $0xffff  }
0x46: {  	v2 =	vld.idx.msk [tilespmem:v0+s23+$0x10 ss:$0x1], $0xffff;
	[tilespmem:s20+$0x30] =	vst v6  }
0x47: {  	s22 =	simm.s32 $0x80;
	s24 =	simm.s32 $0x400;
	[tilespmem:s20+$0xFFFFFFC0] =	vst v7;
	v6 =	vld.idx.msk [tilespmem:v0+s23+$0x20 ss:$0x1], $0xffff;
	s23 =	smov.u32 s20  }
.LBB1_6:
0x48: {  	p0 =	sne.s32 s24, $0xE00;
	v7 =	vld.idx.msk [tilespmem:v0+s22+$0x30 ss:$0x1], $0xffff;
	[tilespmem:s23+$0xFFFFFFD0] =	vst v5  }
0x49: {  	v8 =	vld.idx.msk [tilespmem:v0+s22+$0xFFFFFFC0 ss:$0x1], $0xffff;
	[tilespmem:s23+$0xFFFFFFE0] =	vst v4  }
0x4a: {  	v5 =	vld.idx.msk [tilespmem:v0+s22+$0xFFFFFFD0 ss:$0x1], $0xffff;
	[tilespmem:s23+$0xFFFFFFF0] =	vst v3  }
.Ltmp4:
0x4b: {  	v4 =	vld.idx.msk [tilespmem:v0+s22+$0xFFFFFFE0 ss:$0x1], $0xffff;
	[tilespmem:s23+$0x0] =	vst v1;
	(pc) =	sbr.rel @p0 .LBB1_6-.Ltmp4, $4  }
0x4c: {  	v3 =	vld.idx.msk [tilespmem:v0+s22+$0xFFFFFFF0 ss:$0x1], $0xffff;
	[tilespmem:s23+$0x10] =	vst v2  }
0x4d: {  	v1 =	vld.idx.msk [tilespmem:v0+s22+$0x0 ss:$0x1], $0xffff;
	[tilespmem:s23+$0x20] =	vst v6;
	s23 =	sadd.s32 $0x400, s23  }
0x4e: {  	v2 =	vld.idx.msk [tilespmem:v0+s22+$0x10 ss:$0x1], $0xffff;
	[tilespmem:s23+$0x30] =	vst v7  }
0x4f: {  	[tilespmem:s23+$0xFFFFFFC0] =	vst v8;
	v6 =	vld.idx.msk [tilespmem:v0+s22+$0x20 ss:$0x1], $0xffff;
	s22 =	sshra.s32 s24, $0x2;
	s24 =	sadd.s32 $0x200, s24  }
0x50: {  	_ =	sdelay $0x2  }
0x51: {  	[tilespmem:s23+$0xFFFFFFD0] =	vst v5  }
0x52: {  	v56 =	vld.idx.msk [tilespmem:v0+s22+$0x30 ss:$0x1], $0xffff;
	[tilespmem:s23+$0xFFFFFFE0] =	vst v4  }
0x53: {  	v57 =	vld.idx.msk [tilespmem:v0+s22+$0xFFFFFFC0 ss:$0x1], $0xffff;
	[tilespmem:s23+$0xFFFFFFF0] =	vst v3  }
0x54: {  	v58 =	vld.idx.msk [tilespmem:v0+s22+$0xFFFFFFD0 ss:$0x1], $0xffff;
	[tilespmem:s23+$0x0] =	vst v1  }
0x55: {  	v59 =	vld.idx.msk [tilespmem:v0+s22+$0xFFFFFFE0 ss:$0x1], $0xffff;
	[tilespmem:s23+$0x10] =	vst v2  }
0x56: {  	v60 =	vld.idx.msk [tilespmem:v0+s22+$0xFFFFFFF0 ss:$0x1], $0xffff;
	s31 =	sadd.s32 $0x400, s23;
	[tilespmem:s23+$0x20] =	vst v6  }
0x57: {  	v61 =	vld.idx.msk [tilespmem:v0+s22+$0x0 ss:$0x1], $0xffff;
	[tilespmem:s31+$0x30] =	vst v56  }
0x58: {  	v62 =	vld.idx.msk [tilespmem:v0+s22+$0x10 ss:$0x1], $0xffff;
	s21 =	sadd.s32 $0x1, s21;
	[tilespmem:s31+$0xFFFFFFC0] =	vst v57  }
0x59: {  	v63 =	vld.idx.msk [tilespmem:v0+s22+$0x20 ss:$0x1], $0xffff;
	p0 =	sne.s32 s21, $0x8;
	[tilespmem:s31+$0xFFFFFFD0] =	vst v58  }
.Ltmp5:
0x5a: {  	[tilespmem:s31+$0xFFFFFFE0] =	vst v59;
	(pc) =	sbr.rel @p0 .LBB1_5-.Ltmp5, $4  }
0x5b: {  	[tilespmem:s31+$0xFFFFFFF0] =	vst v60  }
0x5c: {  	[tilespmem:s31+$0x0] =	vst v61  }
0x5d: {  	[tilespmem:s31+$0x10] =	vst v62  }
0x5e: {  	s20 =	sadd.s32 $0x80, s20;
	s19 =	sadd.s32 $0x400, s19;
	[tilespmem:s31+$0x20] =	vst v63  }
0x5f: {  	s18 =	sadd.s32 $0x1, s18  }
0x60: {  	p0 =	sne.s32 s18, s15  }
.Ltmp6:
0x61: {  	_ = 	snop;
	(pc) =	sbr.rel @p0 .LBB1_4-.Ltmp6, $4  }
.Ltmp7:
0x62: {  	_ = 	snop;
	(pc) =	sbr.rel @!p0 .LBB1_9-.Ltmp7, $4  }
0x63: {  	_ = 	snop  }
0x64: {  	_ = 	snop  }
0x65: {  	s16 =	sadd.s32 $0x2000, s16;
	s17 =	sadd.s32 $0x2000, s17  }
0x66: {  	_ = 	snop  }
.LBB1_11:
0x67: {  	_ =	sfence.sel $0x180000  }
0x68: {  	s2 =	simm.s32 $0x1;
	[bflag:$0x0] =	sbarrier.arrive $0xFFFF  }
0x69: {  	s31 =	simm.s32 $0x2;
	[sflag:s2] =	ssyncpa.u1 $0x1  }
0x6a: {  	[sflag:s31] =	ssyncpa.u1 $0x1  }
0x6b: {  	p0 =	sne.s32 s1, $0x0;
	_ =	strace $0x9000004D  }
0x6c: {  	s0 =	sadd.s32 @!p0 $0x100000, s0;
	[bflag:$0x2] =	sbarrier.arrive $0xFFFF  }
0x6d: {  	[sflag:s0] =	ssyncadd.tile.s32 @!p0 $0x1;
	_ =	shalt  }
.Lfunc_end1:
_tile_overlayer_lowered:
.L_overlay_start_2:
0x6e: {  	(tag) =	ssettag $0x2  }
0x6f: {  	s0 =	rddreg [dreg:$0x0];
	s2 =	stileid.u32  }
0x70: {  	s1 =	rddreg [dreg:$0x1];
	p0 =	sne.s32 s2, $0x0  }
0x71: {  	s3 =	rddreg [dreg:$0x2];
	[bflag:$0x3] =	sbarrier.arrive $0xFFFF;
	s2 =	simm.s32 @!p0 $0x1C01  }
0x72: {  	[timem:s3], [sflag:s2] =	dma.local @!p0 [hbm:s0], s1  }
0x73: {  	s0 =	simm.s32 @!p0 $0x1  }
0x74: {  	_ =	swait.ge @!p0 [sflag:s0], s1  }
0x75: {  	s1 =	ssub.s32 @!p0 $0x0, s1;
	[sflag:s0] =	ssyncset.done @!p0 $0x0  }
0x76: {  	[sflag:s0] =	ssyncadd.s32 @!p0 s1  }
0x77: {  	[bflag:$0x3] =	sbarrier.arrive $0xFFFF  }
0x78: {  	_ =	shalt  }

</sc_bundles>
